<compile_context>
chip_gen: v7x
topology: tpu7x:2x2x1
jax: 0.10.2.dev20260603
libtpu: 0.0.44.dev20260713+nightly
codegen_flags: <defaults>
</compile_context>

<pallas_src>
import jax
import jax.numpy as jnp
from jax import lax
from jax.experimental import pallas as pl
from jax.experimental.pallas import tpu as pltpu
from jax.experimental.pallas import tpu_sc as plsc

M = 10000
K = 32
F = 128

NC = 2
NS = 16
NW = NC * NS

MB = M // 8
NG = MB * (K // 8)
NGP = 5024
T = NGP // NW
GW = 64
NBUF = 4
GA = 3
STEADY = T - NBUF + 1

IDX_W = T * GW


def _gather_body(feat_hbm, idx_hbm, out_hbm, feat_sh, idx_v, rows_v, *sems):
    gsems, ssems = sems[:NBUF], sems[NBUF:]
    cid = lax.axis_index("c")
    sid = lax.axis_index("s")
    wid = sid * NC + cid

    stage = 624
    soff = pl.multiple_of(sid * stage, 8)
    pltpu.sync_copy(feat_hbm.at[pl.ds(soff, stage)], feat_sh.at[pl.ds(soff, stage)])

    @pl.when(sid == 0)
    def _stage_tail():
        pltpu.sync_copy(
            feat_hbm.at[pl.ds(NS * stage, M - NS * stage)],
            feat_sh.at[pl.ds(NS * stage, M - NS * stage)],
        )

    pltpu.sync_copy(idx_hbm.at[pl.ds(pl.multiple_of(wid * IDX_W, 8), IDX_W)], idx_v)
    plsc.subcore_barrier()

    mrow0 = lax.mul(wid // 4, 8)
    col0 = lax.mul(wid % 4, 8 * F)

    def fire_gather(c, b):
        off = pl.multiple_of(c * GW, 8)
        pltpu.async_copy(
            feat_sh.at[idx_v.at[pl.ds(off, GW)]], rows_v.at[b], gsems[b]
        )

    def wait_gather(b):
        pltpu.make_async_copy(
            feat_hbm.at[pl.ds(0, GW)], rows_v.at[b], gsems[b]
        ).wait()

    def fire_store(c, b):
        row = pl.multiple_of(c * 64 + mrow0, 8)
        for kl in range(8):
            pltpu.async_copy(
                rows_v.at[b, pl.ds(8 * kl, 8)],
                out_hbm.at[pl.ds(row, 8),
                           pl.ds(pl.multiple_of(col0 + 128 * kl, 128), 128)],
                ssems[b],
            )

    def wait_store(b):
        for kl in range(8):
            pltpu.make_async_copy(
                rows_v.at[b, pl.ds(8 * kl, 8)],
                out_hbm.at[pl.ds(0, 8), pl.ds(128 * kl, 128)],
                ssems[b],
            ).wait()

    for b in range(GA):
        fire_gather(b, b)

    wait_gather(0)
    fire_store(0, 0)
    fire_gather(GA, GA % NBUF)

    def outer(r, carry):
        c0 = 1 + r * NBUF
        for bp in range(NBUF):
            c = c0 + bp
            b = (1 + bp) % NBUF
            wait_gather(b)
            fire_store(c, b)
            b2 = (b + GA) % NBUF
            wait_store(b2)
            fire_gather(c + GA, b2)
        return carry

    lax.fori_loop(0, (STEADY - 1) // NBUF, outer, 0)

    c = STEADY - 1
    b = c % NBUF
    wait_gather(b)
    fire_store(c, b)
    b2 = (b + GA) % NBUF
    wait_store(b2)
    fire_gather(c + GA, b2)

    for c in range(STEADY, T - 1):
        b = c % NBUF
        wait_gather(b)
        fire_store(c, b)

    c = T - 1
    b = c % NBUF
    wait_gather(b)

    @pl.when(wid < NW - (NGP - NG))
    def _last_store():
        fire_store(c, b)

    for bb in range(1, NBUF):
        wait_store(bb)

    @pl.when(wid < NW - (NGP - NG))
    def _last_drain():
        wait_store((T - 1) % NBUF)


def kernel(features, nidx):
    idx = nidx.astype(jnp.int32)
    idx_g = idx.reshape(MB, 8, K // 8, 8).transpose(0, 2, 3, 1).reshape(NG, GW)
    idx_p = jnp.concatenate(
        [idx_g, jnp.zeros((NGP - NG, GW), jnp.int32)], axis=0)
    idx_w = idx_p.reshape(T, NW, GW).transpose(1, 0, 2).reshape(-1)

    out = pl.kernel(
        _gather_body,
        out_type=jax.ShapeDtypeStruct((M, K * F), jnp.float32),
        mesh=plsc.VectorSubcoreMesh(core_axis_name="c", subcore_axis_name="s"),
        scratch_types=[
            pltpu.VMEM_SHARED((M, F), jnp.float32),
            pltpu.VMEM((IDX_W,), jnp.int32),
            pltpu.VMEM((NBUF, GW, F), jnp.float32),
        ] + [pltpu.SemaphoreType.DMA] * (2 * NBUF),
    )(features, idx_w)
    return out

# --- scband reference (transcript-rebuilt; emitter-appended) ---
"""Pipeline reference for scband-graph-cluster-reshape-38285338476782 (READ-ONLY COPY).

The authoritative reference and input builder live on the scoring server;
editing this copy changes nothing except your own understanding.
"""

import jax, jax.numpy as jnp
import numpy as np


def setup_inputs(seed: int = 0) -> dict:
    key = jax.random.key(seed)
    k1, k2 = jax.random.split(key)
    features = jax.random.normal(k1, (10000, 128), dtype=jnp.float32)
    nidx = jax.random.randint(k2, (10000, 32), 0, 10000, dtype=jnp.int64)
    return {"features": features, "nidx": nidx}


def reference(features, nidx):
    # Faithful translation of GraphClusterReshape.raw_call
    nidx32 = nidx.astype(jnp.int32)
    # replace -1 (missing-neighbour) indices with 0 for the gather
    safe_idx = jnp.where(nidx32 < 0, 0, nidx32)
    # tf.gather_nd with trailing index dim 1 == row gather
    gfeat = jnp.take(features, safe_idx, axis=0)  # [M, K, F]
    # zero out entries corresponding to missing (-1) neighbours
    out = jnp.where(nidx32[:, :, None] < 0, 0.0, gfeat)
    # flatten neighbour features: [M, K*F]
    out = out.reshape(nidx32.shape[0], nidx32.shape[1] * features.shape[1])
    return out

if __name__ == "__main__":
    import jax
    _d = setup_inputs()
    print(jax.jit(kernel)(*tuple(_d.values())))

</pallas_src>

<mosaic_0001>
#map = affine_map<(d0, d1) -> (0, 0)>
#map1 = affine_map<(d0, d1) -> (0)>
module attributes {stable_mosaic.version = 14 : i64} {
  func.func @_gather_body(%arg0: i32, %arg1: i32, %arg2: memref<10000x128xf32, #tpu.memory_space<hbm>>, %arg3: memref<321536xi32, #tpu.memory_space<hbm>>, %arg4: memref<10000x4096xf32, #tpu.memory_space<hbm>>, %arg5: memref<10000x128xf32, #tpu.memory_space<vmem_shared>>, %arg6: memref<10048xi32, #tpu.memory_space<vmem>>, %arg7: memref<4x64x128xf32, #tpu.memory_space<vmem>>, %arg8: memref<!tpu.dma_semaphore, #tpu.memory_space<semaphore_mem>>, %arg9: memref<!tpu.dma_semaphore, #tpu.memory_space<semaphore_mem>>, %arg10: memref<!tpu.dma_semaphore, #tpu.memory_space<semaphore_mem>>, %arg11: memref<!tpu.dma_semaphore, #tpu.memory_space<semaphore_mem>>, %arg12: memref<!tpu.dma_semaphore, #tpu.memory_space<semaphore_mem>>, %arg13: memref<!tpu.dma_semaphore, #tpu.memory_space<semaphore_mem>>, %arg14: memref<!tpu.dma_semaphore, #tpu.memory_space<semaphore_mem>>, %arg15: memref<!tpu.dma_semaphore, #tpu.memory_space<semaphore_mem>>) attributes {dimension_semantics = [#tpu.dimension_semantics<core_parallel>, #tpu.dimension_semantics<subcore_parallel>], iteration_bounds = array<i64: 2, 16>, scalar_prefetch = 0 : i64, scratch_operands = 11 : i64, tpu.core_type = #tpu.core_type<sc_vector_subcore>, window_params = [{transform_indices = #map}, {transform_indices = #map1}, {transform_indices = #map}]} {
    %mul3A = arith.constant 2 : i32
    %mul3A_0 = arith.muli %arg1, %mul3A : i32
    %add3A = arith.addi %mul3A_0, %arg0 : i32
    %mul3A_1 = arith.constant 624 : i32
    %mul3A_2 = arith.muli %arg1, %mul3A_1 : i32
    %multiple_of3A = tpu.assume_multiple %mul3A_2, 8 : i32
    "tpu.region"() ({
      %run_scoped3A = tpu.sem_alloc : memref<!tpu.dma_semaphore, #tpu.memory_space<semaphore_mem>>
      %dma_start3A_1126 = arith.constant 0 : i32
      %dma_start3A_1127 = tpu.memref_slice %arg5[%multiple_of3A, %dma_start3A_1126] : memref<10000x128xf32, #tpu.memory_space<vmem_shared>> -> memref<624x128xf32, #tpu.memory_space<vmem_shared>>
      %dma_start3A_1128 = arith.constant 0 : i32
      %dma_start3A_1129 = tpu.memref_slice %arg2[%multiple_of3A, %dma_start3A_1128] : memref<10000x128xf32, #tpu.memory_space<hbm>> -> memref<624x128xf32, #tpu.memory_space<hbm>>
      tpu.enqueue_dma source(%dma_start3A_1129 : memref<624x128xf32, #tpu.memory_space<hbm>>) target(%dma_start3A_1127 : memref<624x128xf32, #tpu.memory_space<vmem_shared>>) target_semaphore(%run_scoped3A : memref<!tpu.dma_semaphore, #tpu.memory_space<semaphore_mem>>)
      %dma_wait3A_1130 = arith.constant 0 : i32
      %dma_wait3A_1131 = tpu.memref_slice %arg5[%multiple_of3A, %dma_wait3A_1130] : memref<10000x128xf32, #tpu.memory_space<vmem_shared>> -> memref<624x128xf32, #tpu.memory_space<vmem_shared>>
      %dma_wait3A_1132 = arith.constant 0 : i32
      %dma_wait3A_1133 = tpu.memref_slice %arg2[%multiple_of3A, %dma_wait3A_1132] : memref<10000x128xf32, #tpu.memory_space<hbm>> -> memref<624x128xf32, #tpu.memory_space<hbm>>
      tpu.wait_dma2 semaphore(%run_scoped3A : memref<!tpu.dma_semaphore, #tpu.memory_space<semaphore_mem>>) src(%dma_wait3A_1133 : memref<624x128xf32, #tpu.memory_space<hbm>>) dst(%dma_wait3A_1131 : memref<624x128xf32, #tpu.memory_space<vmem_shared>>)
      tpu.yield
    }) : () -> ()
    %eq3A = arith.constant 0 : i32
    %eq3A_3 = arith.cmpi eq, %arg1, %eq3A : i32
    %convert_element_type3A = arith.extui %eq3A_3 : i1 to i32
    %cond3A = arith.constant 0 : i32
    %cond3A_4 = arith.cmpi ne, %convert_element_type3A, %cond3A : i32
    scf.if %cond3A_4 {
      "tpu.region"() ({
        %run_scoped3A = tpu.sem_alloc : memref<!tpu.dma_semaphore, #tpu.memory_space<semaphore_mem>>
        %dma_start3A_1126 = arith.constant 9984 : i32
        %dma_start3A_1127 = arith.constant 0 : i32
        %dma_start3A_1128 = tpu.memref_slice %arg5[%dma_start3A_1126, %dma_start3A_1127] : memref<10000x128xf32, #tpu.memory_space<vmem_shared>> -> memref<16x128xf32, #tpu.memory_space<vmem_shared>>
        %dma_start3A_1129 = arith.constant 9984 : i32
        %dma_start3A_1130 = arith.constant 0 : i32
        %dma_start3A_1131 = tpu.memref_slice %arg2[%dma_start3A_1129, %dma_start3A_1130] : memref<10000x128xf32, #tpu.memory_space<hbm>> -> memref<16x128xf32, #tpu.memory_space<hbm>>
        tpu.enqueue_dma source(%dma_start3A_1131 : memref<16x128xf32, #tpu.memory_space<hbm>>) target(%dma_start3A_1128 : memref<16x128xf32, #tpu.memory_space<vmem_shared>>) target_semaphore(%run_scoped3A : memref<!tpu.dma_semaphore, #tpu.memory_space<semaphore_mem>>)
        %dma_wait3A_1132 = arith.constant 9984 : i32
        %dma_wait3A_1133 = arith.constant 0 : i32
        %dma_wait3A_1134 = tpu.memref_slice %arg5[%dma_wait3A_1132, %dma_wait3A_1133] : memref<10000x128xf32, #tpu.memory_space<vmem_shared>> -> memref<16x128xf32, #tpu.memory_space<vmem_shared>>
        %dma_wait3A_1135 = arith.constant 9984 : i32
        %dma_wait3A_1136 = arith.constant 0 : i32
        %dma_wait3A_1137 = tpu.memref_slice %arg2[%dma_wait3A_1135, %dma_wait3A_1136] : memref<10000x128xf32, #tpu.memory_space<hbm>> -> memref<16x128xf32, #tpu.memory_space<hbm>>
        tpu.wait_dma2 semaphore(%run_scoped3A : memref<!tpu.dma_semaphore, #tpu.memory_space<semaphore_mem>>) src(%dma_wait3A_1137 : memref<16x128xf32, #tpu.memory_space<hbm>>) dst(%dma_wait3A_1134 : memref<16x128xf32, #tpu.memory_space<vmem_shared>>)
        tpu.yield
      }) : () -> ()
    } else {
    }
    %mul3A_5 = arith.constant 10048 : i32
    %mul3A_6 = arith.muli %add3A, %mul3A_5 : i32
    %multiple_of3A_7 = tpu.assume_multiple %mul3A_6, 8 : i32
    "tpu.region"() ({
      %run_scoped3A = tpu.sem_alloc : memref<!tpu.dma_semaphore, #tpu.memory_space<semaphore_mem>>
      %dma_start3A_1126 = tpu.memref_slice %arg3[%multiple_of3A_7] : memref<321536xi32, #tpu.memory_space<hbm>> -> memref<10048xi32, #tpu.memory_space<hbm>>
      %dma_start3A_1127 = tpu.memref_slice %arg3[%multiple_of3A_7] : memref<321536xi32, #tpu.memory_space<hbm>> -> memref<10048xi32, #tpu.memory_space<hbm>>
      tpu.enqueue_dma source(%dma_start3A_1127 : memref<10048xi32, #tpu.memory_space<hbm>>) target(%arg6 : memref<10048xi32, #tpu.memory_space<vmem>>) target_semaphore(%run_scoped3A : memref<!tpu.dma_semaphore, #tpu.memory_space<semaphore_mem>>)
      %dma_wait3A_1128 = tpu.memref_slice %arg3[%multiple_of3A_7] : memref<321536xi32, #tpu.memory_space<hbm>> -> memref<10048xi32, #tpu.memory_space<hbm>>
      %dma_wait3A_1129 = tpu.memref_slice %arg3[%multiple_of3A_7] : memref<321536xi32, #tpu.memory_space<hbm>> -> memref<10048xi32, #tpu.memory_space<hbm>>
      tpu.wait_dma2 semaphore(%run_scoped3A : memref<!tpu.dma_semaphore, #tpu.memory_space<semaphore_mem>>) src(%dma_wait3A_1129 : memref<10048xi32, #tpu.memory_space<hbm>>) dst(%arg6 : memref<10048xi32, #tpu.memory_space<vmem>>)
      tpu.yield
    }) : () -> ()
    %barrier3A = arith.constant 0 : index
    tpu.barrier barrier_id(%barrier3A)
    %jit3A = arith.constant 4 : i32
    %div3A = arith.divsi %add3A, %jit3A : i32
    %sign3A = arith.constant 0 : i32
    %sign3A_8 = arith.cmpi sgt, %add3A, %sign3A : i32
    %sign3A_9 = arith.extui %sign3A_8 : i1 to i32
    %sign3A_10 = arith.constant 0 : i32
    %sign3A_11 = arith.cmpi slt, %add3A, %sign3A_10 : i32
    %sign3A_12 = arith.extui %sign3A_11 : i1 to i32
    %sign3A_13 = arith.subi %sign3A_9, %sign3A_12 : i32
    %sign3A_14 = arith.constant 0 : i32
    %sign3A_15 = arith.cmpi sgt, %jit3A, %sign3A_14 : i32
    %sign3A_16 = arith.extui %sign3A_15 : i1 to i32
    %sign3A_17 = arith.constant 0 : i32
    %sign3A_18 = arith.cmpi slt, %jit3A, %sign3A_17 : i32
    %sign3A_19 = arith.extui %sign3A_18 : i1 to i32
    %sign3A_20 = arith.subi %sign3A_16, %sign3A_19 : i32
    %ne3A = arith.cmpi ne, %sign3A_13, %sign3A_20 : i32
    %rem3A = arith.remsi %add3A, %jit3A : i32
    %ne3A_21 = arith.constant 0 : i32
    %ne3A_22 = arith.cmpi ne, %rem3A, %ne3A_21 : i32
    %and3A = arith.andi %ne3A, %ne3A_22 : i1
    %sub3A = arith.constant 1 : i32
    %sub3A_23 = arith.subi %div3A, %sub3A : i32
    %select_n3A = arith.select %and3A, %sub3A_23, %div3A : i32
    %mul3A_24 = arith.constant 8 : i32
    %mul3A_25 = arith.muli %select_n3A, %mul3A_24 : i32
    %jit3A_26 = arith.constant 4 : i32
    %eq3A_27 = arith.constant 0 : i32
    %eq3A_28 = arith.cmpi eq, %jit3A_26, %eq3A_27 : i32
    %jit3A_29 = arith.constant 1 : i32
    %select_n3A_30 = arith.select %eq3A_28, %jit3A_29, %jit3A_26 : i32
    %rem3A_31 = arith.remsi %add3A, %select_n3A_30 : i32
    %ne3A_32 = arith.constant 0 : i32
    %ne3A_33 = arith.cmpi ne, %rem3A_31, %ne3A_32 : i32
    %lt3A = arith.constant 0 : i32
    %lt3A_34 = arith.cmpi slt, %rem3A_31, %lt3A : i32
    %lt3A_35 = arith.constant 0 : i32
    %lt3A_36 = arith.cmpi slt, %select_n3A_30, %lt3A_35 : i32
    %ne3A_37 = arith.xori %lt3A_34, %lt3A_36 : i1
    %and3A_38 = arith.andi %ne3A_37, %ne3A_33 : i1
    %add3A_39 = arith.addi %rem3A_31, %select_n3A_30 : i32
    %select_n3A_40 = arith.select %and3A_38, %add3A_39, %rem3A_31 : i32
    %mul3A_41 = arith.constant 1024 : i32
    %mul3A_42 = arith.muli %select_n3A_40, %mul3A_41 : i32
    %multiple_of3A_43 = arith.constant 0 : i32
    %multiple_of3A_44 = tpu.assume_multiple %multiple_of3A_43, 8 : i32
    %dma_start3A = arith.constant 0 : i32
    %dma_start3A_45 = arith.constant 0 : i32
    %dma_start3A_46 = arith.constant 0 : i32
    %dma_start3A_47 = tpu.memref_slice %arg7[%dma_start3A, %dma_start3A_45, %dma_start3A_46] : memref<4x64x128xf32, #tpu.memory_space<vmem>> -> memref<1x64x128xf32, #tpu.memory_space<vmem>>
    %dma_start3A_48 = tpu.memref_squeeze %dma_start3A_47 : memref<1x64x128xf32, #tpu.memory_space<vmem>> -> memref<64x128xf32, #tpu.memory_space<vmem>>
    %dma_start3A_49 = tpu.memref_slice %arg6[%multiple_of3A_44] : memref<10048xi32, #tpu.memory_space<vmem>> -> memref<64xi32, #tpu.memory_space<vmem>>
    %dma_start3A_50 = arith.constant 0 : i32
    %dma_start3A_51 = arith.constant 0 : i32
    %dma_start3A_52 = tpu.memref_slice %arg5[%dma_start3A_50, %dma_start3A_51] : memref<10000x128xf32, #tpu.memory_space<vmem_shared>> -> memref<10000x128xf32, #tpu.memory_space<vmem_shared>>
    tpu.enqueue_indirect_dma source(%dma_start3A_52 : memref<10000x128xf32, #tpu.memory_space<vmem_shared>>) target(%dma_start3A_48 : memref<64x128xf32, #tpu.memory_space<vmem>>) offsets(%dma_start3A_49 : memref<64xi32, #tpu.memory_space<vmem>>) semaphore(%arg8 : memref<!tpu.dma_semaphore, #tpu.memory_space<semaphore_mem>>)
    %multiple_of3A_53 = arith.constant 64 : i32
    %multiple_of3A_54 = tpu.assume_multiple %multiple_of3A_53, 8 : i32
    %dma_start3A_55 = arith.constant 1 : i32
    %dma_start3A_56 = arith.constant 0 : i32
    %dma_start3A_57 = arith.constant 0 : i32
    %dma_start3A_58 = tpu.memref_slice %arg7[%dma_start3A_55, %dma_start3A_56, %dma_start3A_57] : memref<4x64x128xf32, #tpu.memory_space<vmem>> -> memref<1x64x128xf32, #tpu.memory_space<vmem>>
    %dma_start3A_59 = tpu.memref_squeeze %dma_start3A_58 : memref<1x64x128xf32, #tpu.memory_space<vmem>> -> memref<64x128xf32, #tpu.memory_space<vmem>>
    %dma_start3A_60 = tpu.memref_slice %arg6[%multiple_of3A_54] : memref<10048xi32, #tpu.memory_space<vmem>> -> memref<64xi32, #tpu.memory_space<vmem>>
    %dma_start3A_61 = arith.constant 0 : i32
    %dma_start3A_62 = arith.constant 0 : i32
    %dma_start3A_63 = tpu.memref_slice %arg5[%dma_start3A_61, %dma_start3A_62] : memref<10000x128xf32, #tpu.memory_space<vmem_shared>> -> memref<10000x128xf32, #tpu.memory_space<vmem_shared>>
    tpu.enqueue_indirect_dma source(%dma_start3A_63 : memref<10000x128xf32, #tpu.memory_space<vmem_shared>>) target(%dma_start3A_59 : memref<64x128xf32, #tpu.memory_space<vmem>>) offsets(%dma_start3A_60 : memref<64xi32, #tpu.memory_space<vmem>>) semaphore(%arg9 : memref<!tpu.dma_semaphore, #tpu.memory_space<semaphore_mem>>)
    %multiple_of3A_64 = arith.constant 128 : i32
    %multiple_of3A_65 = tpu.assume_multiple %multiple_of3A_64, 8 : i32
    %dma_start3A_66 = arith.constant 2 : i32
    %dma_start3A_67 = arith.constant 0 : i32
    %dma_start3A_68 = arith.constant 0 : i32
    %dma_start3A_69 = tpu.memref_slice %arg7[%dma_start3A_66, %dma_start3A_67, %dma_start3A_68] : memref<4x64x128xf32, #tpu.memory_space<vmem>> -> memref<1x64x128xf32, #tpu.memory_space<vmem>>
    %dma_start3A_70 = tpu.memref_squeeze %dma_start3A_69 : memref<1x64x128xf32, #tpu.memory_space<vmem>> -> memref<64x128xf32, #tpu.memory_space<vmem>>
    %dma_start3A_71 = tpu.memref_slice %arg6[%multiple_of3A_65] : memref<10048xi32, #tpu.memory_space<vmem>> -> memref<64xi32, #tpu.memory_space<vmem>>
    %dma_start3A_72 = arith.constant 0 : i32
    %dma_start3A_73 = arith.constant 0 : i32
    %dma_start3A_74 = tpu.memref_slice %arg5[%dma_start3A_72, %dma_start3A_73] : memref<10000x128xf32, #tpu.memory_space<vmem_shared>> -> memref<10000x128xf32, #tpu.memory_space<vmem_shared>>
    tpu.enqueue_indirect_dma source(%dma_start3A_74 : memref<10000x128xf32, #tpu.memory_space<vmem_shared>>) target(%dma_start3A_70 : memref<64x128xf32, #tpu.memory_space<vmem>>) offsets(%dma_start3A_71 : memref<64xi32, #tpu.memory_space<vmem>>) semaphore(%arg10 : memref<!tpu.dma_semaphore, #tpu.memory_space<semaphore_mem>>)
    %dma_wait3A = arith.constant 0 : i32
    %dma_wait3A_75 = arith.constant 0 : i32
    %dma_wait3A_76 = arith.constant 0 : i32
    %dma_wait3A_77 = tpu.memref_slice %arg7[%dma_wait3A, %dma_wait3A_75, %dma_wait3A_76] : memref<4x64x128xf32, #tpu.memory_space<vmem>> -> memref<1x64x128xf32, #tpu.memory_space<vmem>>
    %dma_wait3A_78 = tpu.memref_squeeze %dma_wait3A_77 : memref<1x64x128xf32, #tpu.memory_space<vmem>> -> memref<64x128xf32, #tpu.memory_space<vmem>>
    %dma_wait3A_79 = arith.constant 0 : i32
    %dma_wait3A_80 = arith.constant 0 : i32
    %dma_wait3A_81 = tpu.memref_slice %arg2[%dma_wait3A_79, %dma_wait3A_80] : memref<10000x128xf32, #tpu.memory_space<hbm>> -> memref<64x128xf32, #tpu.memory_space<hbm>>
    %dma_wait3A_82 = arith.constant 0 : i32
    %dma_wait3A_83 = arith.constant 0 : i32
    %dma_wait3A_84 = tpu.memref_slice %arg7[%dma_wait3A, %dma_wait3A_82, %dma_wait3A_83] : memref<4x64x128xf32, #tpu.memory_space<vmem>> -> memref<1x64x128xf32, #tpu.memory_space<vmem>>
    %dma_wait3A_85 = tpu.memref_squeeze %dma_wait3A_84 : memref<1x64x128xf32, #tpu.memory_space<vmem>> -> memref<64x128xf32, #tpu.memory_space<vmem>>
    %dma_wait3A_86 = arith.constant 0 : i32
    %dma_wait3A_87 = arith.constant 0 : i32
    %dma_wait3A_88 = tpu.memref_slice %arg2[%dma_wait3A_86, %dma_wait3A_87] : memref<10000x128xf32, #tpu.memory_space<hbm>> -> memref<64x128xf32, #tpu.memory_space<hbm>>
    tpu.wait_dma2 semaphore(%arg8 : memref<!tpu.dma_semaphore, #tpu.memory_space<semaphore_mem>>) src(%dma_wait3A_88 : memref<64x128xf32, #tpu.memory_space<hbm>>) dst(%dma_wait3A_85 : memref<64x128xf32, #tpu.memory_space<vmem>>)
    %add3A_89 = arith.constant 0 : i32
    %add3A_90 = arith.addi %add3A_89, %mul3A_25 : i32
    %multiple_of3A_91 = tpu.assume_multiple %add3A_90, 8 : i32
    %add3A_92 = arith.constant 0 : i32
    %add3A_93 = arith.addi %mul3A_42, %add3A_92 : i32
    %multiple_of3A_94 = tpu.assume_multiple %add3A_93, 128 : i32
    %dma_start3A_95 = arith.constant 0 : i32
    %dma_start3A_96 = arith.constant 0 : i32
    %dma_start3A_97 = arith.constant 0 : i32
    %dma_start3A_98 = tpu.memref_slice %arg7[%dma_start3A_95, %dma_start3A_96, %dma_start3A_97] : memref<4x64x128xf32, #tpu.memory_space<vmem>> -> memref<1x8x128xf32, #tpu.memory_space<vmem>>
    %dma_start3A_99 = tpu.memref_squeeze %dma_start3A_98 : memref<1x8x128xf32, #tpu.memory_space<vmem>> -> memref<8x128xf32, #tpu.memory_space<vmem>>
    %dma_start3A_100 = tpu.memref_slice %arg4[%multiple_of3A_91, %multiple_of3A_94] : memref<10000x4096xf32, #tpu.memory_space<hbm>> -> memref<8x128xf32, #tpu.memory_space<hbm>>
    %dma_start3A_101 = tpu.memref_slice %arg4[%multiple_of3A_91, %multiple_of3A_94] : memref<10000x4096xf32, #tpu.memory_space<hbm>> -> memref<8x128xf32, #tpu.memory_space<hbm>>
    %dma_start3A_102 = arith.constant 0 : i32
    %dma_start3A_103 = arith.constant 0 : i32
    %dma_start3A_104 = tpu.memref_slice %arg7[%dma_start3A_95, %dma_start3A_102, %dma_start3A_103] : memref<4x64x128xf32, #tpu.memory_space<vmem>> -> memref<1x8x128xf32, #tpu.memory_space<vmem>>
    %dma_start3A_105 = tpu.memref_squeeze %dma_start3A_104 : memref<1x8x128xf32, #tpu.memory_space<vmem>> -> memref<8x128xf32, #tpu.memory_space<vmem>>
    tpu.enqueue_dma source(%dma_start3A_105 : memref<8x128xf32, #tpu.memory_space<vmem>>) target(%dma_start3A_101 : memref<8x128xf32, #tpu.memory_space<hbm>>) target_semaphore(%arg12 : memref<!tpu.dma_semaphore, #tpu.memory_space<semaphore_mem>>)
    %add3A_106 = arith.constant 128 : i32
    %add3A_107 = arith.addi %mul3A_42, %add3A_106 : i32
    %multiple_of3A_108 = tpu.assume_multiple %add3A_107, 128 : i32
    %dma_start3A_109 = arith.constant 0 : i32
    %dma_start3A_110 = arith.constant 8 : i32
    %dma_start3A_111 = arith.constant 0 : i32
    %dma_start3A_112 = tpu.memref_slice %arg7[%dma_start3A_109, %dma_start3A_110, %dma_start3A_111] : memref<4x64x128xf32, #tpu.memory_space<vmem>> -> memref<1x8x128xf32, #tpu.memory_space<vmem>>
    %dma_start3A_113 = tpu.memref_squeeze %dma_start3A_112 : memref<1x8x128xf32, #tpu.memory_space<vmem>> -> memref<8x128xf32, #tpu.memory_space<vmem>>
    %dma_start3A_114 = tpu.memref_slice %arg4[%multiple_of3A_91, %multiple_of3A_108] : memref<10000x4096xf32, #tpu.memory_space<hbm>> -> memref<8x128xf32, #tpu.memory_space<hbm>>
    %dma_start3A_115 = tpu.memref_slice %arg4[%multiple_of3A_91, %multiple_of3A_108] : memref<10000x4096xf32, #tpu.memory_space<hbm>> -> memref<8x128xf32, #tpu.memory_space<hbm>>
    %dma_start3A_116 = arith.constant 8 : i32
    %dma_start3A_117 = arith.constant 0 : i32
    %dma_start3A_118 = tpu.memref_slice %arg7[%dma_start3A_109, %dma_start3A_116, %dma_start3A_117] : memref<4x64x128xf32, #tpu.memory_space<vmem>> -> memref<1x8x128xf32, #tpu.memory_space<vmem>>
    %dma_start3A_119 = tpu.memref_squeeze %dma_start3A_118 : memref<1x8x128xf32, #tpu.memory_space<vmem>> -> memref<8x128xf32, #tpu.memory_space<vmem>>
    tpu.enqueue_dma source(%dma_start3A_119 : memref<8x128xf32, #tpu.memory_space<vmem>>) target(%dma_start3A_115 : memref<8x128xf32, #tpu.memory_space<hbm>>) target_semaphore(%arg12 : memref<!tpu.dma_semaphore, #tpu.memory_space<semaphore_mem>>)
    %add3A_120 = arith.constant 256 : i32
    %add3A_121 = arith.addi %mul3A_42, %add3A_120 : i32
    %multiple_of3A_122 = tpu.assume_multiple %add3A_121, 128 : i32
    %dma_start3A_123 = arith.constant 0 : i32
    %dma_start3A_124 = arith.constant 16 : i32
    %dma_start3A_125 = arith.constant 0 : i32
    %dma_start3A_126 = tpu.memref_slice %arg7[%dma_start3A_123, %dma_start3A_124, %dma_start3A_125] : memref<4x64x128xf32, #tpu.memory_space<vmem>> -> memref<1x8x128xf32, #tpu.memory_space<vmem>>
    %dma_start3A_127 = tpu.memref_squeeze %dma_start3A_126 : memref<1x8x128xf32, #tpu.memory_space<vmem>> -> memref<8x128xf32, #tpu.memory_space<vmem>>
    %dma_start3A_128 = tpu.memref_slice %arg4[%multiple_of3A_91, %multiple_of3A_122] : memref<10000x4096xf32, #tpu.memory_space<hbm>> -> memref<8x128xf32, #tpu.memory_space<hbm>>
    %dma_start3A_129 = tpu.memref_slice %arg4[%multiple_of3A_91, %multiple_of3A_122] : memref<10000x4096xf32, #tpu.memory_space<hbm>> -> memref<8x128xf32, #tpu.memory_space<hbm>>
    %dma_start3A_130 = arith.constant 16 : i32
    %dma_start3A_131 = arith.constant 0 : i32
    %dma_start3A_132 = tpu.memref_slice %arg7[%dma_start3A_123, %dma_start3A_130, %dma_start3A_131] : memref<4x64x128xf32, #tpu.memory_space<vmem>> -> memref<1x8x128xf32, #tpu.memory_space<vmem>>
    %dma_start3A_133 = tpu.memref_squeeze %dma_start3A_132 : memref<1x8x128xf32, #tpu.memory_space<vmem>> -> memref<8x128xf32, #tpu.memory_space<vmem>>
    tpu.enqueue_dma source(%dma_start3A_133 : memref<8x128xf32, #tpu.memory_space<vmem>>) target(%dma_start3A_129 : memref<8x128xf32, #tpu.memory_space<hbm>>) target_semaphore(%arg12 : memref<!tpu.dma_semaphore, #tpu.memory_space<semaphore_mem>>)
    %add3A_134 = arith.constant 384 : i32
    %add3A_135 = arith.addi %mul3A_42, %add3A_134 : i32
    %multiple_of3A_136 = tpu.assume_multiple %add3A_135, 128 : i32
    %dma_start3A_137 = arith.constant 0 : i32
    %dma_start3A_138 = arith.constant 24 : i32
    %dma_start3A_139 = arith.constant 0 : i32
    %dma_start3A_140 = tpu.memref_slice %arg7[%dma_start3A_137, %dma_start3A_138, %dma_start3A_139] : memref<4x64x128xf32, #tpu.memory_space<vmem>> -> memref<1x8x128xf32, #tpu.memory_space<vmem>>
    %dma_start3A_141 = tpu.memref_squeeze %dma_start3A_140 : memref<1x8x128xf32, #tpu.memory_space<vmem>> -> memref<8x128xf32, #tpu.memory_space<vmem>>
    %dma_start3A_142 = tpu.memref_slice %arg4[%multiple_of3A_91, %multiple_of3A_136] : memref<10000x4096xf32, #tpu.memory_space<hbm>> -> memref<8x128xf32, #tpu.memory_space<hbm>>
    %dma_start3A_143 = tpu.memref_slice %arg4[%multiple_of3A_91, %multiple_of3A_136] : memref<10000x4096xf32, #tpu.memory_space<hbm>> -> memref<8x128xf32, #tpu.memory_space<hbm>>
    %dma_start3A_144 = arith.constant 24 : i32
    %dma_start3A_145 = arith.constant 0 : i32
    %dma_start3A_146 = tpu.memref_slice %arg7[%dma_start3A_137, %dma_start3A_144, %dma_start3A_145] : memref<4x64x128xf32, #tpu.memory_space<vmem>> -> memref<1x8x128xf32, #tpu.memory_space<vmem>>
    %dma_start3A_147 = tpu.memref_squeeze %dma_start3A_146 : memref<1x8x128xf32, #tpu.memory_space<vmem>> -> memref<8x128xf32, #tpu.memory_space<vmem>>
    tpu.enqueue_dma source(%dma_start3A_147 : memref<8x128xf32, #tpu.memory_space<vmem>>) target(%dma_start3A_143 : memref<8x128xf32, #tpu.memory_space<hbm>>) target_semaphore(%arg12 : memref<!tpu.dma_semaphore, #tpu.memory_space<semaphore_mem>>)
    %add3A_148 = arith.constant 512 : i32
    %add3A_149 = arith.addi %mul3A_42, %add3A_148 : i32
    %multiple_of3A_150 = tpu.assume_multiple %add3A_149, 128 : i32
    %dma_start3A_151 = arith.constant 0 : i32
    %dma_start3A_152 = arith.constant 32 : i32
    %dma_start3A_153 = arith.constant 0 : i32
    %dma_start3A_154 = tpu.memref_slice %arg7[%dma_start3A_151, %dma_start3A_152, %dma_start3A_153] : memref<4x64x128xf32, #tpu.memory_space<vmem>> -> memref<1x8x128xf32, #tpu.memory_space<vmem>>
    %dma_start3A_155 = tpu.memref_squeeze %dma_start3A_154 : memref<1x8x128xf32, #tpu.memory_space<vmem>> -> memref<8x128xf32, #tpu.memory_space<vmem>>
    %dma_start3A_156 = tpu.memref_slice %arg4[%multiple_of3A_91, %multiple_of3A_150] : memref<10000x4096xf32, #tpu.memory_space<hbm>> -> memref<8x128xf32, #tpu.memory_space<hbm>>
    %dma_start3A_157 = tpu.memref_slice %arg4[%multiple_of3A_91, %multiple_of3A_150] : memref<10000x4096xf32, #tpu.memory_space<hbm>> -> memref<8x128xf32, #tpu.memory_space<hbm>>
    %dma_start3A_158 = arith.constant 32 : i32
    %dma_start3A_159 = arith.constant 0 : i32
    %dma_start3A_160 = tpu.memref_slice %arg7[%dma_start3A_151, %dma_start3A_158, %dma_start3A_159] : memref<4x64x128xf32, #tpu.memory_space<vmem>> -> memref<1x8x128xf32, #tpu.memory_space<vmem>>
    %dma_start3A_161 = tpu.memref_squeeze %dma_start3A_160 : memref<1x8x128xf32, #tpu.memory_space<vmem>> -> memref<8x128xf32, #tpu.memory_space<vmem>>
    tpu.enqueue_dma source(%dma_start3A_161 : memref<8x128xf32, #tpu.memory_space<vmem>>) target(%dma_start3A_157 : memref<8x128xf32, #tpu.memory_space<hbm>>) target_semaphore(%arg12 : memref<!tpu.dma_semaphore, #tpu.memory_space<semaphore_mem>>)
    %add3A_162 = arith.constant 640 : i32
    %add3A_163 = arith.addi %mul3A_42, %add3A_162 : i32
    %multiple_of3A_164 = tpu.assume_multiple %add3A_163, 128 : i32
    %dma_start3A_165 = arith.constant 0 : i32
    %dma_start3A_166 = arith.constant 40 : i32
    %dma_start3A_167 = arith.constant 0 : i32
    %dma_start3A_168 = tpu.memref_slice %arg7[%dma_start3A_165, %dma_start3A_166, %dma_start3A_167] : memref<4x64x128xf32, #tpu.memory_space<vmem>> -> memref<1x8x128xf32, #tpu.memory_space<vmem>>
    %dma_start3A_169 = tpu.memref_squeeze %dma_start3A_168 : memref<1x8x128xf32, #tpu.memory_space<vmem>> -> memref<8x128xf32, #tpu.memory_space<vmem>>
    %dma_start3A_170 = tpu.memref_slice %arg4[%multiple_of3A_91, %multiple_of3A_164] : memref<10000x4096xf32, #tpu.memory_space<hbm>> -> memref<8x128xf32, #tpu.memory_space<hbm>>
    %dma_start3A_171 = tpu.memref_slice %arg4[%multiple_of3A_91, %multiple_of3A_164] : memref<10000x4096xf32, #tpu.memory_space<hbm>> -> memref<8x128xf32, #tpu.memory_space<hbm>>
    %dma_start3A_172 = arith.constant 40 : i32
    %dma_start3A_173 = arith.constant 0 : i32
    %dma_start3A_174 = tpu.memref_slice %arg7[%dma_start3A_165, %dma_start3A_172, %dma_start3A_173] : memref<4x64x128xf32, #tpu.memory_space<vmem>> -> memref<1x8x128xf32, #tpu.memory_space<vmem>>
    %dma_start3A_175 = tpu.memref_squeeze %dma_start3A_174 : memref<1x8x128xf32, #tpu.memory_space<vmem>> -> memref<8x128xf32, #tpu.memory_space<vmem>>
    tpu.enqueue_dma source(%dma_start3A_175 : memref<8x128xf32, #tpu.memory_space<vmem>>) target(%dma_start3A_171 : memref<8x128xf32, #tpu.memory_space<hbm>>) target_semaphore(%arg12 : memref<!tpu.dma_semaphore, #tpu.memory_space<semaphore_mem>>)
    %add3A_176 = arith.constant 768 : i32
    %add3A_177 = arith.addi %mul3A_42, %add3A_176 : i32
    %multiple_of3A_178 = tpu.assume_multiple %add3A_177, 128 : i32
    %dma_start3A_179 = arith.constant 0 : i32
    %dma_start3A_180 = arith.constant 48 : i32
    %dma_start3A_181 = arith.constant 0 : i32
    %dma_start3A_182 = tpu.memref_slice %arg7[%dma_start3A_179, %dma_start3A_180, %dma_start3A_181] : memref<4x64x128xf32, #tpu.memory_space<vmem>> -> memref<1x8x128xf32, #tpu.memory_space<vmem>>
    %dma_start3A_183 = tpu.memref_squeeze %dma_start3A_182 : memref<1x8x128xf32, #tpu.memory_space<vmem>> -> memref<8x128xf32, #tpu.memory_space<vmem>>
    %dma_start3A_184 = tpu.memref_slice %arg4[%multiple_of3A_91, %multiple_of3A_178] : memref<10000x4096xf32, #tpu.memory_space<hbm>> -> memref<8x128xf32, #tpu.memory_space<hbm>>
    %dma_start3A_185 = tpu.memref_slice %arg4[%multiple_of3A_91, %multiple_of3A_178] : memref<10000x4096xf32, #tpu.memory_space<hbm>> -> memref<8x128xf32, #tpu.memory_space<hbm>>
    %dma_start3A_186 = arith.constant 48 : i32
    %dma_start3A_187 = arith.constant 0 : i32
    %dma_start3A_188 = tpu.memref_slice %arg7[%dma_start3A_179, %dma_start3A_186, %dma_start3A_187] : memref<4x64x128xf32, #tpu.memory_space<vmem>> -> memref<1x8x128xf32, #tpu.memory_space<vmem>>
    %dma_start3A_189 = tpu.memref_squeeze %dma_start3A_188 : memref<1x8x128xf32, #tpu.memory_space<vmem>> -> memref<8x128xf32, #tpu.memory_space<vmem>>
    tpu.enqueue_dma source(%dma_start3A_189 : memref<8x128xf32, #tpu.memory_space<vmem>>) target(%dma_start3A_185 : memref<8x128xf32, #tpu.memory_space<hbm>>) target_semaphore(%arg12 : memref<!tpu.dma_semaphore, #tpu.memory_space<semaphore_mem>>)
    %add3A_190 = arith.constant 896 : i32
    %add3A_191 = arith.addi %mul3A_42, %add3A_190 : i32
    %multiple_of3A_192 = tpu.assume_multiple %add3A_191, 128 : i32
    %dma_start3A_193 = arith.constant 0 : i32
    %dma_start3A_194 = arith.constant 56 : i32
    %dma_start3A_195 = arith.constant 0 : i32
    %dma_start3A_196 = tpu.memref_slice %arg7[%dma_start3A_193, %dma_start3A_194, %dma_start3A_195] : memref<4x64x128xf32, #tpu.memory_space<vmem>> -> memref<1x8x128xf32, #tpu.memory_space<vmem>>
    %dma_start3A_197 = tpu.memref_squeeze %dma_start3A_196 : memref<1x8x128xf32, #tpu.memory_space<vmem>> -> memref<8x128xf32, #tpu.memory_space<vmem>>
    %dma_start3A_198 = tpu.memref_slice %arg4[%multiple_of3A_91, %multiple_of3A_192] : memref<10000x4096xf32, #tpu.memory_space<hbm>> -> memref<8x128xf32, #tpu.memory_space<hbm>>
    %dma_start3A_199 = tpu.memref_slice %arg4[%multiple_of3A_91, %multiple_of3A_192] : memref<10000x4096xf32, #tpu.memory_space<hbm>> -> memref<8x128xf32, #tpu.memory_space<hbm>>
    %dma_start3A_200 = arith.constant 56 : i32
    %dma_start3A_201 = arith.constant 0 : i32
    %dma_start3A_202 = tpu.memref_slice %arg7[%dma_start3A_193, %dma_start3A_200, %dma_start3A_201] : memref<4x64x128xf32, #tpu.memory_space<vmem>> -> memref<1x8x128xf32, #tpu.memory_space<vmem>>
    %dma_start3A_203 = tpu.memref_squeeze %dma_start3A_202 : memref<1x8x128xf32, #tpu.memory_space<vmem>> -> memref<8x128xf32, #tpu.memory_space<vmem>>
    tpu.enqueue_dma source(%dma_start3A_203 : memref<8x128xf32, #tpu.memory_space<vmem>>) target(%dma_start3A_199 : memref<8x128xf32, #tpu.memory_space<hbm>>) target_semaphore(%arg12 : memref<!tpu.dma_semaphore, #tpu.memory_space<semaphore_mem>>)
    %multiple_of3A_204 = arith.constant 192 : i32
    %multiple_of3A_205 = tpu.assume_multiple %multiple_of3A_204, 8 : i32
    %dma_start3A_206 = arith.constant 3 : i32
    %dma_start3A_207 = arith.constant 0 : i32
    %dma_start3A_208 = arith.constant 0 : i32
    %dma_start3A_209 = tpu.memref_slice %arg7[%dma_start3A_206, %dma_start3A_207, %dma_start3A_208] : memref<4x64x128xf32, #tpu.memory_space<vmem>> -> memref<1x64x128xf32, #tpu.memory_space<vmem>>
    %dma_start3A_210 = tpu.memref_squeeze %dma_start3A_209 : memref<1x64x128xf32, #tpu.memory_space<vmem>> -> memref<64x128xf32, #tpu.memory_space<vmem>>
    %dma_start3A_211 = tpu.memref_slice %arg6[%multiple_of3A_205] : memref<10048xi32, #tpu.memory_space<vmem>> -> memref<64xi32, #tpu.memory_space<vmem>>
    %dma_start3A_212 = arith.constant 0 : i32
    %dma_start3A_213 = arith.constant 0 : i32
    %dma_start3A_214 = tpu.memref_slice %arg5[%dma_start3A_212, %dma_start3A_213] : memref<10000x128xf32, #tpu.memory_space<vmem_shared>> -> memref<10000x128xf32, #tpu.memory_space<vmem_shared>>
    tpu.enqueue_indirect_dma source(%dma_start3A_214 : memref<10000x128xf32, #tpu.memory_space<vmem_shared>>) target(%dma_start3A_210 : memref<64x128xf32, #tpu.memory_space<vmem>>) offsets(%dma_start3A_211 : memref<64xi32, #tpu.memory_space<vmem>>) semaphore(%arg11 : memref<!tpu.dma_semaphore, #tpu.memory_space<semaphore_mem>>)
    %scan3A = arith.constant 0 : i32
    %scan3A_215 = arith.constant 0 : i32
    %scan3A_216 = arith.constant 38 : i32
    %scan3A_217 = arith.addi %scan3A_215, %scan3A_216 : i32
    %scan3A_218 = arith.constant 1 : i32
    scf.for %scan3A_1126 = %scan3A_215 to %scan3A_217 step %scan3A_218  : i32 {
      %mul3A_1127 = arith.constant 4 : i32
      %mul3A_1128 = arith.muli %scan3A_1126, %mul3A_1127 : i32
      %add3A_1129 = arith.constant 1 : i32
      %add3A_1130 = arith.addi %add3A_1129, %mul3A_1128 : i32
      %add3A_1131 = arith.constant 0 : i32
      %add3A_1132 = arith.addi %add3A_1130, %add3A_1131 : i32
      %dma_wait3A_1133 = arith.constant 1 : i32
      %dma_wait3A_1134 = arith.constant 0 : i32
      %dma_wait3A_1135 = arith.constant 0 : i32
      %dma_wait3A_1136 = tpu.memref_slice %arg7[%dma_wait3A_1133, %dma_wait3A_1134, %dma_wait3A_1135] : memref<4x64x128xf32, #tpu.memory_space<vmem>> -> memref<1x64x128xf32, #tpu.memory_space<vmem>>
      %dma_wait3A_1137 = tpu.memref_squeeze %dma_wait3A_1136 : memref<1x64x128xf32, #tpu.memory_space<vmem>> -> memref<64x128xf32, #tpu.memory_space<vmem>>
      %dma_wait3A_1138 = arith.constant 0 : i32
      %dma_wait3A_1139 = arith.constant 0 : i32
      %dma_wait3A_1140 = tpu.memref_slice %arg2[%dma_wait3A_1138, %dma_wait3A_1139] : memref<10000x128xf32, #tpu.memory_space<hbm>> -> memref<64x128xf32, #tpu.memory_space<hbm>>
      %dma_wait3A_1141 = arith.constant 0 : i32
      %dma_wait3A_1142 = arith.constant 0 : i32
      %dma_wait3A_1143 = tpu.memref_slice %arg7[%dma_wait3A_1133, %dma_wait3A_1141, %dma_wait3A_1142] : memref<4x64x128xf32, #tpu.memory_space<vmem>> -> memref<1x64x128xf32, #tpu.memory_space<vmem>>
      %dma_wait3A_1144 = tpu.memref_squeeze %dma_wait3A_1143 : memref<1x64x128xf32, #tpu.memory_space<vmem>> -> memref<64x128xf32, #tpu.memory_space<vmem>>
      %dma_wait3A_1145 = arith.constant 0 : i32
      %dma_wait3A_1146 = arith.constant 0 : i32
      %dma_wait3A_1147 = tpu.memref_slice %arg2[%dma_wait3A_1145, %dma_wait3A_1146] : memref<10000x128xf32, #tpu.memory_space<hbm>> -> memref<64x128xf32, #tpu.memory_space<hbm>>
      tpu.wait_dma2 semaphore(%arg9 : memref<!tpu.dma_semaphore, #tpu.memory_space<semaphore_mem>>) src(%dma_wait3A_1147 : memref<64x128xf32, #tpu.memory_space<hbm>>) dst(%dma_wait3A_1144 : memref<64x128xf32, #tpu.memory_space<vmem>>)
      %mul3A_1148 = arith.constant 64 : i32
      %mul3A_1149 = arith.muli %add3A_1132, %mul3A_1148 : i32
      %add3A_1150 = arith.addi %mul3A_1149, %mul3A_25 : i32
      %multiple_of3A_1151 = tpu.assume_multiple %add3A_1150, 8 : i32
      %add3A_1152 = arith.constant 0 : i32
      %add3A_1153 = arith.addi %mul3A_42, %add3A_1152 : i32
      %multiple_of3A_1154 = tpu.assume_multiple %add3A_1153, 128 : i32
      %dma_start3A_1155 = arith.constant 1 : i32
      %dma_start3A_1156 = arith.constant 0 : i32
      %dma_start3A_1157 = arith.constant 0 : i32
      %dma_start3A_1158 = tpu.memref_slice %arg7[%dma_start3A_1155, %dma_start3A_1156, %dma_start3A_1157] : memref<4x64x128xf32, #tpu.memory_space<vmem>> -> memref<1x8x128xf32, #tpu.memory_space<vmem>>
      %dma_start3A_1159 = tpu.memref_squeeze %dma_start3A_1158 : memref<1x8x128xf32, #tpu.memory_space<vmem>> -> memref<8x128xf32, #tpu.memory_space<vmem>>
      %dma_start3A_1160 = tpu.memref_slice %arg4[%multiple_of3A_1151, %multiple_of3A_1154] : memref<10000x4096xf32, #tpu.memory_space<hbm>> -> memref<8x128xf32, #tpu.memory_space<hbm>>
      %dma_start3A_1161 = tpu.memref_slice %arg4[%multiple_of3A_1151, %multiple_of3A_1154] : memref<10000x4096xf32, #tpu.memory_space<hbm>> -> memref<8x128xf32, #tpu.memory_space<hbm>>
      %dma_start3A_1162 = arith.constant 0 : i32
      %dma_start3A_1163 = arith.constant 0 : i32
      %dma_start3A_1164 = tpu.memref_slice %arg7[%dma_start3A_1155, %dma_start3A_1162, %dma_start3A_1163] : memref<4x64x128xf32, #tpu.memory_space<vmem>> -> memref<1x8x128xf32, #tpu.memory_space<vmem>>
      %dma_start3A_1165 = tpu.memref_squeeze %dma_start3A_1164 : memref<1x8x128xf32, #tpu.memory_space<vmem>> -> memref<8x128xf32, #tpu.memory_space<vmem>>
      tpu.enqueue_dma source(%dma_start3A_1165 : memref<8x128xf32, #tpu.memory_space<vmem>>) target(%dma_start3A_1161 : memref<8x128xf32, #tpu.memory_space<hbm>>) target_semaphore(%arg13 : memref<!tpu.dma_semaphore, #tpu.memory_space<semaphore_mem>>)
      %add3A_1166 = arith.constant 128 : i32
      %add3A_1167 = arith.addi %mul3A_42, %add3A_1166 : i32
      %multiple_of3A_1168 = tpu.assume_multiple %add3A_1167, 128 : i32
      %dma_start3A_1169 = arith.constant 1 : i32
      %dma_start3A_1170 = arith.constant 8 : i32
      %dma_start3A_1171 = arith.constant 0 : i32
      %dma_start3A_1172 = tpu.memref_slice %arg7[%dma_start3A_1169, %dma_start3A_1170, %dma_start3A_1171] : memref<4x64x128xf32, #tpu.memory_space<vmem>> -> memref<1x8x128xf32, #tpu.memory_space<vmem>>
      %dma_start3A_1173 = tpu.memref_squeeze %dma_start3A_1172 : memref<1x8x128xf32, #tpu.memory_space<vmem>> -> memref<8x128xf32, #tpu.memory_space<vmem>>
      %dma_start3A_1174 = tpu.memref_slice %arg4[%multiple_of3A_1151, %multiple_of3A_1168] : memref<10000x4096xf32, #tpu.memory_space<hbm>> -> memref<8x128xf32, #tpu.memory_space<hbm>>
      %dma_start3A_1175 = tpu.memref_slice %arg4[%multiple_of3A_1151, %multiple_of3A_1168] : memref<10000x4096xf32, #tpu.memory_space<hbm>> -> memref<8x128xf32, #tpu.memory_space<hbm>>
      %dma_start3A_1176 = arith.constant 8 : i32
      %dma_start3A_1177 = arith.constant 0 : i32
      %dma_start3A_1178 = tpu.memref_slice %arg7[%dma_start3A_1169, %dma_start3A_1176, %dma_start3A_1177] : memref<4x64x128xf32, #tpu.memory_space<vmem>> -> memref<1x8x128xf32, #tpu.memory_space<vmem>>
      %dma_start3A_1179 = tpu.memref_squeeze %dma_start3A_1178 : memref<1x8x128xf32, #tpu.memory_space<vmem>> -> memref<8x128xf32, #tpu.memory_space<vmem>>
      tpu.enqueue_dma source(%dma_start3A_1179 : memref<8x128xf32, #tpu.memory_space<vmem>>) target(%dma_start3A_1175 : memref<8x128xf32, #tpu.memory_space<hbm>>) target_semaphore(%arg13 : memref<!tpu.dma_semaphore, #tpu.memory_space<semaphore_mem>>)
      %add3A_1180 = arith.constant 256 : i32
      %add3A_1181 = arith.addi %mul3A_42, %add3A_1180 : i32
      %multiple_of3A_1182 = tpu.assume_multiple %add3A_1181, 128 : i32
      %dma_start3A_1183 = arith.constant 1 : i32
      %dma_start3A_1184 = arith.constant 16 : i32
      %dma_start3A_1185 = arith.constant 0 : i32
      %dma_start3A_1186 = tpu.memref_slice %arg7[%dma_start3A_1183, %dma_start3A_1184, %dma_start3A_1185] : memref<4x64x128xf32, #tpu.memory_space<vmem>> -> memref<1x8x128xf32, #tpu.memory_space<vmem>>
      %dma_start3A_1187 = tpu.memref_squeeze %dma_start3A_1186 : memref<1x8x128xf32, #tpu.memory_space<vmem>> -> memref<8x128xf32, #tpu.memory_space<vmem>>
      %dma_start3A_1188 = tpu.memref_slice %arg4[%multiple_of3A_1151, %multiple_of3A_1182] : memref<10000x4096xf32, #tpu.memory_space<hbm>> -> memref<8x128xf32, #tpu.memory_space<hbm>>
      %dma_start3A_1189 = tpu.memref_slice %arg4[%multiple_of3A_1151, %multiple_of3A_1182] : memref<10000x4096xf32, #tpu.memory_space<hbm>> -> memref<8x128xf32, #tpu.memory_space<hbm>>
      %dma_start3A_1190 = arith.constant 16 : i32
      %dma_start3A_1191 = arith.constant 0 : i32
      %dma_start3A_1192 = tpu.memref_slice %arg7[%dma_start3A_1183, %dma_start3A_1190, %dma_start3A_1191] : memref<4x64x128xf32, #tpu.memory_space<vmem>> -> memref<1x8x128xf32, #tpu.memory_space<vmem>>
      %dma_start3A_1193 = tpu.memref_squeeze %dma_start3A_1192 : memref<1x8x128xf32, #tpu.memory_space<vmem>> -> memref<8x128xf32, #tpu.memory_space<vmem>>
      tpu.enqueue_dma source(%dma_start3A_1193 : memref<8x128xf32, #tpu.memory_space<vmem>>) target(%dma_start3A_1189 : memref<8x128xf32, #tpu.memory_space<hbm>>) target_semaphore(%arg13 : memref<!tpu.dma_semaphore, #tpu.memory_space<semaphore_mem>>)
      %add3A_1194 = arith.constant 384 : i32
      %add3A_1195 = arith.addi %mul3A_42, %add3A_1194 : i32
      %multiple_of3A_1196 = tpu.assume_multiple %add3A_1195, 128 : i32
      %dma_start3A_1197 = arith.constant 1 : i32
      %dma_start3A_1198 = arith.constant 24 : i32
      %dma_start3A_1199 = arith.constant 0 : i32
      %dma_start3A_1200 = tpu.memref_slice %arg7[%dma_start3A_1197, %dma_start3A_1198, %dma_start3A_1199] : memref<4x64x128xf32, #tpu.memory_space<vmem>> -> memref<1x8x128xf32, #tpu.memory_space<vmem>>
      %dma_start3A_1201 = tpu.memref_squeeze %dma_start3A_1200 : memref<1x8x128xf32, #tpu.memory_space<vmem>> -> memref<8x128xf32, #tpu.memory_space<vmem>>
      %dma_start3A_1202 = tpu.memref_slice %arg4[%multiple_of3A_1151, %multiple_of3A_1196] : memref<10000x4096xf32, #tpu.memory_space<hbm>> -> memref<8x128xf32, #tpu.memory_space<hbm>>
      %dma_start3A_1203 = tpu.memref_slice %arg4[%multiple_of3A_1151, %multiple_of3A_1196] : memref<10000x4096xf32, #tpu.memory_space<hbm>> -> memref<8x128xf32, #tpu.memory_space<hbm>>
      %dma_start3A_1204 = arith.constant 24 : i32
      %dma_start3A_1205 = arith.constant 0 : i32
      %dma_start3A_1206 = tpu.memref_slice %arg7[%dma_start3A_1197, %dma_start3A_1204, %dma_start3A_1205] : memref<4x64x128xf32, #tpu.memory_space<vmem>> -> memref<1x8x128xf32, #tpu.memory_space<vmem>>
      %dma_start3A_1207 = tpu.memref_squeeze %dma_start3A_1206 : memref<1x8x128xf32, #tpu.memory_space<vmem>> -> memref<8x128xf32, #tpu.memory_space<vmem>>
      tpu.enqueue_dma source(%dma_start3A_1207 : memref<8x128xf32, #tpu.memory_space<vmem>>) target(%dma_start3A_1203 : memref<8x128xf32, #tpu.memory_space<hbm>>) target_semaphore(%arg13 : memref<!tpu.dma_semaphore, #tpu.memory_space<semaphore_mem>>)
      %add3A_1208 = arith.constant 512 : i32
      %add3A_1209 = arith.addi %mul3A_42, %add3A_1208 : i32
      %multiple_of3A_1210 = tpu.assume_multiple %add3A_1209, 128 : i32
      %dma_start3A_1211 = arith.constant 1 : i32
      %dma_start3A_1212 = arith.constant 32 : i32
      %dma_start3A_1213 = arith.constant 0 : i32
      %dma_start3A_1214 = tpu.memref_slice %arg7[%dma_start3A_1211, %dma_start3A_1212, %dma_start3A_1213] : memref<4x64x128xf32, #tpu.memory_space<vmem>> -> memref<1x8x128xf32, #tpu.memory_space<vmem>>
      %dma_start3A_1215 = tpu.memref_squeeze %dma_start3A_1214 : memref<1x8x128xf32, #tpu.memory_space<vmem>> -> memref<8x128xf32, #tpu.memory_space<vmem>>
      %dma_start3A_1216 = tpu.memref_slice %arg4[%multiple_of3A_1151, %multiple_of3A_1210] : memref<10000x4096xf32, #tpu.memory_space<hbm>> -> memref<8x128xf32, #tpu.memory_space<hbm>>
      %dma_start3A_1217 = tpu.memref_slice %arg4[%multiple_of3A_1151, %multiple_of3A_1210] : memref<10000x4096xf32, #tpu.memory_space<hbm>> -> memref<8x128xf32, #tpu.memory_space<hbm>>
      %dma_start3A_1218 = arith.constant 32 : i32
      %dma_start3A_1219 = arith.constant 0 : i32
      %dma_start3A_1220 = tpu.memref_slice %arg7[%dma_start3A_1211, %dma_start3A_1218, %dma_start3A_1219] : memref<4x64x128xf32, #tpu.memory_space<vmem>> -> memref<1x8x128xf32, #tpu.memory_space<vmem>>
      %dma_start3A_1221 = tpu.memref_squeeze %dma_start3A_1220 : memref<1x8x128xf32, #tpu.memory_space<vmem>> -> memref<8x128xf32, #tpu.memory_space<vmem>>
      tpu.enqueue_dma source(%dma_start3A_1221 : memref<8x128xf32, #tpu.memory_space<vmem>>) target(%dma_start3A_1217 : memref<8x128xf32, #tpu.memory_space<hbm>>) target_semaphore(%arg13 : memref<!tpu.dma_semaphore, #tpu.memory_space<semaphore_mem>>)
      %add3A_1222 = arith.constant 640 : i32
      %add3A_1223 = arith.addi %mul3A_42, %add3A_1222 : i32
      %multiple_of3A_1224 = tpu.assume_multiple %add3A_1223, 128 : i32
      %dma_start3A_1225 = arith.constant 1 : i32
      %dma_start3A_1226 = arith.constant 40 : i32
      %dma_start3A_1227 = arith.constant 0 : i32
      %dma_start3A_1228 = tpu.memref_slice %arg7[%dma_start3A_1225, %dma_start3A_1226, %dma_start3A_1227] : memref<4x64x128xf32, #tpu.memory_space<vmem>> -> memref<1x8x128xf32, #tpu.memory_space<vmem>>
      %dma_start3A_1229 = tpu.memref_squeeze %dma_start3A_1228 : memref<1x8x128xf32, #tpu.memory_space<vmem>> -> memref<8x128xf32, #tpu.memory_space<vmem>>
      %dma_start3A_1230 = tpu.memref_slice %arg4[%multiple_of3A_1151, %multiple_of3A_1224] : memref<10000x4096xf32, #tpu.memory_space<hbm>> -> memref<8x128xf32, #tpu.memory_space<hbm>>
      %dma_start3A_1231 = tpu.memref_slice %arg4[%multiple_of3A_1151, %multiple_of3A_1224] : memref<10000x4096xf32, #tpu.memory_space<hbm>> -> memref<8x128xf32, #tpu.memory_space<hbm>>
      %dma_start3A_1232 = arith.constant 40 : i32
      %dma_start3A_1233 = arith.constant 0 : i32
      %dma_start3A_1234 = tpu.memref_slice %arg7[%dma_start3A_1225, %dma_start3A_1232, %dma_start3A_1233] : memref<4x64x128xf32, #tpu.memory_space<vmem>> -> memref<1x8x128xf32, #tpu.memory_space<vmem>>
      %dma_start3A_1235 = tpu.memref_squeeze %dma_start3A_1234 : memref<1x8x128xf32, #tpu.memory_space<vmem>> -> memref<8x128xf32, #tpu.memory_space<vmem>>
      tpu.enqueue_dma source(%dma_start3A_1235 : memref<8x128xf32, #tpu.memory_space<vmem>>) target(%dma_start3A_1231 : memref<8x128xf32, #tpu.memory_space<hbm>>) target_semaphore(%arg13 : memref<!tpu.dma_semaphore, #tpu.memory_space<semaphore_mem>>)
      %add3A_1236 = arith.constant 768 : i32
      %add3A_1237 = arith.addi %mul3A_42, %add3A_1236 : i32
      %multiple_of3A_1238 = tpu.assume_multiple %add3A_1237, 128 : i32
      %dma_start3A_1239 = arith.constant 1 : i32
      %dma_start3A_1240 = arith.constant 48 : i32
      %dma_start3A_1241 = arith.constant 0 : i32
      %dma_start3A_1242 = tpu.memref_slice %arg7[%dma_start3A_1239, %dma_start3A_1240, %dma_start3A_1241] : memref<4x64x128xf32, #tpu.memory_space<vmem>> -> memref<1x8x128xf32, #tpu.memory_space<vmem>>
      %dma_start3A_1243 = tpu.memref_squeeze %dma_start3A_1242 : memref<1x8x128xf32, #tpu.memory_space<vmem>> -> memref<8x128xf32, #tpu.memory_space<vmem>>
      %dma_start3A_1244 = tpu.memref_slice %arg4[%multiple_of3A_1151, %multiple_of3A_1238] : memref<10000x4096xf32, #tpu.memory_space<hbm>> -> memref<8x128xf32, #tpu.memory_space<hbm>>
      %dma_start3A_1245 = tpu.memref_slice %arg4[%multiple_of3A_1151, %multiple_of3A_1238] : memref<10000x4096xf32, #tpu.memory_space<hbm>> -> memref<8x128xf32, #tpu.memory_space<hbm>>
      %dma_start3A_1246 = arith.constant 48 : i32
      %dma_start3A_1247 = arith.constant 0 : i32
      %dma_start3A_1248 = tpu.memref_slice %arg7[%dma_start3A_1239, %dma_start3A_1246, %dma_start3A_1247] : memref<4x64x128xf32, #tpu.memory_space<vmem>> -> memref<1x8x128xf32, #tpu.memory_space<vmem>>
      %dma_start3A_1249 = tpu.memref_squeeze %dma_start3A_1248 : memref<1x8x128xf32, #tpu.memory_space<vmem>> -> memref<8x128xf32, #tpu.memory_space<vmem>>
      tpu.enqueue_dma source(%dma_start3A_1249 : memref<8x128xf32, #tpu.memory_space<vmem>>) target(%dma_start3A_1245 : memref<8x128xf32, #tpu.memory_space<hbm>>) target_semaphore(%arg13 : memref<!tpu.dma_semaphore, #tpu.memory_space<semaphore_mem>>)
      %add3A_1250 = arith.constant 896 : i32
      %add3A_1251 = arith.addi %mul3A_42, %add3A_1250 : i32
      %multiple_of3A_1252 = tpu.assume_multiple %add3A_1251, 128 : i32
      %dma_start3A_1253 = arith.constant 1 : i32
      %dma_start3A_1254 = arith.constant 56 : i32
      %dma_start3A_1255 = arith.constant 0 : i32
      %dma_start3A_1256 = tpu.memref_slice %arg7[%dma_start3A_1253, %dma_start3A_1254, %dma_start3A_1255] : memref<4x64x128xf32, #tpu.memory_space<vmem>> -> memref<1x8x128xf32, #tpu.memory_space<vmem>>
      %dma_start3A_1257 = tpu.memref_squeeze %dma_start3A_1256 : memref<1x8x128xf32, #tpu.memory_space<vmem>> -> memref<8x128xf32, #tpu.memory_space<vmem>>
      %dma_start3A_1258 = tpu.memref_slice %arg4[%multiple_of3A_1151, %multiple_of3A_1252] : memref<10000x4096xf32, #tpu.memory_space<hbm>> -> memref<8x128xf32, #tpu.memory_space<hbm>>
      %dma_start3A_1259 = tpu.memref_slice %arg4[%multiple_of3A_1151, %multiple_of3A_1252] : memref<10000x4096xf32, #tpu.memory_space<hbm>> -> memref<8x128xf32, #tpu.memory_space<hbm>>
      %dma_start3A_1260 = arith.constant 56 : i32
      %dma_start3A_1261 = arith.constant 0 : i32
      %dma_start3A_1262 = tpu.memref_slice %arg7[%dma_start3A_1253, %dma_start3A_1260, %dma_start3A_1261] : memref<4x64x128xf32, #tpu.memory_space<vmem>> -> memref<1x8x128xf32, #tpu.memory_space<vmem>>
      %dma_start3A_1263 = tpu.memref_squeeze %dma_start3A_1262 : memref<1x8x128xf32, #tpu.memory_space<vmem>> -> memref<8x128xf32, #tpu.memory_space<vmem>>
      tpu.enqueue_dma source(%dma_start3A_1263 : memref<8x128xf32, #tpu.memory_space<vmem>>) target(%dma_start3A_1259 : memref<8x128xf32, #tpu.memory_space<hbm>>) target_semaphore(%arg13 : memref<!tpu.dma_semaphore, #tpu.memory_space<semaphore_mem>>)
      %dma_wait3A_1264 = arith.constant 0 : i32
      %dma_wait3A_1265 = arith.constant 0 : i32
      %dma_wait3A_1266 = arith.constant 0 : i32
      %dma_wait3A_1267 = tpu.memref_slice %arg7[%dma_wait3A_1264, %dma_wait3A_1265, %dma_wait3A_1266] : memref<4x64x128xf32, #tpu.memory_space<vmem>> -> memref<1x8x128xf32, #tpu.memory_space<vmem>>
      %dma_wait3A_1268 = tpu.memref_squeeze %dma_wait3A_1267 : memref<1x8x128xf32, #tpu.memory_space<vmem>> -> memref<8x128xf32, #tpu.memory_space<vmem>>
      %dma_wait3A_1269 = arith.constant 0 : i32
      %dma_wait3A_1270 = arith.constant 0 : i32
      %dma_wait3A_1271 = tpu.memref_slice %arg4[%dma_wait3A_1269, %dma_wait3A_1270] : memref<10000x4096xf32, #tpu.memory_space<hbm>> -> memref<8x128xf32, #tpu.memory_space<hbm>>
      %dma_wait3A_1272 = arith.constant 0 : i32
      %dma_wait3A_1273 = arith.constant 0 : i32
      %dma_wait3A_1274 = tpu.memref_slice %arg4[%dma_wait3A_1272, %dma_wait3A_1273] : memref<10000x4096xf32, #tpu.memory_space<hbm>> -> memref<8x128xf32, #tpu.memory_space<hbm>>
      %dma_wait3A_1275 = arith.constant 0 : i32
      %dma_wait3A_1276 = arith.constant 0 : i32
      %dma_wait3A_1277 = tpu.memref_slice %arg7[%dma_wait3A_1264, %dma_wait3A_1275, %dma_wait3A_1276] : memref<4x64x128xf32, #tpu.memory_space<vmem>> -> memref<1x8x128xf32, #tpu.memory_space<vmem>>
      %dma_wait3A_1278 = tpu.memref_squeeze %dma_wait3A_1277 : memref<1x8x128xf32, #tpu.memory_space<vmem>> -> memref<8x128xf32, #tpu.memory_space<vmem>>
      tpu.wait_dma2 semaphore(%arg12 : memref<!tpu.dma_semaphore, #tpu.memory_space<semaphore_mem>>) src(%dma_wait3A_1278 : memref<8x128xf32, #tpu.memory_space<vmem>>) dst(%dma_wait3A_1274 : memref<8x128xf32, #tpu.memory_space<hbm>>)
      %dma_wait3A_1279 = arith.constant 0 : i32
      %dma_wait3A_1280 = arith.constant 8 : i32
      %dma_wait3A_1281 = arith.constant 0 : i32
      %dma_wait3A_1282 = tpu.memref_slice %arg7[%dma_wait3A_1279, %dma_wait3A_1280, %dma_wait3A_1281] : memref<4x64x128xf32, #tpu.memory_space<vmem>> -> memref<1x8x128xf32, #tpu.memory_space<vmem>>
      %dma_wait3A_1283 = tpu.memref_squeeze %dma_wait3A_1282 : memref<1x8x128xf32, #tpu.memory_space<vmem>> -> memref<8x128xf32, #tpu.memory_space<vmem>>
      %dma_wait3A_1284 = arith.constant 0 : i32
      %dma_wait3A_1285 = arith.constant 128 : i32
      %dma_wait3A_1286 = tpu.memref_slice %arg4[%dma_wait3A_1284, %dma_wait3A_1285] : memref<10000x4096xf32, #tpu.memory_space<hbm>> -> memref<8x128xf32, #tpu.memory_space<hbm>>
      %dma_wait3A_1287 = arith.constant 0 : i32
      %dma_wait3A_1288 = arith.constant 128 : i32
      %dma_wait3A_1289 = tpu.memref_slice %arg4[%dma_wait3A_1287, %dma_wait3A_1288] : memref<10000x4096xf32, #tpu.memory_space<hbm>> -> memref<8x128xf32, #tpu.memory_space<hbm>>
      %dma_wait3A_1290 = arith.constant 8 : i32
      %dma_wait3A_1291 = arith.constant 0 : i32
      %dma_wait3A_1292 = tpu.memref_slice %arg7[%dma_wait3A_1279, %dma_wait3A_1290, %dma_wait3A_1291] : memref<4x64x128xf32, #tpu.memory_space<vmem>> -> memref<1x8x128xf32, #tpu.memory_space<vmem>>
      %dma_wait3A_1293 = tpu.memref_squeeze %dma_wait3A_1292 : memref<1x8x128xf32, #tpu.memory_space<vmem>> -> memref<8x128xf32, #tpu.memory_space<vmem>>
      tpu.wait_dma2 semaphore(%arg12 : memref<!tpu.dma_semaphore, #tpu.memory_space<semaphore_mem>>) src(%dma_wait3A_1293 : memref<8x128xf32, #tpu.memory_space<vmem>>) dst(%dma_wait3A_1289 : memref<8x128xf32, #tpu.memory_space<hbm>>)
      %dma_wait3A_1294 = arith.constant 0 : i32
      %dma_wait3A_1295 = arith.constant 16 : i32
      %dma_wait3A_1296 = arith.constant 0 : i32
      %dma_wait3A_1297 = tpu.memref_slice %arg7[%dma_wait3A_1294, %dma_wait3A_1295, %dma_wait3A_1296] : memref<4x64x128xf32, #tpu.memory_space<vmem>> -> memref<1x8x128xf32, #tpu.memory_space<vmem>>
      %dma_wait3A_1298 = tpu.memref_squeeze %dma_wait3A_1297 : memref<1x8x128xf32, #tpu.memory_space<vmem>> -> memref<8x128xf32, #tpu.memory_space<vmem>>
      %dma_wait3A_1299 = arith.constant 0 : i32
      %dma_wait3A_1300 = arith.constant 256 : i32
      %dma_wait3A_1301 = tpu.memref_slice %arg4[%dma_wait3A_1299, %dma_wait3A_1300] : memref<10000x4096xf32, #tpu.memory_space<hbm>> -> memref<8x128xf32, #tpu.memory_space<hbm>>
      %dma_wait3A_1302 = arith.constant 0 : i32
      %dma_wait3A_1303 = arith.constant 256 : i32
      %dma_wait3A_1304 = tpu.memref_slice %arg4[%dma_wait3A_1302, %dma_wait3A_1303] : memref<10000x4096xf32, #tpu.memory_space<hbm>> -> memref<8x128xf32, #tpu.memory_space<hbm>>
      %dma_wait3A_1305 = arith.constant 16 : i32
      %dma_wait3A_1306 = arith.constant 0 : i32
      %dma_wait3A_1307 = tpu.memref_slice %arg7[%dma_wait3A_1294, %dma_wait3A_1305, %dma_wait3A_1306] : memref<4x64x128xf32, #tpu.memory_space<vmem>> -> memref<1x8x128xf32, #tpu.memory_space<vmem>>
      %dma_wait3A_1308 = tpu.memref_squeeze %dma_wait3A_1307 : memref<1x8x128xf32, #tpu.memory_space<vmem>> -> memref<8x128xf32, #tpu.memory_space<vmem>>
      tpu.wait_dma2 semaphore(%arg12 : memref<!tpu.dma_semaphore, #tpu.memory_space<semaphore_mem>>) src(%dma_wait3A_1308 : memref<8x128xf32, #tpu.memory_space<vmem>>) dst(%dma_wait3A_1304 : memref<8x128xf32, #tpu.memory_space<hbm>>)
      %dma_wait3A_1309 = arith.constant 0 : i32
      %dma_wait3A_1310 = arith.constant 24 : i32
      %dma_wait3A_1311 = arith.constant 0 : i32
      %dma_wait3A_1312 = tpu.memref_slice %arg7[%dma_wait3A_1309, %dma_wait3A_1310, %dma_wait3A_1311] : memref<4x64x128xf32, #tpu.memory_space<vmem>> -> memref<1x8x128xf32, #tpu.memory_space<vmem>>
      %dma_wait3A_1313 = tpu.memref_squeeze %dma_wait3A_1312 : memref<1x8x128xf32, #tpu.memory_space<vmem>> -> memref<8x128xf32, #tpu.memory_space<vmem>>
      %dma_wait3A_1314 = arith.constant 0 : i32
      %dma_wait3A_1315 = arith.constant 384 : i32
      %dma_wait3A_1316 = tpu.memref_slice %arg4[%dma_wait3A_1314, %dma_wait3A_1315] : memref<10000x4096xf32, #tpu.memory_space<hbm>> -> memref<8x128xf32, #tpu.memory_space<hbm>>
      %dma_wait3A_1317 = arith.constant 0 : i32
      %dma_wait3A_1318 = arith.constant 384 : i32
      %dma_wait3A_1319 = tpu.memref_slice %arg4[%dma_wait3A_1317, %dma_wait3A_1318] : memref<10000x4096xf32, #tpu.memory_space<hbm>> -> memref<8x128xf32, #tpu.memory_space<hbm>>
      %dma_wait3A_1320 = arith.constant 24 : i32
      %dma_wait3A_1321 = arith.constant 0 : i32
      %dma_wait3A_1322 = tpu.memref_slice %arg7[%dma_wait3A_1309, %dma_wait3A_1320, %dma_wait3A_1321] : memref<4x64x128xf32, #tpu.memory_space<vmem>> -> memref<1x8x128xf32, #tpu.memory_space<vmem>>
      %dma_wait3A_1323 = tpu.memref_squeeze %dma_wait3A_1322 : memref<1x8x128xf32, #tpu.memory_space<vmem>> -> memref<8x128xf32, #tpu.memory_space<vmem>>
      tpu.wait_dma2 semaphore(%arg12 : memref<!tpu.dma_semaphore, #tpu.memory_space<semaphore_mem>>) src(%dma_wait3A_1323 : memref<8x128xf32, #tpu.memory_space<vmem>>) dst(%dma_wait3A_1319 : memref<8x128xf32, #tpu.memory_space<hbm>>)
      %dma_wait3A_1324 = arith.constant 0 : i32
      %dma_wait3A_1325 = arith.constant 32 : i32
      %dma_wait3A_1326 = arith.constant 0 : i32
      %dma_wait3A_1327 = tpu.memref_slice %arg7[%dma_wait3A_1324, %dma_wait3A_1325, %dma_wait3A_1326] : memref<4x64x128xf32, #tpu.memory_space<vmem>> -> memref<1x8x128xf32, #tpu.memory_space<vmem>>
      %dma_wait3A_1328 = tpu.memref_squeeze %dma_wait3A_1327 : memref<1x8x128xf32, #tpu.memory_space<vmem>> -> memref<8x128xf32, #tpu.memory_space<vmem>>
      %dma_wait3A_1329 = arith.constant 0 : i32
      %dma_wait3A_1330 = arith.constant 512 : i32
      %dma_wait3A_1331 = tpu.memref_slice %arg4[%dma_wait3A_1329, %dma_wait3A_1330] : memref<10000x4096xf32, #tpu.memory_space<hbm>> -> memref<8x128xf32, #tpu.memory_space<hbm>>
      %dma_wait3A_1332 = arith.constant 0 : i32
      %dma_wait3A_1333 = arith.constant 512 : i32
      %dma_wait3A_1334 = tpu.memref_slice %arg4[%dma_wait3A_1332, %dma_wait3A_1333] : memref<10000x4096xf32, #tpu.memory_space<hbm>> -> memref<8x128xf32, #tpu.memory_space<hbm>>
      %dma_wait3A_1335 = arith.constant 32 : i32
      %dma_wait3A_1336 = arith.constant 0 : i32
      %dma_wait3A_1337 = tpu.memref_slice %arg7[%dma_wait3A_1324, %dma_wait3A_1335, %dma_wait3A_1336] : memref<4x64x128xf32, #tpu.memory_space<vmem>> -> memref<1x8x128xf32, #tpu.memory_space<vmem>>
      %dma_wait3A_1338 = tpu.memref_squeeze %dma_wait3A_1337 : memref<1x8x128xf32, #tpu.memory_space<vmem>> -> memref<8x128xf32, #tpu.memory_space<vmem>>
      tpu.wait_dma2 semaphore(%arg12 : memref<!tpu.dma_semaphore, #tpu.memory_space<semaphore_mem>>) src(%dma_wait3A_1338 : memref<8x128xf32, #tpu.memory_space<vmem>>) dst(%dma_wait3A_1334 : memref<8x128xf32, #tpu.memory_space<hbm>>)
      %dma_wait3A_1339 = arith.constant 0 : i32
      %dma_wait3A_1340 = arith.constant 40 : i32
      %dma_wait3A_1341 = arith.constant 0 : i32
      %dma_wait3A_1342 = tpu.memref_slice %arg7[%dma_wait3A_1339, %dma_wait3A_1340, %dma_wait3A_1341] : memref<4x64x128xf32, #tpu.memory_space<vmem>> -> memref<1x8x128xf32, #tpu.memory_space<vmem>>
      %dma_wait3A_1343 = tpu.memref_squeeze %dma_wait3A_1342 : memref<1x8x128xf32, #tpu.memory_space<vmem>> -> memref<8x128xf32, #tpu.memory_space<vmem>>
      %dma_wait3A_1344 = arith.constant 0 : i32
      %dma_wait3A_1345 = arith.constant 640 : i32
      %dma_wait3A_1346 = tpu.memref_slice %arg4[%dma_wait3A_1344, %dma_wait3A_1345] : memref<10000x4096xf32, #tpu.memory_space<hbm>> -> memref<8x128xf32, #tpu.memory_space<hbm>>
      %dma_wait3A_1347 = arith.constant 0 : i32
      %dma_wait3A_1348 = arith.constant 640 : i32
      %dma_wait3A_1349 = tpu.memref_slice %arg4[%dma_wait3A_1347, %dma_wait3A_1348] : memref<10000x4096xf32, #tpu.memory_space<hbm>> -> memref<8x128xf32, #tpu.memory_space<hbm>>
      %dma_wait3A_1350 = arith.constant 40 : i32
      %dma_wait3A_1351 = arith.constant 0 : i32
      %dma_wait3A_1352 = tpu.memref_slice %arg7[%dma_wait3A_1339, %dma_wait3A_1350, %dma_wait3A_1351] : memref<4x64x128xf32, #tpu.memory_space<vmem>> -> memref<1x8x128xf32, #tpu.memory_space<vmem>>
      %dma_wait3A_1353 = tpu.memref_squeeze %dma_wait3A_1352 : memref<1x8x128xf32, #tpu.memory_space<vmem>> -> memref<8x128xf32, #tpu.memory_space<vmem>>
      tpu.wait_dma2 semaphore(%arg12 : memref<!tpu.dma_semaphore, #tpu.memory_space<semaphore_mem>>) src(%dma_wait3A_1353 : memref<8x128xf32, #tpu.memory_space<vmem>>) dst(%dma_wait3A_1349 : memref<8x128xf32, #tpu.memory_space<hbm>>)
      %dma_wait3A_1354 = arith.constant 0 : i32
      %dma_wait3A_1355 = arith.constant 48 : i32
      %dma_wait3A_1356 = arith.constant 0 : i32
      %dma_wait3A_1357 = tpu.memref_slice %arg7[%dma_wait3A_1354, %dma_wait3A_1355, %dma_wait3A_1356] : memref<4x64x128xf32, #tpu.memory_space<vmem>> -> memref<1x8x128xf32, #tpu.memory_space<vmem>>
      %dma_wait3A_1358 = tpu.memref_squeeze %dma_wait3A_1357 : memref<1x8x128xf32, #tpu.memory_space<vmem>> -> memref<8x128xf32, #tpu.memory_space<vmem>>
      %dma_wait3A_1359 = arith.constant 0 : i32
      %dma_wait3A_1360 = arith.constant 768 : i32
      %dma_wait3A_1361 = tpu.memref_slice %arg4[%dma_wait3A_1359, %dma_wait3A_1360] : memref<10000x4096xf32, #tpu.memory_space<hbm>> -> memref<8x128xf32, #tpu.memory_space<hbm>>
      %dma_wait3A_1362 = arith.constant 0 : i32
      %dma_wait3A_1363 = arith.constant 768 : i32
      %dma_wait3A_1364 = tpu.memref_slice %arg4[%dma_wait3A_1362, %dma_wait3A_1363] : memref<10000x4096xf32, #tpu.memory_space<hbm>> -> memref<8x128xf32, #tpu.memory_space<hbm>>
      %dma_wait3A_1365 = arith.constant 48 : i32
      %dma_wait3A_1366 = arith.constant 0 : i32
      %dma_wait3A_1367 = tpu.memref_slice %arg7[%dma_wait3A_1354, %dma_wait3A_1365, %dma_wait3A_1366] : memref<4x64x128xf32, #tpu.memory_space<vmem>> -> memref<1x8x128xf32, #tpu.memory_space<vmem>>
      %dma_wait3A_1368 = tpu.memref_squeeze %dma_wait3A_1367 : memref<1x8x128xf32, #tpu.memory_space<vmem>> -> memref<8x128xf32, #tpu.memory_space<vmem>>
      tpu.wait_dma2 semaphore(%arg12 : memref<!tpu.dma_semaphore, #tpu.memory_space<semaphore_mem>>) src(%dma_wait3A_1368 : memref<8x128xf32, #tpu.memory_space<vmem>>) dst(%dma_wait3A_1364 : memref<8x128xf32, #tpu.memory_space<hbm>>)
      %dma_wait3A_1369 = arith.constant 0 : i32
      %dma_wait3A_1370 = arith.constant 56 : i32
      %dma_wait3A_1371 = arith.constant 0 : i32
      %dma_wait3A_1372 = tpu.memref_slice %arg7[%dma_wait3A_1369, %dma_wait3A_1370, %dma_wait3A_1371] : memref<4x64x128xf32, #tpu.memory_space<vmem>> -> memref<1x8x128xf32, #tpu.memory_space<vmem>>
      %dma_wait3A_1373 = tpu.memref_squeeze %dma_wait3A_1372 : memref<1x8x128xf32, #tpu.memory_space<vmem>> -> memref<8x128xf32, #tpu.memory_space<vmem>>
      %dma_wait3A_1374 = arith.constant 0 : i32
      %dma_wait3A_1375 = arith.constant 896 : i32
      %dma_wait3A_1376 = tpu.memref_slice %arg4[%dma_wait3A_1374, %dma_wait3A_1375] : memref<10000x4096xf32, #tpu.memory_space<hbm>> -> memref<8x128xf32, #tpu.memory_space<hbm>>
      %dma_wait3A_1377 = arith.constant 0 : i32
      %dma_wait3A_1378 = arith.constant 896 : i32
      %dma_wait3A_1379 = tpu.memref_slice %arg4[%dma_wait3A_1377, %dma_wait3A_1378] : memref<10000x4096xf32, #tpu.memory_space<hbm>> -> memref<8x128xf32, #tpu.memory_space<hbm>>
      %dma_wait3A_1380 = arith.constant 56 : i32
      %dma_wait3A_1381 = arith.constant 0 : i32
      %dma_wait3A_1382 = tpu.memref_slice %arg7[%dma_wait3A_1369, %dma_wait3A_1380, %dma_wait3A_1381] : memref<4x64x128xf32, #tpu.memory_space<vmem>> -> memref<1x8x128xf32, #tpu.memory_space<vmem>>
      %dma_wait3A_1383 = tpu.memref_squeeze %dma_wait3A_1382 : memref<1x8x128xf32, #tpu.memory_space<vmem>> -> memref<8x128xf32, #tpu.memory_space<vmem>>
      tpu.wait_dma2 semaphore(%arg12 : memref<!tpu.dma_semaphore, #tpu.memory_space<semaphore_mem>>) src(%dma_wait3A_1383 : memref<8x128xf32, #tpu.memory_space<vmem>>) dst(%dma_wait3A_1379 : memref<8x128xf32, #tpu.memory_space<hbm>>)
      %add3A_1384 = arith.constant 3 : i32
      %add3A_1385 = arith.addi %add3A_1132, %add3A_1384 : i32
      %mul3A_1386 = arith.constant 64 : i32
      %mul3A_1387 = arith.muli %add3A_1385, %mul3A_1386 : i32
      %multiple_of3A_1388 = tpu.assume_multiple %mul3A_1387, 8 : i32
      %dma_start3A_1389 = arith.constant 0 : i32
      %dma_start3A_1390 = arith.constant 0 : i32
      %dma_start3A_1391 = arith.constant 0 : i32
      %dma_start3A_1392 = tpu.memref_slice %arg7[%dma_start3A_1389, %dma_start3A_1390, %dma_start3A_1391] : memref<4x64x128xf32, #tpu.memory_space<vmem>> -> memref<1x64x128xf32, #tpu.memory_space<vmem>>
      %dma_start3A_1393 = tpu.memref_squeeze %dma_start3A_1392 : memref<1x64x128xf32, #tpu.memory_space<vmem>> -> memref<64x128xf32, #tpu.memory_space<vmem>>
      %dma_start3A_1394 = tpu.memref_slice %arg6[%multiple_of3A_1388] : memref<10048xi32, #tpu.memory_space<vmem>> -> memref<64xi32, #tpu.memory_space<vmem>>
      %dma_start3A_1395 = arith.constant 0 : i32
      %dma_start3A_1396 = arith.constant 0 : i32
      %dma_start3A_1397 = tpu.memref_slice %arg5[%dma_start3A_1395, %dma_start3A_1396] : memref<10000x128xf32, #tpu.memory_space<vmem_shared>> -> memref<10000x128xf32, #tpu.memory_space<vmem_shared>>
      tpu.enqueue_indirect_dma source(%dma_start3A_1397 : memref<10000x128xf32, #tpu.memory_space<vmem_shared>>) target(%dma_start3A_1393 : memref<64x128xf32, #tpu.memory_space<vmem>>) offsets(%dma_start3A_1394 : memref<64xi32, #tpu.memory_space<vmem>>) semaphore(%arg8 : memref<!tpu.dma_semaphore, #tpu.memory_space<semaphore_mem>>)
      %add3A_1398 = arith.constant 1 : i32
      %add3A_1399 = arith.addi %add3A_1130, %add3A_1398 : i32
      %dma_wait3A_1400 = arith.constant 2 : i32
      %dma_wait3A_1401 = arith.constant 0 : i32
      %dma_wait3A_1402 = arith.constant 0 : i32
      %dma_wait3A_1403 = tpu.memref_slice %arg7[%dma_wait3A_1400, %dma_wait3A_1401, %dma_wait3A_1402] : memref<4x64x128xf32, #tpu.memory_space<vmem>> -> memref<1x64x128xf32, #tpu.memory_space<vmem>>
      %dma_wait3A_1404 = tpu.memref_squeeze %dma_wait3A_1403 : memref<1x64x128xf32, #tpu.memory_space<vmem>> -> memref<64x128xf32, #tpu.memory_space<vmem>>
      %dma_wait3A_1405 = arith.constant 0 : i32
      %dma_wait3A_1406 = arith.constant 0 : i32
      %dma_wait3A_1407 = tpu.memref_slice %arg2[%dma_wait3A_1405, %dma_wait3A_1406] : memref<10000x128xf32, #tpu.memory_space<hbm>> -> memref<64x128xf32, #tpu.memory_space<hbm>>
      %dma_wait3A_1408 = arith.constant 0 : i32
      %dma_wait3A_1409 = arith.constant 0 : i32
      %dma_wait3A_1410 = tpu.memref_slice %arg7[%dma_wait3A_1400, %dma_wait3A_1408, %dma_wait3A_1409] : memref<4x64x128xf32, #tpu.memory_space<vmem>> -> memref<1x64x128xf32, #tpu.memory_space<vmem>>
      %dma_wait3A_1411 = tpu.memref_squeeze %dma_wait3A_1410 : memref<1x64x128xf32, #tpu.memory_space<vmem>> -> memref<64x128xf32, #tpu.memory_space<vmem>>
      %dma_wait3A_1412 = arith.constant 0 : i32
      %dma_wait3A_1413 = arith.constant 0 : i32
      %dma_wait3A_1414 = tpu.memref_slice %arg2[%dma_wait3A_1412, %dma_wait3A_1413] : memref<10000x128xf32, #tpu.memory_space<hbm>> -> memref<64x128xf32, #tpu.memory_space<hbm>>
      tpu.wait_dma2 semaphore(%arg10 : memref<!tpu.dma_semaphore, #tpu.memory_space<semaphore_mem>>) src(%dma_wait3A_1414 : memref<64x128xf32, #tpu.memory_space<hbm>>) dst(%dma_wait3A_1411 : memref<64x128xf32, #tpu.memory_space<vmem>>)
      %mul3A_1415 = arith.constant 64 : i32
      %mul3A_1416 = arith.muli %add3A_1399, %mul3A_1415 : i32
      %add3A_1417 = arith.addi %mul3A_1416, %mul3A_25 : i32
      %multiple_of3A_1418 = tpu.assume_multiple %add3A_1417, 8 : i32
      %add3A_1419 = arith.constant 0 : i32
      %add3A_1420 = arith.addi %mul3A_42, %add3A_1419 : i32
      %multiple_of3A_1421 = tpu.assume_multiple %add3A_1420, 128 : i32
      %dma_start3A_1422 = arith.constant 2 : i32
      %dma_start3A_1423 = arith.constant 0 : i32
      %dma_start3A_1424 = arith.constant 0 : i32
      %dma_start3A_1425 = tpu.memref_slice %arg7[%dma_start3A_1422, %dma_start3A_1423, %dma_start3A_1424] : memref<4x64x128xf32, #tpu.memory_space<vmem>> -> memref<1x8x128xf32, #tpu.memory_space<vmem>>
      %dma_start3A_1426 = tpu.memref_squeeze %dma_start3A_1425 : memref<1x8x128xf32, #tpu.memory_space<vmem>> -> memref<8x128xf32, #tpu.memory_space<vmem>>
      %dma_start3A_1427 = tpu.memref_slice %arg4[%multiple_of3A_1418, %multiple_of3A_1421] : memref<10000x4096xf32, #tpu.memory_space<hbm>> -> memref<8x128xf32, #tpu.memory_space<hbm>>
      %dma_start3A_1428 = tpu.memref_slice %arg4[%multiple_of3A_1418, %multiple_of3A_1421] : memref<10000x4096xf32, #tpu.memory_space<hbm>> -> memref<8x128xf32, #tpu.memory_space<hbm>>
      %dma_start3A_1429 = arith.constant 0 : i32
      %dma_start3A_1430 = arith.constant 0 : i32
      %dma_start3A_1431 = tpu.memref_slice %arg7[%dma_start3A_1422, %dma_start3A_1429, %dma_start3A_1430] : memref<4x64x128xf32, #tpu.memory_space<vmem>> -> memref<1x8x128xf32, #tpu.memory_space<vmem>>
      %dma_start3A_1432 = tpu.memref_squeeze %dma_start3A_1431 : memref<1x8x128xf32, #tpu.memory_space<vmem>> -> memref<8x128xf32, #tpu.memory_space<vmem>>
      tpu.enqueue_dma source(%dma_start3A_1432 : memref<8x128xf32, #tpu.memory_space<vmem>>) target(%dma_start3A_1428 : memref<8x128xf32, #tpu.memory_space<hbm>>) target_semaphore(%arg14 : memref<!tpu.dma_semaphore, #tpu.memory_space<semaphore_mem>>)
      %add3A_1433 = arith.constant 128 : i32
      %add3A_1434 = arith.addi %mul3A_42, %add3A_1433 : i32
      %multiple_of3A_1435 = tpu.assume_multiple %add3A_1434, 128 : i32
      %dma_start3A_1436 = arith.constant 2 : i32
      %dma_start3A_1437 = arith.constant 8 : i32
      %dma_start3A_1438 = arith.constant 0 : i32
      %dma_start3A_1439 = tpu.memref_slice %arg7[%dma_start3A_1436, %dma_start3A_1437, %dma_start3A_1438] : memref<4x64x128xf32, #tpu.memory_space<vmem>> -> memref<1x8x128xf32, #tpu.memory_space<vmem>>
      %dma_start3A_1440 = tpu.memref_squeeze %dma_start3A_1439 : memref<1x8x128xf32, #tpu.memory_space<vmem>> -> memref<8x128xf32, #tpu.memory_space<vmem>>
      %dma_start3A_1441 = tpu.memref_slice %arg4[%multiple_of3A_1418, %multiple_of3A_1435] : memref<10000x4096xf32, #tpu.memory_space<hbm>> -> memref<8x128xf32, #tpu.memory_space<hbm>>
      %dma_start3A_1442 = tpu.memref_slice %arg4[%multiple_of3A_1418, %multiple_of3A_1435] : memref<10000x4096xf32, #tpu.memory_space<hbm>> -> memref<8x128xf32, #tpu.memory_space<hbm>>
      %dma_start3A_1443 = arith.constant 8 : i32
      %dma_start3A_1444 = arith.constant 0 : i32
      %dma_start3A_1445 = tpu.memref_slice %arg7[%dma_start3A_1436, %dma_start3A_1443, %dma_start3A_1444] : memref<4x64x128xf32, #tpu.memory_space<vmem>> -> memref<1x8x128xf32, #tpu.memory_space<vmem>>
      %dma_start3A_1446 = tpu.memref_squeeze %dma_start3A_1445 : memref<1x8x128xf32, #tpu.memory_space<vmem>> -> memref<8x128xf32, #tpu.memory_space<vmem>>
      tpu.enqueue_dma source(%dma_start3A_1446 : memref<8x128xf32, #tpu.memory_space<vmem>>) target(%dma_start3A_1442 : memref<8x128xf32, #tpu.memory_space<hbm>>) target_semaphore(%arg14 : memref<!tpu.dma_semaphore, #tpu.memory_space<semaphore_mem>>)
      %add3A_1447 = arith.constant 256 : i32
      %add3A_1448 = arith.addi %mul3A_42, %add3A_1447 : i32
      %multiple_of3A_1449 = tpu.assume_multiple %add3A_1448, 128 : i32
      %dma_start3A_1450 = arith.constant 2 : i32
      %dma_start3A_1451 = arith.constant 16 : i32
      %dma_start3A_1452 = arith.constant 0 : i32
      %dma_start3A_1453 = tpu.memref_slice %arg7[%dma_start3A_1450, %dma_start3A_1451, %dma_start3A_1452] : memref<4x64x128xf32, #tpu.memory_space<vmem>> -> memref<1x8x128xf32, #tpu.memory_space<vmem>>
      %dma_start3A_1454 = tpu.memref_squeeze %dma_start3A_1453 : memref<1x8x128xf32, #tpu.memory_space<vmem>> -> memref<8x128xf32, #tpu.memory_space<vmem>>
      %dma_start3A_1455 = tpu.memref_slice %arg4[%multiple_of3A_1418, %multiple_of3A_1449] : memref<10000x4096xf32, #tpu.memory_space<hbm>> -> memref<8x128xf32, #tpu.memory_space<hbm>>
      %dma_start3A_1456 = tpu.memref_slice %arg4[%multiple_of3A_1418, %multiple_of3A_1449] : memref<10000x4096xf32, #tpu.memory_space<hbm>> -> memref<8x128xf32, #tpu.memory_space<hbm>>
      %dma_start3A_1457 = arith.constant 16 : i32
      %dma_start3A_1458 = arith.constant 0 : i32
      %dma_start3A_1459 = tpu.memref_slice %arg7[%dma_start3A_1450, %dma_start3A_1457, %dma_start3A_1458] : memref<4x64x128xf32, #tpu.memory_space<vmem>> -> memref<1x8x128xf32, #tpu.memory_space<vmem>>
      %dma_start3A_1460 = tpu.memref_squeeze %dma_start3A_1459 : memref<1x8x128xf32, #tpu.memory_space<vmem>> -> memref<8x128xf32, #tpu.memory_space<vmem>>
      tpu.enqueue_dma source(%dma_start3A_1460 : memref<8x128xf32, #tpu.memory_space<vmem>>) target(%dma_start3A_1456 : memref<8x128xf32, #tpu.memory_space<hbm>>) target_semaphore(%arg14 : memref<!tpu.dma_semaphore, #tpu.memory_space<semaphore_mem>>)
      %add3A_1461 = arith.constant 384 : i32
      %add3A_1462 = arith.addi %mul3A_42, %add3A_1461 : i32
      %multiple_of3A_1463 = tpu.assume_multiple %add3A_1462, 128 : i32
      %dma_start3A_1464 = arith.constant 2 : i32
      %dma_start3A_1465 = arith.constant 24 : i32
      %dma_start3A_1466 = arith.constant 0 : i32
      %dma_start3A_1467 = tpu.memref_slice %arg7[%dma_start3A_1464, %dma_start3A_1465, %dma_start3A_1466] : memref<4x64x128xf32, #tpu.memory_space<vmem>> -> memref<1x8x128xf32, #tpu.memory_space<vmem>>
      %dma_start3A_1468 = tpu.memref_squeeze %dma_start3A_1467 : memref<1x8x128xf32, #tpu.memory_space<vmem>> -> memref<8x128xf32, #tpu.memory_space<vmem>>
      %dma_start3A_1469 = tpu.memref_slice %arg4[%multiple_of3A_1418, %multiple_of3A_1463] : memref<10000x4096xf32, #tpu.memory_space<hbm>> -> memref<8x128xf32, #tpu.memory_space<hbm>>
      %dma_start3A_1470 = tpu.memref_slice %arg4[%multiple_of3A_1418, %multiple_of3A_1463] : memref<10000x4096xf32, #tpu.memory_space<hbm>> -> memref<8x128xf32, #tpu.memory_space<hbm>>
      %dma_start3A_1471 = arith.constant 24 : i32
      %dma_start3A_1472 = arith.constant 0 : i32
      %dma_start3A_1473 = tpu.memref_slice %arg7[%dma_start3A_1464, %dma_start3A_1471, %dma_start3A_1472] : memref<4x64x128xf32, #tpu.memory_space<vmem>> -> memref<1x8x128xf32, #tpu.memory_space<vmem>>
      %dma_start3A_1474 = tpu.memref_squeeze %dma_start3A_1473 : memref<1x8x128xf32, #tpu.memory_space<vmem>> -> memref<8x128xf32, #tpu.memory_space<vmem>>
      tpu.enqueue_dma source(%dma_start3A_1474 : memref<8x128xf32, #tpu.memory_space<vmem>>) target(%dma_start3A_1470 : memref<8x128xf32, #tpu.memory_space<hbm>>) target_semaphore(%arg14 : memref<!tpu.dma_semaphore, #tpu.memory_space<semaphore_mem>>)
      %add3A_1475 = arith.constant 512 : i32
      %add3A_1476 = arith.addi %mul3A_42, %add3A_1475 : i32
      %multiple_of3A_1477 = tpu.assume_multiple %add3A_1476, 128 : i32
      %dma_start3A_1478 = arith.constant 2 : i32
      %dma_start3A_1479 = arith.constant 32 : i32
      %dma_start3A_1480 = arith.constant 0 : i32
      %dma_start3A_1481 = tpu.memref_slice %arg7[%dma_start3A_1478, %dma_start3A_1479, %dma_start3A_1480] : memref<4x64x128xf32, #tpu.memory_space<vmem>> -> memref<1x8x128xf32, #tpu.memory_space<vmem>>
      %dma_start3A_1482 = tpu.memref_squeeze %dma_start3A_1481 : memref<1x8x128xf32, #tpu.memory_space<vmem>> -> memref<8x128xf32, #tpu.memory_space<vmem>>
      %dma_start3A_1483 = tpu.memref_slice %arg4[%multiple_of3A_1418, %multiple_of3A_1477] : memref<10000x4096xf32, #tpu.memory_space<hbm>> -> memref<8x128xf32, #tpu.memory_space<hbm>>
      %dma_start3A_1484 = tpu.memref_slice %arg4[%multiple_of3A_1418, %multiple_of3A_1477] : memref<10000x4096xf32, #tpu.memory_space<hbm>> -> memref<8x128xf32, #tpu.memory_space<hbm>>
      %dma_start3A_1485 = arith.constant 32 : i32
      %dma_start3A_1486 = arith.constant 0 : i32
      %dma_start3A_1487 = tpu.memref_slice %arg7[%dma_start3A_1478, %dma_start3A_1485, %dma_start3A_1486] : memref<4x64x128xf32, #tpu.memory_space<vmem>> -> memref<1x8x128xf32, #tpu.memory_space<vmem>>
      %dma_start3A_1488 = tpu.memref_squeeze %dma_start3A_1487 : memref<1x8x128xf32, #tpu.memory_space<vmem>> -> memref<8x128xf32, #tpu.memory_space<vmem>>
      tpu.enqueue_dma source(%dma_start3A_1488 : memref<8x128xf32, #tpu.memory_space<vmem>>) target(%dma_start3A_1484 : memref<8x128xf32, #tpu.memory_space<hbm>>) target_semaphore(%arg14 : memref<!tpu.dma_semaphore, #tpu.memory_space<semaphore_mem>>)
      %add3A_1489 = arith.constant 640 : i32
      %add3A_1490 = arith.addi %mul3A_42, %add3A_1489 : i32
      %multiple_of3A_1491 = tpu.assume_multiple %add3A_1490, 128 : i32
      %dma_start3A_1492 = arith.constant 2 : i32
      %dma_start3A_1493 = arith.constant 40 : i32
      %dma_start3A_1494 = arith.constant 0 : i32
      %dma_start3A_1495 = tpu.memref_slice %arg7[%dma_start3A_1492, %dma_start3A_1493, %dma_start3A_1494] : memref<4x64x128xf32, #tpu.memory_space<vmem>> -> memref<1x8x128xf32, #tpu.memory_space<vmem>>
      %dma_start3A_1496 = tpu.memref_squeeze %dma_start3A_1495 : memref<1x8x128xf32, #tpu.memory_space<vmem>> -> memref<8x128xf32, #tpu.memory_space<vmem>>
      %dma_start3A_1497 = tpu.memref_slice %arg4[%multiple_of3A_1418, %multiple_of3A_1491] : memref<10000x4096xf32, #tpu.memory_space<hbm>> -> memref<8x128xf32, #tpu.memory_space<hbm>>
      %dma_start3A_1498 = tpu.memref_slice %arg4[%multiple_of3A_1418, %multiple_of3A_1491] : memref<10000x4096xf32, #tpu.memory_space<hbm>> -> memref<8x128xf32, #tpu.memory_space<hbm>>
      %dma_start3A_1499 = arith.constant 40 : i32
      %dma_start3A_1500 = arith.constant 0 : i32
      %dma_start3A_1501 = tpu.memref_slice %arg7[%dma_start3A_1492, %dma_start3A_1499, %dma_start3A_1500] : memref<4x64x128xf32, #tpu.memory_space<vmem>> -> memref<1x8x128xf32, #tpu.memory_space<vmem>>
      %dma_start3A_1502 = tpu.memref_squeeze %dma_start3A_1501 : memref<1x8x128xf32, #tpu.memory_space<vmem>> -> memref<8x128xf32, #tpu.memory_space<vmem>>
      tpu.enqueue_dma source(%dma_start3A_1502 : memref<8x128xf32, #tpu.memory_space<vmem>>) target(%dma_start3A_1498 : memref<8x128xf32, #tpu.memory_space<hbm>>) target_semaphore(%arg14 : memref<!tpu.dma_semaphore, #tpu.memory_space<semaphore_mem>>)
      %add3A_1503 = arith.constant 768 : i32
      %add3A_1504 = arith.addi %mul3A_42, %add3A_1503 : i32
      %multiple_of3A_1505 = tpu.assume_multiple %add3A_1504, 128 : i32
      %dma_start3A_1506 = arith.constant 2 : i32
      %dma_start3A_1507 = arith.constant 48 : i32
      %dma_start3A_1508 = arith.constant 0 : i32
      %dma_start3A_1509 = tpu.memref_slice %arg7[%dma_start3A_1506, %dma_start3A_1507, %dma_start3A_1508] : memref<4x64x128xf32, #tpu.memory_space<vmem>> -> memref<1x8x128xf32, #tpu.memory_space<vmem>>
      %dma_start3A_1510 = tpu.memref_squeeze %dma_start3A_1509 : memref<1x8x128xf32, #tpu.memory_space<vmem>> -> memref<8x128xf32, #tpu.memory_space<vmem>>
      %dma_start3A_1511 = tpu.memref_slice %arg4[%multiple_of3A_1418, %multiple_of3A_1505] : memref<10000x4096xf32, #tpu.memory_space<hbm>> -> memref<8x128xf32, #tpu.memory_space<hbm>>
      %dma_start3A_1512 = tpu.memref_slice %arg4[%multiple_of3A_1418, %multiple_of3A_1505] : memref<10000x4096xf32, #tpu.memory_space<hbm>> -> memref<8x128xf32, #tpu.memory_space<hbm>>
      %dma_start3A_1513 = arith.constant 48 : i32
      %dma_start3A_1514 = arith.constant 0 : i32
      %dma_start3A_1515 = tpu.memref_slice %arg7[%dma_start3A_1506, %dma_start3A_1513, %dma_start3A_1514] : memref<4x64x128xf32, #tpu.memory_space<vmem>> -> memref<1x8x128xf32, #tpu.memory_space<vmem>>
      %dma_start3A_1516 = tpu.memref_squeeze %dma_start3A_1515 : memref<1x8x128xf32, #tpu.memory_space<vmem>> -> memref<8x128xf32, #tpu.memory_space<vmem>>
      tpu.enqueue_dma source(%dma_start3A_1516 : memref<8x128xf32, #tpu.memory_space<vmem>>) target(%dma_start3A_1512 : memref<8x128xf32, #tpu.memory_space<hbm>>) target_semaphore(%arg14 : memref<!tpu.dma_semaphore, #tpu.memory_space<semaphore_mem>>)
      %add3A_1517 = arith.constant 896 : i32
      %add3A_1518 = arith.addi %mul3A_42, %add3A_1517 : i32
      %multiple_of3A_1519 = tpu.assume_multiple %add3A_1518, 128 : i32
      %dma_start3A_1520 = arith.constant 2 : i32
      %dma_start3A_1521 = arith.constant 56 : i32
      %dma_start3A_1522 = arith.constant 0 : i32
      %dma_start3A_1523 = tpu.memref_slice %arg7[%dma_start3A_1520, %dma_start3A_1521, %dma_start3A_1522] : memref<4x64x128xf32, #tpu.memory_space<vmem>> -> memref<1x8x128xf32, #tpu.memory_space<vmem>>
      %dma_start3A_1524 = tpu.memref_squeeze %dma_start3A_1523 : memref<1x8x128xf32, #tpu.memory_space<vmem>> -> memref<8x128xf32, #tpu.memory_space<vmem>>
      %dma_start3A_1525 = tpu.memref_slice %arg4[%multiple_of3A_1418, %multiple_of3A_1519] : memref<10000x4096xf32, #tpu.memory_space<hbm>> -> memref<8x128xf32, #tpu.memory_space<hbm>>
      %dma_start3A_1526 = tpu.memref_slice %arg4[%multiple_of3A_1418, %multiple_of3A_1519] : memref<10000x4096xf32, #tpu.memory_space<hbm>> -> memref<8x128xf32, #tpu.memory_space<hbm>>
      %dma_start3A_1527 = arith.constant 56 : i32
      %dma_start3A_1528 = arith.constant 0 : i32
      %dma_start3A_1529 = tpu.memref_slice %arg7[%dma_start3A_1520, %dma_start3A_1527, %dma_start3A_1528] : memref<4x64x128xf32, #tpu.memory_space<vmem>> -> memref<1x8x128xf32, #tpu.memory_space<vmem>>
      %dma_start3A_1530 = tpu.memref_squeeze %dma_start3A_1529 : memref<1x8x128xf32, #tpu.memory_space<vmem>> -> memref<8x128xf32, #tpu.memory_space<vmem>>
      tpu.enqueue_dma source(%dma_start3A_1530 : memref<8x128xf32, #tpu.memory_space<vmem>>) target(%dma_start3A_1526 : memref<8x128xf32, #tpu.memory_space<hbm>>) target_semaphore(%arg14 : memref<!tpu.dma_semaphore, #tpu.memory_space<semaphore_mem>>)
      %dma_wait3A_1531 = arith.constant 1 : i32
      %dma_wait3A_1532 = arith.constant 0 : i32
      %dma_wait3A_1533 = arith.constant 0 : i32
      %dma_wait3A_1534 = tpu.memref_slice %arg7[%dma_wait3A_1531, %dma_wait3A_1532, %dma_wait3A_1533] : memref<4x64x128xf32, #tpu.memory_space<vmem>> -> memref<1x8x128xf32, #tpu.memory_space<vmem>>
      %dma_wait3A_1535 = tpu.memref_squeeze %dma_wait3A_1534 : memref<1x8x128xf32, #tpu.memory_space<vmem>> -> memref<8x128xf32, #tpu.memory_space<vmem>>
      %dma_wait3A_1536 = arith.constant 0 : i32
      %dma_wait3A_1537 = arith.constant 0 : i32
      %dma_wait3A_1538 = tpu.memref_slice %arg4[%dma_wait3A_1536, %dma_wait3A_1537] : memref<10000x4096xf32, #tpu.memory_space<hbm>> -> memref<8x128xf32, #tpu.memory_space<hbm>>
      %dma_wait3A_1539 = arith.constant 0 : i32
      %dma_wait3A_1540 = arith.constant 0 : i32
      %dma_wait3A_1541 = tpu.memref_slice %arg4[%dma_wait3A_1539, %dma_wait3A_1540] : memref<10000x4096xf32, #tpu.memory_space<hbm>> -> memref<8x128xf32, #tpu.memory_space<hbm>>
      %dma_wait3A_1542 = arith.constant 0 : i32
      %dma_wait3A_1543 = arith.constant 0 : i32
      %dma_wait3A_1544 = tpu.memref_slice %arg7[%dma_wait3A_1531, %dma_wait3A_1542, %dma_wait3A_1543] : memref<4x64x128xf32, #tpu.memory_space<vmem>> -> memref<1x8x128xf32, #tpu.memory_space<vmem>>
      %dma_wait3A_1545 = tpu.memref_squeeze %dma_wait3A_1544 : memref<1x8x128xf32, #tpu.memory_space<vmem>> -> memref<8x128xf32, #tpu.memory_space<vmem>>
      tpu.wait_dma2 semaphore(%arg13 : memref<!tpu.dma_semaphore, #tpu.memory_space<semaphore_mem>>) src(%dma_wait3A_1545 : memref<8x128xf32, #tpu.memory_space<vmem>>) dst(%dma_wait3A_1541 : memref<8x128xf32, #tpu.memory_space<hbm>>)
      %dma_wait3A_1546 = arith.constant 1 : i32
      %dma_wait3A_1547 = arith.constant 8 : i32
      %dma_wait3A_1548 = arith.constant 0 : i32
      %dma_wait3A_1549 = tpu.memref_slice %arg7[%dma_wait3A_1546, %dma_wait3A_1547, %dma_wait3A_1548] : memref<4x64x128xf32, #tpu.memory_space<vmem>> -> memref<1x8x128xf32, #tpu.memory_space<vmem>>
      %dma_wait3A_1550 = tpu.memref_squeeze %dma_wait3A_1549 : memref<1x8x128xf32, #tpu.memory_space<vmem>> -> memref<8x128xf32, #tpu.memory_space<vmem>>
      %dma_wait3A_1551 = arith.constant 0 : i32
      %dma_wait3A_1552 = arith.constant 128 : i32
      %dma_wait3A_1553 = tpu.memref_slice %arg4[%dma_wait3A_1551, %dma_wait3A_1552] : memref<10000x4096xf32, #tpu.memory_space<hbm>> -> memref<8x128xf32, #tpu.memory_space<hbm>>
      %dma_wait3A_1554 = arith.constant 0 : i32
      %dma_wait3A_1555 = arith.constant 128 : i32
      %dma_wait3A_1556 = tpu.memref_slice %arg4[%dma_wait3A_1554, %dma_wait3A_1555] : memref<10000x4096xf32, #tpu.memory_space<hbm>> -> memref<8x128xf32, #tpu.memory_space<hbm>>
      %dma_wait3A_1557 = arith.constant 8 : i32
      %dma_wait3A_1558 = arith.constant 0 : i32
      %dma_wait3A_1559 = tpu.memref_slice %arg7[%dma_wait3A_1546, %dma_wait3A_1557, %dma_wait3A_1558] : memref<4x64x128xf32, #tpu.memory_space<vmem>> -> memref<1x8x128xf32, #tpu.memory_space<vmem>>
      %dma_wait3A_1560 = tpu.memref_squeeze %dma_wait3A_1559 : memref<1x8x128xf32, #tpu.memory_space<vmem>> -> memref<8x128xf32, #tpu.memory_space<vmem>>
      tpu.wait_dma2 semaphore(%arg13 : memref<!tpu.dma_semaphore, #tpu.memory_space<semaphore_mem>>) src(%dma_wait3A_1560 : memref<8x128xf32, #tpu.memory_space<vmem>>) dst(%dma_wait3A_1556 : memref<8x128xf32, #tpu.memory_space<hbm>>)
      %dma_wait3A_1561 = arith.constant 1 : i32
      %dma_wait3A_1562 = arith.constant 16 : i32
      %dma_wait3A_1563 = arith.constant 0 : i32
      %dma_wait3A_1564 = tpu.memref_slice %arg7[%dma_wait3A_1561, %dma_wait3A_1562, %dma_wait3A_1563] : memref<4x64x128xf32, #tpu.memory_space<vmem>> -> memref<1x8x128xf32, #tpu.memory_space<vmem>>
      %dma_wait3A_1565 = tpu.memref_squeeze %dma_wait3A_1564 : memref<1x8x128xf32, #tpu.memory_space<vmem>> -> memref<8x128xf32, #tpu.memory_space<vmem>>
      %dma_wait3A_1566 = arith.constant 0 : i32
      %dma_wait3A_1567 = arith.constant 256 : i32
      %dma_wait3A_1568 = tpu.memref_slice %arg4[%dma_wait3A_1566, %dma_wait3A_1567] : memref<10000x4096xf32, #tpu.memory_space<hbm>> -> memref<8x128xf32, #tpu.memory_space<hbm>>
      %dma_wait3A_1569 = arith.constant 0 : i32
      %dma_wait3A_1570 = arith.constant 256 : i32
      %dma_wait3A_1571 = tpu.memref_slice %arg4[%dma_wait3A_1569, %dma_wait3A_1570] : memref<10000x4096xf32, #tpu.memory_space<hbm>> -> memref<8x128xf32, #tpu.memory_space<hbm>>
      %dma_wait3A_1572 = arith.constant 16 : i32
      %dma_wait3A_1573 = arith.constant 0 : i32
      %dma_wait3A_1574 = tpu.memref_slice %arg7[%dma_wait3A_1561, %dma_wait3A_1572, %dma_wait3A_1573] : memref<4x64x128xf32, #tpu.memory_space<vmem>> -> memref<1x8x128xf32, #tpu.memory_space<vmem>>
      %dma_wait3A_1575 = tpu.memref_squeeze %dma_wait3A_1574 : memref<1x8x128xf32, #tpu.memory_space<vmem>> -> memref<8x128xf32, #tpu.memory_space<vmem>>
      tpu.wait_dma2 semaphore(%arg13 : memref<!tpu.dma_semaphore, #tpu.memory_space<semaphore_mem>>) src(%dma_wait3A_1575 : memref<8x128xf32, #tpu.memory_space<vmem>>) dst(%dma_wait3A_1571 : memref<8x128xf32, #tpu.memory_space<hbm>>)
      %dma_wait3A_1576 = arith.constant 1 : i32
      %dma_wait3A_1577 = arith.constant 24 : i32
      %dma_wait3A_1578 = arith.constant 0 : i32
      %dma_wait3A_1579 = tpu.memref_slice %arg7[%dma_wait3A_1576, %dma_wait3A_1577, %dma_wait3A_1578] : memref<4x64x128xf32, #tpu.memory_space<vmem>> -> memref<1x8x128xf32, #tpu.memory_space<vmem>>
      %dma_wait3A_1580 = tpu.memref_squeeze %dma_wait3A_1579 : memref<1x8x128xf32, #tpu.memory_space<vmem>> -> memref<8x128xf32, #tpu.memory_space<vmem>>
      %dma_wait3A_1581 = arith.constant 0 : i32
      %dma_wait3A_1582 = arith.constant 384 : i32
      %dma_wait3A_1583 = tpu.memref_slice %arg4[%dma_wait3A_1581, %dma_wait3A_1582] : memref<10000x4096xf32, #tpu.memory_space<hbm>> -> memref<8x128xf32, #tpu.memory_space<hbm>>
      %dma_wait3A_1584 = arith.constant 0 : i32
      %dma_wait3A_1585 = arith.constant 384 : i32
      %dma_wait3A_1586 = tpu.memref_slice %arg4[%dma_wait3A_1584, %dma_wait3A_1585] : memref<10000x4096xf32, #tpu.memory_space<hbm>> -> memref<8x128xf32, #tpu.memory_space<hbm>>
      %dma_wait3A_1587 = arith.constant 24 : i32
      %dma_wait3A_1588 = arith.constant 0 : i32
      %dma_wait3A_1589 = tpu.memref_slice %arg7[%dma_wait3A_1576, %dma_wait3A_1587, %dma_wait3A_1588] : memref<4x64x128xf32, #tpu.memory_space<vmem>> -> memref<1x8x128xf32, #tpu.memory_space<vmem>>
      %dma_wait3A_1590 = tpu.memref_squeeze %dma_wait3A_1589 : memref<1x8x128xf32, #tpu.memory_space<vmem>> -> memref<8x128xf32, #tpu.memory_space<vmem>>
      tpu.wait_dma2 semaphore(%arg13 : memref<!tpu.dma_semaphore, #tpu.memory_space<semaphore_mem>>) src(%dma_wait3A_1590 : memref<8x128xf32, #tpu.memory_space<vmem>>) dst(%dma_wait3A_1586 : memref<8x128xf32, #tpu.memory_space<hbm>>)
      %dma_wait3A_1591 = arith.constant 1 : i32
      %dma_wait3A_1592 = arith.constant 32 : i32
      %dma_wait3A_1593 = arith.constant 0 : i32
      %dma_wait3A_1594 = tpu.memref_slice %arg7[%dma_wait3A_1591, %dma_wait3A_1592, %dma_wait3A_1593] : memref<4x64x128xf32, #tpu.memory_space<vmem>> -> memref<1x8x128xf32, #tpu.memory_space<vmem>>
      %dma_wait3A_1595 = tpu.memref_squeeze %dma_wait3A_1594 : memref<1x8x128xf32, #tpu.memory_space<vmem>> -> memref<8x128xf32, #tpu.memory_space<vmem>>
      %dma_wait3A_1596 = arith.constant 0 : i32
      %dma_wait3A_1597 = arith.constant 512 : i32
      %dma_wait3A_1598 = tpu.memref_slice %arg4[%dma_wait3A_1596, %dma_wait3A_1597] : memref<10000x4096xf32, #tpu.memory_space<hbm>> -> memref<8x128xf32, #tpu.memory_space<hbm>>
      %dma_wait3A_1599 = arith.constant 0 : i32
      %dma_wait3A_1600 = arith.constant 512 : i32
      %dma_wait3A_1601 = tpu.memref_slice %arg4[%dma_wait3A_1599, %dma_wait3A_1600] : memref<10000x4096xf32, #tpu.memory_space<hbm>> -> memref<8x128xf32, #tpu.memory_space<hbm>>
      %dma_wait3A_1602 = arith.constant 32 : i32
      %dma_wait3A_1603 = arith.constant 0 : i32
      %dma_wait3A_1604 = tpu.memref_slice %arg7[%dma_wait3A_1591, %dma_wait3A_1602, %dma_wait3A_1603] : memref<4x64x128xf32, #tpu.memory_space<vmem>> -> memref<1x8x128xf32, #tpu.memory_space<vmem>>
      %dma_wait3A_1605 = tpu.memref_squeeze %dma_wait3A_1604 : memref<1x8x128xf32, #tpu.memory_space<vmem>> -> memref<8x128xf32, #tpu.memory_space<vmem>>
      tpu.wait_dma2 semaphore(%arg13 : memref<!tpu.dma_semaphore, #tpu.memory_space<semaphore_mem>>) src(%dma_wait3A_1605 : memref<8x128xf32, #tpu.memory_space<vmem>>) dst(%dma_wait3A_1601 : memref<8x128xf32, #tpu.memory_space<hbm>>)
      %dma_wait3A_1606 = arith.constant 1 : i32
      %dma_wait3A_1607 = arith.constant 40 : i32
      %dma_wait3A_1608 = arith.constant 0 : i32
      %dma_wait3A_1609 = tpu.memref_slice %arg7[%dma_wait3A_1606, %dma_wait3A_1607, %dma_wait3A_1608] : memref<4x64x128xf32, #tpu.memory_space<vmem>> -> memref<1x8x128xf32, #tpu.memory_space<vmem>>
      %dma_wait3A_1610 = tpu.memref_squeeze %dma_wait3A_1609 : memref<1x8x128xf32, #tpu.memory_space<vmem>> -> memref<8x128xf32, #tpu.memory_space<vmem>>
      %dma_wait3A_1611 = arith.constant 0 : i32
      %dma_wait3A_1612 = arith.constant 640 : i32
      %dma_wait3A_1613 = tpu.memref_slice %arg4[%dma_wait3A_1611, %dma_wait3A_1612] : memref<10000x4096xf32, #tpu.memory_space<hbm>> -> memref<8x128xf32, #tpu.memory_space<hbm>>
      %dma_wait3A_1614 = arith.constant 0 : i32
      %dma_wait3A_1615 = arith.constant 640 : i32
      %dma_wait3A_1616 = tpu.memref_slice %arg4[%dma_wait3A_1614, %dma_wait3A_1615] : memref<10000x4096xf32, #tpu.memory_space<hbm>> -> memref<8x128xf32, #tpu.memory_space<hbm>>
      %dma_wait3A_1617 = arith.constant 40 : i32
      %dma_wait3A_1618 = arith.constant 0 : i32
      %dma_wait3A_1619 = tpu.memref_slice %arg7[%dma_wait3A_1606, %dma_wait3A_1617, %dma_wait3A_1618] : memref<4x64x128xf32, #tpu.memory_space<vmem>> -> memref<1x8x128xf32, #tpu.memory_space<vmem>>
      %dma_wait3A_1620 = tpu.memref_squeeze %dma_wait3A_1619 : memref<1x8x128xf32, #tpu.memory_space<vmem>> -> memref<8x128xf32, #tpu.memory_space<vmem>>
      tpu.wait_dma2 semaphore(%arg13 : memref<!tpu.dma_semaphore, #tpu.memory_space<semaphore_mem>>) src(%dma_wait3A_1620 : memref<8x128xf32, #tpu.memory_space<vmem>>) dst(%dma_wait3A_1616 : memref<8x128xf32, #tpu.memory_space<hbm>>)
      %dma_wait3A_1621 = arith.constant 1 : i32
      %dma_wait3A_1622 = arith.constant 48 : i32
      %dma_wait3A_1623 = arith.constant 0 : i32
      %dma_wait3A_1624 = tpu.memref_slice %arg7[%dma_wait3A_1621, %dma_wait3A_1622, %dma_wait3A_1623] : memref<4x64x128xf32, #tpu.memory_space<vmem>> -> memref<1x8x128xf32, #tpu.memory_space<vmem>>
      %dma_wait3A_1625 = tpu.memref_squeeze %dma_wait3A_1624 : memref<1x8x128xf32, #tpu.memory_space<vmem>> -> memref<8x128xf32, #tpu.memory_space<vmem>>
      %dma_wait3A_1626 = arith.constant 0 : i32
      %dma_wait3A_1627 = arith.constant 768 : i32
      %dma_wait3A_1628 = tpu.memref_slice %arg4[%dma_wait3A_1626, %dma_wait3A_1627] : memref<10000x4096xf32, #tpu.memory_space<hbm>> -> memref<8x128xf32, #tpu.memory_space<hbm>>
      %dma_wait3A_1629 = arith.constant 0 : i32
      %dma_wait3A_1630 = arith.constant 768 : i32
      %dma_wait3A_1631 = tpu.memref_slice %arg4[%dma_wait3A_1629, %dma_wait3A_1630] : memref<10000x4096xf32, #tpu.memory_space<hbm>> -> memref<8x128xf32, #tpu.memory_space<hbm>>
      %dma_wait3A_1632 = arith.constant 48 : i32
      %dma_wait3A_1633 = arith.constant 0 : i32
      %dma_wait3A_1634 = tpu.memref_slice %arg7[%dma_wait3A_1621, %dma_wait3A_1632, %dma_wait3A_1633] : memref<4x64x128xf32, #tpu.memory_space<vmem>> -> memref<1x8x128xf32, #tpu.memory_space<vmem>>
      %dma_wait3A_1635 = tpu.memref_squeeze %dma_wait3A_1634 : memref<1x8x128xf32, #tpu.memory_space<vmem>> -> memref<8x128xf32, #tpu.memory_space<vmem>>
      tpu.wait_dma2 semaphore(%arg13 : memref<!tpu.dma_semaphore, #tpu.memory_space<semaphore_mem>>) src(%dma_wait3A_1635 : memref<8x128xf32, #tpu.memory_space<vmem>>) dst(%dma_wait3A_1631 : memref<8x128xf32, #tpu.memory_space<hbm>>)
      %dma_wait3A_1636 = arith.constant 1 : i32
      %dma_wait3A_1637 = arith.constant 56 : i32
      %dma_wait3A_1638 = arith.constant 0 : i32
      %dma_wait3A_1639 = tpu.memref_slice %arg7[%dma_wait3A_1636, %dma_wait3A_1637, %dma_wait3A_1638] : memref<4x64x128xf32, #tpu.memory_space<vmem>> -> memref<1x8x128xf32, #tpu.memory_space<vmem>>
      %dma_wait3A_1640 = tpu.memref_squeeze %dma_wait3A_1639 : memref<1x8x128xf32, #tpu.memory_space<vmem>> -> memref<8x128xf32, #tpu.memory_space<vmem>>
      %dma_wait3A_1641 = arith.constant 0 : i32
      %dma_wait3A_1642 = arith.constant 896 : i32
      %dma_wait3A_1643 = tpu.memref_slice %arg4[%dma_wait3A_1641, %dma_wait3A_1642] : memref<10000x4096xf32, #tpu.memory_space<hbm>> -> memref<8x128xf32, #tpu.memory_space<hbm>>
      %dma_wait3A_1644 = arith.constant 0 : i32
      %dma_wait3A_1645 = arith.constant 896 : i32
      %dma_wait3A_1646 = tpu.memref_slice %arg4[%dma_wait3A_1644, %dma_wait3A_1645] : memref<10000x4096xf32, #tpu.memory_space<hbm>> -> memref<8x128xf32, #tpu.memory_space<hbm>>
      %dma_wait3A_1647 = arith.constant 56 : i32
      %dma_wait3A_1648 = arith.constant 0 : i32
      %dma_wait3A_1649 = tpu.memref_slice %arg7[%dma_wait3A_1636, %dma_wait3A_1647, %dma_wait3A_1648] : memref<4x64x128xf32, #tpu.memory_space<vmem>> -> memref<1x8x128xf32, #tpu.memory_space<vmem>>
      %dma_wait3A_1650 = tpu.memref_squeeze %dma_wait3A_1649 : memref<1x8x128xf32, #tpu.memory_space<vmem>> -> memref<8x128xf32, #tpu.memory_space<vmem>>
      tpu.wait_dma2 semaphore(%arg13 : memref<!tpu.dma_semaphore, #tpu.memory_space<semaphore_mem>>) src(%dma_wait3A_1650 : memref<8x128xf32, #tpu.memory_space<vmem>>) dst(%dma_wait3A_1646 : memref<8x128xf32, #tpu.memory_space<hbm>>)
      %add3A_1651 = arith.constant 3 : i32
      %add3A_1652 = arith.addi %add3A_1399, %add3A_1651 : i32
      %mul3A_1653 = arith.constant 64 : i32
      %mul3A_1654 = arith.muli %add3A_1652, %mul3A_1653 : i32
      %multiple_of3A_1655 = tpu.assume_multiple %mul3A_1654, 8 : i32
      %dma_start3A_1656 = arith.constant 1 : i32
      %dma_start3A_1657 = arith.constant 0 : i32
      %dma_start3A_1658 = arith.constant 0 : i32
      %dma_start3A_1659 = tpu.memref_slice %arg7[%dma_start3A_1656, %dma_start3A_1657, %dma_start3A_1658] : memref<4x64x128xf32, #tpu.memory_space<vmem>> -> memref<1x64x128xf32, #tpu.memory_space<vmem>>
      %dma_start3A_1660 = tpu.memref_squeeze %dma_start3A_1659 : memref<1x64x128xf32, #tpu.memory_space<vmem>> -> memref<64x128xf32, #tpu.memory_space<vmem>>
      %dma_start3A_1661 = tpu.memref_slice %arg6[%multiple_of3A_1655] : memref<10048xi32, #tpu.memory_space<vmem>> -> memref<64xi32, #tpu.memory_space<vmem>>
      %dma_start3A_1662 = arith.constant 0 : i32
      %dma_start3A_1663 = arith.constant 0 : i32
      %dma_start3A_1664 = tpu.memref_slice %arg5[%dma_start3A_1662, %dma_start3A_1663] : memref<10000x128xf32, #tpu.memory_space<vmem_shared>> -> memref<10000x128xf32, #tpu.memory_space<vmem_shared>>
      tpu.enqueue_indirect_dma source(%dma_start3A_1664 : memref<10000x128xf32, #tpu.memory_space<vmem_shared>>) target(%dma_start3A_1660 : memref<64x128xf32, #tpu.memory_space<vmem>>) offsets(%dma_start3A_1661 : memref<64xi32, #tpu.memory_space<vmem>>) semaphore(%arg9 : memref<!tpu.dma_semaphore, #tpu.memory_space<semaphore_mem>>)
      %add3A_1665 = arith.constant 2 : i32
      %add3A_1666 = arith.addi %add3A_1130, %add3A_1665 : i32
      %dma_wait3A_1667 = arith.constant 3 : i32
      %dma_wait3A_1668 = arith.constant 0 : i32
      %dma_wait3A_1669 = arith.constant 0 : i32
      %dma_wait3A_1670 = tpu.memref_slice %arg7[%dma_wait3A_1667, %dma_wait3A_1668, %dma_wait3A_1669] : memref<4x64x128xf32, #tpu.memory_space<vmem>> -> memref<1x64x128xf32, #tpu.memory_space<vmem>>
      %dma_wait3A_1671 = tpu.memref_squeeze %dma_wait3A_1670 : memref<1x64x128xf32, #tpu.memory_space<vmem>> -> memref<64x128xf32, #tpu.memory_space<vmem>>
      %dma_wait3A_1672 = arith.constant 0 : i32
      %dma_wait3A_1673 = arith.constant 0 : i32
      %dma_wait3A_1674 = tpu.memref_slice %arg2[%dma_wait3A_1672, %dma_wait3A_1673] : memref<10000x128xf32, #tpu.memory_space<hbm>> -> memref<64x128xf32, #tpu.memory_space<hbm>>
      %dma_wait3A_1675 = arith.constant 0 : i32
      %dma_wait3A_1676 = arith.constant 0 : i32
      %dma_wait3A_1677 = tpu.memref_slice %arg7[%dma_wait3A_1667, %dma_wait3A_1675, %dma_wait3A_1676] : memref<4x64x128xf32, #tpu.memory_space<vmem>> -> memref<1x64x128xf32, #tpu.memory_space<vmem>>
      %dma_wait3A_1678 = tpu.memref_squeeze %dma_wait3A_1677 : memref<1x64x128xf32, #tpu.memory_space<vmem>> -> memref<64x128xf32, #tpu.memory_space<vmem>>
      %dma_wait3A_1679 = arith.constant 0 : i32
      %dma_wait3A_1680 = arith.constant 0 : i32
      %dma_wait3A_1681 = tpu.memref_slice %arg2[%dma_wait3A_1679, %dma_wait3A_1680] : memref<10000x128xf32, #tpu.memory_space<hbm>> -> memref<64x128xf32, #tpu.memory_space<hbm>>
      tpu.wait_dma2 semaphore(%arg11 : memref<!tpu.dma_semaphore, #tpu.memory_space<semaphore_mem>>) src(%dma_wait3A_1681 : memref<64x128xf32, #tpu.memory_space<hbm>>) dst(%dma_wait3A_1678 : memref<64x128xf32, #tpu.memory_space<vmem>>)
      %mul3A_1682 = arith.constant 64 : i32
      %mul3A_1683 = arith.muli %add3A_1666, %mul3A_1682 : i32
      %add3A_1684 = arith.addi %mul3A_1683, %mul3A_25 : i32
      %multiple_of3A_1685 = tpu.assume_multiple %add3A_1684, 8 : i32
      %add3A_1686 = arith.constant 0 : i32
      %add3A_1687 = arith.addi %mul3A_42, %add3A_1686 : i32
      %multiple_of3A_1688 = tpu.assume_multiple %add3A_1687, 128 : i32
      %dma_start3A_1689 = arith.constant 3 : i32
      %dma_start3A_1690 = arith.constant 0 : i32
      %dma_start3A_1691 = arith.constant 0 : i32
      %dma_start3A_1692 = tpu.memref_slice %arg7[%dma_start3A_1689, %dma_start3A_1690, %dma_start3A_1691] : memref<4x64x128xf32, #tpu.memory_space<vmem>> -> memref<1x8x128xf32, #tpu.memory_space<vmem>>
      %dma_start3A_1693 = tpu.memref_squeeze %dma_start3A_1692 : memref<1x8x128xf32, #tpu.memory_space<vmem>> -> memref<8x128xf32, #tpu.memory_space<vmem>>
      %dma_start3A_1694 = tpu.memref_slice %arg4[%multiple_of3A_1685, %multiple_of3A_1688] : memref<10000x4096xf32, #tpu.memory_space<hbm>> -> memref<8x128xf32, #tpu.memory_space<hbm>>
      %dma_start3A_1695 = tpu.memref_slice %arg4[%multiple_of3A_1685, %multiple_of3A_1688] : memref<10000x4096xf32, #tpu.memory_space<hbm>> -> memref<8x128xf32, #tpu.memory_space<hbm>>
      %dma_start3A_1696 = arith.constant 0 : i32
      %dma_start3A_1697 = arith.constant 0 : i32
      %dma_start3A_1698 = tpu.memref_slice %arg7[%dma_start3A_1689, %dma_start3A_1696, %dma_start3A_1697] : memref<4x64x128xf32, #tpu.memory_space<vmem>> -> memref<1x8x128xf32, #tpu.memory_space<vmem>>
      %dma_start3A_1699 = tpu.memref_squeeze %dma_start3A_1698 : memref<1x8x128xf32, #tpu.memory_space<vmem>> -> memref<8x128xf32, #tpu.memory_space<vmem>>
      tpu.enqueue_dma source(%dma_start3A_1699 : memref<8x128xf32, #tpu.memory_space<vmem>>) target(%dma_start3A_1695 : memref<8x128xf32, #tpu.memory_space<hbm>>) target_semaphore(%arg15 : memref<!tpu.dma_semaphore, #tpu.memory_space<semaphore_mem>>)
      %add3A_1700 = arith.constant 128 : i32
      %add3A_1701 = arith.addi %mul3A_42, %add3A_1700 : i32
      %multiple_of3A_1702 = tpu.assume_multiple %add3A_1701, 128 : i32
      %dma_start3A_1703 = arith.constant 3 : i32
      %dma_start3A_1704 = arith.constant 8 : i32
      %dma_start3A_1705 = arith.constant 0 : i32
      %dma_start3A_1706 = tpu.memref_slice %arg7[%dma_start3A_1703, %dma_start3A_1704, %dma_start3A_1705] : memref<4x64x128xf32, #tpu.memory_space<vmem>> -> memref<1x8x128xf32, #tpu.memory_space<vmem>>
      %dma_start3A_1707 = tpu.memref_squeeze %dma_start3A_1706 : memref<1x8x128xf32, #tpu.memory_space<vmem>> -> memref<8x128xf32, #tpu.memory_space<vmem>>
      %dma_start3A_1708 = tpu.memref_slice %arg4[%multiple_of3A_1685, %multiple_of3A_1702] : memref<10000x4096xf32, #tpu.memory_space<hbm>> -> memref<8x128xf32, #tpu.memory_space<hbm>>
      %dma_start3A_1709 = tpu.memref_slice %arg4[%multiple_of3A_1685, %multiple_of3A_1702] : memref<10000x4096xf32, #tpu.memory_space<hbm>> -> memref<8x128xf32, #tpu.memory_space<hbm>>
      %dma_start3A_1710 = arith.constant 8 : i32
      %dma_start3A_1711 = arith.constant 0 : i32
      %dma_start3A_1712 = tpu.memref_slice %arg7[%dma_start3A_1703, %dma_start3A_1710, %dma_start3A_1711] : memref<4x64x128xf32, #tpu.memory_space<vmem>> -> memref<1x8x128xf32, #tpu.memory_space<vmem>>
      %dma_start3A_1713 = tpu.memref_squeeze %dma_start3A_1712 : memref<1x8x128xf32, #tpu.memory_space<vmem>> -> memref<8x128xf32, #tpu.memory_space<vmem>>
      tpu.enqueue_dma source(%dma_start3A_1713 : memref<8x128xf32, #tpu.memory_space<vmem>>) target(%dma_start3A_1709 : memref<8x128xf32, #tpu.memory_space<hbm>>) target_semaphore(%arg15 : memref<!tpu.dma_semaphore, #tpu.memory_space<semaphore_mem>>)
      %add3A_1714 = arith.constant 256 : i32
      %add3A_1715 = arith.addi %mul3A_42, %add3A_1714 : i32
      %multiple_of3A_1716 = tpu.assume_multiple %add3A_1715, 128 : i32
      %dma_start3A_1717 = arith.constant 3 : i32
      %dma_start3A_1718 = arith.constant 16 : i32
      %dma_start3A_1719 = arith.constant 0 : i32
      %dma_start3A_1720 = tpu.memref_slice %arg7[%dma_start3A_1717, %dma_start3A_1718, %dma_start3A_1719] : memref<4x64x128xf32, #tpu.memory_space<vmem>> -> memref<1x8x128xf32, #tpu.memory_space<vmem>>
      %dma_start3A_1721 = tpu.memref_squeeze %dma_start3A_1720 : memref<1x8x128xf32, #tpu.memory_space<vmem>> -> memref<8x128xf32, #tpu.memory_space<vmem>>
      %dma_start3A_1722 = tpu.memref_slice %arg4[%multiple_of3A_1685, %multiple_of3A_1716] : memref<10000x4096xf32, #tpu.memory_space<hbm>> -> memref<8x128xf32, #tpu.memory_space<hbm>>
      %dma_start3A_1723 = tpu.memref_slice %arg4[%multiple_of3A_1685, %multiple_of3A_1716] : memref<10000x4096xf32, #tpu.memory_space<hbm>> -> memref<8x128xf32, #tpu.memory_space<hbm>>
      %dma_start3A_1724 = arith.constant 16 : i32
      %dma_start3A_1725 = arith.constant 0 : i32
      %dma_start3A_1726 = tpu.memref_slice %arg7[%dma_start3A_1717, %dma_start3A_1724, %dma_start3A_1725] : memref<4x64x128xf32, #tpu.memory_space<vmem>> -> memref<1x8x128xf32, #tpu.memory_space<vmem>>
      %dma_start3A_1727 = tpu.memref_squeeze %dma_start3A_1726 : memref<1x8x128xf32, #tpu.memory_space<vmem>> -> memref<8x128xf32, #tpu.memory_space<vmem>>
      tpu.enqueue_dma source(%dma_start3A_1727 : memref<8x128xf32, #tpu.memory_space<vmem>>) target(%dma_start3A_1723 : memref<8x128xf32, #tpu.memory_space<hbm>>) target_semaphore(%arg15 : memref<!tpu.dma_semaphore, #tpu.memory_space<semaphore_mem>>)
      %add3A_1728 = arith.constant 384 : i32
      %add3A_1729 = arith.addi %mul3A_42, %add3A_1728 : i32
      %multiple_of3A_1730 = tpu.assume_multiple %add3A_1729, 128 : i32
      %dma_start3A_1731 = arith.constant 3 : i32
      %dma_start3A_1732 = arith.constant 24 : i32
      %dma_start3A_1733 = arith.constant 0 : i32
      %dma_start3A_1734 = tpu.memref_slice %arg7[%dma_start3A_1731, %dma_start3A_1732, %dma_start3A_1733] : memref<4x64x128xf32, #tpu.memory_space<vmem>> -> memref<1x8x128xf32, #tpu.memory_space<vmem>>
      %dma_start3A_1735 = tpu.memref_squeeze %dma_start3A_1734 : memref<1x8x128xf32, #tpu.memory_space<vmem>> -> memref<8x128xf32, #tpu.memory_space<vmem>>
      %dma_start3A_1736 = tpu.memref_slice %arg4[%multiple_of3A_1685, %multiple_of3A_1730] : memref<10000x4096xf32, #tpu.memory_space<hbm>> -> memref<8x128xf32, #tpu.memory_space<hbm>>
      %dma_start3A_1737 = tpu.memref_slice %arg4[%multiple_of3A_1685, %multiple_of3A_1730] : memref<10000x4096xf32, #tpu.memory_space<hbm>> -> memref<8x128xf32, #tpu.memory_space<hbm>>
      %dma_start3A_1738 = arith.constant 24 : i32
      %dma_start3A_1739 = arith.constant 0 : i32
      %dma_start3A_1740 = tpu.memref_slice %arg7[%dma_start3A_1731, %dma_start3A_1738, %dma_start3A_1739] : memref<4x64x128xf32, #tpu.memory_space<vmem>> -> memref<1x8x128xf32, #tpu.memory_space<vmem>>
      %dma_start3A_1741 = tpu.memref_squeeze %dma_start3A_1740 : memref<1x8x128xf32, #tpu.memory_space<vmem>> -> memref<8x128xf32, #tpu.memory_space<vmem>>
      tpu.enqueue_dma source(%dma_start3A_1741 : memref<8x128xf32, #tpu.memory_space<vmem>>) target(%dma_start3A_1737 : memref<8x128xf32, #tpu.memory_space<hbm>>) target_semaphore(%arg15 : memref<!tpu.dma_semaphore, #tpu.memory_space<semaphore_mem>>)
      %add3A_1742 = arith.constant 512 : i32
      %add3A_1743 = arith.addi %mul3A_42, %add3A_1742 : i32
      %multiple_of3A_1744 = tpu.assume_multiple %add3A_1743, 128 : i32
      %dma_start3A_1745 = arith.constant 3 : i32
      %dma_start3A_1746 = arith.constant 32 : i32
      %dma_start3A_1747 = arith.constant 0 : i32
      %dma_start3A_1748 = tpu.memref_slice %arg7[%dma_start3A_1745, %dma_start3A_1746, %dma_start3A_1747] : memref<4x64x128xf32, #tpu.memory_space<vmem>> -> memref<1x8x128xf32, #tpu.memory_space<vmem>>
      %dma_start3A_1749 = tpu.memref_squeeze %dma_start3A_1748 : memref<1x8x128xf32, #tpu.memory_space<vmem>> -> memref<8x128xf32, #tpu.memory_space<vmem>>
      %dma_start3A_1750 = tpu.memref_slice %arg4[%multiple_of3A_1685, %multiple_of3A_1744] : memref<10000x4096xf32, #tpu.memory_space<hbm>> -> memref<8x128xf32, #tpu.memory_space<hbm>>
      %dma_start3A_1751 = tpu.memref_slice %arg4[%multiple_of3A_1685, %multiple_of3A_1744] : memref<10000x4096xf32, #tpu.memory_space<hbm>> -> memref<8x128xf32, #tpu.memory_space<hbm>>
      %dma_start3A_1752 = arith.constant 32 : i32
      %dma_start3A_1753 = arith.constant 0 : i32
      %dma_start3A_1754 = tpu.memref_slice %arg7[%dma_start3A_1745, %dma_start3A_1752, %dma_start3A_1753] : memref<4x64x128xf32, #tpu.memory_space<vmem>> -> memref<1x8x128xf32, #tpu.memory_space<vmem>>
      %dma_start3A_1755 = tpu.memref_squeeze %dma_start3A_1754 : memref<1x8x128xf32, #tpu.memory_space<vmem>> -> memref<8x128xf32, #tpu.memory_space<vmem>>
      tpu.enqueue_dma source(%dma_start3A_1755 : memref<8x128xf32, #tpu.memory_space<vmem>>) target(%dma_start3A_1751 : memref<8x128xf32, #tpu.memory_space<hbm>>) target_semaphore(%arg15 : memref<!tpu.dma_semaphore, #tpu.memory_space<semaphore_mem>>)
      %add3A_1756 = arith.constant 640 : i32
      %add3A_1757 = arith.addi %mul3A_42, %add3A_1756 : i32
      %multiple_of3A_1758 = tpu.assume_multiple %add3A_1757, 128 : i32
      %dma_start3A_1759 = arith.constant 3 : i32
      %dma_start3A_1760 = arith.constant 40 : i32
      %dma_start3A_1761 = arith.constant 0 : i32
      %dma_start3A_1762 = tpu.memref_slice %arg7[%dma_start3A_1759, %dma_start3A_1760, %dma_start3A_1761] : memref<4x64x128xf32, #tpu.memory_space<vmem>> -> memref<1x8x128xf32, #tpu.memory_space<vmem>>
      %dma_start3A_1763 = tpu.memref_squeeze %dma_start3A_1762 : memref<1x8x128xf32, #tpu.memory_space<vmem>> -> memref<8x128xf32, #tpu.memory_space<vmem>>
      %dma_start3A_1764 = tpu.memref_slice %arg4[%multiple_of3A_1685, %multiple_of3A_1758] : memref<10000x4096xf32, #tpu.memory_space<hbm>> -> memref<8x128xf32, #tpu.memory_space<hbm>>
      %dma_start3A_1765 = tpu.memref_slice %arg4[%multiple_of3A_1685, %multiple_of3A_1758] : memref<10000x4096xf32, #tpu.memory_space<hbm>> -> memref<8x128xf32, #tpu.memory_space<hbm>>
      %dma_start3A_1766 = arith.constant 40 : i32
      %dma_start3A_1767 = arith.constant 0 : i32
      %dma_start3A_1768 = tpu.memref_slice %arg7[%dma_start3A_1759, %dma_start3A_1766, %dma_start3A_1767] : memref<4x64x128xf32, #tpu.memory_space<vmem>> -> memref<1x8x128xf32, #tpu.memory_space<vmem>>
      %dma_start3A_1769 = tpu.memref_squeeze %dma_start3A_1768 : memref<1x8x128xf32, #tpu.memory_space<vmem>> -> memref<8x128xf32, #tpu.memory_space<vmem>>
      tpu.enqueue_dma source(%dma_start3A_1769 : memref<8x128xf32, #tpu.memory_space<vmem>>) target(%dma_start3A_1765 : memref<8x128xf32, #tpu.memory_space<hbm>>) target_semaphore(%arg15 : memref<!tpu.dma_semaphore, #tpu.memory_space<semaphore_mem>>)
      %add3A_1770 = arith.constant 768 : i32
      %add3A_1771 = arith.addi %mul3A_42, %add3A_1770 : i32
      %multiple_of3A_1772 = tpu.assume_multiple %add3A_1771, 128 : i32
      %dma_start3A_1773 = arith.constant 3 : i32
      %dma_start3A_1774 = arith.constant 48 : i32
      %dma_start3A_1775 = arith.constant 0 : i32
      %dma_start3A_1776 = tpu.memref_slice %arg7[%dma_start3A_1773, %dma_start3A_1774, %dma_start3A_1775] : memref<4x64x128xf32, #tpu.memory_space<vmem>> -> memref<1x8x128xf32, #tpu.memory_space<vmem>>
      %dma_start3A_1777 = tpu.memref_squeeze %dma_start3A_1776 : memref<1x8x128xf32, #tpu.memory_space<vmem>> -> memref<8x128xf32, #tpu.memory_space<vmem>>
      %dma_start3A_1778 = tpu.memref_slice %arg4[%multiple_of3A_1685, %multiple_of3A_1772] : memref<10000x4096xf32, #tpu.memory_space<hbm>> -> memref<8x128xf32, #tpu.memory_space<hbm>>
      %dma_start3A_1779 = tpu.memref_slice %arg4[%multiple_of3A_1685, %multiple_of3A_1772] : memref<10000x4096xf32, #tpu.memory_space<hbm>> -> memref<8x128xf32, #tpu.memory_space<hbm>>
      %dma_start3A_1780 = arith.constant 48 : i32
      %dma_start3A_1781 = arith.constant 0 : i32
      %dma_start3A_1782 = tpu.memref_slice %arg7[%dma_start3A_1773, %dma_start3A_1780, %dma_start3A_1781] : memref<4x64x128xf32, #tpu.memory_space<vmem>> -> memref<1x8x128xf32, #tpu.memory_space<vmem>>
      %dma_start3A_1783 = tpu.memref_squeeze %dma_start3A_1782 : memref<1x8x128xf32, #tpu.memory_space<vmem>> -> memref<8x128xf32, #tpu.memory_space<vmem>>
      tpu.enqueue_dma source(%dma_start3A_1783 : memref<8x128xf32, #tpu.memory_space<vmem>>) target(%dma_start3A_1779 : memref<8x128xf32, #tpu.memory_space<hbm>>) target_semaphore(%arg15 : memref<!tpu.dma_semaphore, #tpu.memory_space<semaphore_mem>>)
      %add3A_1784 = arith.constant 896 : i32
      %add3A_1785 = arith.addi %mul3A_42, %add3A_1784 : i32
      %multiple_of3A_1786 = tpu.assume_multiple %add3A_1785, 128 : i32
      %dma_start3A_1787 = arith.constant 3 : i32
      %dma_start3A_1788 = arith.constant 56 : i32
      %dma_start3A_1789 = arith.constant 0 : i32
      %dma_start3A_1790 = tpu.memref_slice %arg7[%dma_start3A_1787, %dma_start3A_1788, %dma_start3A_1789] : memref<4x64x128xf32, #tpu.memory_space<vmem>> -> memref<1x8x128xf32, #tpu.memory_space<vmem>>
      %dma_start3A_1791 = tpu.memref_squeeze %dma_start3A_1790 : memref<1x8x128xf32, #tpu.memory_space<vmem>> -> memref<8x128xf32, #tpu.memory_space<vmem>>
      %dma_start3A_1792 = tpu.memref_slice %arg4[%multiple_of3A_1685, %multiple_of3A_1786] : memref<10000x4096xf32, #tpu.memory_space<hbm>> -> memref<8x128xf32, #tpu.memory_space<hbm>>
      %dma_start3A_1793 = tpu.memref_slice %arg4[%multiple_of3A_1685, %multiple_of3A_1786] : memref<10000x4096xf32, #tpu.memory_space<hbm>> -> memref<8x128xf32, #tpu.memory_space<hbm>>
      %dma_start3A_1794 = arith.constant 56 : i32
      %dma_start3A_1795 = arith.constant 0 : i32
      %dma_start3A_1796 = tpu.memref_slice %arg7[%dma_start3A_1787, %dma_start3A_1794, %dma_start3A_1795] : memref<4x64x128xf32, #tpu.memory_space<vmem>> -> memref<1x8x128xf32, #tpu.memory_space<vmem>>
      %dma_start3A_1797 = tpu.memref_squeeze %dma_start3A_1796 : memref<1x8x128xf32, #tpu.memory_space<vmem>> -> memref<8x128xf32, #tpu.memory_space<vmem>>
      tpu.enqueue_dma source(%dma_start3A_1797 : memref<8x128xf32, #tpu.memory_space<vmem>>) target(%dma_start3A_1793 : memref<8x128xf32, #tpu.memory_space<hbm>>) target_semaphore(%arg15 : memref<!tpu.dma_semaphore, #tpu.memory_space<semaphore_mem>>)
      %dma_wait3A_1798 = arith.constant 2 : i32
      %dma_wait3A_1799 = arith.constant 0 : i32
      %dma_wait3A_1800 = arith.constant 0 : i32
      %dma_wait3A_1801 = tpu.memref_slice %arg7[%dma_wait3A_1798, %dma_wait3A_1799, %dma_wait3A_1800] : memref<4x64x128xf32, #tpu.memory_space<vmem>> -> memref<1x8x128xf32, #tpu.memory_space<vmem>>
      %dma_wait3A_1802 = tpu.memref_squeeze %dma_wait3A_1801 : memref<1x8x128xf32, #tpu.memory_space<vmem>> -> memref<8x128xf32, #tpu.memory_space<vmem>>
      %dma_wait3A_1803 = arith.constant 0 : i32
      %dma_wait3A_1804 = arith.constant 0 : i32
      %dma_wait3A_1805 = tpu.memref_slice %arg4[%dma_wait3A_1803, %dma_wait3A_1804] : memref<10000x4096xf32, #tpu.memory_space<hbm>> -> memref<8x128xf32, #tpu.memory_space<hbm>>
      %dma_wait3A_1806 = arith.constant 0 : i32
      %dma_wait3A_1807 = arith.constant 0 : i32
      %dma_wait3A_1808 = tpu.memref_slice %arg4[%dma_wait3A_1806, %dma_wait3A_1807] : memref<10000x4096xf32, #tpu.memory_space<hbm>> -> memref<8x128xf32, #tpu.memory_space<hbm>>
      %dma_wait3A_1809 = arith.constant 0 : i32
      %dma_wait3A_1810 = arith.constant 0 : i32
      %dma_wait3A_1811 = tpu.memref_slice %arg7[%dma_wait3A_1798, %dma_wait3A_1809, %dma_wait3A_1810] : memref<4x64x128xf32, #tpu.memory_space<vmem>> -> memref<1x8x128xf32, #tpu.memory_space<vmem>>
      %dma_wait3A_1812 = tpu.memref_squeeze %dma_wait3A_1811 : memref<1x8x128xf32, #tpu.memory_space<vmem>> -> memref<8x128xf32, #tpu.memory_space<vmem>>
      tpu.wait_dma2 semaphore(%arg14 : memref<!tpu.dma_semaphore, #tpu.memory_space<semaphore_mem>>) src(%dma_wait3A_1812 : memref<8x128xf32, #tpu.memory_space<vmem>>) dst(%dma_wait3A_1808 : memref<8x128xf32, #tpu.memory_space<hbm>>)
      %dma_wait3A_1813 = arith.constant 2 : i32
      %dma_wait3A_1814 = arith.constant 8 : i32
      %dma_wait3A_1815 = arith.constant 0 : i32
      %dma_wait3A_1816 = tpu.memref_slice %arg7[%dma_wait3A_1813, %dma_wait3A_1814, %dma_wait3A_1815] : memref<4x64x128xf32, #tpu.memory_space<vmem>> -> memref<1x8x128xf32, #tpu.memory_space<vmem>>
      %dma_wait3A_1817 = tpu.memref_squeeze %dma_wait3A_1816 : memref<1x8x128xf32, #tpu.memory_space<vmem>> -> memref<8x128xf32, #tpu.memory_space<vmem>>
      %dma_wait3A_1818 = arith.constant 0 : i32
      %dma_wait3A_1819 = arith.constant 128 : i32
      %dma_wait3A_1820 = tpu.memref_slice %arg4[%dma_wait3A_1818, %dma_wait3A_1819] : memref<10000x4096xf32, #tpu.memory_space<hbm>> -> memref<8x128xf32, #tpu.memory_space<hbm>>
      %dma_wait3A_1821 = arith.constant 0 : i32
      %dma_wait3A_1822 = arith.constant 128 : i32
      %dma_wait3A_1823 = tpu.memref_slice %arg4[%dma_wait3A_1821, %dma_wait3A_1822] : memref<10000x4096xf32, #tpu.memory_space<hbm>> -> memref<8x128xf32, #tpu.memory_space<hbm>>
      %dma_wait3A_1824 = arith.constant 8 : i32
      %dma_wait3A_1825 = arith.constant 0 : i32
      %dma_wait3A_1826 = tpu.memref_slice %arg7[%dma_wait3A_1813, %dma_wait3A_1824, %dma_wait3A_1825] : memref<4x64x128xf32, #tpu.memory_space<vmem>> -> memref<1x8x128xf32, #tpu.memory_space<vmem>>
      %dma_wait3A_1827 = tpu.memref_squeeze %dma_wait3A_1826 : memref<1x8x128xf32, #tpu.memory_space<vmem>> -> memref<8x128xf32, #tpu.memory_space<vmem>>
      tpu.wait_dma2 semaphore(%arg14 : memref<!tpu.dma_semaphore, #tpu.memory_space<semaphore_mem>>) src(%dma_wait3A_1827 : memref<8x128xf32, #tpu.memory_space<vmem>>) dst(%dma_wait3A_1823 : memref<8x128xf32, #tpu.memory_space<hbm>>)
      %dma_wait3A_1828 = arith.constant 2 : i32
      %dma_wait3A_1829 = arith.constant 16 : i32
      %dma_wait3A_1830 = arith.constant 0 : i32
      %dma_wait3A_1831 = tpu.memref_slice %arg7[%dma_wait3A_1828, %dma_wait3A_1829, %dma_wait3A_1830] : memref<4x64x128xf32, #tpu.memory_space<vmem>> -> memref<1x8x128xf32, #tpu.memory_space<vmem>>
      %dma_wait3A_1832 = tpu.memref_squeeze %dma_wait3A_1831 : memref<1x8x128xf32, #tpu.memory_space<vmem>> -> memref<8x128xf32, #tpu.memory_space<vmem>>
      %dma_wait3A_1833 = arith.constant 0 : i32
      %dma_wait3A_1834 = arith.constant 256 : i32
      %dma_wait3A_1835 = tpu.memref_slice %arg4[%dma_wait3A_1833, %dma_wait3A_1834] : memref<10000x4096xf32, #tpu.memory_space<hbm>> -> memref<8x128xf32, #tpu.memory_space<hbm>>
      %dma_wait3A_1836 = arith.constant 0 : i32
      %dma_wait3A_1837 = arith.constant 256 : i32
      %dma_wait3A_1838 = tpu.memref_slice %arg4[%dma_wait3A_1836, %dma_wait3A_1837] : memref<10000x4096xf32, #tpu.memory_space<hbm>> -> memref<8x128xf32, #tpu.memory_space<hbm>>
      %dma_wait3A_1839 = arith.constant 16 : i32
      %dma_wait3A_1840 = arith.constant 0 : i32
      %dma_wait3A_1841 = tpu.memref_slice %arg7[%dma_wait3A_1828, %dma_wait3A_1839, %dma_wait3A_1840] : memref<4x64x128xf32, #tpu.memory_space<vmem>> -> memref<1x8x128xf32, #tpu.memory_space<vmem>>
      %dma_wait3A_1842 = tpu.memref_squeeze %dma_wait3A_1841 : memref<1x8x128xf32, #tpu.memory_space<vmem>> -> memref<8x128xf32, #tpu.memory_space<vmem>>
      tpu.wait_dma2 semaphore(%arg14 : memref<!tpu.dma_semaphore, #tpu.memory_space<semaphore_mem>>) src(%dma_wait3A_1842 : memref<8x128xf32, #tpu.memory_space<vmem>>) dst(%dma_wait3A_1838 : memref<8x128xf32, #tpu.memory_space<hbm>>)
      %dma_wait3A_1843 = arith.constant 2 : i32
      %dma_wait3A_1844 = arith.constant 24 : i32
      %dma_wait3A_1845 = arith.constant 0 : i32
      %dma_wait3A_1846 = tpu.memref_slice %arg7[%dma_wait3A_1843, %dma_wait3A_1844, %dma_wait3A_1845] : memref<4x64x128xf32, #tpu.memory_space<vmem>> -> memref<1x8x128xf32, #tpu.memory_space<vmem>>
      %dma_wait3A_1847 = tpu.memref_squeeze %dma_wait3A_1846 : memref<1x8x128xf32, #tpu.memory_space<vmem>> -> memref<8x128xf32, #tpu.memory_space<vmem>>
      %dma_wait3A_1848 = arith.constant 0 : i32
      %dma_wait3A_1849 = arith.constant 384 : i32
      %dma_wait3A_1850 = tpu.memref_slice %arg4[%dma_wait3A_1848, %dma_wait3A_1849] : memref<10000x4096xf32, #tpu.memory_space<hbm>> -> memref<8x128xf32, #tpu.memory_space<hbm>>
      %dma_wait3A_1851 = arith.constant 0 : i32
      %dma_wait3A_1852 = arith.constant 384 : i32
      %dma_wait3A_1853 = tpu.memref_slice %arg4[%dma_wait3A_1851, %dma_wait3A_1852] : memref<10000x4096xf32, #tpu.memory_space<hbm>> -> memref<8x128xf32, #tpu.memory_space<hbm>>
      %dma_wait3A_1854 = arith.constant 24 : i32
      %dma_wait3A_1855 = arith.constant 0 : i32
      %dma_wait3A_1856 = tpu.memref_slice %arg7[%dma_wait3A_1843, %dma_wait3A_1854, %dma_wait3A_1855] : memref<4x64x128xf32, #tpu.memory_space<vmem>> -> memref<1x8x128xf32, #tpu.memory_space<vmem>>
      %dma_wait3A_1857 = tpu.memref_squeeze %dma_wait3A_1856 : memref<1x8x128xf32, #tpu.memory_space<vmem>> -> memref<8x128xf32, #tpu.memory_space<vmem>>
      tpu.wait_dma2 semaphore(%arg14 : memref<!tpu.dma_semaphore, #tpu.memory_space<semaphore_mem>>) src(%dma_wait3A_1857 : memref<8x128xf32, #tpu.memory_space<vmem>>) dst(%dma_wait3A_1853 : memref<8x128xf32, #tpu.memory_space<hbm>>)
      %dma_wait3A_1858 = arith.constant 2 : i32
      %dma_wait3A_1859 = arith.constant 32 : i32
      %dma_wait3A_1860 = arith.constant 0 : i32
      %dma_wait3A_1861 = tpu.memref_slice %arg7[%dma_wait3A_1858, %dma_wait3A_1859, %dma_wait3A_1860] : memref<4x64x128xf32, #tpu.memory_space<vmem>> -> memref<1x8x128xf32, #tpu.memory_space<vmem>>
      %dma_wait3A_1862 = tpu.memref_squeeze %dma_wait3A_1861 : memref<1x8x128xf32, #tpu.memory_space<vmem>> -> memref<8x128xf32, #tpu.memory_space<vmem>>
      %dma_wait3A_1863 = arith.constant 0 : i32
      %dma_wait3A_1864 = arith.constant 512 : i32
      %dma_wait3A_1865 = tpu.memref_slice %arg4[%dma_wait3A_1863, %dma_wait3A_1864] : memref<10000x4096xf32, #tpu.memory_space<hbm>> -> memref<8x128xf32, #tpu.memory_space<hbm>>
      %dma_wait3A_1866 = arith.constant 0 : i32
      %dma_wait3A_1867 = arith.constant 512 : i32
      %dma_wait3A_1868 = tpu.memref_slice %arg4[%dma_wait3A_1866, %dma_wait3A_1867] : memref<10000x4096xf32, #tpu.memory_space<hbm>> -> memref<8x128xf32, #tpu.memory_space<hbm>>
      %dma_wait3A_1869 = arith.constant 32 : i32
      %dma_wait3A_1870 = arith.constant 0 : i32
      %dma_wait3A_1871 = tpu.memref_slice %arg7[%dma_wait3A_1858, %dma_wait3A_1869, %dma_wait3A_1870] : memref<4x64x128xf32, #tpu.memory_space<vmem>> -> memref<1x8x128xf32, #tpu.memory_space<vmem>>
      %dma_wait3A_1872 = tpu.memref_squeeze %dma_wait3A_1871 : memref<1x8x128xf32, #tpu.memory_space<vmem>> -> memref<8x128xf32, #tpu.memory_space<vmem>>
      tpu.wait_dma2 semaphore(%arg14 : memref<!tpu.dma_semaphore, #tpu.memory_space<semaphore_mem>>) src(%dma_wait3A_1872 : memref<8x128xf32, #tpu.memory_space<vmem>>) dst(%dma_wait3A_1868 : memref<8x128xf32, #tpu.memory_space<hbm>>)
      %dma_wait3A_1873 = arith.constant 2 : i32
      %dma_wait3A_1874 = arith.constant 40 : i32
      %dma_wait3A_1875 = arith.constant 0 : i32
      %dma_wait3A_1876 = tpu.memref_slice %arg7[%dma_wait3A_1873, %dma_wait3A_1874, %dma_wait3A_1875] : memref<4x64x128xf32, #tpu.memory_space<vmem>> -> memref<1x8x128xf32, #tpu.memory_space<vmem>>
      %dma_wait3A_1877 = tpu.memref_squeeze %dma_wait3A_1876 : memref<1x8x128xf32, #tpu.memory_space<vmem>> -> memref<8x128xf32, #tpu.memory_space<vmem>>
      %dma_wait3A_1878 = arith.constant 0 : i32
      %dma_wait3A_1879 = arith.constant 640 : i32
      %dma_wait3A_1880 = tpu.memref_slice %arg4[%dma_wait3A_1878, %dma_wait3A_1879] : memref<10000x4096xf32, #tpu.memory_space<hbm>> -> memref<8x128xf32, #tpu.memory_space<hbm>>
      %dma_wait3A_1881 = arith.constant 0 : i32
      %dma_wait3A_1882 = arith.constant 640 : i32
      %dma_wait3A_1883 = tpu.memref_slice %arg4[%dma_wait3A_1881, %dma_wait3A_1882] : memref<10000x4096xf32, #tpu.memory_space<hbm>> -> memref<8x128xf32, #tpu.memory_space<hbm>>
      %dma_wait3A_1884 = arith.constant 40 : i32
      %dma_wait3A_1885 = arith.constant 0 : i32
      %dma_wait3A_1886 = tpu.memref_slice %arg7[%dma_wait3A_1873, %dma_wait3A_1884, %dma_wait3A_1885] : memref<4x64x128xf32, #tpu.memory_space<vmem>> -> memref<1x8x128xf32, #tpu.memory_space<vmem>>
      %dma_wait3A_1887 = tpu.memref_squeeze %dma_wait3A_1886 : memref<1x8x128xf32, #tpu.memory_space<vmem>> -> memref<8x128xf32, #tpu.memory_space<vmem>>
      tpu.wait_dma2 semaphore(%arg14 : memref<!tpu.dma_semaphore, #tpu.memory_space<semaphore_mem>>) src(%dma_wait3A_1887 : memref<8x128xf32, #tpu.memory_space<vmem>>) dst(%dma_wait3A_1883 : memref<8x128xf32, #tpu.memory_space<hbm>>)
      %dma_wait3A_1888 = arith.constant 2 : i32
      %dma_wait3A_1889 = arith.constant 48 : i32
      %dma_wait3A_1890 = arith.constant 0 : i32
      %dma_wait3A_1891 = tpu.memref_slice %arg7[%dma_wait3A_1888, %dma_wait3A_1889, %dma_wait3A_1890] : memref<4x64x128xf32, #tpu.memory_space<vmem>> -> memref<1x8x128xf32, #tpu.memory_space<vmem>>
      %dma_wait3A_1892 = tpu.memref_squeeze %dma_wait3A_1891 : memref<1x8x128xf32, #tpu.memory_space<vmem>> -> memref<8x128xf32, #tpu.memory_space<vmem>>
      %dma_wait3A_1893 = arith.constant 0 : i32
      %dma_wait3A_1894 = arith.constant 768 : i32
      %dma_wait3A_1895 = tpu.memref_slice %arg4[%dma_wait3A_1893, %dma_wait3A_1894] : memref<10000x4096xf32, #tpu.memory_space<hbm>> -> memref<8x128xf32, #tpu.memory_space<hbm>>
      %dma_wait3A_1896 = arith.constant 0 : i32
      %dma_wait3A_1897 = arith.constant 768 : i32
      %dma_wait3A_1898 = tpu.memref_slice %arg4[%dma_wait3A_1896, %dma_wait3A_1897] : memref<10000x4096xf32, #tpu.memory_space<hbm>> -> memref<8x128xf32, #tpu.memory_space<hbm>>
      %dma_wait3A_1899 = arith.constant 48 : i32
      %dma_wait3A_1900 = arith.constant 0 : i32
      %dma_wait3A_1901 = tpu.memref_slice %arg7[%dma_wait3A_1888, %dma_wait3A_1899, %dma_wait3A_1900] : memref<4x64x128xf32, #tpu.memory_space<vmem>> -> memref<1x8x128xf32, #tpu.memory_space<vmem>>
      %dma_wait3A_1902 = tpu.memref_squeeze %dma_wait3A_1901 : memref<1x8x128xf32, #tpu.memory_space<vmem>> -> memref<8x128xf32, #tpu.memory_space<vmem>>
      tpu.wait_dma2 semaphore(%arg14 : memref<!tpu.dma_semaphore, #tpu.memory_space<semaphore_mem>>) src(%dma_wait3A_1902 : memref<8x128xf32, #tpu.memory_space<vmem>>) dst(%dma_wait3A_1898 : memref<8x128xf32, #tpu.memory_space<hbm>>)
      %dma_wait3A_1903 = arith.constant 2 : i32
      %dma_wait3A_1904 = arith.constant 56 : i32
      %dma_wait3A_1905 = arith.constant 0 : i32
      %dma_wait3A_1906 = tpu.memref_slice %arg7[%dma_wait3A_1903, %dma_wait3A_1904, %dma_wait3A_1905] : memref<4x64x128xf32, #tpu.memory_space<vmem>> -> memref<1x8x128xf32, #tpu.memory_space<vmem>>
      %dma_wait3A_1907 = tpu.memref_squeeze %dma_wait3A_1906 : memref<1x8x128xf32, #tpu.memory_space<vmem>> -> memref<8x128xf32, #tpu.memory_space<vmem>>
      %dma_wait3A_1908 = arith.constant 0 : i32
      %dma_wait3A_1909 = arith.constant 896 : i32
      %dma_wait3A_1910 = tpu.memref_slice %arg4[%dma_wait3A_1908, %dma_wait3A_1909] : memref<10000x4096xf32, #tpu.memory_space<hbm>> -> memref<8x128xf32, #tpu.memory_space<hbm>>
      %dma_wait3A_1911 = arith.constant 0 : i32
      %dma_wait3A_1912 = arith.constant 896 : i32
      %dma_wait3A_1913 = tpu.memref_slice %arg4[%dma_wait3A_1911, %dma_wait3A_1912] : memref<10000x4096xf32, #tpu.memory_space<hbm>> -> memref<8x128xf32, #tpu.memory_space<hbm>>
      %dma_wait3A_1914 = arith.constant 56 : i32
      %dma_wait3A_1915 = arith.constant 0 : i32
      %dma_wait3A_1916 = tpu.memref_slice %arg7[%dma_wait3A_1903, %dma_wait3A_1914, %dma_wait3A_1915] : memref<4x64x128xf32, #tpu.memory_space<vmem>> -> memref<1x8x128xf32, #tpu.memory_space<vmem>>
      %dma_wait3A_1917 = tpu.memref_squeeze %dma_wait3A_1916 : memref<1x8x128xf32, #tpu.memory_space<vmem>> -> memref<8x128xf32, #tpu.memory_space<vmem>>
      tpu.wait_dma2 semaphore(%arg14 : memref<!tpu.dma_semaphore, #tpu.memory_space<semaphore_mem>>) src(%dma_wait3A_1917 : memref<8x128xf32, #tpu.memory_space<vmem>>) dst(%dma_wait3A_1913 : memref<8x128xf32, #tpu.memory_space<hbm>>)
      %add3A_1918 = arith.constant 3 : i32
      %add3A_1919 = arith.addi %add3A_1666, %add3A_1918 : i32
      %mul3A_1920 = arith.constant 64 : i32
      %mul3A_1921 = arith.muli %add3A_1919, %mul3A_1920 : i32
      %multiple_of3A_1922 = tpu.assume_multiple %mul3A_1921, 8 : i32
      %dma_start3A_1923 = arith.constant 2 : i32
      %dma_start3A_1924 = arith.constant 0 : i32
      %dma_start3A_1925 = arith.constant 0 : i32
      %dma_start3A_1926 = tpu.memref_slice %arg7[%dma_start3A_1923, %dma_start3A_1924, %dma_start3A_1925] : memref<4x64x128xf32, #tpu.memory_space<vmem>> -> memref<1x64x128xf32, #tpu.memory_space<vmem>>
      %dma_start3A_1927 = tpu.memref_squeeze %dma_start3A_1926 : memref<1x64x128xf32, #tpu.memory_space<vmem>> -> memref<64x128xf32, #tpu.memory_space<vmem>>
      %dma_start3A_1928 = tpu.memref_slice %arg6[%multiple_of3A_1922] : memref<10048xi32, #tpu.memory_space<vmem>> -> memref<64xi32, #tpu.memory_space<vmem>>
      %dma_start3A_1929 = arith.constant 0 : i32
      %dma_start3A_1930 = arith.constant 0 : i32
      %dma_start3A_1931 = tpu.memref_slice %arg5[%dma_start3A_1929, %dma_start3A_1930] : memref<10000x128xf32, #tpu.memory_space<vmem_shared>> -> memref<10000x128xf32, #tpu.memory_space<vmem_shared>>
      tpu.enqueue_indirect_dma source(%dma_start3A_1931 : memref<10000x128xf32, #tpu.memory_space<vmem_shared>>) target(%dma_start3A_1927 : memref<64x128xf32, #tpu.memory_space<vmem>>) offsets(%dma_start3A_1928 : memref<64xi32, #tpu.memory_space<vmem>>) semaphore(%arg10 : memref<!tpu.dma_semaphore, #tpu.memory_space<semaphore_mem>>)
      %add3A_1932 = arith.constant 3 : i32
      %add3A_1933 = arith.addi %add3A_1130, %add3A_1932 : i32
      %dma_wait3A_1934 = arith.constant 0 : i32
      %dma_wait3A_1935 = arith.constant 0 : i32
      %dma_wait3A_1936 = arith.constant 0 : i32
      %dma_wait3A_1937 = tpu.memref_slice %arg7[%dma_wait3A_1934, %dma_wait3A_1935, %dma_wait3A_1936] : memref<4x64x128xf32, #tpu.memory_space<vmem>> -> memref<1x64x128xf32, #tpu.memory_space<vmem>>
      %dma_wait3A_1938 = tpu.memref_squeeze %dma_wait3A_1937 : memref<1x64x128xf32, #tpu.memory_space<vmem>> -> memref<64x128xf32, #tpu.memory_space<vmem>>
      %dma_wait3A_1939 = arith.constant 0 : i32
      %dma_wait3A_1940 = arith.constant 0 : i32
      %dma_wait3A_1941 = tpu.memref_slice %arg2[%dma_wait3A_1939, %dma_wait3A_1940] : memref<10000x128xf32, #tpu.memory_space<hbm>> -> memref<64x128xf32, #tpu.memory_space<hbm>>
      %dma_wait3A_1942 = arith.constant 0 : i32
      %dma_wait3A_1943 = arith.constant 0 : i32
      %dma_wait3A_1944 = tpu.memref_slice %arg7[%dma_wait3A_1934, %dma_wait3A_1942, %dma_wait3A_1943] : memref<4x64x128xf32, #tpu.memory_space<vmem>> -> memref<1x64x128xf32, #tpu.memory_space<vmem>>
      %dma_wait3A_1945 = tpu.memref_squeeze %dma_wait3A_1944 : memref<1x64x128xf32, #tpu.memory_space<vmem>> -> memref<64x128xf32, #tpu.memory_space<vmem>>
      %dma_wait3A_1946 = arith.constant 0 : i32
      %dma_wait3A_1947 = arith.constant 0 : i32
      %dma_wait3A_1948 = tpu.memref_slice %arg2[%dma_wait3A_1946, %dma_wait3A_1947] : memref<10000x128xf32, #tpu.memory_space<hbm>> -> memref<64x128xf32, #tpu.memory_space<hbm>>
      tpu.wait_dma2 semaphore(%arg8 : memref<!tpu.dma_semaphore, #tpu.memory_space<semaphore_mem>>) src(%dma_wait3A_1948 : memref<64x128xf32, #tpu.memory_space<hbm>>) dst(%dma_wait3A_1945 : memref<64x128xf32, #tpu.memory_space<vmem>>)
      %mul3A_1949 = arith.constant 64 : i32
      %mul3A_1950 = arith.muli %add3A_1933, %mul3A_1949 : i32
      %add3A_1951 = arith.addi %mul3A_1950, %mul3A_25 : i32
      %multiple_of3A_1952 = tpu.assume_multiple %add3A_1951, 8 : i32
      %add3A_1953 = arith.constant 0 : i32
      %add3A_1954 = arith.addi %mul3A_42, %add3A_1953 : i32
      %multiple_of3A_1955 = tpu.assume_multiple %add3A_1954, 128 : i32
      %dma_start3A_1956 = arith.constant 0 : i32
      %dma_start3A_1957 = arith.constant 0 : i32
      %dma_start3A_1958 = arith.constant 0 : i32
      %dma_start3A_1959 = tpu.memref_slice %arg7[%dma_start3A_1956, %dma_start3A_1957, %dma_start3A_1958] : memref<4x64x128xf32, #tpu.memory_space<vmem>> -> memref<1x8x128xf32, #tpu.memory_space<vmem>>
      %dma_start3A_1960 = tpu.memref_squeeze %dma_start3A_1959 : memref<1x8x128xf32, #tpu.memory_space<vmem>> -> memref<8x128xf32, #tpu.memory_space<vmem>>
      %dma_start3A_1961 = tpu.memref_slice %arg4[%multiple_of3A_1952, %multiple_of3A_1955] : memref<10000x4096xf32, #tpu.memory_space<hbm>> -> memref<8x128xf32, #tpu.memory_space<hbm>>
      %dma_start3A_1962 = tpu.memref_slice %arg4[%multiple_of3A_1952, %multiple_of3A_1955] : memref<10000x4096xf32, #tpu.memory_space<hbm>> -> memref<8x128xf32, #tpu.memory_space<hbm>>
      %dma_start3A_1963 = arith.constant 0 : i32
      %dma_start3A_1964 = arith.constant 0 : i32
      %dma_start3A_1965 = tpu.memref_slice %arg7[%dma_start3A_1956, %dma_start3A_1963, %dma_start3A_1964] : memref<4x64x128xf32, #tpu.memory_space<vmem>> -> memref<1x8x128xf32, #tpu.memory_space<vmem>>
      %dma_start3A_1966 = tpu.memref_squeeze %dma_start3A_1965 : memref<1x8x128xf32, #tpu.memory_space<vmem>> -> memref<8x128xf32, #tpu.memory_space<vmem>>
      tpu.enqueue_dma source(%dma_start3A_1966 : memref<8x128xf32, #tpu.memory_space<vmem>>) target(%dma_start3A_1962 : memref<8x128xf32, #tpu.memory_space<hbm>>) target_semaphore(%arg12 : memref<!tpu.dma_semaphore, #tpu.memory_space<semaphore_mem>>)
      %add3A_1967 = arith.constant 128 : i32
      %add3A_1968 = arith.addi %mul3A_42, %add3A_1967 : i32
      %multiple_of3A_1969 = tpu.assume_multiple %add3A_1968, 128 : i32
      %dma_start3A_1970 = arith.constant 0 : i32
      %dma_start3A_1971 = arith.constant 8 : i32
      %dma_start3A_1972 = arith.constant 0 : i32
      %dma_start3A_1973 = tpu.memref_slice %arg7[%dma_start3A_1970, %dma_start3A_1971, %dma_start3A_1972] : memref<4x64x128xf32, #tpu.memory_space<vmem>> -> memref<1x8x128xf32, #tpu.memory_space<vmem>>
      %dma_start3A_1974 = tpu.memref_squeeze %dma_start3A_1973 : memref<1x8x128xf32, #tpu.memory_space<vmem>> -> memref<8x128xf32, #tpu.memory_space<vmem>>
      %dma_start3A_1975 = tpu.memref_slice %arg4[%multiple_of3A_1952, %multiple_of3A_1969] : memref<10000x4096xf32, #tpu.memory_space<hbm>> -> memref<8x128xf32, #tpu.memory_space<hbm>>
      %dma_start3A_1976 = tpu.memref_slice %arg4[%multiple_of3A_1952, %multiple_of3A_1969] : memref<10000x4096xf32, #tpu.memory_space<hbm>> -> memref<8x128xf32, #tpu.memory_space<hbm>>
      %dma_start3A_1977 = arith.constant 8 : i32
      %dma_start3A_1978 = arith.constant 0 : i32
      %dma_start3A_1979 = tpu.memref_slice %arg7[%dma_start3A_1970, %dma_start3A_1977, %dma_start3A_1978] : memref<4x64x128xf32, #tpu.memory_space<vmem>> -> memref<1x8x128xf32, #tpu.memory_space<vmem>>
      %dma_start3A_1980 = tpu.memref_squeeze %dma_start3A_1979 : memref<1x8x128xf32, #tpu.memory_space<vmem>> -> memref<8x128xf32, #tpu.memory_space<vmem>>
      tpu.enqueue_dma source(%dma_start3A_1980 : memref<8x128xf32, #tpu.memory_space<vmem>>) target(%dma_start3A_1976 : memref<8x128xf32, #tpu.memory_space<hbm>>) target_semaphore(%arg12 : memref<!tpu.dma_semaphore, #tpu.memory_space<semaphore_mem>>)
      %add3A_1981 = arith.constant 256 : i32
      %add3A_1982 = arith.addi %mul3A_42, %add3A_1981 : i32
      %multiple_of3A_1983 = tpu.assume_multiple %add3A_1982, 128 : i32
      %dma_start3A_1984 = arith.constant 0 : i32
      %dma_start3A_1985 = arith.constant 16 : i32
      %dma_start3A_1986 = arith.constant 0 : i32
      %dma_start3A_1987 = tpu.memref_slice %arg7[%dma_start3A_1984, %dma_start3A_1985, %dma_start3A_1986] : memref<4x64x128xf32, #tpu.memory_space<vmem>> -> memref<1x8x128xf32, #tpu.memory_space<vmem>>
      %dma_start3A_1988 = tpu.memref_squeeze %dma_start3A_1987 : memref<1x8x128xf32, #tpu.memory_space<vmem>> -> memref<8x128xf32, #tpu.memory_space<vmem>>
      %dma_start3A_1989 = tpu.memref_slice %arg4[%multiple_of3A_1952, %multiple_of3A_1983] : memref<10000x4096xf32, #tpu.memory_space<hbm>> -> memref<8x128xf32, #tpu.memory_space<hbm>>
      %dma_start3A_1990 = tpu.memref_slice %arg4[%multiple_of3A_1952, %multiple_of3A_1983] : memref<10000x4096xf32, #tpu.memory_space<hbm>> -> memref<8x128xf32, #tpu.memory_space<hbm>>
      %dma_start3A_1991 = arith.constant 16 : i32
      %dma_start3A_1992 = arith.constant 0 : i32
      %dma_start3A_1993 = tpu.memref_slice %arg7[%dma_start3A_1984, %dma_start3A_1991, %dma_start3A_1992] : memref<4x64x128xf32, #tpu.memory_space<vmem>> -> memref<1x8x128xf32, #tpu.memory_space<vmem>>
      %dma_start3A_1994 = tpu.memref_squeeze %dma_start3A_1993 : memref<1x8x128xf32, #tpu.memory_space<vmem>> -> memref<8x128xf32, #tpu.memory_space<vmem>>
      tpu.enqueue_dma source(%dma_start3A_1994 : memref<8x128xf32, #tpu.memory_space<vmem>>) target(%dma_start3A_1990 : memref<8x128xf32, #tpu.memory_space<hbm>>) target_semaphore(%arg12 : memref<!tpu.dma_semaphore, #tpu.memory_space<semaphore_mem>>)
      %add3A_1995 = arith.constant 384 : i32
      %add3A_1996 = arith.addi %mul3A_42, %add3A_1995 : i32
      %multiple_of3A_1997 = tpu.assume_multiple %add3A_1996, 128 : i32
      %dma_start3A_1998 = arith.constant 0 : i32
      %dma_start3A_1999 = arith.constant 24 : i32
      %dma_start3A_2000 = arith.constant 0 : i32
      %dma_start3A_2001 = tpu.memref_slice %arg7[%dma_start3A_1998, %dma_start3A_1999, %dma_start3A_2000] : memref<4x64x128xf32, #tpu.memory_space<vmem>> -> memref<1x8x128xf32, #tpu.memory_space<vmem>>
      %dma_start3A_2002 = tpu.memref_squeeze %dma_start3A_2001 : memref<1x8x128xf32, #tpu.memory_space<vmem>> -> memref<8x128xf32, #tpu.memory_space<vmem>>
      %dma_start3A_2003 = tpu.memref_slice %arg4[%multiple_of3A_1952, %multiple_of3A_1997] : memref<10000x4096xf32, #tpu.memory_space<hbm>> -> memref<8x128xf32, #tpu.memory_space<hbm>>
      %dma_start3A_2004 = tpu.memref_slice %arg4[%multiple_of3A_1952, %multiple_of3A_1997] : memref<10000x4096xf32, #tpu.memory_space<hbm>> -> memref<8x128xf32, #tpu.memory_space<hbm>>
      %dma_start3A_2005 = arith.constant 24 : i32
      %dma_start3A_2006 = arith.constant 0 : i32
      %dma_start3A_2007 = tpu.memref_slice %arg7[%dma_start3A_1998, %dma_start3A_2005, %dma_start3A_2006] : memref<4x64x128xf32, #tpu.memory_space<vmem>> -> memref<1x8x128xf32, #tpu.memory_space<vmem>>
      %dma_start3A_2008 = tpu.memref_squeeze %dma_start3A_2007 : memref<1x8x128xf32, #tpu.memory_space<vmem>> -> memref<8x128xf32, #tpu.memory_space<vmem>>
      tpu.enqueue_dma source(%dma_start3A_2008 : memref<8x128xf32, #tpu.memory_space<vmem>>) target(%dma_start3A_2004 : memref<8x128xf32, #tpu.memory_space<hbm>>) target_semaphore(%arg12 : memref<!tpu.dma_semaphore, #tpu.memory_space<semaphore_mem>>)
      %add3A_2009 = arith.constant 512 : i32
      %add3A_2010 = arith.addi %mul3A_42, %add3A_2009 : i32
      %multiple_of3A_2011 = tpu.assume_multiple %add3A_2010, 128 : i32
      %dma_start3A_2012 = arith.constant 0 : i32
      %dma_start3A_2013 = arith.constant 32 : i32
      %dma_start3A_2014 = arith.constant 0 : i32
      %dma_start3A_2015 = tpu.memref_slice %arg7[%dma_start3A_2012, %dma_start3A_2013, %dma_start3A_2014] : memref<4x64x128xf32, #tpu.memory_space<vmem>> -> memref<1x8x128xf32, #tpu.memory_space<vmem>>
      %dma_start3A_2016 = tpu.memref_squeeze %dma_start3A_2015 : memref<1x8x128xf32, #tpu.memory_space<vmem>> -> memref<8x128xf32, #tpu.memory_space<vmem>>
      %dma_start3A_2017 = tpu.memref_slice %arg4[%multiple_of3A_1952, %multiple_of3A_2011] : memref<10000x4096xf32, #tpu.memory_space<hbm>> -> memref<8x128xf32, #tpu.memory_space<hbm>>
      %dma_start3A_2018 = tpu.memref_slice %arg4[%multiple_of3A_1952, %multiple_of3A_2011] : memref<10000x4096xf32, #tpu.memory_space<hbm>> -> memref<8x128xf32, #tpu.memory_space<hbm>>
      %dma_start3A_2019 = arith.constant 32 : i32
      %dma_start3A_2020 = arith.constant 0 : i32
      %dma_start3A_2021 = tpu.memref_slice %arg7[%dma_start3A_2012, %dma_start3A_2019, %dma_start3A_2020] : memref<4x64x128xf32, #tpu.memory_space<vmem>> -> memref<1x8x128xf32, #tpu.memory_space<vmem>>
      %dma_start3A_2022 = tpu.memref_squeeze %dma_start3A_2021 : memref<1x8x128xf32, #tpu.memory_space<vmem>> -> memref<8x128xf32, #tpu.memory_space<vmem>>
      tpu.enqueue_dma source(%dma_start3A_2022 : memref<8x128xf32, #tpu.memory_space<vmem>>) target(%dma_start3A_2018 : memref<8x128xf32, #tpu.memory_space<hbm>>) target_semaphore(%arg12 : memref<!tpu.dma_semaphore, #tpu.memory_space<semaphore_mem>>)
      %add3A_2023 = arith.constant 640 : i32
      %add3A_2024 = arith.addi %mul3A_42, %add3A_2023 : i32
      %multiple_of3A_2025 = tpu.assume_multiple %add3A_2024, 128 : i32
      %dma_start3A_2026 = arith.constant 0 : i32
      %dma_start3A_2027 = arith.constant 40 : i32
      %dma_start3A_2028 = arith.constant 0 : i32
      %dma_start3A_2029 = tpu.memref_slice %arg7[%dma_start3A_2026, %dma_start3A_2027, %dma_start3A_2028] : memref<4x64x128xf32, #tpu.memory_space<vmem>> -> memref<1x8x128xf32, #tpu.memory_space<vmem>>
      %dma_start3A_2030 = tpu.memref_squeeze %dma_start3A_2029 : memref<1x8x128xf32, #tpu.memory_space<vmem>> -> memref<8x128xf32, #tpu.memory_space<vmem>>
      %dma_start3A_2031 = tpu.memref_slice %arg4[%multiple_of3A_1952, %multiple_of3A_2025] : memref<10000x4096xf32, #tpu.memory_space<hbm>> -> memref<8x128xf32, #tpu.memory_space<hbm>>
      %dma_start3A_2032 = tpu.memref_slice %arg4[%multiple_of3A_1952, %multiple_of3A_2025] : memref<10000x4096xf32, #tpu.memory_space<hbm>> -> memref<8x128xf32, #tpu.memory_space<hbm>>
      %dma_start3A_2033 = arith.constant 40 : i32
      %dma_start3A_2034 = arith.constant 0 : i32
      %dma_start3A_2035 = tpu.memref_slice %arg7[%dma_start3A_2026, %dma_start3A_2033, %dma_start3A_2034] : memref<4x64x128xf32, #tpu.memory_space<vmem>> -> memref<1x8x128xf32, #tpu.memory_space<vmem>>
      %dma_start3A_2036 = tpu.memref_squeeze %dma_start3A_2035 : memref<1x8x128xf32, #tpu.memory_space<vmem>> -> memref<8x128xf32, #tpu.memory_space<vmem>>
      tpu.enqueue_dma source(%dma_start3A_2036 : memref<8x128xf32, #tpu.memory_space<vmem>>) target(%dma_start3A_2032 : memref<8x128xf32, #tpu.memory_space<hbm>>) target_semaphore(%arg12 : memref<!tpu.dma_semaphore, #tpu.memory_space<semaphore_mem>>)
      %add3A_2037 = arith.constant 768 : i32
      %add3A_2038 = arith.addi %mul3A_42, %add3A_2037 : i32
      %multiple_of3A_2039 = tpu.assume_multiple %add3A_2038, 128 : i32
      %dma_start3A_2040 = arith.constant 0 : i32
      %dma_start3A_2041 = arith.constant 48 : i32
      %dma_start3A_2042 = arith.constant 0 : i32
      %dma_start3A_2043 = tpu.memref_slice %arg7[%dma_start3A_2040, %dma_start3A_2041, %dma_start3A_2042] : memref<4x64x128xf32, #tpu.memory_space<vmem>> -> memref<1x8x128xf32, #tpu.memory_space<vmem>>
      %dma_start3A_2044 = tpu.memref_squeeze %dma_start3A_2043 : memref<1x8x128xf32, #tpu.memory_space<vmem>> -> memref<8x128xf32, #tpu.memory_space<vmem>>
      %dma_start3A_2045 = tpu.memref_slice %arg4[%multiple_of3A_1952, %multiple_of3A_2039] : memref<10000x4096xf32, #tpu.memory_space<hbm>> -> memref<8x128xf32, #tpu.memory_space<hbm>>
      %dma_start3A_2046 = tpu.memref_slice %arg4[%multiple_of3A_1952, %multiple_of3A_2039] : memref<10000x4096xf32, #tpu.memory_space<hbm>> -> memref<8x128xf32, #tpu.memory_space<hbm>>
      %dma_start3A_2047 = arith.constant 48 : i32
      %dma_start3A_2048 = arith.constant 0 : i32
      %dma_start3A_2049 = tpu.memref_slice %arg7[%dma_start3A_2040, %dma_start3A_2047, %dma_start3A_2048] : memref<4x64x128xf32, #tpu.memory_space<vmem>> -> memref<1x8x128xf32, #tpu.memory_space<vmem>>
      %dma_start3A_2050 = tpu.memref_squeeze %dma_start3A_2049 : memref<1x8x128xf32, #tpu.memory_space<vmem>> -> memref<8x128xf32, #tpu.memory_space<vmem>>
      tpu.enqueue_dma source(%dma_start3A_2050 : memref<8x128xf32, #tpu.memory_space<vmem>>) target(%dma_start3A_2046 : memref<8x128xf32, #tpu.memory_space<hbm>>) target_semaphore(%arg12 : memref<!tpu.dma_semaphore, #tpu.memory_space<semaphore_mem>>)
      %add3A_2051 = arith.constant 896 : i32
      %add3A_2052 = arith.addi %mul3A_42, %add3A_2051 : i32
      %multiple_of3A_2053 = tpu.assume_multiple %add3A_2052, 128 : i32
      %dma_start3A_2054 = arith.constant 0 : i32
      %dma_start3A_2055 = arith.constant 56 : i32
      %dma_start3A_2056 = arith.constant 0 : i32
      %dma_start3A_2057 = tpu.memref_slice %arg7[%dma_start3A_2054, %dma_start3A_2055, %dma_start3A_2056] : memref<4x64x128xf32, #tpu.memory_space<vmem>> -> memref<1x8x128xf32, #tpu.memory_space<vmem>>
      %dma_start3A_2058 = tpu.memref_squeeze %dma_start3A_2057 : memref<1x8x128xf32, #tpu.memory_space<vmem>> -> memref<8x128xf32, #tpu.memory_space<vmem>>
      %dma_start3A_2059 = tpu.memref_slice %arg4[%multiple_of3A_1952, %multiple_of3A_2053] : memref<10000x4096xf32, #tpu.memory_space<hbm>> -> memref<8x128xf32, #tpu.memory_space<hbm>>
      %dma_start3A_2060 = tpu.memref_slice %arg4[%multiple_of3A_1952, %multiple_of3A_2053] : memref<10000x4096xf32, #tpu.memory_space<hbm>> -> memref<8x128xf32, #tpu.memory_space<hbm>>
      %dma_start3A_2061 = arith.constant 56 : i32
      %dma_start3A_2062 = arith.constant 0 : i32
      %dma_start3A_2063 = tpu.memref_slice %arg7[%dma_start3A_2054, %dma_start3A_2061, %dma_start3A_2062] : memref<4x64x128xf32, #tpu.memory_space<vmem>> -> memref<1x8x128xf32, #tpu.memory_space<vmem>>
      %dma_start3A_2064 = tpu.memref_squeeze %dma_start3A_2063 : memref<1x8x128xf32, #tpu.memory_space<vmem>> -> memref<8x128xf32, #tpu.memory_space<vmem>>
      tpu.enqueue_dma source(%dma_start3A_2064 : memref<8x128xf32, #tpu.memory_space<vmem>>) target(%dma_start3A_2060 : memref<8x128xf32, #tpu.memory_space<hbm>>) target_semaphore(%arg12 : memref<!tpu.dma_semaphore, #tpu.memory_space<semaphore_mem>>)
      %dma_wait3A_2065 = arith.constant 3 : i32
      %dma_wait3A_2066 = arith.constant 0 : i32
      %dma_wait3A_2067 = arith.constant 0 : i32
      %dma_wait3A_2068 = tpu.memref_slice %arg7[%dma_wait3A_2065, %dma_wait3A_2066, %dma_wait3A_2067] : memref<4x64x128xf32, #tpu.memory_space<vmem>> -> memref<1x8x128xf32, #tpu.memory_space<vmem>>
      %dma_wait3A_2069 = tpu.memref_squeeze %dma_wait3A_2068 : memref<1x8x128xf32, #tpu.memory_space<vmem>> -> memref<8x128xf32, #tpu.memory_space<vmem>>
      %dma_wait3A_2070 = arith.constant 0 : i32
      %dma_wait3A_2071 = arith.constant 0 : i32
      %dma_wait3A_2072 = tpu.memref_slice %arg4[%dma_wait3A_2070, %dma_wait3A_2071] : memref<10000x4096xf32, #tpu.memory_space<hbm>> -> memref<8x128xf32, #tpu.memory_space<hbm>>
      %dma_wait3A_2073 = arith.constant 0 : i32
      %dma_wait3A_2074 = arith.constant 0 : i32
      %dma_wait3A_2075 = tpu.memref_slice %arg4[%dma_wait3A_2073, %dma_wait3A_2074] : memref<10000x4096xf32, #tpu.memory_space<hbm>> -> memref<8x128xf32, #tpu.memory_space<hbm>>
      %dma_wait3A_2076 = arith.constant 0 : i32
      %dma_wait3A_2077 = arith.constant 0 : i32
      %dma_wait3A_2078 = tpu.memref_slice %arg7[%dma_wait3A_2065, %dma_wait3A_2076, %dma_wait3A_2077] : memref<4x64x128xf32, #tpu.memory_space<vmem>> -> memref<1x8x128xf32, #tpu.memory_space<vmem>>
      %dma_wait3A_2079 = tpu.memref_squeeze %dma_wait3A_2078 : memref<1x8x128xf32, #tpu.memory_space<vmem>> -> memref<8x128xf32, #tpu.memory_space<vmem>>
      tpu.wait_dma2 semaphore(%arg15 : memref<!tpu.dma_semaphore, #tpu.memory_space<semaphore_mem>>) src(%dma_wait3A_2079 : memref<8x128xf32, #tpu.memory_space<vmem>>) dst(%dma_wait3A_2075 : memref<8x128xf32, #tpu.memory_space<hbm>>)
      %dma_wait3A_2080 = arith.constant 3 : i32
      %dma_wait3A_2081 = arith.constant 8 : i32
      %dma_wait3A_2082 = arith.constant 0 : i32
      %dma_wait3A_2083 = tpu.memref_slice %arg7[%dma_wait3A_2080, %dma_wait3A_2081, %dma_wait3A_2082] : memref<4x64x128xf32, #tpu.memory_space<vmem>> -> memref<1x8x128xf32, #tpu.memory_space<vmem>>
      %dma_wait3A_2084 = tpu.memref_squeeze %dma_wait3A_2083 : memref<1x8x128xf32, #tpu.memory_space<vmem>> -> memref<8x128xf32, #tpu.memory_space<vmem>>
      %dma_wait3A_2085 = arith.constant 0 : i32
      %dma_wait3A_2086 = arith.constant 128 : i32
      %dma_wait3A_2087 = tpu.memref_slice %arg4[%dma_wait3A_2085, %dma_wait3A_2086] : memref<10000x4096xf32, #tpu.memory_space<hbm>> -> memref<8x128xf32, #tpu.memory_space<hbm>>
      %dma_wait3A_2088 = arith.constant 0 : i32
      %dma_wait3A_2089 = arith.constant 128 : i32
      %dma_wait3A_2090 = tpu.memref_slice %arg4[%dma_wait3A_2088, %dma_wait3A_2089] : memref<10000x4096xf32, #tpu.memory_space<hbm>> -> memref<8x128xf32, #tpu.memory_space<hbm>>
      %dma_wait3A_2091 = arith.constant 8 : i32
      %dma_wait3A_2092 = arith.constant 0 : i32
      %dma_wait3A_2093 = tpu.memref_slice %arg7[%dma_wait3A_2080, %dma_wait3A_2091, %dma_wait3A_2092] : memref<4x64x128xf32, #tpu.memory_space<vmem>> -> memref<1x8x128xf32, #tpu.memory_space<vmem>>
      %dma_wait3A_2094 = tpu.memref_squeeze %dma_wait3A_2093 : memref<1x8x128xf32, #tpu.memory_space<vmem>> -> memref<8x128xf32, #tpu.memory_space<vmem>>
      tpu.wait_dma2 semaphore(%arg15 : memref<!tpu.dma_semaphore, #tpu.memory_space<semaphore_mem>>) src(%dma_wait3A_2094 : memref<8x128xf32, #tpu.memory_space<vmem>>) dst(%dma_wait3A_2090 : memref<8x128xf32, #tpu.memory_space<hbm>>)
      %dma_wait3A_2095 = arith.constant 3 : i32
      %dma_wait3A_2096 = arith.constant 16 : i32
      %dma_wait3A_2097 = arith.constant 0 : i32
      %dma_wait3A_2098 = tpu.memref_slice %arg7[%dma_wait3A_2095, %dma_wait3A_2096, %dma_wait3A_2097] : memref<4x64x128xf32, #tpu.memory_space<vmem>> -> memref<1x8x128xf32, #tpu.memory_space<vmem>>
      %dma_wait3A_2099 = tpu.memref_squeeze %dma_wait3A_2098 : memref<1x8x128xf32, #tpu.memory_space<vmem>> -> memref<8x128xf32, #tpu.memory_space<vmem>>
      %dma_wait3A_2100 = arith.constant 0 : i32
      %dma_wait3A_2101 = arith.constant 256 : i32
      %dma_wait3A_2102 = tpu.memref_slice %arg4[%dma_wait3A_2100, %dma_wait3A_2101] : memref<10000x4096xf32, #tpu.memory_space<hbm>> -> memref<8x128xf32, #tpu.memory_space<hbm>>
      %dma_wait3A_2103 = arith.constant 0 : i32
      %dma_wait3A_2104 = arith.constant 256 : i32
      %dma_wait3A_2105 = tpu.memref_slice %arg4[%dma_wait3A_2103, %dma_wait3A_2104] : memref<10000x4096xf32, #tpu.memory_space<hbm>> -> memref<8x128xf32, #tpu.memory_space<hbm>>
      %dma_wait3A_2106 = arith.constant 16 : i32
      %dma_wait3A_2107 = arith.constant 0 : i32
      %dma_wait3A_2108 = tpu.memref_slice %arg7[%dma_wait3A_2095, %dma_wait3A_2106, %dma_wait3A_2107] : memref<4x64x128xf32, #tpu.memory_space<vmem>> -> memref<1x8x128xf32, #tpu.memory_space<vmem>>
      %dma_wait3A_2109 = tpu.memref_squeeze %dma_wait3A_2108 : memref<1x8x128xf32, #tpu.memory_space<vmem>> -> memref<8x128xf32, #tpu.memory_space<vmem>>
      tpu.wait_dma2 semaphore(%arg15 : memref<!tpu.dma_semaphore, #tpu.memory_space<semaphore_mem>>) src(%dma_wait3A_2109 : memref<8x128xf32, #tpu.memory_space<vmem>>) dst(%dma_wait3A_2105 : memref<8x128xf32, #tpu.memory_space<hbm>>)
      %dma_wait3A_2110 = arith.constant 3 : i32
      %dma_wait3A_2111 = arith.constant 24 : i32
      %dma_wait3A_2112 = arith.constant 0 : i32
      %dma_wait3A_2113 = tpu.memref_slice %arg7[%dma_wait3A_2110, %dma_wait3A_2111, %dma_wait3A_2112] : memref<4x64x128xf32, #tpu.memory_space<vmem>> -> memref<1x8x128xf32, #tpu.memory_space<vmem>>
      %dma_wait3A_2114 = tpu.memref_squeeze %dma_wait3A_2113 : memref<1x8x128xf32, #tpu.memory_space<vmem>> -> memref<8x128xf32, #tpu.memory_space<vmem>>
      %dma_wait3A_2115 = arith.constant 0 : i32
      %dma_wait3A_2116 = arith.constant 384 : i32
      %dma_wait3A_2117 = tpu.memref_slice %arg4[%dma_wait3A_2115, %dma_wait3A_2116] : memref<10000x4096xf32, #tpu.memory_space<hbm>> -> memref<8x128xf32, #tpu.memory_space<hbm>>
      %dma_wait3A_2118 = arith.constant 0 : i32
      %dma_wait3A_2119 = arith.constant 384 : i32
      %dma_wait3A_2120 = tpu.memref_slice %arg4[%dma_wait3A_2118, %dma_wait3A_2119] : memref<10000x4096xf32, #tpu.memory_space<hbm>> -> memref<8x128xf32, #tpu.memory_space<hbm>>
      %dma_wait3A_2121 = arith.constant 24 : i32
      %dma_wait3A_2122 = arith.constant 0 : i32
      %dma_wait3A_2123 = tpu.memref_slice %arg7[%dma_wait3A_2110, %dma_wait3A_2121, %dma_wait3A_2122] : memref<4x64x128xf32, #tpu.memory_space<vmem>> -> memref<1x8x128xf32, #tpu.memory_space<vmem>>
      %dma_wait3A_2124 = tpu.memref_squeeze %dma_wait3A_2123 : memref<1x8x128xf32, #tpu.memory_space<vmem>> -> memref<8x128xf32, #tpu.memory_space<vmem>>
      tpu.wait_dma2 semaphore(%arg15 : memref<!tpu.dma_semaphore, #tpu.memory_space<semaphore_mem>>) src(%dma_wait3A_2124 : memref<8x128xf32, #tpu.memory_space<vmem>>) dst(%dma_wait3A_2120 : memref<8x128xf32, #tpu.memory_space<hbm>>)
      %dma_wait3A_2125 = arith.constant 3 : i32
      %dma_wait3A_2126 = arith.constant 32 : i32
      %dma_wait3A_2127 = arith.constant 0 : i32
      %dma_wait3A_2128 = tpu.memref_slice %arg7[%dma_wait3A_2125, %dma_wait3A_2126, %dma_wait3A_2127] : memref<4x64x128xf32, #tpu.memory_space<vmem>> -> memref<1x8x128xf32, #tpu.memory_space<vmem>>
      %dma_wait3A_2129 = tpu.memref_squeeze %dma_wait3A_2128 : memref<1x8x128xf32, #tpu.memory_space<vmem>> -> memref<8x128xf32, #tpu.memory_space<vmem>>
      %dma_wait3A_2130 = arith.constant 0 : i32
      %dma_wait3A_2131 = arith.constant 512 : i32
      %dma_wait3A_2132 = tpu.memref_slice %arg4[%dma_wait3A_2130, %dma_wait3A_2131] : memref<10000x4096xf32, #tpu.memory_space<hbm>> -> memref<8x128xf32, #tpu.memory_space<hbm>>
      %dma_wait3A_2133 = arith.constant 0 : i32
      %dma_wait3A_2134 = arith.constant 512 : i32
      %dma_wait3A_2135 = tpu.memref_slice %arg4[%dma_wait3A_2133, %dma_wait3A_2134] : memref<10000x4096xf32, #tpu.memory_space<hbm>> -> memref<8x128xf32, #tpu.memory_space<hbm>>
      %dma_wait3A_2136 = arith.constant 32 : i32
      %dma_wait3A_2137 = arith.constant 0 : i32
      %dma_wait3A_2138 = tpu.memref_slice %arg7[%dma_wait3A_2125, %dma_wait3A_2136, %dma_wait3A_2137] : memref<4x64x128xf32, #tpu.memory_space<vmem>> -> memref<1x8x128xf32, #tpu.memory_space<vmem>>
      %dma_wait3A_2139 = tpu.memref_squeeze %dma_wait3A_2138 : memref<1x8x128xf32, #tpu.memory_space<vmem>> -> memref<8x128xf32, #tpu.memory_space<vmem>>
      tpu.wait_dma2 semaphore(%arg15 : memref<!tpu.dma_semaphore, #tpu.memory_space<semaphore_mem>>) src(%dma_wait3A_2139 : memref<8x128xf32, #tpu.memory_space<vmem>>) dst(%dma_wait3A_2135 : memref<8x128xf32, #tpu.memory_space<hbm>>)
      %dma_wait3A_2140 = arith.constant 3 : i32
      %dma_wait3A_2141 = arith.constant 40 : i32
      %dma_wait3A_2142 = arith.constant 0 : i32
      %dma_wait3A_2143 = tpu.memref_slice %arg7[%dma_wait3A_2140, %dma_wait3A_2141, %dma_wait3A_2142] : memref<4x64x128xf32, #tpu.memory_space<vmem>> -> memref<1x8x128xf32, #tpu.memory_space<vmem>>
      %dma_wait3A_2144 = tpu.memref_squeeze %dma_wait3A_2143 : memref<1x8x128xf32, #tpu.memory_space<vmem>> -> memref<8x128xf32, #tpu.memory_space<vmem>>
      %dma_wait3A_2145 = arith.constant 0 : i32
      %dma_wait3A_2146 = arith.constant 640 : i32
      %dma_wait3A_2147 = tpu.memref_slice %arg4[%dma_wait3A_2145, %dma_wait3A_2146] : memref<10000x4096xf32, #tpu.memory_space<hbm>> -> memref<8x128xf32, #tpu.memory_space<hbm>>
      %dma_wait3A_2148 = arith.constant 0 : i32
      %dma_wait3A_2149 = arith.constant 640 : i32
      %dma_wait3A_2150 = tpu.memref_slice %arg4[%dma_wait3A_2148, %dma_wait3A_2149] : memref<10000x4096xf32, #tpu.memory_space<hbm>> -> memref<8x128xf32, #tpu.memory_space<hbm>>
      %dma_wait3A_2151 = arith.constant 40 : i32
      %dma_wait3A_2152 = arith.constant 0 : i32
      %dma_wait3A_2153 = tpu.memref_slice %arg7[%dma_wait3A_2140, %dma_wait3A_2151, %dma_wait3A_2152] : memref<4x64x128xf32, #tpu.memory_space<vmem>> -> memref<1x8x128xf32, #tpu.memory_space<vmem>>
      %dma_wait3A_2154 = tpu.memref_squeeze %dma_wait3A_2153 : memref<1x8x128xf32, #tpu.memory_space<vmem>> -> memref<8x128xf32, #tpu.memory_space<vmem>>
      tpu.wait_dma2 semaphore(%arg15 : memref<!tpu.dma_semaphore, #tpu.memory_space<semaphore_mem>>) src(%dma_wait3A_2154 : memref<8x128xf32, #tpu.memory_space<vmem>>) dst(%dma_wait3A_2150 : memref<8x128xf32, #tpu.memory_space<hbm>>)
      %dma_wait3A_2155 = arith.constant 3 : i32
      %dma_wait3A_2156 = arith.constant 48 : i32
      %dma_wait3A_2157 = arith.constant 0 : i32
      %dma_wait3A_2158 = tpu.memref_slice %arg7[%dma_wait3A_2155, %dma_wait3A_2156, %dma_wait3A_2157] : memref<4x64x128xf32, #tpu.memory_space<vmem>> -> memref<1x8x128xf32, #tpu.memory_space<vmem>>
      %dma_wait3A_2159 = tpu.memref_squeeze %dma_wait3A_2158 : memref<1x8x128xf32, #tpu.memory_space<vmem>> -> memref<8x128xf32, #tpu.memory_space<vmem>>
      %dma_wait3A_2160 = arith.constant 0 : i32
      %dma_wait3A_2161 = arith.constant 768 : i32
      %dma_wait3A_2162 = tpu.memref_slice %arg4[%dma_wait3A_2160, %dma_wait3A_2161] : memref<10000x4096xf32, #tpu.memory_space<hbm>> -> memref<8x128xf32, #tpu.memory_space<hbm>>
      %dma_wait3A_2163 = arith.constant 0 : i32
      %dma_wait3A_2164 = arith.constant 768 : i32
      %dma_wait3A_2165 = tpu.memref_slice %arg4[%dma_wait3A_2163, %dma_wait3A_2164] : memref<10000x4096xf32, #tpu.memory_space<hbm>> -> memref<8x128xf32, #tpu.memory_space<hbm>>
      %dma_wait3A_2166 = arith.constant 48 : i32
      %dma_wait3A_2167 = arith.constant 0 : i32
      %dma_wait3A_2168 = tpu.memref_slice %arg7[%dma_wait3A_2155, %dma_wait3A_2166, %dma_wait3A_2167] : memref<4x64x128xf32, #tpu.memory_space<vmem>> -> memref<1x8x128xf32, #tpu.memory_space<vmem>>
      %dma_wait3A_2169 = tpu.memref_squeeze %dma_wait3A_2168 : memref<1x8x128xf32, #tpu.memory_space<vmem>> -> memref<8x128xf32, #tpu.memory_space<vmem>>
      tpu.wait_dma2 semaphore(%arg15 : memref<!tpu.dma_semaphore, #tpu.memory_space<semaphore_mem>>) src(%dma_wait3A_2169 : memref<8x128xf32, #tpu.memory_space<vmem>>) dst(%dma_wait3A_2165 : memref<8x128xf32, #tpu.memory_space<hbm>>)
      %dma_wait3A_2170 = arith.constant 3 : i32
      %dma_wait3A_2171 = arith.constant 56 : i32
      %dma_wait3A_2172 = arith.constant 0 : i32
      %dma_wait3A_2173 = tpu.memref_slice %arg7[%dma_wait3A_2170, %dma_wait3A_2171, %dma_wait3A_2172] : memref<4x64x128xf32, #tpu.memory_space<vmem>> -> memref<1x8x128xf32, #tpu.memory_space<vmem>>
      %dma_wait3A_2174 = tpu.memref_squeeze %dma_wait3A_2173 : memref<1x8x128xf32, #tpu.memory_space<vmem>> -> memref<8x128xf32, #tpu.memory_space<vmem>>
      %dma_wait3A_2175 = arith.constant 0 : i32
      %dma_wait3A_2176 = arith.constant 896 : i32
      %dma_wait3A_2177 = tpu.memref_slice %arg4[%dma_wait3A_2175, %dma_wait3A_2176] : memref<10000x4096xf32, #tpu.memory_space<hbm>> -> memref<8x128xf32, #tpu.memory_space<hbm>>
      %dma_wait3A_2178 = arith.constant 0 : i32
      %dma_wait3A_2179 = arith.constant 896 : i32
      %dma_wait3A_2180 = tpu.memref_slice %arg4[%dma_wait3A_2178, %dma_wait3A_2179] : memref<10000x4096xf32, #tpu.memory_space<hbm>> -> memref<8x128xf32, #tpu.memory_space<hbm>>
      %dma_wait3A_2181 = arith.constant 56 : i32
      %dma_wait3A_2182 = arith.constant 0 : i32
      %dma_wait3A_2183 = tpu.memref_slice %arg7[%dma_wait3A_2170, %dma_wait3A_2181, %dma_wait3A_2182] : memref<4x64x128xf32, #tpu.memory_space<vmem>> -> memref<1x8x128xf32, #tpu.memory_space<vmem>>
      %dma_wait3A_2184 = tpu.memref_squeeze %dma_wait3A_2183 : memref<1x8x128xf32, #tpu.memory_space<vmem>> -> memref<8x128xf32, #tpu.memory_space<vmem>>
      tpu.wait_dma2 semaphore(%arg15 : memref<!tpu.dma_semaphore, #tpu.memory_space<semaphore_mem>>) src(%dma_wait3A_2184 : memref<8x128xf32, #tpu.memory_space<vmem>>) dst(%dma_wait3A_2180 : memref<8x128xf32, #tpu.memory_space<hbm>>)
      %add3A_2185 = arith.constant 3 : i32
      %add3A_2186 = arith.addi %add3A_1933, %add3A_2185 : i32
      %mul3A_2187 = arith.constant 64 : i32
      %mul3A_2188 = arith.muli %add3A_2186, %mul3A_2187 : i32
      %multiple_of3A_2189 = tpu.assume_multiple %mul3A_2188, 8 : i32
      %dma_start3A_2190 = arith.constant 3 : i32
      %dma_start3A_2191 = arith.constant 0 : i32
      %dma_start3A_2192 = arith.constant 0 : i32
      %dma_start3A_2193 = tpu.memref_slice %arg7[%dma_start3A_2190, %dma_start3A_2191, %dma_start3A_2192] : memref<4x64x128xf32, #tpu.memory_space<vmem>> -> memref<1x64x128xf32, #tpu.memory_space<vmem>>
      %dma_start3A_2194 = tpu.memref_squeeze %dma_start3A_2193 : memref<1x64x128xf32, #tpu.memory_space<vmem>> -> memref<64x128xf32, #tpu.memory_space<vmem>>
      %dma_start3A_2195 = tpu.memref_slice %arg6[%multiple_of3A_2189] : memref<10048xi32, #tpu.memory_space<vmem>> -> memref<64xi32, #tpu.memory_space<vmem>>
      %dma_start3A_2196 = arith.constant 0 : i32
      %dma_start3A_2197 = arith.constant 0 : i32
      %dma_start3A_2198 = tpu.memref_slice %arg5[%dma_start3A_2196, %dma_start3A_2197] : memref<10000x128xf32, #tpu.memory_space<vmem_shared>> -> memref<10000x128xf32, #tpu.memory_space<vmem_shared>>
      tpu.enqueue_indirect_dma source(%dma_start3A_2198 : memref<10000x128xf32, #tpu.memory_space<vmem_shared>>) target(%dma_start3A_2194 : memref<64x128xf32, #tpu.memory_space<vmem>>) offsets(%dma_start3A_2195 : memref<64xi32, #tpu.memory_space<vmem>>) semaphore(%arg11 : memref<!tpu.dma_semaphore, #tpu.memory_space<semaphore_mem>>)
    }
    %scan3A_219 = arith.constant 38 : i32
    %dma_wait3A_220 = arith.constant 1 : i32
    %dma_wait3A_221 = arith.constant 0 : i32
    %dma_wait3A_222 = arith.constant 0 : i32
    %dma_wait3A_223 = tpu.memref_slice %arg7[%dma_wait3A_220, %dma_wait3A_221, %dma_wait3A_222] : memref<4x64x128xf32, #tpu.memory_space<vmem>> -> memref<1x64x128xf32, #tpu.memory_space<vmem>>
    %dma_wait3A_224 = tpu.memref_squeeze %dma_wait3A_223 : memref<1x64x128xf32, #tpu.memory_space<vmem>> -> memref<64x128xf32, #tpu.memory_space<vmem>>
    %dma_wait3A_225 = arith.constant 0 : i32
    %dma_wait3A_226 = arith.constant 0 : i32
    %dma_wait3A_227 = tpu.memref_slice %arg2[%dma_wait3A_225, %dma_wait3A_226] : memref<10000x128xf32, #tpu.memory_space<hbm>> -> memref<64x128xf32, #tpu.memory_space<hbm>>
    %dma_wait3A_228 = arith.constant 0 : i32
    %dma_wait3A_229 = arith.constant 0 : i32
    %dma_wait3A_230 = tpu.memref_slice %arg7[%dma_wait3A_220, %dma_wait3A_228, %dma_wait3A_229] : memref<4x64x128xf32, #tpu.memory_space<vmem>> -> memref<1x64x128xf32, #tpu.memory_space<vmem>>
    %dma_wait3A_231 = tpu.memref_squeeze %dma_wait3A_230 : memref<1x64x128xf32, #tpu.memory_space<vmem>> -> memref<64x128xf32, #tpu.memory_space<vmem>>
    %dma_wait3A_232 = arith.constant 0 : i32
    %dma_wait3A_233 = arith.constant 0 : i32
    %dma_wait3A_234 = tpu.memref_slice %arg2[%dma_wait3A_232, %dma_wait3A_233] : memref<10000x128xf32, #tpu.memory_space<hbm>> -> memref<64x128xf32, #tpu.memory_space<hbm>>
    tpu.wait_dma2 semaphore(%arg9 : memref<!tpu.dma_semaphore, #tpu.memory_space<semaphore_mem>>) src(%dma_wait3A_234 : memref<64x128xf32, #tpu.memory_space<hbm>>) dst(%dma_wait3A_231 : memref<64x128xf32, #tpu.memory_space<vmem>>)
    %add3A_235 = arith.constant 9792 : i32
    %add3A_236 = arith.addi %add3A_235, %mul3A_25 : i32
    %multiple_of3A_237 = tpu.assume_multiple %add3A_236, 8 : i32
    %add3A_238 = arith.constant 0 : i32
    %add3A_239 = arith.addi %mul3A_42, %add3A_238 : i32
    %multiple_of3A_240 = tpu.assume_multiple %add3A_239, 128 : i32
    %dma_start3A_241 = arith.constant 1 : i32
    %dma_start3A_242 = arith.constant 0 : i32
    %dma_start3A_243 = arith.constant 0 : i32
    %dma_start3A_244 = tpu.memref_slice %arg7[%dma_start3A_241, %dma_start3A_242, %dma_start3A_243] : memref<4x64x128xf32, #tpu.memory_space<vmem>> -> memref<1x8x128xf32, #tpu.memory_space<vmem>>
    %dma_start3A_245 = tpu.memref_squeeze %dma_start3A_244 : memref<1x8x128xf32, #tpu.memory_space<vmem>> -> memref<8x128xf32, #tpu.memory_space<vmem>>
    %dma_start3A_246 = tpu.memref_slice %arg4[%multiple_of3A_237, %multiple_of3A_240] : memref<10000x4096xf32, #tpu.memory_space<hbm>> -> memref<8x128xf32, #tpu.memory_space<hbm>>
    %dma_start3A_247 = tpu.memref_slice %arg4[%multiple_of3A_237, %multiple_of3A_240] : memref<10000x4096xf32, #tpu.memory_space<hbm>> -> memref<8x128xf32, #tpu.memory_space<hbm>>
    %dma_start3A_248 = arith.constant 0 : i32
    %dma_start3A_249 = arith.constant 0 : i32
    %dma_start3A_250 = tpu.memref_slice %arg7[%dma_start3A_241, %dma_start3A_248, %dma_start3A_249] : memref<4x64x128xf32, #tpu.memory_space<vmem>> -> memref<1x8x128xf32, #tpu.memory_space<vmem>>
    %dma_start3A_251 = tpu.memref_squeeze %dma_start3A_250 : memref<1x8x128xf32, #tpu.memory_space<vmem>> -> memref<8x128xf32, #tpu.memory_space<vmem>>
    tpu.enqueue_dma source(%dma_start3A_251 : memref<8x128xf32, #tpu.memory_space<vmem>>) target(%dma_start3A_247 : memref<8x128xf32, #tpu.memory_space<hbm>>) target_semaphore(%arg13 : memref<!tpu.dma_semaphore, #tpu.memory_space<semaphore_mem>>)
    %add3A_252 = arith.constant 128 : i32
    %add3A_253 = arith.addi %mul3A_42, %add3A_252 : i32
    %multiple_of3A_254 = tpu.assume_multiple %add3A_253, 128 : i32
    %dma_start3A_255 = arith.constant 1 : i32
    %dma_start3A_256 = arith.constant 8 : i32
    %dma_start3A_257 = arith.constant 0 : i32
    %dma_start3A_258 = tpu.memref_slice %arg7[%dma_start3A_255, %dma_start3A_256, %dma_start3A_257] : memref<4x64x128xf32, #tpu.memory_space<vmem>> -> memref<1x8x128xf32, #tpu.memory_space<vmem>>
    %dma_start3A_259 = tpu.memref_squeeze %dma_start3A_258 : memref<1x8x128xf32, #tpu.memory_space<vmem>> -> memref<8x128xf32, #tpu.memory_space<vmem>>
    %dma_start3A_260 = tpu.memref_slice %arg4[%multiple_of3A_237, %multiple_of3A_254] : memref<10000x4096xf32, #tpu.memory_space<hbm>> -> memref<8x128xf32, #tpu.memory_space<hbm>>
    %dma_start3A_261 = tpu.memref_slice %arg4[%multiple_of3A_237, %multiple_of3A_254] : memref<10000x4096xf32, #tpu.memory_space<hbm>> -> memref<8x128xf32, #tpu.memory_space<hbm>>
    %dma_start3A_262 = arith.constant 8 : i32
    %dma_start3A_263 = arith.constant 0 : i32
    %dma_start3A_264 = tpu.memref_slice %arg7[%dma_start3A_255, %dma_start3A_262, %dma_start3A_263] : memref<4x64x128xf32, #tpu.memory_space<vmem>> -> memref<1x8x128xf32, #tpu.memory_space<vmem>>
    %dma_start3A_265 = tpu.memref_squeeze %dma_start3A_264 : memref<1x8x128xf32, #tpu.memory_space<vmem>> -> memref<8x128xf32, #tpu.memory_space<vmem>>
    tpu.enqueue_dma source(%dma_start3A_265 : memref<8x128xf32, #tpu.memory_space<vmem>>) target(%dma_start3A_261 : memref<8x128xf32, #tpu.memory_space<hbm>>) target_semaphore(%arg13 : memref<!tpu.dma_semaphore, #tpu.memory_space<semaphore_mem>>)
    %add3A_266 = arith.constant 256 : i32
    %add3A_267 = arith.addi %mul3A_42, %add3A_266 : i32
    %multiple_of3A_268 = tpu.assume_multiple %add3A_267, 128 : i32
    %dma_start3A_269 = arith.constant 1 : i32
    %dma_start3A_270 = arith.constant 16 : i32
    %dma_start3A_271 = arith.constant 0 : i32
    %dma_start3A_272 = tpu.memref_slice %arg7[%dma_start3A_269, %dma_start3A_270, %dma_start3A_271] : memref<4x64x128xf32, #tpu.memory_space<vmem>> -> memref<1x8x128xf32, #tpu.memory_space<vmem>>
    %dma_start3A_273 = tpu.memref_squeeze %dma_start3A_272 : memref<1x8x128xf32, #tpu.memory_space<vmem>> -> memref<8x128xf32, #tpu.memory_space<vmem>>
    %dma_start3A_274 = tpu.memref_slice %arg4[%multiple_of3A_237, %multiple_of3A_268] : memref<10000x4096xf32, #tpu.memory_space<hbm>> -> memref<8x128xf32, #tpu.memory_space<hbm>>
    %dma_start3A_275 = tpu.memref_slice %arg4[%multiple_of3A_237, %multiple_of3A_268] : memref<10000x4096xf32, #tpu.memory_space<hbm>> -> memref<8x128xf32, #tpu.memory_space<hbm>>
    %dma_start3A_276 = arith.constant 16 : i32
    %dma_start3A_277 = arith.constant 0 : i32
    %dma_start3A_278 = tpu.memref_slice %arg7[%dma_start3A_269, %dma_start3A_276, %dma_start3A_277] : memref<4x64x128xf32, #tpu.memory_space<vmem>> -> memref<1x8x128xf32, #tpu.memory_space<vmem>>
    %dma_start3A_279 = tpu.memref_squeeze %dma_start3A_278 : memref<1x8x128xf32, #tpu.memory_space<vmem>> -> memref<8x128xf32, #tpu.memory_space<vmem>>
    tpu.enqueue_dma source(%dma_start3A_279 : memref<8x128xf32, #tpu.memory_space<vmem>>) target(%dma_start3A_275 : memref<8x128xf32, #tpu.memory_space<hbm>>) target_semaphore(%arg13 : memref<!tpu.dma_semaphore, #tpu.memory_space<semaphore_mem>>)
    %add3A_280 = arith.constant 384 : i32
    %add3A_281 = arith.addi %mul3A_42, %add3A_280 : i32
    %multiple_of3A_282 = tpu.assume_multiple %add3A_281, 128 : i32
    %dma_start3A_283 = arith.constant 1 : i32
    %dma_start3A_284 = arith.constant 24 : i32
    %dma_start3A_285 = arith.constant 0 : i32
    %dma_start3A_286 = tpu.memref_slice %arg7[%dma_start3A_283, %dma_start3A_284, %dma_start3A_285] : memref<4x64x128xf32, #tpu.memory_space<vmem>> -> memref<1x8x128xf32, #tpu.memory_space<vmem>>
    %dma_start3A_287 = tpu.memref_squeeze %dma_start3A_286 : memref<1x8x128xf32, #tpu.memory_space<vmem>> -> memref<8x128xf32, #tpu.memory_space<vmem>>
    %dma_start3A_288 = tpu.memref_slice %arg4[%multiple_of3A_237, %multiple_of3A_282] : memref<10000x4096xf32, #tpu.memory_space<hbm>> -> memref<8x128xf32, #tpu.memory_space<hbm>>
    %dma_start3A_289 = tpu.memref_slice %arg4[%multiple_of3A_237, %multiple_of3A_282] : memref<10000x4096xf32, #tpu.memory_space<hbm>> -> memref<8x128xf32, #tpu.memory_space<hbm>>
    %dma_start3A_290 = arith.constant 24 : i32
    %dma_start3A_291 = arith.constant 0 : i32
    %dma_start3A_292 = tpu.memref_slice %arg7[%dma_start3A_283, %dma_start3A_290, %dma_start3A_291] : memref<4x64x128xf32, #tpu.memory_space<vmem>> -> memref<1x8x128xf32, #tpu.memory_space<vmem>>
    %dma_start3A_293 = tpu.memref_squeeze %dma_start3A_292 : memref<1x8x128xf32, #tpu.memory_space<vmem>> -> memref<8x128xf32, #tpu.memory_space<vmem>>
    tpu.enqueue_dma source(%dma_start3A_293 : memref<8x128xf32, #tpu.memory_space<vmem>>) target(%dma_start3A_289 : memref<8x128xf32, #tpu.memory_space<hbm>>) target_semaphore(%arg13 : memref<!tpu.dma_semaphore, #tpu.memory_space<semaphore_mem>>)
    %add3A_294 = arith.constant 512 : i32
    %add3A_295 = arith.addi %mul3A_42, %add3A_294 : i32
    %multiple_of3A_296 = tpu.assume_multiple %add3A_295, 128 : i32
    %dma_start3A_297 = arith.constant 1 : i32
    %dma_start3A_298 = arith.constant 32 : i32
    %dma_start3A_299 = arith.constant 0 : i32
    %dma_start3A_300 = tpu.memref_slice %arg7[%dma_start3A_297, %dma_start3A_298, %dma_start3A_299] : memref<4x64x128xf32, #tpu.memory_space<vmem>> -> memref<1x8x128xf32, #tpu.memory_space<vmem>>
    %dma_start3A_301 = tpu.memref_squeeze %dma_start3A_300 : memref<1x8x128xf32, #tpu.memory_space<vmem>> -> memref<8x128xf32, #tpu.memory_space<vmem>>
    %dma_start3A_302 = tpu.memref_slice %arg4[%multiple_of3A_237, %multiple_of3A_296] : memref<10000x4096xf32, #tpu.memory_space<hbm>> -> memref<8x128xf32, #tpu.memory_space<hbm>>
    %dma_start3A_303 = tpu.memref_slice %arg4[%multiple_of3A_237, %multiple_of3A_296] : memref<10000x4096xf32, #tpu.memory_space<hbm>> -> memref<8x128xf32, #tpu.memory_space<hbm>>
    %dma_start3A_304 = arith.constant 32 : i32
    %dma_start3A_305 = arith.constant 0 : i32
    %dma_start3A_306 = tpu.memref_slice %arg7[%dma_start3A_297, %dma_start3A_304, %dma_start3A_305] : memref<4x64x128xf32, #tpu.memory_space<vmem>> -> memref<1x8x128xf32, #tpu.memory_space<vmem>>
    %dma_start3A_307 = tpu.memref_squeeze %dma_start3A_306 : memref<1x8x128xf32, #tpu.memory_space<vmem>> -> memref<8x128xf32, #tpu.memory_space<vmem>>
    tpu.enqueue_dma source(%dma_start3A_307 : memref<8x128xf32, #tpu.memory_space<vmem>>) target(%dma_start3A_303 : memref<8x128xf32, #tpu.memory_space<hbm>>) target_semaphore(%arg13 : memref<!tpu.dma_semaphore, #tpu.memory_space<semaphore_mem>>)
    %add3A_308 = arith.constant 640 : i32
    %add3A_309 = arith.addi %mul3A_42, %add3A_308 : i32
    %multiple_of3A_310 = tpu.assume_multiple %add3A_309, 128 : i32
    %dma_start3A_311 = arith.constant 1 : i32
    %dma_start3A_312 = arith.constant 40 : i32
    %dma_start3A_313 = arith.constant 0 : i32
    %dma_start3A_314 = tpu.memref_slice %arg7[%dma_start3A_311, %dma_start3A_312, %dma_start3A_313] : memref<4x64x128xf32, #tpu.memory_space<vmem>> -> memref<1x8x128xf32, #tpu.memory_space<vmem>>
    %dma_start3A_315 = tpu.memref_squeeze %dma_start3A_314 : memref<1x8x128xf32, #tpu.memory_space<vmem>> -> memref<8x128xf32, #tpu.memory_space<vmem>>
    %dma_start3A_316 = tpu.memref_slice %arg4[%multiple_of3A_237, %multiple_of3A_310] : memref<10000x4096xf32, #tpu.memory_space<hbm>> -> memref<8x128xf32, #tpu.memory_space<hbm>>
    %dma_start3A_317 = tpu.memref_slice %arg4[%multiple_of3A_237, %multiple_of3A_310] : memref<10000x4096xf32, #tpu.memory_space<hbm>> -> memref<8x128xf32, #tpu.memory_space<hbm>>
    %dma_start3A_318 = arith.constant 40 : i32
    %dma_start3A_319 = arith.constant 0 : i32
    %dma_start3A_320 = tpu.memref_slice %arg7[%dma_start3A_311, %dma_start3A_318, %dma_start3A_319] : memref<4x64x128xf32, #tpu.memory_space<vmem>> -> memref<1x8x128xf32, #tpu.memory_space<vmem>>
    %dma_start3A_321 = tpu.memref_squeeze %dma_start3A_320 : memref<1x8x128xf32, #tpu.memory_space<vmem>> -> memref<8x128xf32, #tpu.memory_space<vmem>>
    tpu.enqueue_dma source(%dma_start3A_321 : memref<8x128xf32, #tpu.memory_space<vmem>>) target(%dma_start3A_317 : memref<8x128xf32, #tpu.memory_space<hbm>>) target_semaphore(%arg13 : memref<!tpu.dma_semaphore, #tpu.memory_space<semaphore_mem>>)
    %add3A_322 = arith.constant 768 : i32
    %add3A_323 = arith.addi %mul3A_42, %add3A_322 : i32
    %multiple_of3A_324 = tpu.assume_multiple %add3A_323, 128 : i32
    %dma_start3A_325 = arith.constant 1 : i32
    %dma_start3A_326 = arith.constant 48 : i32
    %dma_start3A_327 = arith.constant 0 : i32
    %dma_start3A_328 = tpu.memref_slice %arg7[%dma_start3A_325, %dma_start3A_326, %dma_start3A_327] : memref<4x64x128xf32, #tpu.memory_space<vmem>> -> memref<1x8x128xf32, #tpu.memory_space<vmem>>
    %dma_start3A_329 = tpu.memref_squeeze %dma_start3A_328 : memref<1x8x128xf32, #tpu.memory_space<vmem>> -> memref<8x128xf32, #tpu.memory_space<vmem>>
    %dma_start3A_330 = tpu.memref_slice %arg4[%multiple_of3A_237, %multiple_of3A_324] : memref<10000x4096xf32, #tpu.memory_space<hbm>> -> memref<8x128xf32, #tpu.memory_space<hbm>>
    %dma_start3A_331 = tpu.memref_slice %arg4[%multiple_of3A_237, %multiple_of3A_324] : memref<10000x4096xf32, #tpu.memory_space<hbm>> -> memref<8x128xf32, #tpu.memory_space<hbm>>
    %dma_start3A_332 = arith.constant 48 : i32
    %dma_start3A_333 = arith.constant 0 : i32
    %dma_start3A_334 = tpu.memref_slice %arg7[%dma_start3A_325, %dma_start3A_332, %dma_start3A_333] : memref<4x64x128xf32, #tpu.memory_space<vmem>> -> memref<1x8x128xf32, #tpu.memory_space<vmem>>
    %dma_start3A_335 = tpu.memref_squeeze %dma_start3A_334 : memref<1x8x128xf32, #tpu.memory_space<vmem>> -> memref<8x128xf32, #tpu.memory_space<vmem>>
    tpu.enqueue_dma source(%dma_start3A_335 : memref<8x128xf32, #tpu.memory_space<vmem>>) target(%dma_start3A_331 : memref<8x128xf32, #tpu.memory_space<hbm>>) target_semaphore(%arg13 : memref<!tpu.dma_semaphore, #tpu.memory_space<semaphore_mem>>)
    %add3A_336 = arith.constant 896 : i32
    %add3A_337 = arith.addi %mul3A_42, %add3A_336 : i32
    %multiple_of3A_338 = tpu.assume_multiple %add3A_337, 128 : i32
    %dma_start3A_339 = arith.constant 1 : i32
    %dma_start3A_340 = arith.constant 56 : i32
    %dma_start3A_341 = arith.constant 0 : i32
    %dma_start3A_342 = tpu.memref_slice %arg7[%dma_start3A_339, %dma_start3A_340, %dma_start3A_341] : memref<4x64x128xf32, #tpu.memory_space<vmem>> -> memref<1x8x128xf32, #tpu.memory_space<vmem>>
    %dma_start3A_343 = tpu.memref_squeeze %dma_start3A_342 : memref<1x8x128xf32, #tpu.memory_space<vmem>> -> memref<8x128xf32, #tpu.memory_space<vmem>>
    %dma_start3A_344 = tpu.memref_slice %arg4[%multiple_of3A_237, %multiple_of3A_338] : memref<10000x4096xf32, #tpu.memory_space<hbm>> -> memref<8x128xf32, #tpu.memory_space<hbm>>
    %dma_start3A_345 = tpu.memref_slice %arg4[%multiple_of3A_237, %multiple_of3A_338] : memref<10000x4096xf32, #tpu.memory_space<hbm>> -> memref<8x128xf32, #tpu.memory_space<hbm>>
    %dma_start3A_346 = arith.constant 56 : i32
    %dma_start3A_347 = arith.constant 0 : i32
    %dma_start3A_348 = tpu.memref_slice %arg7[%dma_start3A_339, %dma_start3A_346, %dma_start3A_347] : memref<4x64x128xf32, #tpu.memory_space<vmem>> -> memref<1x8x128xf32, #tpu.memory_space<vmem>>
    %dma_start3A_349 = tpu.memref_squeeze %dma_start3A_348 : memref<1x8x128xf32, #tpu.memory_space<vmem>> -> memref<8x128xf32, #tpu.memory_space<vmem>>
    tpu.enqueue_dma source(%dma_start3A_349 : memref<8x128xf32, #tpu.memory_space<vmem>>) target(%dma_start3A_345 : memref<8x128xf32, #tpu.memory_space<hbm>>) target_semaphore(%arg13 : memref<!tpu.dma_semaphore, #tpu.memory_space<semaphore_mem>>)
    %dma_wait3A_350 = arith.constant 0 : i32
    %dma_wait3A_351 = arith.constant 0 : i32
    %dma_wait3A_352 = arith.constant 0 : i32
    %dma_wait3A_353 = tpu.memref_slice %arg7[%dma_wait3A_350, %dma_wait3A_351, %dma_wait3A_352] : memref<4x64x128xf32, #tpu.memory_space<vmem>> -> memref<1x8x128xf32, #tpu.memory_space<vmem>>
    %dma_wait3A_354 = tpu.memref_squeeze %dma_wait3A_353 : memref<1x8x128xf32, #tpu.memory_space<vmem>> -> memref<8x128xf32, #tpu.memory_space<vmem>>
    %dma_wait3A_355 = arith.constant 0 : i32
    %dma_wait3A_356 = arith.constant 0 : i32
    %dma_wait3A_357 = tpu.memref_slice %arg4[%dma_wait3A_355, %dma_wait3A_356] : memref<10000x4096xf32, #tpu.memory_space<hbm>> -> memref<8x128xf32, #tpu.memory_space<hbm>>
    %dma_wait3A_358 = arith.constant 0 : i32
    %dma_wait3A_359 = arith.constant 0 : i32
    %dma_wait3A_360 = tpu.memref_slice %arg4[%dma_wait3A_358, %dma_wait3A_359] : memref<10000x4096xf32, #tpu.memory_space<hbm>> -> memref<8x128xf32, #tpu.memory_space<hbm>>
    %dma_wait3A_361 = arith.constant 0 : i32
    %dma_wait3A_362 = arith.constant 0 : i32
    %dma_wait3A_363 = tpu.memref_slice %arg7[%dma_wait3A_350, %dma_wait3A_361, %dma_wait3A_362] : memref<4x64x128xf32, #tpu.memory_space<vmem>> -> memref<1x8x128xf32, #tpu.memory_space<vmem>>
    %dma_wait3A_364 = tpu.memref_squeeze %dma_wait3A_363 : memref<1x8x128xf32, #tpu.memory_space<vmem>> -> memref<8x128xf32, #tpu.memory_space<vmem>>
    tpu.wait_dma2 semaphore(%arg12 : memref<!tpu.dma_semaphore, #tpu.memory_space<semaphore_mem>>) src(%dma_wait3A_364 : memref<8x128xf32, #tpu.memory_space<vmem>>) dst(%dma_wait3A_360 : memref<8x128xf32, #tpu.memory_space<hbm>>)
    %dma_wait3A_365 = arith.constant 0 : i32
    %dma_wait3A_366 = arith.constant 8 : i32
    %dma_wait3A_367 = arith.constant 0 : i32
    %dma_wait3A_368 = tpu.memref_slice %arg7[%dma_wait3A_365, %dma_wait3A_366, %dma_wait3A_367] : memref<4x64x128xf32, #tpu.memory_space<vmem>> -> memref<1x8x128xf32, #tpu.memory_space<vmem>>
    %dma_wait3A_369 = tpu.memref_squeeze %dma_wait3A_368 : memref<1x8x128xf32, #tpu.memory_space<vmem>> -> memref<8x128xf32, #tpu.memory_space<vmem>>
    %dma_wait3A_370 = arith.constant 0 : i32
    %dma_wait3A_371 = arith.constant 128 : i32
    %dma_wait3A_372 = tpu.memref_slice %arg4[%dma_wait3A_370, %dma_wait3A_371] : memref<10000x4096xf32, #tpu.memory_space<hbm>> -> memref<8x128xf32, #tpu.memory_space<hbm>>
    %dma_wait3A_373 = arith.constant 0 : i32
    %dma_wait3A_374 = arith.constant 128 : i32
    %dma_wait3A_375 = tpu.memref_slice %arg4[%dma_wait3A_373, %dma_wait3A_374] : memref<10000x4096xf32, #tpu.memory_space<hbm>> -> memref<8x128xf32, #tpu.memory_space<hbm>>
    %dma_wait3A_376 = arith.constant 8 : i32
    %dma_wait3A_377 = arith.constant 0 : i32
    %dma_wait3A_378 = tpu.memref_slice %arg7[%dma_wait3A_365, %dma_wait3A_376, %dma_wait3A_377] : memref<4x64x128xf32, #tpu.memory_space<vmem>> -> memref<1x8x128xf32, #tpu.memory_space<vmem>>
    %dma_wait3A_379 = tpu.memref_squeeze %dma_wait3A_378 : memref<1x8x128xf32, #tpu.memory_space<vmem>> -> memref<8x128xf32, #tpu.memory_space<vmem>>
    tpu.wait_dma2 semaphore(%arg12 : memref<!tpu.dma_semaphore, #tpu.memory_space<semaphore_mem>>) src(%dma_wait3A_379 : memref<8x128xf32, #tpu.memory_space<vmem>>) dst(%dma_wait3A_375 : memref<8x128xf32, #tpu.memory_space<hbm>>)
    %dma_wait3A_380 = arith.constant 0 : i32
    %dma_wait3A_381 = arith.constant 16 : i32
    %dma_wait3A_382 = arith.constant 0 : i32
    %dma_wait3A_383 = tpu.memref_slice %arg7[%dma_wait3A_380, %dma_wait3A_381, %dma_wait3A_382] : memref<4x64x128xf32, #tpu.memory_space<vmem>> -> memref<1x8x128xf32, #tpu.memory_space<vmem>>
    %dma_wait3A_384 = tpu.memref_squeeze %dma_wait3A_383 : memref<1x8x128xf32, #tpu.memory_space<vmem>> -> memref<8x128xf32, #tpu.memory_space<vmem>>
    %dma_wait3A_385 = arith.constant 0 : i32
    %dma_wait3A_386 = arith.constant 256 : i32
    %dma_wait3A_387 = tpu.memref_slice %arg4[%dma_wait3A_385, %dma_wait3A_386] : memref<10000x4096xf32, #tpu.memory_space<hbm>> -> memref<8x128xf32, #tpu.memory_space<hbm>>
    %dma_wait3A_388 = arith.constant 0 : i32
    %dma_wait3A_389 = arith.constant 256 : i32
    %dma_wait3A_390 = tpu.memref_slice %arg4[%dma_wait3A_388, %dma_wait3A_389] : memref<10000x4096xf32, #tpu.memory_space<hbm>> -> memref<8x128xf32, #tpu.memory_space<hbm>>
    %dma_wait3A_391 = arith.constant 16 : i32
    %dma_wait3A_392 = arith.constant 0 : i32
    %dma_wait3A_393 = tpu.memref_slice %arg7[%dma_wait3A_380, %dma_wait3A_391, %dma_wait3A_392] : memref<4x64x128xf32, #tpu.memory_space<vmem>> -> memref<1x8x128xf32, #tpu.memory_space<vmem>>
    %dma_wait3A_394 = tpu.memref_squeeze %dma_wait3A_393 : memref<1x8x128xf32, #tpu.memory_space<vmem>> -> memref<8x128xf32, #tpu.memory_space<vmem>>
    tpu.wait_dma2 semaphore(%arg12 : memref<!tpu.dma_semaphore, #tpu.memory_space<semaphore_mem>>) src(%dma_wait3A_394 : memref<8x128xf32, #tpu.memory_space<vmem>>) dst(%dma_wait3A_390 : memref<8x128xf32, #tpu.memory_space<hbm>>)
    %dma_wait3A_395 = arith.constant 0 : i32
    %dma_wait3A_396 = arith.constant 24 : i32
    %dma_wait3A_397 = arith.constant 0 : i32
    %dma_wait3A_398 = tpu.memref_slice %arg7[%dma_wait3A_395, %dma_wait3A_396, %dma_wait3A_397] : memref<4x64x128xf32, #tpu.memory_space<vmem>> -> memref<1x8x128xf32, #tpu.memory_space<vmem>>
    %dma_wait3A_399 = tpu.memref_squeeze %dma_wait3A_398 : memref<1x8x128xf32, #tpu.memory_space<vmem>> -> memref<8x128xf32, #tpu.memory_space<vmem>>
    %dma_wait3A_400 = arith.constant 0 : i32
    %dma_wait3A_401 = arith.constant 384 : i32
    %dma_wait3A_402 = tpu.memref_slice %arg4[%dma_wait3A_400, %dma_wait3A_401] : memref<10000x4096xf32, #tpu.memory_space<hbm>> -> memref<8x128xf32, #tpu.memory_space<hbm>>
    %dma_wait3A_403 = arith.constant 0 : i32
    %dma_wait3A_404 = arith.constant 384 : i32
    %dma_wait3A_405 = tpu.memref_slice %arg4[%dma_wait3A_403, %dma_wait3A_404] : memref<10000x4096xf32, #tpu.memory_space<hbm>> -> memref<8x128xf32, #tpu.memory_space<hbm>>
    %dma_wait3A_406 = arith.constant 24 : i32
    %dma_wait3A_407 = arith.constant 0 : i32
    %dma_wait3A_408 = tpu.memref_slice %arg7[%dma_wait3A_395, %dma_wait3A_406, %dma_wait3A_407] : memref<4x64x128xf32, #tpu.memory_space<vmem>> -> memref<1x8x128xf32, #tpu.memory_space<vmem>>
    %dma_wait3A_409 = tpu.memref_squeeze %dma_wait3A_408 : memref<1x8x128xf32, #tpu.memory_space<vmem>> -> memref<8x128xf32, #tpu.memory_space<vmem>>
    tpu.wait_dma2 semaphore(%arg12 : memref<!tpu.dma_semaphore, #tpu.memory_space<semaphore_mem>>) src(%dma_wait3A_409 : memref<8x128xf32, #tpu.memory_space<vmem>>) dst(%dma_wait3A_405 : memref<8x128xf32, #tpu.memory_space<hbm>>)
    %dma_wait3A_410 = arith.constant 0 : i32
    %dma_wait3A_411 = arith.constant 32 : i32
    %dma_wait3A_412 = arith.constant 0 : i32
    %dma_wait3A_413 = tpu.memref_slice %arg7[%dma_wait3A_410, %dma_wait3A_411, %dma_wait3A_412] : memref<4x64x128xf32, #tpu.memory_space<vmem>> -> memref<1x8x128xf32, #tpu.memory_space<vmem>>
    %dma_wait3A_414 = tpu.memref_squeeze %dma_wait3A_413 : memref<1x8x128xf32, #tpu.memory_space<vmem>> -> memref<8x128xf32, #tpu.memory_space<vmem>>
    %dma_wait3A_415 = arith.constant 0 : i32
    %dma_wait3A_416 = arith.constant 512 : i32
    %dma_wait3A_417 = tpu.memref_slice %arg4[%dma_wait3A_415, %dma_wait3A_416] : memref<10000x4096xf32, #tpu.memory_space<hbm>> -> memref<8x128xf32, #tpu.memory_space<hbm>>
    %dma_wait3A_418 = arith.constant 0 : i32
    %dma_wait3A_419 = arith.constant 512 : i32
    %dma_wait3A_420 = tpu.memref_slice %arg4[%dma_wait3A_418, %dma_wait3A_419] : memref<10000x4096xf32, #tpu.memory_space<hbm>> -> memref<8x128xf32, #tpu.memory_space<hbm>>
    %dma_wait3A_421 = arith.constant 32 : i32
    %dma_wait3A_422 = arith.constant 0 : i32
    %dma_wait3A_423 = tpu.memref_slice %arg7[%dma_wait3A_410, %dma_wait3A_421, %dma_wait3A_422] : memref<4x64x128xf32, #tpu.memory_space<vmem>> -> memref<1x8x128xf32, #tpu.memory_space<vmem>>
    %dma_wait3A_424 = tpu.memref_squeeze %dma_wait3A_423 : memref<1x8x128xf32, #tpu.memory_space<vmem>> -> memref<8x128xf32, #tpu.memory_space<vmem>>
    tpu.wait_dma2 semaphore(%arg12 : memref<!tpu.dma_semaphore, #tpu.memory_space<semaphore_mem>>) src(%dma_wait3A_424 : memref<8x128xf32, #tpu.memory_space<vmem>>) dst(%dma_wait3A_420 : memref<8x128xf32, #tpu.memory_space<hbm>>)
    %dma_wait3A_425 = arith.constant 0 : i32
    %dma_wait3A_426 = arith.constant 40 : i32
    %dma_wait3A_427 = arith.constant 0 : i32
    %dma_wait3A_428 = tpu.memref_slice %arg7[%dma_wait3A_425, %dma_wait3A_426, %dma_wait3A_427] : memref<4x64x128xf32, #tpu.memory_space<vmem>> -> memref<1x8x128xf32, #tpu.memory_space<vmem>>
    %dma_wait3A_429 = tpu.memref_squeeze %dma_wait3A_428 : memref<1x8x128xf32, #tpu.memory_space<vmem>> -> memref<8x128xf32, #tpu.memory_space<vmem>>
    %dma_wait3A_430 = arith.constant 0 : i32
    %dma_wait3A_431 = arith.constant 640 : i32
    %dma_wait3A_432 = tpu.memref_slice %arg4[%dma_wait3A_430, %dma_wait3A_431] : memref<10000x4096xf32, #tpu.memory_space<hbm>> -> memref<8x128xf32, #tpu.memory_space<hbm>>
    %dma_wait3A_433 = arith.constant 0 : i32
    %dma_wait3A_434 = arith.constant 640 : i32
    %dma_wait3A_435 = tpu.memref_slice %arg4[%dma_wait3A_433, %dma_wait3A_434] : memref<10000x4096xf32, #tpu.memory_space<hbm>> -> memref<8x128xf32, #tpu.memory_space<hbm>>
    %dma_wait3A_436 = arith.constant 40 : i32
    %dma_wait3A_437 = arith.constant 0 : i32
    %dma_wait3A_438 = tpu.memref_slice %arg7[%dma_wait3A_425, %dma_wait3A_436, %dma_wait3A_437] : memref<4x64x128xf32, #tpu.memory_space<vmem>> -> memref<1x8x128xf32, #tpu.memory_space<vmem>>
    %dma_wait3A_439 = tpu.memref_squeeze %dma_wait3A_438 : memref<1x8x128xf32, #tpu.memory_space<vmem>> -> memref<8x128xf32, #tpu.memory_space<vmem>>
    tpu.wait_dma2 semaphore(%arg12 : memref<!tpu.dma_semaphore, #tpu.memory_space<semaphore_mem>>) src(%dma_wait3A_439 : memref<8x128xf32, #tpu.memory_space<vmem>>) dst(%dma_wait3A_435 : memref<8x128xf32, #tpu.memory_space<hbm>>)
    %dma_wait3A_440 = arith.constant 0 : i32
    %dma_wait3A_441 = arith.constant 48 : i32
    %dma_wait3A_442 = arith.constant 0 : i32
    %dma_wait3A_443 = tpu.memref_slice %arg7[%dma_wait3A_440, %dma_wait3A_441, %dma_wait3A_442] : memref<4x64x128xf32, #tpu.memory_space<vmem>> -> memref<1x8x128xf32, #tpu.memory_space<vmem>>
    %dma_wait3A_444 = tpu.memref_squeeze %dma_wait3A_443 : memref<1x8x128xf32, #tpu.memory_space<vmem>> -> memref<8x128xf32, #tpu.memory_space<vmem>>
    %dma_wait3A_445 = arith.constant 0 : i32
    %dma_wait3A_446 = arith.constant 768 : i32
    %dma_wait3A_447 = tpu.memref_slice %arg4[%dma_wait3A_445, %dma_wait3A_446] : memref<10000x4096xf32, #tpu.memory_space<hbm>> -> memref<8x128xf32, #tpu.memory_space<hbm>>
    %dma_wait3A_448 = arith.constant 0 : i32
    %dma_wait3A_449 = arith.constant 768 : i32
    %dma_wait3A_450 = tpu.memref_slice %arg4[%dma_wait3A_448, %dma_wait3A_449] : memref<10000x4096xf32, #tpu.memory_space<hbm>> -> memref<8x128xf32, #tpu.memory_space<hbm>>
    %dma_wait3A_451 = arith.constant 48 : i32
    %dma_wait3A_452 = arith.constant 0 : i32
    %dma_wait3A_453 = tpu.memref_slice %arg7[%dma_wait3A_440, %dma_wait3A_451, %dma_wait3A_452] : memref<4x64x128xf32, #tpu.memory_space<vmem>> -> memref<1x8x128xf32, #tpu.memory_space<vmem>>
    %dma_wait3A_454 = tpu.memref_squeeze %dma_wait3A_453 : memref<1x8x128xf32, #tpu.memory_space<vmem>> -> memref<8x128xf32, #tpu.memory_space<vmem>>
    tpu.wait_dma2 semaphore(%arg12 : memref<!tpu.dma_semaphore, #tpu.memory_space<semaphore_mem>>) src(%dma_wait3A_454 : memref<8x128xf32, #tpu.memory_space<vmem>>) dst(%dma_wait3A_450 : memref<8x128xf32, #tpu.memory_space<hbm>>)
    %dma_wait3A_455 = arith.constant 0 : i32
    %dma_wait3A_456 = arith.constant 56 : i32
    %dma_wait3A_457 = arith.constant 0 : i32
    %dma_wait3A_458 = tpu.memref_slice %arg7[%dma_wait3A_455, %dma_wait3A_456, %dma_wait3A_457] : memref<4x64x128xf32, #tpu.memory_space<vmem>> -> memref<1x8x128xf32, #tpu.memory_space<vmem>>
    %dma_wait3A_459 = tpu.memref_squeeze %dma_wait3A_458 : memref<1x8x128xf32, #tpu.memory_space<vmem>> -> memref<8x128xf32, #tpu.memory_space<vmem>>
    %dma_wait3A_460 = arith.constant 0 : i32
    %dma_wait3A_461 = arith.constant 896 : i32
    %dma_wait3A_462 = tpu.memref_slice %arg4[%dma_wait3A_460, %dma_wait3A_461] : memref<10000x4096xf32, #tpu.memory_space<hbm>> -> memref<8x128xf32, #tpu.memory_space<hbm>>
    %dma_wait3A_463 = arith.constant 0 : i32
    %dma_wait3A_464 = arith.constant 896 : i32
    %dma_wait3A_465 = tpu.memref_slice %arg4[%dma_wait3A_463, %dma_wait3A_464] : memref<10000x4096xf32, #tpu.memory_space<hbm>> -> memref<8x128xf32, #tpu.memory_space<hbm>>
    %dma_wait3A_466 = arith.constant 56 : i32
    %dma_wait3A_467 = arith.constant 0 : i32
    %dma_wait3A_468 = tpu.memref_slice %arg7[%dma_wait3A_455, %dma_wait3A_466, %dma_wait3A_467] : memref<4x64x128xf32, #tpu.memory_space<vmem>> -> memref<1x8x128xf32, #tpu.memory_space<vmem>>
    %dma_wait3A_469 = tpu.memref_squeeze %dma_wait3A_468 : memref<1x8x128xf32, #tpu.memory_space<vmem>> -> memref<8x128xf32, #tpu.memory_space<vmem>>
    tpu.wait_dma2 semaphore(%arg12 : memref<!tpu.dma_semaphore, #tpu.memory_space<semaphore_mem>>) src(%dma_wait3A_469 : memref<8x128xf32, #tpu.memory_space<vmem>>) dst(%dma_wait3A_465 : memref<8x128xf32, #tpu.memory_space<hbm>>)
    %multiple_of3A_470 = arith.constant 9984 : i32
    %multiple_of3A_471 = tpu.assume_multiple %multiple_of3A_470, 8 : i32
    %dma_start3A_472 = arith.constant 0 : i32
    %dma_start3A_473 = arith.constant 0 : i32
    %dma_start3A_474 = arith.constant 0 : i32
    %dma_start3A_475 = tpu.memref_slice %arg7[%dma_start3A_472, %dma_start3A_473, %dma_start3A_474] : memref<4x64x128xf32, #tpu.memory_space<vmem>> -> memref<1x64x128xf32, #tpu.memory_space<vmem>>
    %dma_start3A_476 = tpu.memref_squeeze %dma_start3A_475 : memref<1x64x128xf32, #tpu.memory_space<vmem>> -> memref<64x128xf32, #tpu.memory_space<vmem>>
    %dma_start3A_477 = tpu.memref_slice %arg6[%multiple_of3A_471] : memref<10048xi32, #tpu.memory_space<vmem>> -> memref<64xi32, #tpu.memory_space<vmem>>
    %dma_start3A_478 = arith.constant 0 : i32
    %dma_start3A_479 = arith.constant 0 : i32
    %dma_start3A_480 = tpu.memref_slice %arg5[%dma_start3A_478, %dma_start3A_479] : memref<10000x128xf32, #tpu.memory_space<vmem_shared>> -> memref<10000x128xf32, #tpu.memory_space<vmem_shared>>
    tpu.enqueue_indirect_dma source(%dma_start3A_480 : memref<10000x128xf32, #tpu.memory_space<vmem_shared>>) target(%dma_start3A_476 : memref<64x128xf32, #tpu.memory_space<vmem>>) offsets(%dma_start3A_477 : memref<64xi32, #tpu.memory_space<vmem>>) semaphore(%arg8 : memref<!tpu.dma_semaphore, #tpu.memory_space<semaphore_mem>>)
    %dma_wait3A_481 = arith.constant 2 : i32
    %dma_wait3A_482 = arith.constant 0 : i32
    %dma_wait3A_483 = arith.constant 0 : i32
    %dma_wait3A_484 = tpu.memref_slice %arg7[%dma_wait3A_481, %dma_wait3A_482, %dma_wait3A_483] : memref<4x64x128xf32, #tpu.memory_space<vmem>> -> memref<1x64x128xf32, #tpu.memory_space<vmem>>
    %dma_wait3A_485 = tpu.memref_squeeze %dma_wait3A_484 : memref<1x64x128xf32, #tpu.memory_space<vmem>> -> memref<64x128xf32, #tpu.memory_space<vmem>>
    %dma_wait3A_486 = arith.constant 0 : i32
    %dma_wait3A_487 = arith.constant 0 : i32
    %dma_wait3A_488 = tpu.memref_slice %arg2[%dma_wait3A_486, %dma_wait3A_487] : memref<10000x128xf32, #tpu.memory_space<hbm>> -> memref<64x128xf32, #tpu.memory_space<hbm>>
    %dma_wait3A_489 = arith.constant 0 : i32
    %dma_wait3A_490 = arith.constant 0 : i32
    %dma_wait3A_491 = tpu.memref_slice %arg7[%dma_wait3A_481, %dma_wait3A_489, %dma_wait3A_490] : memref<4x64x128xf32, #tpu.memory_space<vmem>> -> memref<1x64x128xf32, #tpu.memory_space<vmem>>
    %dma_wait3A_492 = tpu.memref_squeeze %dma_wait3A_491 : memref<1x64x128xf32, #tpu.memory_space<vmem>> -> memref<64x128xf32, #tpu.memory_space<vmem>>
    %dma_wait3A_493 = arith.constant 0 : i32
    %dma_wait3A_494 = arith.constant 0 : i32
    %dma_wait3A_495 = tpu.memref_slice %arg2[%dma_wait3A_493, %dma_wait3A_494] : memref<10000x128xf32, #tpu.memory_space<hbm>> -> memref<64x128xf32, #tpu.memory_space<hbm>>
    tpu.wait_dma2 semaphore(%arg10 : memref<!tpu.dma_semaphore, #tpu.memory_space<semaphore_mem>>) src(%dma_wait3A_495 : memref<64x128xf32, #tpu.memory_space<hbm>>) dst(%dma_wait3A_492 : memref<64x128xf32, #tpu.memory_space<vmem>>)
    %add3A_496 = arith.constant 9856 : i32
    %add3A_497 = arith.addi %add3A_496, %mul3A_25 : i32
    %multiple_of3A_498 = tpu.assume_multiple %add3A_497, 8 : i32
    %add3A_499 = arith.constant 0 : i32
    %add3A_500 = arith.addi %mul3A_42, %add3A_499 : i32
    %multiple_of3A_501 = tpu.assume_multiple %add3A_500, 128 : i32
    %dma_start3A_502 = arith.constant 2 : i32
    %dma_start3A_503 = arith.constant 0 : i32
    %dma_start3A_504 = arith.constant 0 : i32
    %dma_start3A_505 = tpu.memref_slice %arg7[%dma_start3A_502, %dma_start3A_503, %dma_start3A_504] : memref<4x64x128xf32, #tpu.memory_space<vmem>> -> memref<1x8x128xf32, #tpu.memory_space<vmem>>
    %dma_start3A_506 = tpu.memref_squeeze %dma_start3A_505 : memref<1x8x128xf32, #tpu.memory_space<vmem>> -> memref<8x128xf32, #tpu.memory_space<vmem>>
    %dma_start3A_507 = tpu.memref_slice %arg4[%multiple_of3A_498, %multiple_of3A_501] : memref<10000x4096xf32, #tpu.memory_space<hbm>> -> memref<8x128xf32, #tpu.memory_space<hbm>>
    %dma_start3A_508 = tpu.memref_slice %arg4[%multiple_of3A_498, %multiple_of3A_501] : memref<10000x4096xf32, #tpu.memory_space<hbm>> -> memref<8x128xf32, #tpu.memory_space<hbm>>
    %dma_start3A_509 = arith.constant 0 : i32
    %dma_start3A_510 = arith.constant 0 : i32
    %dma_start3A_511 = tpu.memref_slice %arg7[%dma_start3A_502, %dma_start3A_509, %dma_start3A_510] : memref<4x64x128xf32, #tpu.memory_space<vmem>> -> memref<1x8x128xf32, #tpu.memory_space<vmem>>
    %dma_start3A_512 = tpu.memref_squeeze %dma_start3A_511 : memref<1x8x128xf32, #tpu.memory_space<vmem>> -> memref<8x128xf32, #tpu.memory_space<vmem>>
    tpu.enqueue_dma source(%dma_start3A_512 : memref<8x128xf32, #tpu.memory_space<vmem>>) target(%dma_start3A_508 : memref<8x128xf32, #tpu.memory_space<hbm>>) target_semaphore(%arg14 : memref<!tpu.dma_semaphore, #tpu.memory_space<semaphore_mem>>)
    %add3A_513 = arith.constant 128 : i32
    %add3A_514 = arith.addi %mul3A_42, %add3A_513 : i32
    %multiple_of3A_515 = tpu.assume_multiple %add3A_514, 128 : i32
    %dma_start3A_516 = arith.constant 2 : i32
    %dma_start3A_517 = arith.constant 8 : i32
    %dma_start3A_518 = arith.constant 0 : i32
    %dma_start3A_519 = tpu.memref_slice %arg7[%dma_start3A_516, %dma_start3A_517, %dma_start3A_518] : memref<4x64x128xf32, #tpu.memory_space<vmem>> -> memref<1x8x128xf32, #tpu.memory_space<vmem>>
    %dma_start3A_520 = tpu.memref_squeeze %dma_start3A_519 : memref<1x8x128xf32, #tpu.memory_space<vmem>> -> memref<8x128xf32, #tpu.memory_space<vmem>>
    %dma_start3A_521 = tpu.memref_slice %arg4[%multiple_of3A_498, %multiple_of3A_515] : memref<10000x4096xf32, #tpu.memory_space<hbm>> -> memref<8x128xf32, #tpu.memory_space<hbm>>
    %dma_start3A_522 = tpu.memref_slice %arg4[%multiple_of3A_498, %multiple_of3A_515] : memref<10000x4096xf32, #tpu.memory_space<hbm>> -> memref<8x128xf32, #tpu.memory_space<hbm>>
    %dma_start3A_523 = arith.constant 8 : i32
    %dma_start3A_524 = arith.constant 0 : i32
    %dma_start3A_525 = tpu.memref_slice %arg7[%dma_start3A_516, %dma_start3A_523, %dma_start3A_524] : memref<4x64x128xf32, #tpu.memory_space<vmem>> -> memref<1x8x128xf32, #tpu.memory_space<vmem>>
    %dma_start3A_526 = tpu.memref_squeeze %dma_start3A_525 : memref<1x8x128xf32, #tpu.memory_space<vmem>> -> memref<8x128xf32, #tpu.memory_space<vmem>>
    tpu.enqueue_dma source(%dma_start3A_526 : memref<8x128xf32, #tpu.memory_space<vmem>>) target(%dma_start3A_522 : memref<8x128xf32, #tpu.memory_space<hbm>>) target_semaphore(%arg14 : memref<!tpu.dma_semaphore, #tpu.memory_space<semaphore_mem>>)
    %add3A_527 = arith.constant 256 : i32
    %add3A_528 = arith.addi %mul3A_42, %add3A_527 : i32
    %multiple_of3A_529 = tpu.assume_multiple %add3A_528, 128 : i32
    %dma_start3A_530 = arith.constant 2 : i32
    %dma_start3A_531 = arith.constant 16 : i32
    %dma_start3A_532 = arith.constant 0 : i32
    %dma_start3A_533 = tpu.memref_slice %arg7[%dma_start3A_530, %dma_start3A_531, %dma_start3A_532] : memref<4x64x128xf32, #tpu.memory_space<vmem>> -> memref<1x8x128xf32, #tpu.memory_space<vmem>>
    %dma_start3A_534 = tpu.memref_squeeze %dma_start3A_533 : memref<1x8x128xf32, #tpu.memory_space<vmem>> -> memref<8x128xf32, #tpu.memory_space<vmem>>
    %dma_start3A_535 = tpu.memref_slice %arg4[%multiple_of3A_498, %multiple_of3A_529] : memref<10000x4096xf32, #tpu.memory_space<hbm>> -> memref<8x128xf32, #tpu.memory_space<hbm>>
    %dma_start3A_536 = tpu.memref_slice %arg4[%multiple_of3A_498, %multiple_of3A_529] : memref<10000x4096xf32, #tpu.memory_space<hbm>> -> memref<8x128xf32, #tpu.memory_space<hbm>>
    %dma_start3A_537 = arith.constant 16 : i32
    %dma_start3A_538 = arith.constant 0 : i32
    %dma_start3A_539 = tpu.memref_slice %arg7[%dma_start3A_530, %dma_start3A_537, %dma_start3A_538] : memref<4x64x128xf32, #tpu.memory_space<vmem>> -> memref<1x8x128xf32, #tpu.memory_space<vmem>>
    %dma_start3A_540 = tpu.memref_squeeze %dma_start3A_539 : memref<1x8x128xf32, #tpu.memory_space<vmem>> -> memref<8x128xf32, #tpu.memory_space<vmem>>
    tpu.enqueue_dma source(%dma_start3A_540 : memref<8x128xf32, #tpu.memory_space<vmem>>) target(%dma_start3A_536 : memref<8x128xf32, #tpu.memory_space<hbm>>) target_semaphore(%arg14 : memref<!tpu.dma_semaphore, #tpu.memory_space<semaphore_mem>>)
    %add3A_541 = arith.constant 384 : i32
    %add3A_542 = arith.addi %mul3A_42, %add3A_541 : i32
    %multiple_of3A_543 = tpu.assume_multiple %add3A_542, 128 : i32
    %dma_start3A_544 = arith.constant 2 : i32
    %dma_start3A_545 = arith.constant 24 : i32
    %dma_start3A_546 = arith.constant 0 : i32
    %dma_start3A_547 = tpu.memref_slice %arg7[%dma_start3A_544, %dma_start3A_545, %dma_start3A_546] : memref<4x64x128xf32, #tpu.memory_space<vmem>> -> memref<1x8x128xf32, #tpu.memory_space<vmem>>
    %dma_start3A_548 = tpu.memref_squeeze %dma_start3A_547 : memref<1x8x128xf32, #tpu.memory_space<vmem>> -> memref<8x128xf32, #tpu.memory_space<vmem>>
    %dma_start3A_549 = tpu.memref_slice %arg4[%multiple_of3A_498, %multiple_of3A_543] : memref<10000x4096xf32, #tpu.memory_space<hbm>> -> memref<8x128xf32, #tpu.memory_space<hbm>>
    %dma_start3A_550 = tpu.memref_slice %arg4[%multiple_of3A_498, %multiple_of3A_543] : memref<10000x4096xf32, #tpu.memory_space<hbm>> -> memref<8x128xf32, #tpu.memory_space<hbm>>
    %dma_start3A_551 = arith.constant 24 : i32
    %dma_start3A_552 = arith.constant 0 : i32
    %dma_start3A_553 = tpu.memref_slice %arg7[%dma_start3A_544, %dma_start3A_551, %dma_start3A_552] : memref<4x64x128xf32, #tpu.memory_space<vmem>> -> memref<1x8x128xf32, #tpu.memory_space<vmem>>
    %dma_start3A_554 = tpu.memref_squeeze %dma_start3A_553 : memref<1x8x128xf32, #tpu.memory_space<vmem>> -> memref<8x128xf32, #tpu.memory_space<vmem>>
    tpu.enqueue_dma source(%dma_start3A_554 : memref<8x128xf32, #tpu.memory_space<vmem>>) target(%dma_start3A_550 : memref<8x128xf32, #tpu.memory_space<hbm>>) target_semaphore(%arg14 : memref<!tpu.dma_semaphore, #tpu.memory_space<semaphore_mem>>)
    %add3A_555 = arith.constant 512 : i32
    %add3A_556 = arith.addi %mul3A_42, %add3A_555 : i32
    %multiple_of3A_557 = tpu.assume_multiple %add3A_556, 128 : i32
    %dma_start3A_558 = arith.constant 2 : i32
    %dma_start3A_559 = arith.constant 32 : i32
    %dma_start3A_560 = arith.constant 0 : i32
    %dma_start3A_561 = tpu.memref_slice %arg7[%dma_start3A_558, %dma_start3A_559, %dma_start3A_560] : memref<4x64x128xf32, #tpu.memory_space<vmem>> -> memref<1x8x128xf32, #tpu.memory_space<vmem>>
    %dma_start3A_562 = tpu.memref_squeeze %dma_start3A_561 : memref<1x8x128xf32, #tpu.memory_space<vmem>> -> memref<8x128xf32, #tpu.memory_space<vmem>>
    %dma_start3A_563 = tpu.memref_slice %arg4[%multiple_of3A_498, %multiple_of3A_557] : memref<10000x4096xf32, #tpu.memory_space<hbm>> -> memref<8x128xf32, #tpu.memory_space<hbm>>
    %dma_start3A_564 = tpu.memref_slice %arg4[%multiple_of3A_498, %multiple_of3A_557] : memref<10000x4096xf32, #tpu.memory_space<hbm>> -> memref<8x128xf32, #tpu.memory_space<hbm>>
    %dma_start3A_565 = arith.constant 32 : i32
    %dma_start3A_566 = arith.constant 0 : i32
    %dma_start3A_567 = tpu.memref_slice %arg7[%dma_start3A_558, %dma_start3A_565, %dma_start3A_566] : memref<4x64x128xf32, #tpu.memory_space<vmem>> -> memref<1x8x128xf32, #tpu.memory_space<vmem>>
    %dma_start3A_568 = tpu.memref_squeeze %dma_start3A_567 : memref<1x8x128xf32, #tpu.memory_space<vmem>> -> memref<8x128xf32, #tpu.memory_space<vmem>>
    tpu.enqueue_dma source(%dma_start3A_568 : memref<8x128xf32, #tpu.memory_space<vmem>>) target(%dma_start3A_564 : memref<8x128xf32, #tpu.memory_space<hbm>>) target_semaphore(%arg14 : memref<!tpu.dma_semaphore, #tpu.memory_space<semaphore_mem>>)
    %add3A_569 = arith.constant 640 : i32
    %add3A_570 = arith.addi %mul3A_42, %add3A_569 : i32
    %multiple_of3A_571 = tpu.assume_multiple %add3A_570, 128 : i32
    %dma_start3A_572 = arith.constant 2 : i32
    %dma_start3A_573 = arith.constant 40 : i32
    %dma_start3A_574 = arith.constant 0 : i32
    %dma_start3A_575 = tpu.memref_slice %arg7[%dma_start3A_572, %dma_start3A_573, %dma_start3A_574] : memref<4x64x128xf32, #tpu.memory_space<vmem>> -> memref<1x8x128xf32, #tpu.memory_space<vmem>>
    %dma_start3A_576 = tpu.memref_squeeze %dma_start3A_575 : memref<1x8x128xf32, #tpu.memory_space<vmem>> -> memref<8x128xf32, #tpu.memory_space<vmem>>
    %dma_start3A_577 = tpu.memref_slice %arg4[%multiple_of3A_498, %multiple_of3A_571] : memref<10000x4096xf32, #tpu.memory_space<hbm>> -> memref<8x128xf32, #tpu.memory_space<hbm>>
    %dma_start3A_578 = tpu.memref_slice %arg4[%multiple_of3A_498, %multiple_of3A_571] : memref<10000x4096xf32, #tpu.memory_space<hbm>> -> memref<8x128xf32, #tpu.memory_space<hbm>>
    %dma_start3A_579 = arith.constant 40 : i32
    %dma_start3A_580 = arith.constant 0 : i32
    %dma_start3A_581 = tpu.memref_slice %arg7[%dma_start3A_572, %dma_start3A_579, %dma_start3A_580] : memref<4x64x128xf32, #tpu.memory_space<vmem>> -> memref<1x8x128xf32, #tpu.memory_space<vmem>>
    %dma_start3A_582 = tpu.memref_squeeze %dma_start3A_581 : memref<1x8x128xf32, #tpu.memory_space<vmem>> -> memref<8x128xf32, #tpu.memory_space<vmem>>
    tpu.enqueue_dma source(%dma_start3A_582 : memref<8x128xf32, #tpu.memory_space<vmem>>) target(%dma_start3A_578 : memref<8x128xf32, #tpu.memory_space<hbm>>) target_semaphore(%arg14 : memref<!tpu.dma_semaphore, #tpu.memory_space<semaphore_mem>>)
    %add3A_583 = arith.constant 768 : i32
    %add3A_584 = arith.addi %mul3A_42, %add3A_583 : i32
    %multiple_of3A_585 = tpu.assume_multiple %add3A_584, 128 : i32
    %dma_start3A_586 = arith.constant 2 : i32
    %dma_start3A_587 = arith.constant 48 : i32
    %dma_start3A_588 = arith.constant 0 : i32
    %dma_start3A_589 = tpu.memref_slice %arg7[%dma_start3A_586, %dma_start3A_587, %dma_start3A_588] : memref<4x64x128xf32, #tpu.memory_space<vmem>> -> memref<1x8x128xf32, #tpu.memory_space<vmem>>
    %dma_start3A_590 = tpu.memref_squeeze %dma_start3A_589 : memref<1x8x128xf32, #tpu.memory_space<vmem>> -> memref<8x128xf32, #tpu.memory_space<vmem>>
    %dma_start3A_591 = tpu.memref_slice %arg4[%multiple_of3A_498, %multiple_of3A_585] : memref<10000x4096xf32, #tpu.memory_space<hbm>> -> memref<8x128xf32, #tpu.memory_space<hbm>>
    %dma_start3A_592 = tpu.memref_slice %arg4[%multiple_of3A_498, %multiple_of3A_585] : memref<10000x4096xf32, #tpu.memory_space<hbm>> -> memref<8x128xf32, #tpu.memory_space<hbm>>
    %dma_start3A_593 = arith.constant 48 : i32
    %dma_start3A_594 = arith.constant 0 : i32
    %dma_start3A_595 = tpu.memref_slice %arg7[%dma_start3A_586, %dma_start3A_593, %dma_start3A_594] : memref<4x64x128xf32, #tpu.memory_space<vmem>> -> memref<1x8x128xf32, #tpu.memory_space<vmem>>
    %dma_start3A_596 = tpu.memref_squeeze %dma_start3A_595 : memref<1x8x128xf32, #tpu.memory_space<vmem>> -> memref<8x128xf32, #tpu.memory_space<vmem>>
    tpu.enqueue_dma source(%dma_start3A_596 : memref<8x128xf32, #tpu.memory_space<vmem>>) target(%dma_start3A_592 : memref<8x128xf32, #tpu.memory_space<hbm>>) target_semaphore(%arg14 : memref<!tpu.dma_semaphore, #tpu.memory_space<semaphore_mem>>)
    %add3A_597 = arith.constant 896 : i32
    %add3A_598 = arith.addi %mul3A_42, %add3A_597 : i32
    %multiple_of3A_599 = tpu.assume_multiple %add3A_598, 128 : i32
    %dma_start3A_600 = arith.constant 2 : i32
    %dma_start3A_601 = arith.constant 56 : i32
    %dma_start3A_602 = arith.constant 0 : i32
    %dma_start3A_603 = tpu.memref_slice %arg7[%dma_start3A_600, %dma_start3A_601, %dma_start3A_602] : memref<4x64x128xf32, #tpu.memory_space<vmem>> -> memref<1x8x128xf32, #tpu.memory_space<vmem>>
    %dma_start3A_604 = tpu.memref_squeeze %dma_start3A_603 : memref<1x8x128xf32, #tpu.memory_space<vmem>> -> memref<8x128xf32, #tpu.memory_space<vmem>>
    %dma_start3A_605 = tpu.memref_slice %arg4[%multiple_of3A_498, %multiple_of3A_599] : memref<10000x4096xf32, #tpu.memory_space<hbm>> -> memref<8x128xf32, #tpu.memory_space<hbm>>
    %dma_start3A_606 = tpu.memref_slice %arg4[%multiple_of3A_498, %multiple_of3A_599] : memref<10000x4096xf32, #tpu.memory_space<hbm>> -> memref<8x128xf32, #tpu.memory_space<hbm>>
    %dma_start3A_607 = arith.constant 56 : i32
    %dma_start3A_608 = arith.constant 0 : i32
    %dma_start3A_609 = tpu.memref_slice %arg7[%dma_start3A_600, %dma_start3A_607, %dma_start3A_608] : memref<4x64x128xf32, #tpu.memory_space<vmem>> -> memref<1x8x128xf32, #tpu.memory_space<vmem>>
    %dma_start3A_610 = tpu.memref_squeeze %dma_start3A_609 : memref<1x8x128xf32, #tpu.memory_space<vmem>> -> memref<8x128xf32, #tpu.memory_space<vmem>>
    tpu.enqueue_dma source(%dma_start3A_610 : memref<8x128xf32, #tpu.memory_space<vmem>>) target(%dma_start3A_606 : memref<8x128xf32, #tpu.memory_space<hbm>>) target_semaphore(%arg14 : memref<!tpu.dma_semaphore, #tpu.memory_space<semaphore_mem>>)
    %dma_wait3A_611 = arith.constant 3 : i32
    %dma_wait3A_612 = arith.constant 0 : i32
    %dma_wait3A_613 = arith.constant 0 : i32
    %dma_wait3A_614 = tpu.memref_slice %arg7[%dma_wait3A_611, %dma_wait3A_612, %dma_wait3A_613] : memref<4x64x128xf32, #tpu.memory_space<vmem>> -> memref<1x64x128xf32, #tpu.memory_space<vmem>>
    %dma_wait3A_615 = tpu.memref_squeeze %dma_wait3A_614 : memref<1x64x128xf32, #tpu.memory_space<vmem>> -> memref<64x128xf32, #tpu.memory_space<vmem>>
    %dma_wait3A_616 = arith.constant 0 : i32
    %dma_wait3A_617 = arith.constant 0 : i32
    %dma_wait3A_618 = tpu.memref_slice %arg2[%dma_wait3A_616, %dma_wait3A_617] : memref<10000x128xf32, #tpu.memory_space<hbm>> -> memref<64x128xf32, #tpu.memory_space<hbm>>
    %dma_wait3A_619 = arith.constant 0 : i32
    %dma_wait3A_620 = arith.constant 0 : i32
    %dma_wait3A_621 = tpu.memref_slice %arg7[%dma_wait3A_611, %dma_wait3A_619, %dma_wait3A_620] : memref<4x64x128xf32, #tpu.memory_space<vmem>> -> memref<1x64x128xf32, #tpu.memory_space<vmem>>
    %dma_wait3A_622 = tpu.memref_squeeze %dma_wait3A_621 : memref<1x64x128xf32, #tpu.memory_space<vmem>> -> memref<64x128xf32, #tpu.memory_space<vmem>>
    %dma_wait3A_623 = arith.constant 0 : i32
    %dma_wait3A_624 = arith.constant 0 : i32
    %dma_wait3A_625 = tpu.memref_slice %arg2[%dma_wait3A_623, %dma_wait3A_624] : memref<10000x128xf32, #tpu.memory_space<hbm>> -> memref<64x128xf32, #tpu.memory_space<hbm>>
    tpu.wait_dma2 semaphore(%arg11 : memref<!tpu.dma_semaphore, #tpu.memory_space<semaphore_mem>>) src(%dma_wait3A_625 : memref<64x128xf32, #tpu.memory_space<hbm>>) dst(%dma_wait3A_622 : memref<64x128xf32, #tpu.memory_space<vmem>>)
    %add3A_626 = arith.constant 9920 : i32
    %add3A_627 = arith.addi %add3A_626, %mul3A_25 : i32
    %multiple_of3A_628 = tpu.assume_multiple %add3A_627, 8 : i32
    %add3A_629 = arith.constant 0 : i32
    %add3A_630 = arith.addi %mul3A_42, %add3A_629 : i32
    %multiple_of3A_631 = tpu.assume_multiple %add3A_630, 128 : i32
    %dma_start3A_632 = arith.constant 3 : i32
    %dma_start3A_633 = arith.constant 0 : i32
    %dma_start3A_634 = arith.constant 0 : i32
    %dma_start3A_635 = tpu.memref_slice %arg7[%dma_start3A_632, %dma_start3A_633, %dma_start3A_634] : memref<4x64x128xf32, #tpu.memory_space<vmem>> -> memref<1x8x128xf32, #tpu.memory_space<vmem>>
    %dma_start3A_636 = tpu.memref_squeeze %dma_start3A_635 : memref<1x8x128xf32, #tpu.memory_space<vmem>> -> memref<8x128xf32, #tpu.memory_space<vmem>>
    %dma_start3A_637 = tpu.memref_slice %arg4[%multiple_of3A_628, %multiple_of3A_631] : memref<10000x4096xf32, #tpu.memory_space<hbm>> -> memref<8x128xf32, #tpu.memory_space<hbm>>
    %dma_start3A_638 = tpu.memref_slice %arg4[%multiple_of3A_628, %multiple_of3A_631] : memref<10000x4096xf32, #tpu.memory_space<hbm>> -> memref<8x128xf32, #tpu.memory_space<hbm>>
    %dma_start3A_639 = arith.constant 0 : i32
    %dma_start3A_640 = arith.constant 0 : i32
    %dma_start3A_641 = tpu.memref_slice %arg7[%dma_start3A_632, %dma_start3A_639, %dma_start3A_640] : memref<4x64x128xf32, #tpu.memory_space<vmem>> -> memref<1x8x128xf32, #tpu.memory_space<vmem>>
    %dma_start3A_642 = tpu.memref_squeeze %dma_start3A_641 : memref<1x8x128xf32, #tpu.memory_space<vmem>> -> memref<8x128xf32, #tpu.memory_space<vmem>>
    tpu.enqueue_dma source(%dma_start3A_642 : memref<8x128xf32, #tpu.memory_space<vmem>>) target(%dma_start3A_638 : memref<8x128xf32, #tpu.memory_space<hbm>>) target_semaphore(%arg15 : memref<!tpu.dma_semaphore, #tpu.memory_space<semaphore_mem>>)
    %add3A_643 = arith.constant 128 : i32
    %add3A_644 = arith.addi %mul3A_42, %add3A_643 : i32
    %multiple_of3A_645 = tpu.assume_multiple %add3A_644, 128 : i32
    %dma_start3A_646 = arith.constant 3 : i32
    %dma_start3A_647 = arith.constant 8 : i32
    %dma_start3A_648 = arith.constant 0 : i32
    %dma_start3A_649 = tpu.memref_slice %arg7[%dma_start3A_646, %dma_start3A_647, %dma_start3A_648] : memref<4x64x128xf32, #tpu.memory_space<vmem>> -> memref<1x8x128xf32, #tpu.memory_space<vmem>>
    %dma_start3A_650 = tpu.memref_squeeze %dma_start3A_649 : memref<1x8x128xf32, #tpu.memory_space<vmem>> -> memref<8x128xf32, #tpu.memory_space<vmem>>
    %dma_start3A_651 = tpu.memref_slice %arg4[%multiple_of3A_628, %multiple_of3A_645] : memref<10000x4096xf32, #tpu.memory_space<hbm>> -> memref<8x128xf32, #tpu.memory_space<hbm>>
    %dma_start3A_652 = tpu.memref_slice %arg4[%multiple_of3A_628, %multiple_of3A_645] : memref<10000x4096xf32, #tpu.memory_space<hbm>> -> memref<8x128xf32, #tpu.memory_space<hbm>>
    %dma_start3A_653 = arith.constant 8 : i32
    %dma_start3A_654 = arith.constant 0 : i32
    %dma_start3A_655 = tpu.memref_slice %arg7[%dma_start3A_646, %dma_start3A_653, %dma_start3A_654] : memref<4x64x128xf32, #tpu.memory_space<vmem>> -> memref<1x8x128xf32, #tpu.memory_space<vmem>>
    %dma_start3A_656 = tpu.memref_squeeze %dma_start3A_655 : memref<1x8x128xf32, #tpu.memory_space<vmem>> -> memref<8x128xf32, #tpu.memory_space<vmem>>
    tpu.enqueue_dma source(%dma_start3A_656 : memref<8x128xf32, #tpu.memory_space<vmem>>) target(%dma_start3A_652 : memref<8x128xf32, #tpu.memory_space<hbm>>) target_semaphore(%arg15 : memref<!tpu.dma_semaphore, #tpu.memory_space<semaphore_mem>>)
    %add3A_657 = arith.constant 256 : i32
    %add3A_658 = arith.addi %mul3A_42, %add3A_657 : i32
    %multiple_of3A_659 = tpu.assume_multiple %add3A_658, 128 : i32
    %dma_start3A_660 = arith.constant 3 : i32
    %dma_start3A_661 = arith.constant 16 : i32
    %dma_start3A_662 = arith.constant 0 : i32
    %dma_start3A_663 = tpu.memref_slice %arg7[%dma_start3A_660, %dma_start3A_661, %dma_start3A_662] : memref<4x64x128xf32, #tpu.memory_space<vmem>> -> memref<1x8x128xf32, #tpu.memory_space<vmem>>
    %dma_start3A_664 = tpu.memref_squeeze %dma_start3A_663 : memref<1x8x128xf32, #tpu.memory_space<vmem>> -> memref<8x128xf32, #tpu.memory_space<vmem>>
    %dma_start3A_665 = tpu.memref_slice %arg4[%multiple_of3A_628, %multiple_of3A_659] : memref<10000x4096xf32, #tpu.memory_space<hbm>> -> memref<8x128xf32, #tpu.memory_space<hbm>>
    %dma_start3A_666 = tpu.memref_slice %arg4[%multiple_of3A_628, %multiple_of3A_659] : memref<10000x4096xf32, #tpu.memory_space<hbm>> -> memref<8x128xf32, #tpu.memory_space<hbm>>
    %dma_start3A_667 = arith.constant 16 : i32
    %dma_start3A_668 = arith.constant 0 : i32
    %dma_start3A_669 = tpu.memref_slice %arg7[%dma_start3A_660, %dma_start3A_667, %dma_start3A_668] : memref<4x64x128xf32, #tpu.memory_space<vmem>> -> memref<1x8x128xf32, #tpu.memory_space<vmem>>
    %dma_start3A_670 = tpu.memref_squeeze %dma_start3A_669 : memref<1x8x128xf32, #tpu.memory_space<vmem>> -> memref<8x128xf32, #tpu.memory_space<vmem>>
    tpu.enqueue_dma source(%dma_start3A_670 : memref<8x128xf32, #tpu.memory_space<vmem>>) target(%dma_start3A_666 : memref<8x128xf32, #tpu.memory_space<hbm>>) target_semaphore(%arg15 : memref<!tpu.dma_semaphore, #tpu.memory_space<semaphore_mem>>)
    %add3A_671 = arith.constant 384 : i32
    %add3A_672 = arith.addi %mul3A_42, %add3A_671 : i32
    %multiple_of3A_673 = tpu.assume_multiple %add3A_672, 128 : i32
    %dma_start3A_674 = arith.constant 3 : i32
    %dma_start3A_675 = arith.constant 24 : i32
    %dma_start3A_676 = arith.constant 0 : i32
    %dma_start3A_677 = tpu.memref_slice %arg7[%dma_start3A_674, %dma_start3A_675, %dma_start3A_676] : memref<4x64x128xf32, #tpu.memory_space<vmem>> -> memref<1x8x128xf32, #tpu.memory_space<vmem>>
    %dma_start3A_678 = tpu.memref_squeeze %dma_start3A_677 : memref<1x8x128xf32, #tpu.memory_space<vmem>> -> memref<8x128xf32, #tpu.memory_space<vmem>>
    %dma_start3A_679 = tpu.memref_slice %arg4[%multiple_of3A_628, %multiple_of3A_673] : memref<10000x4096xf32, #tpu.memory_space<hbm>> -> memref<8x128xf32, #tpu.memory_space<hbm>>
    %dma_start3A_680 = tpu.memref_slice %arg4[%multiple_of3A_628, %multiple_of3A_673] : memref<10000x4096xf32, #tpu.memory_space<hbm>> -> memref<8x128xf32, #tpu.memory_space<hbm>>
    %dma_start3A_681 = arith.constant 24 : i32
    %dma_start3A_682 = arith.constant 0 : i32
    %dma_start3A_683 = tpu.memref_slice %arg7[%dma_start3A_674, %dma_start3A_681, %dma_start3A_682] : memref<4x64x128xf32, #tpu.memory_space<vmem>> -> memref<1x8x128xf32, #tpu.memory_space<vmem>>
    %dma_start3A_684 = tpu.memref_squeeze %dma_start3A_683 : memref<1x8x128xf32, #tpu.memory_space<vmem>> -> memref<8x128xf32, #tpu.memory_space<vmem>>
    tpu.enqueue_dma source(%dma_start3A_684 : memref<8x128xf32, #tpu.memory_space<vmem>>) target(%dma_start3A_680 : memref<8x128xf32, #tpu.memory_space<hbm>>) target_semaphore(%arg15 : memref<!tpu.dma_semaphore, #tpu.memory_space<semaphore_mem>>)
    %add3A_685 = arith.constant 512 : i32
    %add3A_686 = arith.addi %mul3A_42, %add3A_685 : i32
    %multiple_of3A_687 = tpu.assume_multiple %add3A_686, 128 : i32
    %dma_start3A_688 = arith.constant 3 : i32
    %dma_start3A_689 = arith.constant 32 : i32
    %dma_start3A_690 = arith.constant 0 : i32
    %dma_start3A_691 = tpu.memref_slice %arg7[%dma_start3A_688, %dma_start3A_689, %dma_start3A_690] : memref<4x64x128xf32, #tpu.memory_space<vmem>> -> memref<1x8x128xf32, #tpu.memory_space<vmem>>
    %dma_start3A_692 = tpu.memref_squeeze %dma_start3A_691 : memref<1x8x128xf32, #tpu.memory_space<vmem>> -> memref<8x128xf32, #tpu.memory_space<vmem>>
    %dma_start3A_693 = tpu.memref_slice %arg4[%multiple_of3A_628, %multiple_of3A_687] : memref<10000x4096xf32, #tpu.memory_space<hbm>> -> memref<8x128xf32, #tpu.memory_space<hbm>>
    %dma_start3A_694 = tpu.memref_slice %arg4[%multiple_of3A_628, %multiple_of3A_687] : memref<10000x4096xf32, #tpu.memory_space<hbm>> -> memref<8x128xf32, #tpu.memory_space<hbm>>
    %dma_start3A_695 = arith.constant 32 : i32
    %dma_start3A_696 = arith.constant 0 : i32
    %dma_start3A_697 = tpu.memref_slice %arg7[%dma_start3A_688, %dma_start3A_695, %dma_start3A_696] : memref<4x64x128xf32, #tpu.memory_space<vmem>> -> memref<1x8x128xf32, #tpu.memory_space<vmem>>
    %dma_start3A_698 = tpu.memref_squeeze %dma_start3A_697 : memref<1x8x128xf32, #tpu.memory_space<vmem>> -> memref<8x128xf32, #tpu.memory_space<vmem>>
    tpu.enqueue_dma source(%dma_start3A_698 : memref<8x128xf32, #tpu.memory_space<vmem>>) target(%dma_start3A_694 : memref<8x128xf32, #tpu.memory_space<hbm>>) target_semaphore(%arg15 : memref<!tpu.dma_semaphore, #tpu.memory_space<semaphore_mem>>)
    %add3A_699 = arith.constant 640 : i32
    %add3A_700 = arith.addi %mul3A_42, %add3A_699 : i32
    %multiple_of3A_701 = tpu.assume_multiple %add3A_700, 128 : i32
    %dma_start3A_702 = arith.constant 3 : i32
    %dma_start3A_703 = arith.constant 40 : i32
    %dma_start3A_704 = arith.constant 0 : i32
    %dma_start3A_705 = tpu.memref_slice %arg7[%dma_start3A_702, %dma_start3A_703, %dma_start3A_704] : memref<4x64x128xf32, #tpu.memory_space<vmem>> -> memref<1x8x128xf32, #tpu.memory_space<vmem>>
    %dma_start3A_706 = tpu.memref_squeeze %dma_start3A_705 : memref<1x8x128xf32, #tpu.memory_space<vmem>> -> memref<8x128xf32, #tpu.memory_space<vmem>>
    %dma_start3A_707 = tpu.memref_slice %arg4[%multiple_of3A_628, %multiple_of3A_701] : memref<10000x4096xf32, #tpu.memory_space<hbm>> -> memref<8x128xf32, #tpu.memory_space<hbm>>
    %dma_start3A_708 = tpu.memref_slice %arg4[%multiple_of3A_628, %multiple_of3A_701] : memref<10000x4096xf32, #tpu.memory_space<hbm>> -> memref<8x128xf32, #tpu.memory_space<hbm>>
    %dma_start3A_709 = arith.constant 40 : i32
    %dma_start3A_710 = arith.constant 0 : i32
    %dma_start3A_711 = tpu.memref_slice %arg7[%dma_start3A_702, %dma_start3A_709, %dma_start3A_710] : memref<4x64x128xf32, #tpu.memory_space<vmem>> -> memref<1x8x128xf32, #tpu.memory_space<vmem>>
    %dma_start3A_712 = tpu.memref_squeeze %dma_start3A_711 : memref<1x8x128xf32, #tpu.memory_space<vmem>> -> memref<8x128xf32, #tpu.memory_space<vmem>>
    tpu.enqueue_dma source(%dma_start3A_712 : memref<8x128xf32, #tpu.memory_space<vmem>>) target(%dma_start3A_708 : memref<8x128xf32, #tpu.memory_space<hbm>>) target_semaphore(%arg15 : memref<!tpu.dma_semaphore, #tpu.memory_space<semaphore_mem>>)
    %add3A_713 = arith.constant 768 : i32
    %add3A_714 = arith.addi %mul3A_42, %add3A_713 : i32
    %multiple_of3A_715 = tpu.assume_multiple %add3A_714, 128 : i32
    %dma_start3A_716 = arith.constant 3 : i32
    %dma_start3A_717 = arith.constant 48 : i32
    %dma_start3A_718 = arith.constant 0 : i32
    %dma_start3A_719 = tpu.memref_slice %arg7[%dma_start3A_716, %dma_start3A_717, %dma_start3A_718] : memref<4x64x128xf32, #tpu.memory_space<vmem>> -> memref<1x8x128xf32, #tpu.memory_space<vmem>>
    %dma_start3A_720 = tpu.memref_squeeze %dma_start3A_719 : memref<1x8x128xf32, #tpu.memory_space<vmem>> -> memref<8x128xf32, #tpu.memory_space<vmem>>
    %dma_start3A_721 = tpu.memref_slice %arg4[%multiple_of3A_628, %multiple_of3A_715] : memref<10000x4096xf32, #tpu.memory_space<hbm>> -> memref<8x128xf32, #tpu.memory_space<hbm>>
    %dma_start3A_722 = tpu.memref_slice %arg4[%multiple_of3A_628, %multiple_of3A_715] : memref<10000x4096xf32, #tpu.memory_space<hbm>> -> memref<8x128xf32, #tpu.memory_space<hbm>>
    %dma_start3A_723 = arith.constant 48 : i32
    %dma_start3A_724 = arith.constant 0 : i32
    %dma_start3A_725 = tpu.memref_slice %arg7[%dma_start3A_716, %dma_start3A_723, %dma_start3A_724] : memref<4x64x128xf32, #tpu.memory_space<vmem>> -> memref<1x8x128xf32, #tpu.memory_space<vmem>>
    %dma_start3A_726 = tpu.memref_squeeze %dma_start3A_725 : memref<1x8x128xf32, #tpu.memory_space<vmem>> -> memref<8x128xf32, #tpu.memory_space<vmem>>
    tpu.enqueue_dma source(%dma_start3A_726 : memref<8x128xf32, #tpu.memory_space<vmem>>) target(%dma_start3A_722 : memref<8x128xf32, #tpu.memory_space<hbm>>) target_semaphore(%arg15 : memref<!tpu.dma_semaphore, #tpu.memory_space<semaphore_mem>>)
    %add3A_727 = arith.constant 896 : i32
    %add3A_728 = arith.addi %mul3A_42, %add3A_727 : i32
    %multiple_of3A_729 = tpu.assume_multiple %add3A_728, 128 : i32
    %dma_start3A_730 = arith.constant 3 : i32
    %dma_start3A_731 = arith.constant 56 : i32
    %dma_start3A_732 = arith.constant 0 : i32
    %dma_start3A_733 = tpu.memref_slice %arg7[%dma_start3A_730, %dma_start3A_731, %dma_start3A_732] : memref<4x64x128xf32, #tpu.memory_space<vmem>> -> memref<1x8x128xf32, #tpu.memory_space<vmem>>
    %dma_start3A_734 = tpu.memref_squeeze %dma_start3A_733 : memref<1x8x128xf32, #tpu.memory_space<vmem>> -> memref<8x128xf32, #tpu.memory_space<vmem>>
    %dma_start3A_735 = tpu.memref_slice %arg4[%multiple_of3A_628, %multiple_of3A_729] : memref<10000x4096xf32, #tpu.memory_space<hbm>> -> memref<8x128xf32, #tpu.memory_space<hbm>>
    %dma_start3A_736 = tpu.memref_slice %arg4[%multiple_of3A_628, %multiple_of3A_729] : memref<10000x4096xf32, #tpu.memory_space<hbm>> -> memref<8x128xf32, #tpu.memory_space<hbm>>
    %dma_start3A_737 = arith.constant 56 : i32
    %dma_start3A_738 = arith.constant 0 : i32
    %dma_start3A_739 = tpu.memref_slice %arg7[%dma_start3A_730, %dma_start3A_737, %dma_start3A_738] : memref<4x64x128xf32, #tpu.memory_space<vmem>> -> memref<1x8x128xf32, #tpu.memory_space<vmem>>
    %dma_start3A_740 = tpu.memref_squeeze %dma_start3A_739 : memref<1x8x128xf32, #tpu.memory_space<vmem>> -> memref<8x128xf32, #tpu.memory_space<vmem>>
    tpu.enqueue_dma source(%dma_start3A_740 : memref<8x128xf32, #tpu.memory_space<vmem>>) target(%dma_start3A_736 : memref<8x128xf32, #tpu.memory_space<hbm>>) target_semaphore(%arg15 : memref<!tpu.dma_semaphore, #tpu.memory_space<semaphore_mem>>)
    %dma_wait3A_741 = arith.constant 0 : i32
    %dma_wait3A_742 = arith.constant 0 : i32
    %dma_wait3A_743 = arith.constant 0 : i32
    %dma_wait3A_744 = tpu.memref_slice %arg7[%dma_wait3A_741, %dma_wait3A_742, %dma_wait3A_743] : memref<4x64x128xf32, #tpu.memory_space<vmem>> -> memref<1x64x128xf32, #tpu.memory_space<vmem>>
    %dma_wait3A_745 = tpu.memref_squeeze %dma_wait3A_744 : memref<1x64x128xf32, #tpu.memory_space<vmem>> -> memref<64x128xf32, #tpu.memory_space<vmem>>
    %dma_wait3A_746 = arith.constant 0 : i32
    %dma_wait3A_747 = arith.constant 0 : i32
    %dma_wait3A_748 = tpu.memref_slice %arg2[%dma_wait3A_746, %dma_wait3A_747] : memref<10000x128xf32, #tpu.memory_space<hbm>> -> memref<64x128xf32, #tpu.memory_space<hbm>>
    %dma_wait3A_749 = arith.constant 0 : i32
    %dma_wait3A_750 = arith.constant 0 : i32
    %dma_wait3A_751 = tpu.memref_slice %arg7[%dma_wait3A_741, %dma_wait3A_749, %dma_wait3A_750] : memref<4x64x128xf32, #tpu.memory_space<vmem>> -> memref<1x64x128xf32, #tpu.memory_space<vmem>>
    %dma_wait3A_752 = tpu.memref_squeeze %dma_wait3A_751 : memref<1x64x128xf32, #tpu.memory_space<vmem>> -> memref<64x128xf32, #tpu.memory_space<vmem>>
    %dma_wait3A_753 = arith.constant 0 : i32
    %dma_wait3A_754 = arith.constant 0 : i32
    %dma_wait3A_755 = tpu.memref_slice %arg2[%dma_wait3A_753, %dma_wait3A_754] : memref<10000x128xf32, #tpu.memory_space<hbm>> -> memref<64x128xf32, #tpu.memory_space<hbm>>
    tpu.wait_dma2 semaphore(%arg8 : memref<!tpu.dma_semaphore, #tpu.memory_space<semaphore_mem>>) src(%dma_wait3A_755 : memref<64x128xf32, #tpu.memory_space<hbm>>) dst(%dma_wait3A_752 : memref<64x128xf32, #tpu.memory_space<vmem>>)
    %lt3A_756 = arith.constant 8 : i32
    %lt3A_757 = arith.cmpi slt, %add3A, %lt3A_756 : i32
    %convert_element_type3A_758 = arith.extui %lt3A_757 : i1 to i32
    %cond3A_759 = arith.constant 0 : i32
    %cond3A_760 = arith.cmpi ne, %convert_element_type3A_758, %cond3A_759 : i32
    scf.if %cond3A_760 {
      %add3A_1126 = arith.constant 9984 : i32
      %add3A_1127 = arith.addi %add3A_1126, %mul3A_25 : i32
      %multiple_of3A_1128 = tpu.assume_multiple %add3A_1127, 8 : i32
      %add3A_1129 = arith.constant 0 : i32
      %add3A_1130 = arith.addi %mul3A_42, %add3A_1129 : i32
      %multiple_of3A_1131 = tpu.assume_multiple %add3A_1130, 128 : i32
      %dma_start3A_1132 = arith.constant 0 : i32
      %dma_start3A_1133 = arith.constant 0 : i32
      %dma_start3A_1134 = arith.constant 0 : i32
      %dma_start3A_1135 = tpu.memref_slice %arg7[%dma_start3A_1132, %dma_start3A_1133, %dma_start3A_1134] : memref<4x64x128xf32, #tpu.memory_space<vmem>> -> memref<1x8x128xf32, #tpu.memory_space<vmem>>
      %dma_start3A_1136 = tpu.memref_squeeze %dma_start3A_1135 : memref<1x8x128xf32, #tpu.memory_space<vmem>> -> memref<8x128xf32, #tpu.memory_space<vmem>>
      %dma_start3A_1137 = tpu.memref_slice %arg4[%multiple_of3A_1128, %multiple_of3A_1131] : memref<10000x4096xf32, #tpu.memory_space<hbm>> -> memref<8x128xf32, #tpu.memory_space<hbm>>
      %dma_start3A_1138 = tpu.memref_slice %arg4[%multiple_of3A_1128, %multiple_of3A_1131] : memref<10000x4096xf32, #tpu.memory_space<hbm>> -> memref<8x128xf32, #tpu.memory_space<hbm>>
      %dma_start3A_1139 = arith.constant 0 : i32
      %dma_start3A_1140 = arith.constant 0 : i32
      %dma_start3A_1141 = tpu.memref_slice %arg7[%dma_start3A_1132, %dma_start3A_1139, %dma_start3A_1140] : memref<4x64x128xf32, #tpu.memory_space<vmem>> -> memref<1x8x128xf32, #tpu.memory_space<vmem>>
      %dma_start3A_1142 = tpu.memref_squeeze %dma_start3A_1141 : memref<1x8x128xf32, #tpu.memory_space<vmem>> -> memref<8x128xf32, #tpu.memory_space<vmem>>
      tpu.enqueue_dma source(%dma_start3A_1142 : memref<8x128xf32, #tpu.memory_space<vmem>>) target(%dma_start3A_1138 : memref<8x128xf32, #tpu.memory_space<hbm>>) target_semaphore(%arg12 : memref<!tpu.dma_semaphore, #tpu.memory_space<semaphore_mem>>)
      %add3A_1143 = arith.constant 128 : i32
      %add3A_1144 = arith.addi %mul3A_42, %add3A_1143 : i32
      %multiple_of3A_1145 = tpu.assume_multiple %add3A_1144, 128 : i32
      %dma_start3A_1146 = arith.constant 0 : i32
      %dma_start3A_1147 = arith.constant 8 : i32
      %dma_start3A_1148 = arith.constant 0 : i32
      %dma_start3A_1149 = tpu.memref_slice %arg7[%dma_start3A_1146, %dma_start3A_1147, %dma_start3A_1148] : memref<4x64x128xf32, #tpu.memory_space<vmem>> -> memref<1x8x128xf32, #tpu.memory_space<vmem>>
      %dma_start3A_1150 = tpu.memref_squeeze %dma_start3A_1149 : memref<1x8x128xf32, #tpu.memory_space<vmem>> -> memref<8x128xf32, #tpu.memory_space<vmem>>
      %dma_start3A_1151 = tpu.memref_slice %arg4[%multiple_of3A_1128, %multiple_of3A_1145] : memref<10000x4096xf32, #tpu.memory_space<hbm>> -> memref<8x128xf32, #tpu.memory_space<hbm>>
      %dma_start3A_1152 = tpu.memref_slice %arg4[%multiple_of3A_1128, %multiple_of3A_1145] : memref<10000x4096xf32, #tpu.memory_space<hbm>> -> memref<8x128xf32, #tpu.memory_space<hbm>>
      %dma_start3A_1153 = arith.constant 8 : i32
      %dma_start3A_1154 = arith.constant 0 : i32
      %dma_start3A_1155 = tpu.memref_slice %arg7[%dma_start3A_1146, %dma_start3A_1153, %dma_start3A_1154] : memref<4x64x128xf32, #tpu.memory_space<vmem>> -> memref<1x8x128xf32, #tpu.memory_space<vmem>>
      %dma_start3A_1156 = tpu.memref_squeeze %dma_start3A_1155 : memref<1x8x128xf32, #tpu.memory_space<vmem>> -> memref<8x128xf32, #tpu.memory_space<vmem>>
      tpu.enqueue_dma source(%dma_start3A_1156 : memref<8x128xf32, #tpu.memory_space<vmem>>) target(%dma_start3A_1152 : memref<8x128xf32, #tpu.memory_space<hbm>>) target_semaphore(%arg12 : memref<!tpu.dma_semaphore, #tpu.memory_space<semaphore_mem>>)
      %add3A_1157 = arith.constant 256 : i32
      %add3A_1158 = arith.addi %mul3A_42, %add3A_1157 : i32
      %multiple_of3A_1159 = tpu.assume_multiple %add3A_1158, 128 : i32
      %dma_start3A_1160 = arith.constant 0 : i32
      %dma_start3A_1161 = arith.constant 16 : i32
      %dma_start3A_1162 = arith.constant 0 : i32
      %dma_start3A_1163 = tpu.memref_slice %arg7[%dma_start3A_1160, %dma_start3A_1161, %dma_start3A_1162] : memref<4x64x128xf32, #tpu.memory_space<vmem>> -> memref<1x8x128xf32, #tpu.memory_space<vmem>>
      %dma_start3A_1164 = tpu.memref_squeeze %dma_start3A_1163 : memref<1x8x128xf32, #tpu.memory_space<vmem>> -> memref<8x128xf32, #tpu.memory_space<vmem>>
      %dma_start3A_1165 = tpu.memref_slice %arg4[%multiple_of3A_1128, %multiple_of3A_1159] : memref<10000x4096xf32, #tpu.memory_space<hbm>> -> memref<8x128xf32, #tpu.memory_space<hbm>>
      %dma_start3A_1166 = tpu.memref_slice %arg4[%multiple_of3A_1128, %multiple_of3A_1159] : memref<10000x4096xf32, #tpu.memory_space<hbm>> -> memref<8x128xf32, #tpu.memory_space<hbm>>
      %dma_start3A_1167 = arith.constant 16 : i32
      %dma_start3A_1168 = arith.constant 0 : i32
      %dma_start3A_1169 = tpu.memref_slice %arg7[%dma_start3A_1160, %dma_start3A_1167, %dma_start3A_1168] : memref<4x64x128xf32, #tpu.memory_space<vmem>> -> memref<1x8x128xf32, #tpu.memory_space<vmem>>
      %dma_start3A_1170 = tpu.memref_squeeze %dma_start3A_1169 : memref<1x8x128xf32, #tpu.memory_space<vmem>> -> memref<8x128xf32, #tpu.memory_space<vmem>>
      tpu.enqueue_dma source(%dma_start3A_1170 : memref<8x128xf32, #tpu.memory_space<vmem>>) target(%dma_start3A_1166 : memref<8x128xf32, #tpu.memory_space<hbm>>) target_semaphore(%arg12 : memref<!tpu.dma_semaphore, #tpu.memory_space<semaphore_mem>>)
      %add3A_1171 = arith.constant 384 : i32
      %add3A_1172 = arith.addi %mul3A_42, %add3A_1171 : i32
      %multiple_of3A_1173 = tpu.assume_multiple %add3A_1172, 128 : i32
      %dma_start3A_1174 = arith.constant 0 : i32
      %dma_start3A_1175 = arith.constant 24 : i32
      %dma_start3A_1176 = arith.constant 0 : i32
      %dma_start3A_1177 = tpu.memref_slice %arg7[%dma_start3A_1174, %dma_start3A_1175, %dma_start3A_1176] : memref<4x64x128xf32, #tpu.memory_space<vmem>> -> memref<1x8x128xf32, #tpu.memory_space<vmem>>
      %dma_start3A_1178 = tpu.memref_squeeze %dma_start3A_1177 : memref<1x8x128xf32, #tpu.memory_space<vmem>> -> memref<8x128xf32, #tpu.memory_space<vmem>>
      %dma_start3A_1179 = tpu.memref_slice %arg4[%multiple_of3A_1128, %multiple_of3A_1173] : memref<10000x4096xf32, #tpu.memory_space<hbm>> -> memref<8x128xf32, #tpu.memory_space<hbm>>
      %dma_start3A_1180 = tpu.memref_slice %arg4[%multiple_of3A_1128, %multiple_of3A_1173] : memref<10000x4096xf32, #tpu.memory_space<hbm>> -> memref<8x128xf32, #tpu.memory_space<hbm>>
      %dma_start3A_1181 = arith.constant 24 : i32
      %dma_start3A_1182 = arith.constant 0 : i32
      %dma_start3A_1183 = tpu.memref_slice %arg7[%dma_start3A_1174, %dma_start3A_1181, %dma_start3A_1182] : memref<4x64x128xf32, #tpu.memory_space<vmem>> -> memref<1x8x128xf32, #tpu.memory_space<vmem>>
      %dma_start3A_1184 = tpu.memref_squeeze %dma_start3A_1183 : memref<1x8x128xf32, #tpu.memory_space<vmem>> -> memref<8x128xf32, #tpu.memory_space<vmem>>
      tpu.enqueue_dma source(%dma_start3A_1184 : memref<8x128xf32, #tpu.memory_space<vmem>>) target(%dma_start3A_1180 : memref<8x128xf32, #tpu.memory_space<hbm>>) target_semaphore(%arg12 : memref<!tpu.dma_semaphore, #tpu.memory_space<semaphore_mem>>)
      %add3A_1185 = arith.constant 512 : i32
      %add3A_1186 = arith.addi %mul3A_42, %add3A_1185 : i32
      %multiple_of3A_1187 = tpu.assume_multiple %add3A_1186, 128 : i32
      %dma_start3A_1188 = arith.constant 0 : i32
      %dma_start3A_1189 = arith.constant 32 : i32
      %dma_start3A_1190 = arith.constant 0 : i32
      %dma_start3A_1191 = tpu.memref_slice %arg7[%dma_start3A_1188, %dma_start3A_1189, %dma_start3A_1190] : memref<4x64x128xf32, #tpu.memory_space<vmem>> -> memref<1x8x128xf32, #tpu.memory_space<vmem>>
      %dma_start3A_1192 = tpu.memref_squeeze %dma_start3A_1191 : memref<1x8x128xf32, #tpu.memory_space<vmem>> -> memref<8x128xf32, #tpu.memory_space<vmem>>
      %dma_start3A_1193 = tpu.memref_slice %arg4[%multiple_of3A_1128, %multiple_of3A_1187] : memref<10000x4096xf32, #tpu.memory_space<hbm>> -> memref<8x128xf32, #tpu.memory_space<hbm>>
      %dma_start3A_1194 = tpu.memref_slice %arg4[%multiple_of3A_1128, %multiple_of3A_1187] : memref<10000x4096xf32, #tpu.memory_space<hbm>> -> memref<8x128xf32, #tpu.memory_space<hbm>>
      %dma_start3A_1195 = arith.constant 32 : i32
      %dma_start3A_1196 = arith.constant 0 : i32
      %dma_start3A_1197 = tpu.memref_slice %arg7[%dma_start3A_1188, %dma_start3A_1195, %dma_start3A_1196] : memref<4x64x128xf32, #tpu.memory_space<vmem>> -> memref<1x8x128xf32, #tpu.memory_space<vmem>>
      %dma_start3A_1198 = tpu.memref_squeeze %dma_start3A_1197 : memref<1x8x128xf32, #tpu.memory_space<vmem>> -> memref<8x128xf32, #tpu.memory_space<vmem>>
      tpu.enqueue_dma source(%dma_start3A_1198 : memref<8x128xf32, #tpu.memory_space<vmem>>) target(%dma_start3A_1194 : memref<8x128xf32, #tpu.memory_space<hbm>>) target_semaphore(%arg12 : memref<!tpu.dma_semaphore, #tpu.memory_space<semaphore_mem>>)
      %add3A_1199 = arith.constant 640 : i32
      %add3A_1200 = arith.addi %mul3A_42, %add3A_1199 : i32
      %multiple_of3A_1201 = tpu.assume_multiple %add3A_1200, 128 : i32
      %dma_start3A_1202 = arith.constant 0 : i32
      %dma_start3A_1203 = arith.constant 40 : i32
      %dma_start3A_1204 = arith.constant 0 : i32
      %dma_start3A_1205 = tpu.memref_slice %arg7[%dma_start3A_1202, %dma_start3A_1203, %dma_start3A_1204] : memref<4x64x128xf32, #tpu.memory_space<vmem>> -> memref<1x8x128xf32, #tpu.memory_space<vmem>>
      %dma_start3A_1206 = tpu.memref_squeeze %dma_start3A_1205 : memref<1x8x128xf32, #tpu.memory_space<vmem>> -> memref<8x128xf32, #tpu.memory_space<vmem>>
      %dma_start3A_1207 = tpu.memref_slice %arg4[%multiple_of3A_1128, %multiple_of3A_1201] : memref<10000x4096xf32, #tpu.memory_space<hbm>> -> memref<8x128xf32, #tpu.memory_space<hbm>>
      %dma_start3A_1208 = tpu.memref_slice %arg4[%multiple_of3A_1128, %multiple_of3A_1201] : memref<10000x4096xf32, #tpu.memory_space<hbm>> -> memref<8x128xf32, #tpu.memory_space<hbm>>
      %dma_start3A_1209 = arith.constant 40 : i32
      %dma_start3A_1210 = arith.constant 0 : i32
      %dma_start3A_1211 = tpu.memref_slice %arg7[%dma_start3A_1202, %dma_start3A_1209, %dma_start3A_1210] : memref<4x64x128xf32, #tpu.memory_space<vmem>> -> memref<1x8x128xf32, #tpu.memory_space<vmem>>
      %dma_start3A_1212 = tpu.memref_squeeze %dma_start3A_1211 : memref<1x8x128xf32, #tpu.memory_space<vmem>> -> memref<8x128xf32, #tpu.memory_space<vmem>>
      tpu.enqueue_dma source(%dma_start3A_1212 : memref<8x128xf32, #tpu.memory_space<vmem>>) target(%dma_start3A_1208 : memref<8x128xf32, #tpu.memory_space<hbm>>) target_semaphore(%arg12 : memref<!tpu.dma_semaphore, #tpu.memory_space<semaphore_mem>>)
      %add3A_1213 = arith.constant 768 : i32
      %add3A_1214 = arith.addi %mul3A_42, %add3A_1213 : i32
      %multiple_of3A_1215 = tpu.assume_multiple %add3A_1214, 128 : i32
      %dma_start3A_1216 = arith.constant 0 : i32
      %dma_start3A_1217 = arith.constant 48 : i32
      %dma_start3A_1218 = arith.constant 0 : i32
      %dma_start3A_1219 = tpu.memref_slice %arg7[%dma_start3A_1216, %dma_start3A_1217, %dma_start3A_1218] : memref<4x64x128xf32, #tpu.memory_space<vmem>> -> memref<1x8x128xf32, #tpu.memory_space<vmem>>
      %dma_start3A_1220 = tpu.memref_squeeze %dma_start3A_1219 : memref<1x8x128xf32, #tpu.memory_space<vmem>> -> memref<8x128xf32, #tpu.memory_space<vmem>>
      %dma_start3A_1221 = tpu.memref_slice %arg4[%multiple_of3A_1128, %multiple_of3A_1215] : memref<10000x4096xf32, #tpu.memory_space<hbm>> -> memref<8x128xf32, #tpu.memory_space<hbm>>
      %dma_start3A_1222 = tpu.memref_slice %arg4[%multiple_of3A_1128, %multiple_of3A_1215] : memref<10000x4096xf32, #tpu.memory_space<hbm>> -> memref<8x128xf32, #tpu.memory_space<hbm>>
      %dma_start3A_1223 = arith.constant 48 : i32
      %dma_start3A_1224 = arith.constant 0 : i32
      %dma_start3A_1225 = tpu.memref_slice %arg7[%dma_start3A_1216, %dma_start3A_1223, %dma_start3A_1224] : memref<4x64x128xf32, #tpu.memory_space<vmem>> -> memref<1x8x128xf32, #tpu.memory_space<vmem>>
      %dma_start3A_1226 = tpu.memref_squeeze %dma_start3A_1225 : memref<1x8x128xf32, #tpu.memory_space<vmem>> -> memref<8x128xf32, #tpu.memory_space<vmem>>
      tpu.enqueue_dma source(%dma_start3A_1226 : memref<8x128xf32, #tpu.memory_space<vmem>>) target(%dma_start3A_1222 : memref<8x128xf32, #tpu.memory_space<hbm>>) target_semaphore(%arg12 : memref<!tpu.dma_semaphore, #tpu.memory_space<semaphore_mem>>)
      %add3A_1227 = arith.constant 896 : i32
      %add3A_1228 = arith.addi %mul3A_42, %add3A_1227 : i32
      %multiple_of3A_1229 = tpu.assume_multiple %add3A_1228, 128 : i32
      %dma_start3A_1230 = arith.constant 0 : i32
      %dma_start3A_1231 = arith.constant 56 : i32
      %dma_start3A_1232 = arith.constant 0 : i32
      %dma_start3A_1233 = tpu.memref_slice %arg7[%dma_start3A_1230, %dma_start3A_1231, %dma_start3A_1232] : memref<4x64x128xf32, #tpu.memory_space<vmem>> -> memref<1x8x128xf32, #tpu.memory_space<vmem>>
      %dma_start3A_1234 = tpu.memref_squeeze %dma_start3A_1233 : memref<1x8x128xf32, #tpu.memory_space<vmem>> -> memref<8x128xf32, #tpu.memory_space<vmem>>
      %dma_start3A_1235 = tpu.memref_slice %arg4[%multiple_of3A_1128, %multiple_of3A_1229] : memref<10000x4096xf32, #tpu.memory_space<hbm>> -> memref<8x128xf32, #tpu.memory_space<hbm>>
      %dma_start3A_1236 = tpu.memref_slice %arg4[%multiple_of3A_1128, %multiple_of3A_1229] : memref<10000x4096xf32, #tpu.memory_space<hbm>> -> memref<8x128xf32, #tpu.memory_space<hbm>>
      %dma_start3A_1237 = arith.constant 56 : i32
      %dma_start3A_1238 = arith.constant 0 : i32
      %dma_start3A_1239 = tpu.memref_slice %arg7[%dma_start3A_1230, %dma_start3A_1237, %dma_start3A_1238] : memref<4x64x128xf32, #tpu.memory_space<vmem>> -> memref<1x8x128xf32, #tpu.memory_space<vmem>>
      %dma_start3A_1240 = tpu.memref_squeeze %dma_start3A_1239 : memref<1x8x128xf32, #tpu.memory_space<vmem>> -> memref<8x128xf32, #tpu.memory_space<vmem>>
      tpu.enqueue_dma source(%dma_start3A_1240 : memref<8x128xf32, #tpu.memory_space<vmem>>) target(%dma_start3A_1236 : memref<8x128xf32, #tpu.memory_space<hbm>>) target_semaphore(%arg12 : memref<!tpu.dma_semaphore, #tpu.memory_space<semaphore_mem>>)
    } else {
    }
    %dma_wait3A_761 = arith.constant 1 : i32
    %dma_wait3A_762 = arith.constant 0 : i32
    %dma_wait3A_763 = arith.constant 0 : i32
    %dma_wait3A_764 = tpu.memref_slice %arg7[%dma_wait3A_761, %dma_wait3A_762, %dma_wait3A_763] : memref<4x64x128xf32, #tpu.memory_space<vmem>> -> memref<1x8x128xf32, #tpu.memory_space<vmem>>
    %dma_wait3A_765 = tpu.memref_squeeze %dma_wait3A_764 : memref<1x8x128xf32, #tpu.memory_space<vmem>> -> memref<8x128xf32, #tpu.memory_space<vmem>>
    %dma_wait3A_766 = arith.constant 0 : i32
    %dma_wait3A_767 = arith.constant 0 : i32
    %dma_wait3A_768 = tpu.memref_slice %arg4[%dma_wait3A_766, %dma_wait3A_767] : memref<10000x4096xf32, #tpu.memory_space<hbm>> -> memref<8x128xf32, #tpu.memory_space<hbm>>
    %dma_wait3A_769 = arith.constant 0 : i32
    %dma_wait3A_770 = arith.constant 0 : i32
    %dma_wait3A_771 = tpu.memref_slice %arg4[%dma_wait3A_769, %dma_wait3A_770] : memref<10000x4096xf32, #tpu.memory_space<hbm>> -> memref<8x128xf32, #tpu.memory_space<hbm>>
    %dma_wait3A_772 = arith.constant 0 : i32
    %dma_wait3A_773 = arith.constant 0 : i32
    %dma_wait3A_774 = tpu.memref_slice %arg7[%dma_wait3A_761, %dma_wait3A_772, %dma_wait3A_773] : memref<4x64x128xf32, #tpu.memory_space<vmem>> -> memref<1x8x128xf32, #tpu.memory_space<vmem>>
    %dma_wait3A_775 = tpu.memref_squeeze %dma_wait3A_774 : memref<1x8x128xf32, #tpu.memory_space<vmem>> -> memref<8x128xf32, #tpu.memory_space<vmem>>
    tpu.wait_dma2 semaphore(%arg13 : memref<!tpu.dma_semaphore, #tpu.memory_space<semaphore_mem>>) src(%dma_wait3A_775 : memref<8x128xf32, #tpu.memory_space<vmem>>) dst(%dma_wait3A_771 : memref<8x128xf32, #tpu.memory_space<hbm>>)
    %dma_wait3A_776 = arith.constant 1 : i32
    %dma_wait3A_777 = arith.constant 8 : i32
    %dma_wait3A_778 = arith.constant 0 : i32
    %dma_wait3A_779 = tpu.memref_slice %arg7[%dma_wait3A_776, %dma_wait3A_777, %dma_wait3A_778] : memref<4x64x128xf32, #tpu.memory_space<vmem>> -> memref<1x8x128xf32, #tpu.memory_space<vmem>>
    %dma_wait3A_780 = tpu.memref_squeeze %dma_wait3A_779 : memref<1x8x128xf32, #tpu.memory_space<vmem>> -> memref<8x128xf32, #tpu.memory_space<vmem>>
    %dma_wait3A_781 = arith.constant 0 : i32
    %dma_wait3A_782 = arith.constant 128 : i32
    %dma_wait3A_783 = tpu.memref_slice %arg4[%dma_wait3A_781, %dma_wait3A_782] : memref<10000x4096xf32, #tpu.memory_space<hbm>> -> memref<8x128xf32, #tpu.memory_space<hbm>>
    %dma_wait3A_784 = arith.constant 0 : i32
    %dma_wait3A_785 = arith.constant 128 : i32
    %dma_wait3A_786 = tpu.memref_slice %arg4[%dma_wait3A_784, %dma_wait3A_785] : memref<10000x4096xf32, #tpu.memory_space<hbm>> -> memref<8x128xf32, #tpu.memory_space<hbm>>
    %dma_wait3A_787 = arith.constant 8 : i32
    %dma_wait3A_788 = arith.constant 0 : i32
    %dma_wait3A_789 = tpu.memref_slice %arg7[%dma_wait3A_776, %dma_wait3A_787, %dma_wait3A_788] : memref<4x64x128xf32, #tpu.memory_space<vmem>> -> memref<1x8x128xf32, #tpu.memory_space<vmem>>
    %dma_wait3A_790 = tpu.memref_squeeze %dma_wait3A_789 : memref<1x8x128xf32, #tpu.memory_space<vmem>> -> memref<8x128xf32, #tpu.memory_space<vmem>>
    tpu.wait_dma2 semaphore(%arg13 : memref<!tpu.dma_semaphore, #tpu.memory_space<semaphore_mem>>) src(%dma_wait3A_790 : memref<8x128xf32, #tpu.memory_space<vmem>>) dst(%dma_wait3A_786 : memref<8x128xf32, #tpu.memory_space<hbm>>)
    %dma_wait3A_791 = arith.constant 1 : i32
    %dma_wait3A_792 = arith.constant 16 : i32
    %dma_wait3A_793 = arith.constant 0 : i32
    %dma_wait3A_794 = tpu.memref_slice %arg7[%dma_wait3A_791, %dma_wait3A_792, %dma_wait3A_793] : memref<4x64x128xf32, #tpu.memory_space<vmem>> -> memref<1x8x128xf32, #tpu.memory_space<vmem>>
    %dma_wait3A_795 = tpu.memref_squeeze %dma_wait3A_794 : memref<1x8x128xf32, #tpu.memory_space<vmem>> -> memref<8x128xf32, #tpu.memory_space<vmem>>
    %dma_wait3A_796 = arith.constant 0 : i32
    %dma_wait3A_797 = arith.constant 256 : i32
    %dma_wait3A_798 = tpu.memref_slice %arg4[%dma_wait3A_796, %dma_wait3A_797] : memref<10000x4096xf32, #tpu.memory_space<hbm>> -> memref<8x128xf32, #tpu.memory_space<hbm>>
    %dma_wait3A_799 = arith.constant 0 : i32
    %dma_wait3A_800 = arith.constant 256 : i32
    %dma_wait3A_801 = tpu.memref_slice %arg4[%dma_wait3A_799, %dma_wait3A_800] : memref<10000x4096xf32, #tpu.memory_space<hbm>> -> memref<8x128xf32, #tpu.memory_space<hbm>>
    %dma_wait3A_802 = arith.constant 16 : i32
    %dma_wait3A_803 = arith.constant 0 : i32
    %dma_wait3A_804 = tpu.memref_slice %arg7[%dma_wait3A_791, %dma_wait3A_802, %dma_wait3A_803] : memref<4x64x128xf32, #tpu.memory_space<vmem>> -> memref<1x8x128xf32, #tpu.memory_space<vmem>>
    %dma_wait3A_805 = tpu.memref_squeeze %dma_wait3A_804 : memref<1x8x128xf32, #tpu.memory_space<vmem>> -> memref<8x128xf32, #tpu.memory_space<vmem>>
    tpu.wait_dma2 semaphore(%arg13 : memref<!tpu.dma_semaphore, #tpu.memory_space<semaphore_mem>>) src(%dma_wait3A_805 : memref<8x128xf32, #tpu.memory_space<vmem>>) dst(%dma_wait3A_801 : memref<8x128xf32, #tpu.memory_space<hbm>>)
    %dma_wait3A_806 = arith.constant 1 : i32
    %dma_wait3A_807 = arith.constant 24 : i32
    %dma_wait3A_808 = arith.constant 0 : i32
    %dma_wait3A_809 = tpu.memref_slice %arg7[%dma_wait3A_806, %dma_wait3A_807, %dma_wait3A_808] : memref<4x64x128xf32, #tpu.memory_space<vmem>> -> memref<1x8x128xf32, #tpu.memory_space<vmem>>
    %dma_wait3A_810 = tpu.memref_squeeze %dma_wait3A_809 : memref<1x8x128xf32, #tpu.memory_space<vmem>> -> memref<8x128xf32, #tpu.memory_space<vmem>>
    %dma_wait3A_811 = arith.constant 0 : i32
    %dma_wait3A_812 = arith.constant 384 : i32
    %dma_wait3A_813 = tpu.memref_slice %arg4[%dma_wait3A_811, %dma_wait3A_812] : memref<10000x4096xf32, #tpu.memory_space<hbm>> -> memref<8x128xf32, #tpu.memory_space<hbm>>
    %dma_wait3A_814 = arith.constant 0 : i32
    %dma_wait3A_815 = arith.constant 384 : i32
    %dma_wait3A_816 = tpu.memref_slice %arg4[%dma_wait3A_814, %dma_wait3A_815] : memref<10000x4096xf32, #tpu.memory_space<hbm>> -> memref<8x128xf32, #tpu.memory_space<hbm>>
    %dma_wait3A_817 = arith.constant 24 : i32
    %dma_wait3A_818 = arith.constant 0 : i32
    %dma_wait3A_819 = tpu.memref_slice %arg7[%dma_wait3A_806, %dma_wait3A_817, %dma_wait3A_818] : memref<4x64x128xf32, #tpu.memory_space<vmem>> -> memref<1x8x128xf32, #tpu.memory_space<vmem>>
    %dma_wait3A_820 = tpu.memref_squeeze %dma_wait3A_819 : memref<1x8x128xf32, #tpu.memory_space<vmem>> -> memref<8x128xf32, #tpu.memory_space<vmem>>
    tpu.wait_dma2 semaphore(%arg13 : memref<!tpu.dma_semaphore, #tpu.memory_space<semaphore_mem>>) src(%dma_wait3A_820 : memref<8x128xf32, #tpu.memory_space<vmem>>) dst(%dma_wait3A_816 : memref<8x128xf32, #tpu.memory_space<hbm>>)
    %dma_wait3A_821 = arith.constant 1 : i32
    %dma_wait3A_822 = arith.constant 32 : i32
    %dma_wait3A_823 = arith.constant 0 : i32
    %dma_wait3A_824 = tpu.memref_slice %arg7[%dma_wait3A_821, %dma_wait3A_822, %dma_wait3A_823] : memref<4x64x128xf32, #tpu.memory_space<vmem>> -> memref<1x8x128xf32, #tpu.memory_space<vmem>>
    %dma_wait3A_825 = tpu.memref_squeeze %dma_wait3A_824 : memref<1x8x128xf32, #tpu.memory_space<vmem>> -> memref<8x128xf32, #tpu.memory_space<vmem>>
    %dma_wait3A_826 = arith.constant 0 : i32
    %dma_wait3A_827 = arith.constant 512 : i32
    %dma_wait3A_828 = tpu.memref_slice %arg4[%dma_wait3A_826, %dma_wait3A_827] : memref<10000x4096xf32, #tpu.memory_space<hbm>> -> memref<8x128xf32, #tpu.memory_space<hbm>>
    %dma_wait3A_829 = arith.constant 0 : i32
    %dma_wait3A_830 = arith.constant 512 : i32
    %dma_wait3A_831 = tpu.memref_slice %arg4[%dma_wait3A_829, %dma_wait3A_830] : memref<10000x4096xf32, #tpu.memory_space<hbm>> -> memref<8x128xf32, #tpu.memory_space<hbm>>
    %dma_wait3A_832 = arith.constant 32 : i32
    %dma_wait3A_833 = arith.constant 0 : i32
    %dma_wait3A_834 = tpu.memref_slice %arg7[%dma_wait3A_821, %dma_wait3A_832, %dma_wait3A_833] : memref<4x64x128xf32, #tpu.memory_space<vmem>> -> memref<1x8x128xf32, #tpu.memory_space<vmem>>
    %dma_wait3A_835 = tpu.memref_squeeze %dma_wait3A_834 : memref<1x8x128xf32, #tpu.memory_space<vmem>> -> memref<8x128xf32, #tpu.memory_space<vmem>>
    tpu.wait_dma2 semaphore(%arg13 : memref<!tpu.dma_semaphore, #tpu.memory_space<semaphore_mem>>) src(%dma_wait3A_835 : memref<8x128xf32, #tpu.memory_space<vmem>>) dst(%dma_wait3A_831 : memref<8x128xf32, #tpu.memory_space<hbm>>)
    %dma_wait3A_836 = arith.constant 1 : i32
    %dma_wait3A_837 = arith.constant 40 : i32
    %dma_wait3A_838 = arith.constant 0 : i32
    %dma_wait3A_839 = tpu.memref_slice %arg7[%dma_wait3A_836, %dma_wait3A_837, %dma_wait3A_838] : memref<4x64x128xf32, #tpu.memory_space<vmem>> -> memref<1x8x128xf32, #tpu.memory_space<vmem>>
    %dma_wait3A_840 = tpu.memref_squeeze %dma_wait3A_839 : memref<1x8x128xf32, #tpu.memory_space<vmem>> -> memref<8x128xf32, #tpu.memory_space<vmem>>
    %dma_wait3A_841 = arith.constant 0 : i32
    %dma_wait3A_842 = arith.constant 640 : i32
    %dma_wait3A_843 = tpu.memref_slice %arg4[%dma_wait3A_841, %dma_wait3A_842] : memref<10000x4096xf32, #tpu.memory_space<hbm>> -> memref<8x128xf32, #tpu.memory_space<hbm>>
    %dma_wait3A_844 = arith.constant 0 : i32
    %dma_wait3A_845 = arith.constant 640 : i32
    %dma_wait3A_846 = tpu.memref_slice %arg4[%dma_wait3A_844, %dma_wait3A_845] : memref<10000x4096xf32, #tpu.memory_space<hbm>> -> memref<8x128xf32, #tpu.memory_space<hbm>>
    %dma_wait3A_847 = arith.constant 40 : i32
    %dma_wait3A_848 = arith.constant 0 : i32
    %dma_wait3A_849 = tpu.memref_slice %arg7[%dma_wait3A_836, %dma_wait3A_847, %dma_wait3A_848] : memref<4x64x128xf32, #tpu.memory_space<vmem>> -> memref<1x8x128xf32, #tpu.memory_space<vmem>>
    %dma_wait3A_850 = tpu.memref_squeeze %dma_wait3A_849 : memref<1x8x128xf32, #tpu.memory_space<vmem>> -> memref<8x128xf32, #tpu.memory_space<vmem>>
    tpu.wait_dma2 semaphore(%arg13 : memref<!tpu.dma_semaphore, #tpu.memory_space<semaphore_mem>>) src(%dma_wait3A_850 : memref<8x128xf32, #tpu.memory_space<vmem>>) dst(%dma_wait3A_846 : memref<8x128xf32, #tpu.memory_space<hbm>>)
    %dma_wait3A_851 = arith.constant 1 : i32
    %dma_wait3A_852 = arith.constant 48 : i32
    %dma_wait3A_853 = arith.constant 0 : i32
    %dma_wait3A_854 = tpu.memref_slice %arg7[%dma_wait3A_851, %dma_wait3A_852, %dma_wait3A_853] : memref<4x64x128xf32, #tpu.memory_space<vmem>> -> memref<1x8x128xf32, #tpu.memory_space<vmem>>
    %dma_wait3A_855 = tpu.memref_squeeze %dma_wait3A_854 : memref<1x8x128xf32, #tpu.memory_space<vmem>> -> memref<8x128xf32, #tpu.memory_space<vmem>>
    %dma_wait3A_856 = arith.constant 0 : i32
    %dma_wait3A_857 = arith.constant 768 : i32
    %dma_wait3A_858 = tpu.memref_slice %arg4[%dma_wait3A_856, %dma_wait3A_857] : memref<10000x4096xf32, #tpu.memory_space<hbm>> -> memref<8x128xf32, #tpu.memory_space<hbm>>
    %dma_wait3A_859 = arith.constant 0 : i32
    %dma_wait3A_860 = arith.constant 768 : i32
    %dma_wait3A_861 = tpu.memref_slice %arg4[%dma_wait3A_859, %dma_wait3A_860] : memref<10000x4096xf32, #tpu.memory_space<hbm>> -> memref<8x128xf32, #tpu.memory_space<hbm>>
    %dma_wait3A_862 = arith.constant 48 : i32
    %dma_wait3A_863 = arith.constant 0 : i32
    %dma_wait3A_864 = tpu.memref_slice %arg7[%dma_wait3A_851, %dma_wait3A_862, %dma_wait3A_863] : memref<4x64x128xf32, #tpu.memory_space<vmem>> -> memref<1x8x128xf32, #tpu.memory_space<vmem>>
    %dma_wait3A_865 = tpu.memref_squeeze %dma_wait3A_864 : memref<1x8x128xf32, #tpu.memory_space<vmem>> -> memref<8x128xf32, #tpu.memory_space<vmem>>
    tpu.wait_dma2 semaphore(%arg13 : memref<!tpu.dma_semaphore, #tpu.memory_space<semaphore_mem>>) src(%dma_wait3A_865 : memref<8x128xf32, #tpu.memory_space<vmem>>) dst(%dma_wait3A_861 : memref<8x128xf32, #tpu.memory_space<hbm>>)
    %dma_wait3A_866 = arith.constant 1 : i32
    %dma_wait3A_867 = arith.constant 56 : i32
    %dma_wait3A_868 = arith.constant 0 : i32
    %dma_wait3A_869 = tpu.memref_slice %arg7[%dma_wait3A_866, %dma_wait3A_867, %dma_wait3A_868] : memref<4x64x128xf32, #tpu.memory_space<vmem>> -> memref<1x8x128xf32, #tpu.memory_space<vmem>>
    %dma_wait3A_870 = tpu.memref_squeeze %dma_wait3A_869 : memref<1x8x128xf32, #tpu.memory_space<vmem>> -> memref<8x128xf32, #tpu.memory_space<vmem>>
    %dma_wait3A_871 = arith.constant 0 : i32
    %dma_wait3A_872 = arith.constant 896 : i32
    %dma_wait3A_873 = tpu.memref_slice %arg4[%dma_wait3A_871, %dma_wait3A_872] : memref<10000x4096xf32, #tpu.memory_space<hbm>> -> memref<8x128xf32, #tpu.memory_space<hbm>>
    %dma_wait3A_874 = arith.constant 0 : i32
    %dma_wait3A_875 = arith.constant 896 : i32
    %dma_wait3A_876 = tpu.memref_slice %arg4[%dma_wait3A_874, %dma_wait3A_875] : memref<10000x4096xf32, #tpu.memory_space<hbm>> -> memref<8x128xf32, #tpu.memory_space<hbm>>
    %dma_wait3A_877 = arith.constant 56 : i32
    %dma_wait3A_878 = arith.constant 0 : i32
    %dma_wait3A_879 = tpu.memref_slice %arg7[%dma_wait3A_866, %dma_wait3A_877, %dma_wait3A_878] : memref<4x64x128xf32, #tpu.memory_space<vmem>> -> memref<1x8x128xf32, #tpu.memory_space<vmem>>
    %dma_wait3A_880 = tpu.memref_squeeze %dma_wait3A_879 : memref<1x8x128xf32, #tpu.memory_space<vmem>> -> memref<8x128xf32, #tpu.memory_space<vmem>>
    tpu.wait_dma2 semaphore(%arg13 : memref<!tpu.dma_semaphore, #tpu.memory_space<semaphore_mem>>) src(%dma_wait3A_880 : memref<8x128xf32, #tpu.memory_space<vmem>>) dst(%dma_wait3A_876 : memref<8x128xf32, #tpu.memory_space<hbm>>)
    %dma_wait3A_881 = arith.constant 2 : i32
    %dma_wait3A_882 = arith.constant 0 : i32
    %dma_wait3A_883 = arith.constant 0 : i32
    %dma_wait3A_884 = tpu.memref_slice %arg7[%dma_wait3A_881, %dma_wait3A_882, %dma_wait3A_883] : memref<4x64x128xf32, #tpu.memory_space<vmem>> -> memref<1x8x128xf32, #tpu.memory_space<vmem>>
    %dma_wait3A_885 = tpu.memref_squeeze %dma_wait3A_884 : memref<1x8x128xf32, #tpu.memory_space<vmem>> -> memref<8x128xf32, #tpu.memory_space<vmem>>
    %dma_wait3A_886 = arith.constant 0 : i32
    %dma_wait3A_887 = arith.constant 0 : i32
    %dma_wait3A_888 = tpu.memref_slice %arg4[%dma_wait3A_886, %dma_wait3A_887] : memref<10000x4096xf32, #tpu.memory_space<hbm>> -> memref<8x128xf32, #tpu.memory_space<hbm>>
    %dma_wait3A_889 = arith.constant 0 : i32
    %dma_wait3A_890 = arith.constant 0 : i32
    %dma_wait3A_891 = tpu.memref_slice %arg4[%dma_wait3A_889, %dma_wait3A_890] : memref<10000x4096xf32, #tpu.memory_space<hbm>> -> memref<8x128xf32, #tpu.memory_space<hbm>>
    %dma_wait3A_892 = arith.constant 0 : i32
    %dma_wait3A_893 = arith.constant 0 : i32
    %dma_wait3A_894 = tpu.memref_slice %arg7[%dma_wait3A_881, %dma_wait3A_892, %dma_wait3A_893] : memref<4x64x128xf32, #tpu.memory_space<vmem>> -> memref<1x8x128xf32, #tpu.memory_space<vmem>>
    %dma_wait3A_895 = tpu.memref_squeeze %dma_wait3A_894 : memref<1x8x128xf32, #tpu.memory_space<vmem>> -> memref<8x128xf32, #tpu.memory_space<vmem>>
    tpu.wait_dma2 semaphore(%arg14 : memref<!tpu.dma_semaphore, #tpu.memory_space<semaphore_mem>>) src(%dma_wait3A_895 : memref<8x128xf32, #tpu.memory_space<vmem>>) dst(%dma_wait3A_891 : memref<8x128xf32, #tpu.memory_space<hbm>>)
    %dma_wait3A_896 = arith.constant 2 : i32
    %dma_wait3A_897 = arith.constant 8 : i32
    %dma_wait3A_898 = arith.constant 0 : i32
    %dma_wait3A_899 = tpu.memref_slice %arg7[%dma_wait3A_896, %dma_wait3A_897, %dma_wait3A_898] : memref<4x64x128xf32, #tpu.memory_space<vmem>> -> memref<1x8x128xf32, #tpu.memory_space<vmem>>
    %dma_wait3A_900 = tpu.memref_squeeze %dma_wait3A_899 : memref<1x8x128xf32, #tpu.memory_space<vmem>> -> memref<8x128xf32, #tpu.memory_space<vmem>>
    %dma_wait3A_901 = arith.constant 0 : i32
    %dma_wait3A_902 = arith.constant 128 : i32
    %dma_wait3A_903 = tpu.memref_slice %arg4[%dma_wait3A_901, %dma_wait3A_902] : memref<10000x4096xf32, #tpu.memory_space<hbm>> -> memref<8x128xf32, #tpu.memory_space<hbm>>
    %dma_wait3A_904 = arith.constant 0 : i32
    %dma_wait3A_905 = arith.constant 128 : i32
    %dma_wait3A_906 = tpu.memref_slice %arg4[%dma_wait3A_904, %dma_wait3A_905] : memref<10000x4096xf32, #tpu.memory_space<hbm>> -> memref<8x128xf32, #tpu.memory_space<hbm>>
    %dma_wait3A_907 = arith.constant 8 : i32
    %dma_wait3A_908 = arith.constant 0 : i32
    %dma_wait3A_909 = tpu.memref_slice %arg7[%dma_wait3A_896, %dma_wait3A_907, %dma_wait3A_908] : memref<4x64x128xf32, #tpu.memory_space<vmem>> -> memref<1x8x128xf32, #tpu.memory_space<vmem>>
    %dma_wait3A_910 = tpu.memref_squeeze %dma_wait3A_909 : memref<1x8x128xf32, #tpu.memory_space<vmem>> -> memref<8x128xf32, #tpu.memory_space<vmem>>
    tpu.wait_dma2 semaphore(%arg14 : memref<!tpu.dma_semaphore, #tpu.memory_space<semaphore_mem>>) src(%dma_wait3A_910 : memref<8x128xf32, #tpu.memory_space<vmem>>) dst(%dma_wait3A_906 : memref<8x128xf32, #tpu.memory_space<hbm>>)
    %dma_wait3A_911 = arith.constant 2 : i32
    %dma_wait3A_912 = arith.constant 16 : i32
    %dma_wait3A_913 = arith.constant 0 : i32
    %dma_wait3A_914 = tpu.memref_slice %arg7[%dma_wait3A_911, %dma_wait3A_912, %dma_wait3A_913] : memref<4x64x128xf32, #tpu.memory_space<vmem>> -> memref<1x8x128xf32, #tpu.memory_space<vmem>>
    %dma_wait3A_915 = tpu.memref_squeeze %dma_wait3A_914 : memref<1x8x128xf32, #tpu.memory_space<vmem>> -> memref<8x128xf32, #tpu.memory_space<vmem>>
    %dma_wait3A_916 = arith.constant 0 : i32
    %dma_wait3A_917 = arith.constant 256 : i32
    %dma_wait3A_918 = tpu.memref_slice %arg4[%dma_wait3A_916, %dma_wait3A_917] : memref<10000x4096xf32, #tpu.memory_space<hbm>> -> memref<8x128xf32, #tpu.memory_space<hbm>>
    %dma_wait3A_919 = arith.constant 0 : i32
    %dma_wait3A_920 = arith.constant 256 : i32
    %dma_wait3A_921 = tpu.memref_slice %arg4[%dma_wait3A_919, %dma_wait3A_920] : memref<10000x4096xf32, #tpu.memory_space<hbm>> -> memref<8x128xf32, #tpu.memory_space<hbm>>
    %dma_wait3A_922 = arith.constant 16 : i32
    %dma_wait3A_923 = arith.constant 0 : i32
    %dma_wait3A_924 = tpu.memref_slice %arg7[%dma_wait3A_911, %dma_wait3A_922, %dma_wait3A_923] : memref<4x64x128xf32, #tpu.memory_space<vmem>> -> memref<1x8x128xf32, #tpu.memory_space<vmem>>
    %dma_wait3A_925 = tpu.memref_squeeze %dma_wait3A_924 : memref<1x8x128xf32, #tpu.memory_space<vmem>> -> memref<8x128xf32, #tpu.memory_space<vmem>>
    tpu.wait_dma2 semaphore(%arg14 : memref<!tpu.dma_semaphore, #tpu.memory_space<semaphore_mem>>) src(%dma_wait3A_925 : memref<8x128xf32, #tpu.memory_space<vmem>>) dst(%dma_wait3A_921 : memref<8x128xf32, #tpu.memory_space<hbm>>)
    %dma_wait3A_926 = arith.constant 2 : i32
    %dma_wait3A_927 = arith.constant 24 : i32
    %dma_wait3A_928 = arith.constant 0 : i32
    %dma_wait3A_929 = tpu.memref_slice %arg7[%dma_wait3A_926, %dma_wait3A_927, %dma_wait3A_928] : memref<4x64x128xf32, #tpu.memory_space<vmem>> -> memref<1x8x128xf32, #tpu.memory_space<vmem>>
    %dma_wait3A_930 = tpu.memref_squeeze %dma_wait3A_929 : memref<1x8x128xf32, #tpu.memory_space<vmem>> -> memref<8x128xf32, #tpu.memory_space<vmem>>
    %dma_wait3A_931 = arith.constant 0 : i32
    %dma_wait3A_932 = arith.constant 384 : i32
    %dma_wait3A_933 = tpu.memref_slice %arg4[%dma_wait3A_931, %dma_wait3A_932] : memref<10000x4096xf32, #tpu.memory_space<hbm>> -> memref<8x128xf32, #tpu.memory_space<hbm>>
    %dma_wait3A_934 = arith.constant 0 : i32
    %dma_wait3A_935 = arith.constant 384 : i32
    %dma_wait3A_936 = tpu.memref_slice %arg4[%dma_wait3A_934, %dma_wait3A_935] : memref<10000x4096xf32, #tpu.memory_space<hbm>> -> memref<8x128xf32, #tpu.memory_space<hbm>>
    %dma_wait3A_937 = arith.constant 24 : i32
    %dma_wait3A_938 = arith.constant 0 : i32
    %dma_wait3A_939 = tpu.memref_slice %arg7[%dma_wait3A_926, %dma_wait3A_937, %dma_wait3A_938] : memref<4x64x128xf32, #tpu.memory_space<vmem>> -> memref<1x8x128xf32, #tpu.memory_space<vmem>>
    %dma_wait3A_940 = tpu.memref_squeeze %dma_wait3A_939 : memref<1x8x128xf32, #tpu.memory_space<vmem>> -> memref<8x128xf32, #tpu.memory_space<vmem>>
    tpu.wait_dma2 semaphore(%arg14 : memref<!tpu.dma_semaphore, #tpu.memory_space<semaphore_mem>>) src(%dma_wait3A_940 : memref<8x128xf32, #tpu.memory_space<vmem>>) dst(%dma_wait3A_936 : memref<8x128xf32, #tpu.memory_space<hbm>>)
    %dma_wait3A_941 = arith.constant 2 : i32
    %dma_wait3A_942 = arith.constant 32 : i32
    %dma_wait3A_943 = arith.constant 0 : i32
    %dma_wait3A_944 = tpu.memref_slice %arg7[%dma_wait3A_941, %dma_wait3A_942, %dma_wait3A_943] : memref<4x64x128xf32, #tpu.memory_space<vmem>> -> memref<1x8x128xf32, #tpu.memory_space<vmem>>
    %dma_wait3A_945 = tpu.memref_squeeze %dma_wait3A_944 : memref<1x8x128xf32, #tpu.memory_space<vmem>> -> memref<8x128xf32, #tpu.memory_space<vmem>>
    %dma_wait3A_946 = arith.constant 0 : i32
    %dma_wait3A_947 = arith.constant 512 : i32
    %dma_wait3A_948 = tpu.memref_slice %arg4[%dma_wait3A_946, %dma_wait3A_947] : memref<10000x4096xf32, #tpu.memory_space<hbm>> -> memref<8x128xf32, #tpu.memory_space<hbm>>
    %dma_wait3A_949 = arith.constant 0 : i32
    %dma_wait3A_950 = arith.constant 512 : i32
    %dma_wait3A_951 = tpu.memref_slice %arg4[%dma_wait3A_949, %dma_wait3A_950] : memref<10000x4096xf32, #tpu.memory_space<hbm>> -> memref<8x128xf32, #tpu.memory_space<hbm>>
    %dma_wait3A_952 = arith.constant 32 : i32
    %dma_wait3A_953 = arith.constant 0 : i32
    %dma_wait3A_954 = tpu.memref_slice %arg7[%dma_wait3A_941, %dma_wait3A_952, %dma_wait3A_953] : memref<4x64x128xf32, #tpu.memory_space<vmem>> -> memref<1x8x128xf32, #tpu.memory_space<vmem>>
    %dma_wait3A_955 = tpu.memref_squeeze %dma_wait3A_954 : memref<1x8x128xf32, #tpu.memory_space<vmem>> -> memref<8x128xf32, #tpu.memory_space<vmem>>
    tpu.wait_dma2 semaphore(%arg14 : memref<!tpu.dma_semaphore, #tpu.memory_space<semaphore_mem>>) src(%dma_wait3A_955 : memref<8x128xf32, #tpu.memory_space<vmem>>) dst(%dma_wait3A_951 : memref<8x128xf32, #tpu.memory_space<hbm>>)
    %dma_wait3A_956 = arith.constant 2 : i32
    %dma_wait3A_957 = arith.constant 40 : i32
    %dma_wait3A_958 = arith.constant 0 : i32
    %dma_wait3A_959 = tpu.memref_slice %arg7[%dma_wait3A_956, %dma_wait3A_957, %dma_wait3A_958] : memref<4x64x128xf32, #tpu.memory_space<vmem>> -> memref<1x8x128xf32, #tpu.memory_space<vmem>>
    %dma_wait3A_960 = tpu.memref_squeeze %dma_wait3A_959 : memref<1x8x128xf32, #tpu.memory_space<vmem>> -> memref<8x128xf32, #tpu.memory_space<vmem>>
    %dma_wait3A_961 = arith.constant 0 : i32
    %dma_wait3A_962 = arith.constant 640 : i32
    %dma_wait3A_963 = tpu.memref_slice %arg4[%dma_wait3A_961, %dma_wait3A_962] : memref<10000x4096xf32, #tpu.memory_space<hbm>> -> memref<8x128xf32, #tpu.memory_space<hbm>>
    %dma_wait3A_964 = arith.constant 0 : i32
    %dma_wait3A_965 = arith.constant 640 : i32
    %dma_wait3A_966 = tpu.memref_slice %arg4[%dma_wait3A_964, %dma_wait3A_965] : memref<10000x4096xf32, #tpu.memory_space<hbm>> -> memref<8x128xf32, #tpu.memory_space<hbm>>
    %dma_wait3A_967 = arith.constant 40 : i32
    %dma_wait3A_968 = arith.constant 0 : i32
    %dma_wait3A_969 = tpu.memref_slice %arg7[%dma_wait3A_956, %dma_wait3A_967, %dma_wait3A_968] : memref<4x64x128xf32, #tpu.memory_space<vmem>> -> memref<1x8x128xf32, #tpu.memory_space<vmem>>
    %dma_wait3A_970 = tpu.memref_squeeze %dma_wait3A_969 : memref<1x8x128xf32, #tpu.memory_space<vmem>> -> memref<8x128xf32, #tpu.memory_space<vmem>>
    tpu.wait_dma2 semaphore(%arg14 : memref<!tpu.dma_semaphore, #tpu.memory_space<semaphore_mem>>) src(%dma_wait3A_970 : memref<8x128xf32, #tpu.memory_space<vmem>>) dst(%dma_wait3A_966 : memref<8x128xf32, #tpu.memory_space<hbm>>)
    %dma_wait3A_971 = arith.constant 2 : i32
    %dma_wait3A_972 = arith.constant 48 : i32
    %dma_wait3A_973 = arith.constant 0 : i32
    %dma_wait3A_974 = tpu.memref_slice %arg7[%dma_wait3A_971, %dma_wait3A_972, %dma_wait3A_973] : memref<4x64x128xf32, #tpu.memory_space<vmem>> -> memref<1x8x128xf32, #tpu.memory_space<vmem>>
    %dma_wait3A_975 = tpu.memref_squeeze %dma_wait3A_974 : memref<1x8x128xf32, #tpu.memory_space<vmem>> -> memref<8x128xf32, #tpu.memory_space<vmem>>
    %dma_wait3A_976 = arith.constant 0 : i32
    %dma_wait3A_977 = arith.constant 768 : i32
    %dma_wait3A_978 = tpu.memref_slice %arg4[%dma_wait3A_976, %dma_wait3A_977] : memref<10000x4096xf32, #tpu.memory_space<hbm>> -> memref<8x128xf32, #tpu.memory_space<hbm>>
    %dma_wait3A_979 = arith.constant 0 : i32
    %dma_wait3A_980 = arith.constant 768 : i32
    %dma_wait3A_981 = tpu.memref_slice %arg4[%dma_wait3A_979, %dma_wait3A_980] : memref<10000x4096xf32, #tpu.memory_space<hbm>> -> memref<8x128xf32, #tpu.memory_space<hbm>>
    %dma_wait3A_982 = arith.constant 48 : i32
    %dma_wait3A_983 = arith.constant 0 : i32
    %dma_wait3A_984 = tpu.memref_slice %arg7[%dma_wait3A_971, %dma_wait3A_982, %dma_wait3A_983] : memref<4x64x128xf32, #tpu.memory_space<vmem>> -> memref<1x8x128xf32, #tpu.memory_space<vmem>>
    %dma_wait3A_985 = tpu.memref_squeeze %dma_wait3A_984 : memref<1x8x128xf32, #tpu.memory_space<vmem>> -> memref<8x128xf32, #tpu.memory_space<vmem>>
    tpu.wait_dma2 semaphore(%arg14 : memref<!tpu.dma_semaphore, #tpu.memory_space<semaphore_mem>>) src(%dma_wait3A_985 : memref<8x128xf32, #tpu.memory_space<vmem>>) dst(%dma_wait3A_981 : memref<8x128xf32, #tpu.memory_space<hbm>>)
    %dma_wait3A_986 = arith.constant 2 : i32
    %dma_wait3A_987 = arith.constant 56 : i32
    %dma_wait3A_988 = arith.constant 0 : i32
    %dma_wait3A_989 = tpu.memref_slice %arg7[%dma_wait3A_986, %dma_wait3A_987, %dma_wait3A_988] : memref<4x64x128xf32, #tpu.memory_space<vmem>> -> memref<1x8x128xf32, #tpu.memory_space<vmem>>
    %dma_wait3A_990 = tpu.memref_squeeze %dma_wait3A_989 : memref<1x8x128xf32, #tpu.memory_space<vmem>> -> memref<8x128xf32, #tpu.memory_space<vmem>>
    %dma_wait3A_991 = arith.constant 0 : i32
    %dma_wait3A_992 = arith.constant 896 : i32
    %dma_wait3A_993 = tpu.memref_slice %arg4[%dma_wait3A_991, %dma_wait3A_992] : memref<10000x4096xf32, #tpu.memory_space<hbm>> -> memref<8x128xf32, #tpu.memory_space<hbm>>
    %dma_wait3A_994 = arith.constant 0 : i32
    %dma_wait3A_995 = arith.constant 896 : i32
    %dma_wait3A_996 = tpu.memref_slice %arg4[%dma_wait3A_994, %dma_wait3A_995] : memref<10000x4096xf32, #tpu.memory_space<hbm>> -> memref<8x128xf32, #tpu.memory_space<hbm>>
    %dma_wait3A_997 = arith.constant 56 : i32
    %dma_wait3A_998 = arith.constant 0 : i32
    %dma_wait3A_999 = tpu.memref_slice %arg7[%dma_wait3A_986, %dma_wait3A_997, %dma_wait3A_998] : memref<4x64x128xf32, #tpu.memory_space<vmem>> -> memref<1x8x128xf32, #tpu.memory_space<vmem>>
    %dma_wait3A_1000 = tpu.memref_squeeze %dma_wait3A_999 : memref<1x8x128xf32, #tpu.memory_space<vmem>> -> memref<8x128xf32, #tpu.memory_space<vmem>>
    tpu.wait_dma2 semaphore(%arg14 : memref<!tpu.dma_semaphore, #tpu.memory_space<semaphore_mem>>) src(%dma_wait3A_1000 : memref<8x128xf32, #tpu.memory_space<vmem>>) dst(%dma_wait3A_996 : memref<8x128xf32, #tpu.memory_space<hbm>>)
    %dma_wait3A_1001 = arith.constant 3 : i32
    %dma_wait3A_1002 = arith.constant 0 : i32
    %dma_wait3A_1003 = arith.constant 0 : i32
    %dma_wait3A_1004 = tpu.memref_slice %arg7[%dma_wait3A_1001, %dma_wait3A_1002, %dma_wait3A_1003] : memref<4x64x128xf32, #tpu.memory_space<vmem>> -> memref<1x8x128xf32, #tpu.memory_space<vmem>>
    %dma_wait3A_1005 = tpu.memref_squeeze %dma_wait3A_1004 : memref<1x8x128xf32, #tpu.memory_space<vmem>> -> memref<8x128xf32, #tpu.memory_space<vmem>>
    %dma_wait3A_1006 = arith.constant 0 : i32
    %dma_wait3A_1007 = arith.constant 0 : i32
    %dma_wait3A_1008 = tpu.memref_slice %arg4[%dma_wait3A_1006, %dma_wait3A_1007] : memref<10000x4096xf32, #tpu.memory_space<hbm>> -> memref<8x128xf32, #tpu.memory_space<hbm>>
    %dma_wait3A_1009 = arith.constant 0 : i32
    %dma_wait3A_1010 = arith.constant 0 : i32
    %dma_wait3A_1011 = tpu.memref_slice %arg4[%dma_wait3A_1009, %dma_wait3A_1010] : memref<10000x4096xf32, #tpu.memory_space<hbm>> -> memref<8x128xf32, #tpu.memory_space<hbm>>
    %dma_wait3A_1012 = arith.constant 0 : i32
    %dma_wait3A_1013 = arith.constant 0 : i32
    %dma_wait3A_1014 = tpu.memref_slice %arg7[%dma_wait3A_1001, %dma_wait3A_1012, %dma_wait3A_1013] : memref<4x64x128xf32, #tpu.memory_space<vmem>> -> memref<1x8x128xf32, #tpu.memory_space<vmem>>
    %dma_wait3A_1015 = tpu.memref_squeeze %dma_wait3A_1014 : memref<1x8x128xf32, #tpu.memory_space<vmem>> -> memref<8x128xf32, #tpu.memory_space<vmem>>
    tpu.wait_dma2 semaphore(%arg15 : memref<!tpu.dma_semaphore, #tpu.memory_space<semaphore_mem>>) src(%dma_wait3A_1015 : memref<8x128xf32, #tpu.memory_space<vmem>>) dst(%dma_wait3A_1011 : memref<8x128xf32, #tpu.memory_space<hbm>>)
    %dma_wait3A_1016 = arith.constant 3 : i32
    %dma_wait3A_1017 = arith.constant 8 : i32
    %dma_wait3A_1018 = arith.constant 0 : i32
    %dma_wait3A_1019 = tpu.memref_slice %arg7[%dma_wait3A_1016, %dma_wait3A_1017, %dma_wait3A_1018] : memref<4x64x128xf32, #tpu.memory_space<vmem>> -> memref<1x8x128xf32, #tpu.memory_space<vmem>>
    %dma_wait3A_1020 = tpu.memref_squeeze %dma_wait3A_1019 : memref<1x8x128xf32, #tpu.memory_space<vmem>> -> memref<8x128xf32, #tpu.memory_space<vmem>>
    %dma_wait3A_1021 = arith.constant 0 : i32
    %dma_wait3A_1022 = arith.constant 128 : i32
    %dma_wait3A_1023 = tpu.memref_slice %arg4[%dma_wait3A_1021, %dma_wait3A_1022] : memref<10000x4096xf32, #tpu.memory_space<hbm>> -> memref<8x128xf32, #tpu.memory_space<hbm>>
    %dma_wait3A_1024 = arith.constant 0 : i32
    %dma_wait3A_1025 = arith.constant 128 : i32
    %dma_wait3A_1026 = tpu.memref_slice %arg4[%dma_wait3A_1024, %dma_wait3A_1025] : memref<10000x4096xf32, #tpu.memory_space<hbm>> -> memref<8x128xf32, #tpu.memory_space<hbm>>
    %dma_wait3A_1027 = arith.constant 8 : i32
    %dma_wait3A_1028 = arith.constant 0 : i32
    %dma_wait3A_1029 = tpu.memref_slice %arg7[%dma_wait3A_1016, %dma_wait3A_1027, %dma_wait3A_1028] : memref<4x64x128xf32, #tpu.memory_space<vmem>> -> memref<1x8x128xf32, #tpu.memory_space<vmem>>
    %dma_wait3A_1030 = tpu.memref_squeeze %dma_wait3A_1029 : memref<1x8x128xf32, #tpu.memory_space<vmem>> -> memref<8x128xf32, #tpu.memory_space<vmem>>
    tpu.wait_dma2 semaphore(%arg15 : memref<!tpu.dma_semaphore, #tpu.memory_space<semaphore_mem>>) src(%dma_wait3A_1030 : memref<8x128xf32, #tpu.memory_space<vmem>>) dst(%dma_wait3A_1026 : memref<8x128xf32, #tpu.memory_space<hbm>>)
    %dma_wait3A_1031 = arith.constant 3 : i32
    %dma_wait3A_1032 = arith.constant 16 : i32
    %dma_wait3A_1033 = arith.constant 0 : i32
    %dma_wait3A_1034 = tpu.memref_slice %arg7[%dma_wait3A_1031, %dma_wait3A_1032, %dma_wait3A_1033] : memref<4x64x128xf32, #tpu.memory_space<vmem>> -> memref<1x8x128xf32, #tpu.memory_space<vmem>>
    %dma_wait3A_1035 = tpu.memref_squeeze %dma_wait3A_1034 : memref<1x8x128xf32, #tpu.memory_space<vmem>> -> memref<8x128xf32, #tpu.memory_space<vmem>>
    %dma_wait3A_1036 = arith.constant 0 : i32
    %dma_wait3A_1037 = arith.constant 256 : i32
    %dma_wait3A_1038 = tpu.memref_slice %arg4[%dma_wait3A_1036, %dma_wait3A_1037] : memref<10000x4096xf32, #tpu.memory_space<hbm>> -> memref<8x128xf32, #tpu.memory_space<hbm>>
    %dma_wait3A_1039 = arith.constant 0 : i32
    %dma_wait3A_1040 = arith.constant 256 : i32
    %dma_wait3A_1041 = tpu.memref_slice %arg4[%dma_wait3A_1039, %dma_wait3A_1040] : memref<10000x4096xf32, #tpu.memory_space<hbm>> -> memref<8x128xf32, #tpu.memory_space<hbm>>
    %dma_wait3A_1042 = arith.constant 16 : i32
    %dma_wait3A_1043 = arith.constant 0 : i32
    %dma_wait3A_1044 = tpu.memref_slice %arg7[%dma_wait3A_1031, %dma_wait3A_1042, %dma_wait3A_1043] : memref<4x64x128xf32, #tpu.memory_space<vmem>> -> memref<1x8x128xf32, #tpu.memory_space<vmem>>
    %dma_wait3A_1045 = tpu.memref_squeeze %dma_wait3A_1044 : memref<1x8x128xf32, #tpu.memory_space<vmem>> -> memref<8x128xf32, #tpu.memory_space<vmem>>
    tpu.wait_dma2 semaphore(%arg15 : memref<!tpu.dma_semaphore, #tpu.memory_space<semaphore_mem>>) src(%dma_wait3A_1045 : memref<8x128xf32, #tpu.memory_space<vmem>>) dst(%dma_wait3A_1041 : memref<8x128xf32, #tpu.memory_space<hbm>>)
    %dma_wait3A_1046 = arith.constant 3 : i32
    %dma_wait3A_1047 = arith.constant 24 : i32
    %dma_wait3A_1048 = arith.constant 0 : i32
    %dma_wait3A_1049 = tpu.memref_slice %arg7[%dma_wait3A_1046, %dma_wait3A_1047, %dma_wait3A_1048] : memref<4x64x128xf32, #tpu.memory_space<vmem>> -> memref<1x8x128xf32, #tpu.memory_space<vmem>>
    %dma_wait3A_1050 = tpu.memref_squeeze %dma_wait3A_1049 : memref<1x8x128xf32, #tpu.memory_space<vmem>> -> memref<8x128xf32, #tpu.memory_space<vmem>>
    %dma_wait3A_1051 = arith.constant 0 : i32
    %dma_wait3A_1052 = arith.constant 384 : i32
    %dma_wait3A_1053 = tpu.memref_slice %arg4[%dma_wait3A_1051, %dma_wait3A_1052] : memref<10000x4096xf32, #tpu.memory_space<hbm>> -> memref<8x128xf32, #tpu.memory_space<hbm>>
    %dma_wait3A_1054 = arith.constant 0 : i32
    %dma_wait3A_1055 = arith.constant 384 : i32
    %dma_wait3A_1056 = tpu.memref_slice %arg4[%dma_wait3A_1054, %dma_wait3A_1055] : memref<10000x4096xf32, #tpu.memory_space<hbm>> -> memref<8x128xf32, #tpu.memory_space<hbm>>
    %dma_wait3A_1057 = arith.constant 24 : i32
    %dma_wait3A_1058 = arith.constant 0 : i32
    %dma_wait3A_1059 = tpu.memref_slice %arg7[%dma_wait3A_1046, %dma_wait3A_1057, %dma_wait3A_1058] : memref<4x64x128xf32, #tpu.memory_space<vmem>> -> memref<1x8x128xf32, #tpu.memory_space<vmem>>
    %dma_wait3A_1060 = tpu.memref_squeeze %dma_wait3A_1059 : memref<1x8x128xf32, #tpu.memory_space<vmem>> -> memref<8x128xf32, #tpu.memory_space<vmem>>
    tpu.wait_dma2 semaphore(%arg15 : memref<!tpu.dma_semaphore, #tpu.memory_space<semaphore_mem>>) src(%dma_wait3A_1060 : memref<8x128xf32, #tpu.memory_space<vmem>>) dst(%dma_wait3A_1056 : memref<8x128xf32, #tpu.memory_space<hbm>>)
    %dma_wait3A_1061 = arith.constant 3 : i32
    %dma_wait3A_1062 = arith.constant 32 : i32
    %dma_wait3A_1063 = arith.constant 0 : i32
    %dma_wait3A_1064 = tpu.memref_slice %arg7[%dma_wait3A_1061, %dma_wait3A_1062, %dma_wait3A_1063] : memref<4x64x128xf32, #tpu.memory_space<vmem>> -> memref<1x8x128xf32, #tpu.memory_space<vmem>>
    %dma_wait3A_1065 = tpu.memref_squeeze %dma_wait3A_1064 : memref<1x8x128xf32, #tpu.memory_space<vmem>> -> memref<8x128xf32, #tpu.memory_space<vmem>>
    %dma_wait3A_1066 = arith.constant 0 : i32
    %dma_wait3A_1067 = arith.constant 512 : i32
    %dma_wait3A_1068 = tpu.memref_slice %arg4[%dma_wait3A_1066, %dma_wait3A_1067] : memref<10000x4096xf32, #tpu.memory_space<hbm>> -> memref<8x128xf32, #tpu.memory_space<hbm>>
    %dma_wait3A_1069 = arith.constant 0 : i32
    %dma_wait3A_1070 = arith.constant 512 : i32
    %dma_wait3A_1071 = tpu.memref_slice %arg4[%dma_wait3A_1069, %dma_wait3A_1070] : memref<10000x4096xf32, #tpu.memory_space<hbm>> -> memref<8x128xf32, #tpu.memory_space<hbm>>
    %dma_wait3A_1072 = arith.constant 32 : i32
    %dma_wait3A_1073 = arith.constant 0 : i32
    %dma_wait3A_1074 = tpu.memref_slice %arg7[%dma_wait3A_1061, %dma_wait3A_1072, %dma_wait3A_1073] : memref<4x64x128xf32, #tpu.memory_space<vmem>> -> memref<1x8x128xf32, #tpu.memory_space<vmem>>
    %dma_wait3A_1075 = tpu.memref_squeeze %dma_wait3A_1074 : memref<1x8x128xf32, #tpu.memory_space<vmem>> -> memref<8x128xf32, #tpu.memory_space<vmem>>
    tpu.wait_dma2 semaphore(%arg15 : memref<!tpu.dma_semaphore, #tpu.memory_space<semaphore_mem>>) src(%dma_wait3A_1075 : memref<8x128xf32, #tpu.memory_space<vmem>>) dst(%dma_wait3A_1071 : memref<8x128xf32, #tpu.memory_space<hbm>>)
    %dma_wait3A_1076 = arith.constant 3 : i32
    %dma_wait3A_1077 = arith.constant 40 : i32
    %dma_wait3A_1078 = arith.constant 0 : i32
    %dma_wait3A_1079 = tpu.memref_slice %arg7[%dma_wait3A_1076, %dma_wait3A_1077, %dma_wait3A_1078] : memref<4x64x128xf32, #tpu.memory_space<vmem>> -> memref<1x8x128xf32, #tpu.memory_space<vmem>>
    %dma_wait3A_1080 = tpu.memref_squeeze %dma_wait3A_1079 : memref<1x8x128xf32, #tpu.memory_space<vmem>> -> memref<8x128xf32, #tpu.memory_space<vmem>>
    %dma_wait3A_1081 = arith.constant 0 : i32
    %dma_wait3A_1082 = arith.constant 640 : i32
    %dma_wait3A_1083 = tpu.memref_slice %arg4[%dma_wait3A_1081, %dma_wait3A_1082] : memref<10000x4096xf32, #tpu.memory_space<hbm>> -> memref<8x128xf32, #tpu.memory_space<hbm>>
    %dma_wait3A_1084 = arith.constant 0 : i32
    %dma_wait3A_1085 = arith.constant 640 : i32
    %dma_wait3A_1086 = tpu.memref_slice %arg4[%dma_wait3A_1084, %dma_wait3A_1085] : memref<10000x4096xf32, #tpu.memory_space<hbm>> -> memref<8x128xf32, #tpu.memory_space<hbm>>
    %dma_wait3A_1087 = arith.constant 40 : i32
    %dma_wait3A_1088 = arith.constant 0 : i32
    %dma_wait3A_1089 = tpu.memref_slice %arg7[%dma_wait3A_1076, %dma_wait3A_1087, %dma_wait3A_1088] : memref<4x64x128xf32, #tpu.memory_space<vmem>> -> memref<1x8x128xf32, #tpu.memory_space<vmem>>
    %dma_wait3A_1090 = tpu.memref_squeeze %dma_wait3A_1089 : memref<1x8x128xf32, #tpu.memory_space<vmem>> -> memref<8x128xf32, #tpu.memory_space<vmem>>
    tpu.wait_dma2 semaphore(%arg15 : memref<!tpu.dma_semaphore, #tpu.memory_space<semaphore_mem>>) src(%dma_wait3A_1090 : memref<8x128xf32, #tpu.memory_space<vmem>>) dst(%dma_wait3A_1086 : memref<8x128xf32, #tpu.memory_space<hbm>>)
    %dma_wait3A_1091 = arith.constant 3 : i32
    %dma_wait3A_1092 = arith.constant 48 : i32
    %dma_wait3A_1093 = arith.constant 0 : i32
    %dma_wait3A_1094 = tpu.memref_slice %arg7[%dma_wait3A_1091, %dma_wait3A_1092, %dma_wait3A_1093] : memref<4x64x128xf32, #tpu.memory_space<vmem>> -> memref<1x8x128xf32, #tpu.memory_space<vmem>>
    %dma_wait3A_1095 = tpu.memref_squeeze %dma_wait3A_1094 : memref<1x8x128xf32, #tpu.memory_space<vmem>> -> memref<8x128xf32, #tpu.memory_space<vmem>>
    %dma_wait3A_1096 = arith.constant 0 : i32
    %dma_wait3A_1097 = arith.constant 768 : i32
    %dma_wait3A_1098 = tpu.memref_slice %arg4[%dma_wait3A_1096, %dma_wait3A_1097] : memref<10000x4096xf32, #tpu.memory_space<hbm>> -> memref<8x128xf32, #tpu.memory_space<hbm>>
    %dma_wait3A_1099 = arith.constant 0 : i32
    %dma_wait3A_1100 = arith.constant 768 : i32
    %dma_wait3A_1101 = tpu.memref_slice %arg4[%dma_wait3A_1099, %dma_wait3A_1100] : memref<10000x4096xf32, #tpu.memory_space<hbm>> -> memref<8x128xf32, #tpu.memory_space<hbm>>
    %dma_wait3A_1102 = arith.constant 48 : i32
    %dma_wait3A_1103 = arith.constant 0 : i32
    %dma_wait3A_1104 = tpu.memref_slice %arg7[%dma_wait3A_1091, %dma_wait3A_1102, %dma_wait3A_1103] : memref<4x64x128xf32, #tpu.memory_space<vmem>> -> memref<1x8x128xf32, #tpu.memory_space<vmem>>
    %dma_wait3A_1105 = tpu.memref_squeeze %dma_wait3A_1104 : memref<1x8x128xf32, #tpu.memory_space<vmem>> -> memref<8x128xf32, #tpu.memory_space<vmem>>
    tpu.wait_dma2 semaphore(%arg15 : memref<!tpu.dma_semaphore, #tpu.memory_space<semaphore_mem>>) src(%dma_wait3A_1105 : memref<8x128xf32, #tpu.memory_space<vmem>>) dst(%dma_wait3A_1101 : memref<8x128xf32, #tpu.memory_space<hbm>>)
    %dma_wait3A_1106 = arith.constant 3 : i32
    %dma_wait3A_1107 = arith.constant 56 : i32
    %dma_wait3A_1108 = arith.constant 0 : i32
    %dma_wait3A_1109 = tpu.memref_slice %arg7[%dma_wait3A_1106, %dma_wait3A_1107, %dma_wait3A_1108] : memref<4x64x128xf32, #tpu.memory_space<vmem>> -> memref<1x8x128xf32, #tpu.memory_space<vmem>>
    %dma_wait3A_1110 = tpu.memref_squeeze %dma_wait3A_1109 : memref<1x8x128xf32, #tpu.memory_space<vmem>> -> memref<8x128xf32, #tpu.memory_space<vmem>>
    %dma_wait3A_1111 = arith.constant 0 : i32
    %dma_wait3A_1112 = arith.constant 896 : i32
    %dma_wait3A_1113 = tpu.memref_slice %arg4[%dma_wait3A_1111, %dma_wait3A_1112] : memref<10000x4096xf32, #tpu.memory_space<hbm>> -> memref<8x128xf32, #tpu.memory_space<hbm>>
    %dma_wait3A_1114 = arith.constant 0 : i32
    %dma_wait3A_1115 = arith.constant 896 : i32
    %dma_wait3A_1116 = tpu.memref_slice %arg4[%dma_wait3A_1114, %dma_wait3A_1115] : memref<10000x4096xf32, #tpu.memory_space<hbm>> -> memref<8x128xf32, #tpu.memory_space<hbm>>
    %dma_wait3A_1117 = arith.constant 56 : i32
    %dma_wait3A_1118 = arith.constant 0 : i32
    %dma_wait3A_1119 = tpu.memref_slice %arg7[%dma_wait3A_1106, %dma_wait3A_1117, %dma_wait3A_1118] : memref<4x64x128xf32, #tpu.memory_space<vmem>> -> memref<1x8x128xf32, #tpu.memory_space<vmem>>
    %dma_wait3A_1120 = tpu.memref_squeeze %dma_wait3A_1119 : memref<1x8x128xf32, #tpu.memory_space<vmem>> -> memref<8x128xf32, #tpu.memory_space<vmem>>
    tpu.wait_dma2 semaphore(%arg15 : memref<!tpu.dma_semaphore, #tpu.memory_space<semaphore_mem>>) src(%dma_wait3A_1120 : memref<8x128xf32, #tpu.memory_space<vmem>>) dst(%dma_wait3A_1116 : memref<8x128xf32, #tpu.memory_space<hbm>>)
    %lt3A_1121 = arith.constant 8 : i32
    %lt3A_1122 = arith.cmpi slt, %add3A, %lt3A_1121 : i32
    %convert_element_type3A_1123 = arith.extui %lt3A_1122 : i1 to i32
    %cond3A_1124 = arith.constant 0 : i32
    %cond3A_1125 = arith.cmpi ne, %convert_element_type3A_1123, %cond3A_1124 : i32
    scf.if %cond3A_1125 {
      %dma_wait3A_1126 = arith.constant 0 : i32
      %dma_wait3A_1127 = arith.constant 0 : i32
      %dma_wait3A_1128 = arith.constant 0 : i32
      %dma_wait3A_1129 = tpu.memref_slice %arg7[%dma_wait3A_1126, %dma_wait3A_1127, %dma_wait3A_1128] : memref<4x64x128xf32, #tpu.memory_space<vmem>> -> memref<1x8x128xf32, #tpu.memory_space<vmem>>
      %dma_wait3A_1130 = tpu.memref_squeeze %dma_wait3A_1129 : memref<1x8x128xf32, #tpu.memory_space<vmem>> -> memref<8x128xf32, #tpu.memory_space<vmem>>
      %dma_wait3A_1131 = arith.constant 0 : i32
      %dma_wait3A_1132 = arith.constant 0 : i32
      %dma_wait3A_1133 = tpu.memref_slice %arg4[%dma_wait3A_1131, %dma_wait3A_1132] : memref<10000x4096xf32, #tpu.memory_space<hbm>> -> memref<8x128xf32, #tpu.memory_space<hbm>>
      %dma_wait3A_1134 = arith.constant 0 : i32
      %dma_wait3A_1135 = arith.constant 0 : i32
      %dma_wait3A_1136 = tpu.memref_slice %arg4[%dma_wait3A_1134, %dma_wait3A_1135] : memref<10000x4096xf32, #tpu.memory_space<hbm>> -> memref<8x128xf32, #tpu.memory_space<hbm>>
      %dma_wait3A_1137 = arith.constant 0 : i32
      %dma_wait3A_1138 = arith.constant 0 : i32
      %dma_wait3A_1139 = tpu.memref_slice %arg7[%dma_wait3A_1126, %dma_wait3A_1137, %dma_wait3A_1138] : memref<4x64x128xf32, #tpu.memory_space<vmem>> -> memref<1x8x128xf32, #tpu.memory_space<vmem>>
      %dma_wait3A_1140 = tpu.memref_squeeze %dma_wait3A_1139 : memref<1x8x128xf32, #tpu.memory_space<vmem>> -> memref<8x128xf32, #tpu.memory_space<vmem>>
      tpu.wait_dma2 semaphore(%arg12 : memref<!tpu.dma_semaphore, #tpu.memory_space<semaphore_mem>>) src(%dma_wait3A_1140 : memref<8x128xf32, #tpu.memory_space<vmem>>) dst(%dma_wait3A_1136 : memref<8x128xf32, #tpu.memory_space<hbm>>)
      %dma_wait3A_1141 = arith.constant 0 : i32
      %dma_wait3A_1142 = arith.constant 8 : i32
      %dma_wait3A_1143 = arith.constant 0 : i32
      %dma_wait3A_1144 = tpu.memref_slice %arg7[%dma_wait3A_1141, %dma_wait3A_1142, %dma_wait3A_1143] : memref<4x64x128xf32, #tpu.memory_space<vmem>> -> memref<1x8x128xf32, #tpu.memory_space<vmem>>
      %dma_wait3A_1145 = tpu.memref_squeeze %dma_wait3A_1144 : memref<1x8x128xf32, #tpu.memory_space<vmem>> -> memref<8x128xf32, #tpu.memory_space<vmem>>
      %dma_wait3A_1146 = arith.constant 0 : i32
      %dma_wait3A_1147 = arith.constant 128 : i32
      %dma_wait3A_1148 = tpu.memref_slice %arg4[%dma_wait3A_1146, %dma_wait3A_1147] : memref<10000x4096xf32, #tpu.memory_space<hbm>> -> memref<8x128xf32, #tpu.memory_space<hbm>>
      %dma_wait3A_1149 = arith.constant 0 : i32
      %dma_wait3A_1150 = arith.constant 128 : i32
      %dma_wait3A_1151 = tpu.memref_slice %arg4[%dma_wait3A_1149, %dma_wait3A_1150] : memref<10000x4096xf32, #tpu.memory_space<hbm>> -> memref<8x128xf32, #tpu.memory_space<hbm>>
      %dma_wait3A_1152 = arith.constant 8 : i32
      %dma_wait3A_1153 = arith.constant 0 : i32
      %dma_wait3A_1154 = tpu.memref_slice %arg7[%dma_wait3A_1141, %dma_wait3A_1152, %dma_wait3A_1153] : memref<4x64x128xf32, #tpu.memory_space<vmem>> -> memref<1x8x128xf32, #tpu.memory_space<vmem>>
      %dma_wait3A_1155 = tpu.memref_squeeze %dma_wait3A_1154 : memref<1x8x128xf32, #tpu.memory_space<vmem>> -> memref<8x128xf32, #tpu.memory_space<vmem>>
      tpu.wait_dma2 semaphore(%arg12 : memref<!tpu.dma_semaphore, #tpu.memory_space<semaphore_mem>>) src(%dma_wait3A_1155 : memref<8x128xf32, #tpu.memory_space<vmem>>) dst(%dma_wait3A_1151 : memref<8x128xf32, #tpu.memory_space<hbm>>)
      %dma_wait3A_1156 = arith.constant 0 : i32
      %dma_wait3A_1157 = arith.constant 16 : i32
      %dma_wait3A_1158 = arith.constant 0 : i32
      %dma_wait3A_1159 = tpu.memref_slice %arg7[%dma_wait3A_1156, %dma_wait3A_1157, %dma_wait3A_1158] : memref<4x64x128xf32, #tpu.memory_space<vmem>> -> memref<1x8x128xf32, #tpu.memory_space<vmem>>
      %dma_wait3A_1160 = tpu.memref_squeeze %dma_wait3A_1159 : memref<1x8x128xf32, #tpu.memory_space<vmem>> -> memref<8x128xf32, #tpu.memory_space<vmem>>
      %dma_wait3A_1161 = arith.constant 0 : i32
      %dma_wait3A_1162 = arith.constant 256 : i32
      %dma_wait3A_1163 = tpu.memref_slice %arg4[%dma_wait3A_1161, %dma_wait3A_1162] : memref<10000x4096xf32, #tpu.memory_space<hbm>> -> memref<8x128xf32, #tpu.memory_space<hbm>>
      %dma_wait3A_1164 = arith.constant 0 : i32
      %dma_wait3A_1165 = arith.constant 256 : i32
      %dma_wait3A_1166 = tpu.memref_slice %arg4[%dma_wait3A_1164, %dma_wait3A_1165] : memref<10000x4096xf32, #tpu.memory_space<hbm>> -> memref<8x128xf32, #tpu.memory_space<hbm>>
      %dma_wait3A_1167 = arith.constant 16 : i32
      %dma_wait3A_1168 = arith.constant 0 : i32
      %dma_wait3A_1169 = tpu.memref_slice %arg7[%dma_wait3A_1156, %dma_wait3A_1167, %dma_wait3A_1168] : memref<4x64x128xf32, #tpu.memory_space<vmem>> -> memref<1x8x128xf32, #tpu.memory_space<vmem>>
      %dma_wait3A_1170 = tpu.memref_squeeze %dma_wait3A_1169 : memref<1x8x128xf32, #tpu.memory_space<vmem>> -> memref<8x128xf32, #tpu.memory_space<vmem>>
      tpu.wait_dma2 semaphore(%arg12 : memref<!tpu.dma_semaphore, #tpu.memory_space<semaphore_mem>>) src(%dma_wait3A_1170 : memref<8x128xf32, #tpu.memory_space<vmem>>) dst(%dma_wait3A_1166 : memref<8x128xf32, #tpu.memory_space<hbm>>)
      %dma_wait3A_1171 = arith.constant 0 : i32
      %dma_wait3A_1172 = arith.constant 24 : i32
      %dma_wait3A_1173 = arith.constant 0 : i32
      %dma_wait3A_1174 = tpu.memref_slice %arg7[%dma_wait3A_1171, %dma_wait3A_1172, %dma_wait3A_1173] : memref<4x64x128xf32, #tpu.memory_space<vmem>> -> memref<1x8x128xf32, #tpu.memory_space<vmem>>
      %dma_wait3A_1175 = tpu.memref_squeeze %dma_wait3A_1174 : memref<1x8x128xf32, #tpu.memory_space<vmem>> -> memref<8x128xf32, #tpu.memory_space<vmem>>
      %dma_wait3A_1176 = arith.constant 0 : i32
      %dma_wait3A_1177 = arith.constant 384 : i32
      %dma_wait3A_1178 = tpu.memref_slice %arg4[%dma_wait3A_1176, %dma_wait3A_1177] : memref<10000x4096xf32, #tpu.memory_space<hbm>> -> memref<8x128xf32, #tpu.memory_space<hbm>>
      %dma_wait3A_1179 = arith.constant 0 : i32
      %dma_wait3A_1180 = arith.constant 384 : i32
      %dma_wait3A_1181 = tpu.memref_slice %arg4[%dma_wait3A_1179, %dma_wait3A_1180] : memref<10000x4096xf32, #tpu.memory_space<hbm>> -> memref<8x128xf32, #tpu.memory_space<hbm>>
      %dma_wait3A_1182 = arith.constant 24 : i32
      %dma_wait3A_1183 = arith.constant 0 : i32
      %dma_wait3A_1184 = tpu.memref_slice %arg7[%dma_wait3A_1171, %dma_wait3A_1182, %dma_wait3A_1183] : memref<4x64x128xf32, #tpu.memory_space<vmem>> -> memref<1x8x128xf32, #tpu.memory_space<vmem>>
      %dma_wait3A_1185 = tpu.memref_squeeze %dma_wait3A_1184 : memref<1x8x128xf32, #tpu.memory_space<vmem>> -> memref<8x128xf32, #tpu.memory_space<vmem>>
      tpu.wait_dma2 semaphore(%arg12 : memref<!tpu.dma_semaphore, #tpu.memory_space<semaphore_mem>>) src(%dma_wait3A_1185 : memref<8x128xf32, #tpu.memory_space<vmem>>) dst(%dma_wait3A_1181 : memref<8x128xf32, #tpu.memory_space<hbm>>)
      %dma_wait3A_1186 = arith.constant 0 : i32
      %dma_wait3A_1187 = arith.constant 32 : i32
      %dma_wait3A_1188 = arith.constant 0 : i32
      %dma_wait3A_1189 = tpu.memref_slice %arg7[%dma_wait3A_1186, %dma_wait3A_1187, %dma_wait3A_1188] : memref<4x64x128xf32, #tpu.memory_space<vmem>> -> memref<1x8x128xf32, #tpu.memory_space<vmem>>
      %dma_wait3A_1190 = tpu.memref_squeeze %dma_wait3A_1189 : memref<1x8x128xf32, #tpu.memory_space<vmem>> -> memref<8x128xf32, #tpu.memory_space<vmem>>
      %dma_wait3A_1191 = arith.constant 0 : i32
      %dma_wait3A_1192 = arith.constant 512 : i32
      %dma_wait3A_1193 = tpu.memref_slice %arg4[%dma_wait3A_1191, %dma_wait3A_1192] : memref<10000x4096xf32, #tpu.memory_space<hbm>> -> memref<8x128xf32, #tpu.memory_space<hbm>>
      %dma_wait3A_1194 = arith.constant 0 : i32
      %dma_wait3A_1195 = arith.constant 512 : i32
      %dma_wait3A_1196 = tpu.memref_slice %arg4[%dma_wait3A_1194, %dma_wait3A_1195] : memref<10000x4096xf32, #tpu.memory_space<hbm>> -> memref<8x128xf32, #tpu.memory_space<hbm>>
      %dma_wait3A_1197 = arith.constant 32 : i32
      %dma_wait3A_1198 = arith.constant 0 : i32
      %dma_wait3A_1199 = tpu.memref_slice %arg7[%dma_wait3A_1186, %dma_wait3A_1197, %dma_wait3A_1198] : memref<4x64x128xf32, #tpu.memory_space<vmem>> -> memref<1x8x128xf32, #tpu.memory_space<vmem>>
      %dma_wait3A_1200 = tpu.memref_squeeze %dma_wait3A_1199 : memref<1x8x128xf32, #tpu.memory_space<vmem>> -> memref<8x128xf32, #tpu.memory_space<vmem>>
      tpu.wait_dma2 semaphore(%arg12 : memref<!tpu.dma_semaphore, #tpu.memory_space<semaphore_mem>>) src(%dma_wait3A_1200 : memref<8x128xf32, #tpu.memory_space<vmem>>) dst(%dma_wait3A_1196 : memref<8x128xf32, #tpu.memory_space<hbm>>)
      %dma_wait3A_1201 = arith.constant 0 : i32
      %dma_wait3A_1202 = arith.constant 40 : i32
      %dma_wait3A_1203 = arith.constant 0 : i32
      %dma_wait3A_1204 = tpu.memref_slice %arg7[%dma_wait3A_1201, %dma_wait3A_1202, %dma_wait3A_1203] : memref<4x64x128xf32, #tpu.memory_space<vmem>> -> memref<1x8x128xf32, #tpu.memory_space<vmem>>
      %dma_wait3A_1205 = tpu.memref_squeeze %dma_wait3A_1204 : memref<1x8x128xf32, #tpu.memory_space<vmem>> -> memref<8x128xf32, #tpu.memory_space<vmem>>
      %dma_wait3A_1206 = arith.constant 0 : i32
      %dma_wait3A_1207 = arith.constant 640 : i32
      %dma_wait3A_1208 = tpu.memref_slice %arg4[%dma_wait3A_1206, %dma_wait3A_1207] : memref<10000x4096xf32, #tpu.memory_space<hbm>> -> memref<8x128xf32, #tpu.memory_space<hbm>>
      %dma_wait3A_1209 = arith.constant 0 : i32
      %dma_wait3A_1210 = arith.constant 640 : i32
      %dma_wait3A_1211 = tpu.memref_slice %arg4[%dma_wait3A_1209, %dma_wait3A_1210] : memref<10000x4096xf32, #tpu.memory_space<hbm>> -> memref<8x128xf32, #tpu.memory_space<hbm>>
      %dma_wait3A_1212 = arith.constant 40 : i32
      %dma_wait3A_1213 = arith.constant 0 : i32
      %dma_wait3A_1214 = tpu.memref_slice %arg7[%dma_wait3A_1201, %dma_wait3A_1212, %dma_wait3A_1213] : memref<4x64x128xf32, #tpu.memory_space<vmem>> -> memref<1x8x128xf32, #tpu.memory_space<vmem>>
      %dma_wait3A_1215 = tpu.memref_squeeze %dma_wait3A_1214 : memref<1x8x128xf32, #tpu.memory_space<vmem>> -> memref<8x128xf32, #tpu.memory_space<vmem>>
      tpu.wait_dma2 semaphore(%arg12 : memref<!tpu.dma_semaphore, #tpu.memory_space<semaphore_mem>>) src(%dma_wait3A_1215 : memref<8x128xf32, #tpu.memory_space<vmem>>) dst(%dma_wait3A_1211 : memref<8x128xf32, #tpu.memory_space<hbm>>)
      %dma_wait3A_1216 = arith.constant 0 : i32
      %dma_wait3A_1217 = arith.constant 48 : i32
      %dma_wait3A_1218 = arith.constant 0 : i32
      %dma_wait3A_1219 = tpu.memref_slice %arg7[%dma_wait3A_1216, %dma_wait3A_1217, %dma_wait3A_1218] : memref<4x64x128xf32, #tpu.memory_space<vmem>> -> memref<1x8x128xf32, #tpu.memory_space<vmem>>
      %dma_wait3A_1220 = tpu.memref_squeeze %dma_wait3A_1219 : memref<1x8x128xf32, #tpu.memory_space<vmem>> -> memref<8x128xf32, #tpu.memory_space<vmem>>
      %dma_wait3A_1221 = arith.constant 0 : i32
      %dma_wait3A_1222 = arith.constant 768 : i32
      %dma_wait3A_1223 = tpu.memref_slice %arg4[%dma_wait3A_1221, %dma_wait3A_1222] : memref<10000x4096xf32, #tpu.memory_space<hbm>> -> memref<8x128xf32, #tpu.memory_space<hbm>>
      %dma_wait3A_1224 = arith.constant 0 : i32
      %dma_wait3A_1225 = arith.constant 768 : i32
      %dma_wait3A_1226 = tpu.memref_slice %arg4[%dma_wait3A_1224, %dma_wait3A_1225] : memref<10000x4096xf32, #tpu.memory_space<hbm>> -> memref<8x128xf32, #tpu.memory_space<hbm>>
      %dma_wait3A_1227 = arith.constant 48 : i32
      %dma_wait3A_1228 = arith.constant 0 : i32
      %dma_wait3A_1229 = tpu.memref_slice %arg7[%dma_wait3A_1216, %dma_wait3A_1227, %dma_wait3A_1228] : memref<4x64x128xf32, #tpu.memory_space<vmem>> -> memref<1x8x128xf32, #tpu.memory_space<vmem>>
      %dma_wait3A_1230 = tpu.memref_squeeze %dma_wait3A_1229 : memref<1x8x128xf32, #tpu.memory_space<vmem>> -> memref<8x128xf32, #tpu.memory_space<vmem>>
      tpu.wait_dma2 semaphore(%arg12 : memref<!tpu.dma_semaphore, #tpu.memory_space<semaphore_mem>>) src(%dma_wait3A_1230 : memref<8x128xf32, #tpu.memory_space<vmem>>) dst(%dma_wait3A_1226 : memref<8x128xf32, #tpu.memory_space<hbm>>)
      %dma_wait3A_1231 = arith.constant 0 : i32
      %dma_wait3A_1232 = arith.constant 56 : i32
      %dma_wait3A_1233 = arith.constant 0 : i32
      %dma_wait3A_1234 = tpu.memref_slice %arg7[%dma_wait3A_1231, %dma_wait3A_1232, %dma_wait3A_1233] : memref<4x64x128xf32, #tpu.memory_space<vmem>> -> memref<1x8x128xf32, #tpu.memory_space<vmem>>
      %dma_wait3A_1235 = tpu.memref_squeeze %dma_wait3A_1234 : memref<1x8x128xf32, #tpu.memory_space<vmem>> -> memref<8x128xf32, #tpu.memory_space<vmem>>
      %dma_wait3A_1236 = arith.constant 0 : i32
      %dma_wait3A_1237 = arith.constant 896 : i32
      %dma_wait3A_1238 = tpu.memref_slice %arg4[%dma_wait3A_1236, %dma_wait3A_1237] : memref<10000x4096xf32, #tpu.memory_space<hbm>> -> memref<8x128xf32, #tpu.memory_space<hbm>>
      %dma_wait3A_1239 = arith.constant 0 : i32
      %dma_wait3A_1240 = arith.constant 896 : i32
      %dma_wait3A_1241 = tpu.memref_slice %arg4[%dma_wait3A_1239, %dma_wait3A_1240] : memref<10000x4096xf32, #tpu.memory_space<hbm>> -> memref<8x128xf32, #tpu.memory_space<hbm>>
      %dma_wait3A_1242 = arith.constant 56 : i32
      %dma_wait3A_1243 = arith.constant 0 : i32
      %dma_wait3A_1244 = tpu.memref_slice %arg7[%dma_wait3A_1231, %dma_wait3A_1242, %dma_wait3A_1243] : memref<4x64x128xf32, #tpu.memory_space<vmem>> -> memref<1x8x128xf32, #tpu.memory_space<vmem>>
      %dma_wait3A_1245 = tpu.memref_squeeze %dma_wait3A_1244 : memref<1x8x128xf32, #tpu.memory_space<vmem>> -> memref<8x128xf32, #tpu.memory_space<vmem>>
      tpu.wait_dma2 semaphore(%arg12 : memref<!tpu.dma_semaphore, #tpu.memory_space<semaphore_mem>>) src(%dma_wait3A_1245 : memref<8x128xf32, #tpu.memory_space<vmem>>) dst(%dma_wait3A_1241 : memref<8x128xf32, #tpu.memory_space<hbm>>)
    } else {
    }
    return
  }
}

</mosaic_0001>

<sc_bundles>
// kernel: kernel.3.cloned.1.call-start
scs
__scs_entry_jumppad:
0x0: {  	(pc) =	sbr.rel $0x88, $3  }
0x1: {  	(tag) =	ssettag $0x0;
	lr =	simm.s32 $0x1  }
0x2: {  	[smem:$0x3F9F] =	sst lr;
	_ =	strace $0xD0000000  }
0x3: {  	_ = 	snop  }
0x4: {  	_ = 	snop  }
0x5: {  	_ = 	snop  }
0x6: {  	_ = 	snop  }
0x7: {  	_ = 	snop  }
__scs_overlays_trampoline_lowered:
0x8: {  	[smem:$0x3FAE] =	sst s0  }
0x9: {  	[smem:$0x3FAF] =	sst s1  }
0xa: {  	[smem:$0x3FB0] =	sst s2  }
0xb: {  	[smem:$0x3FB1] =	sst s3  }
0xc: {  	[smem:$0x3FB2] =	sst s4  }
0xd: {  	[smem:$0x3FB3] =	sst s5  }
0xe: {  	[smem:$0x3FB4] =	sst s6  }
0xf: {  	[smem:$0x3FB5] =	sst s7  }
0x10: {  	[smem:$0x3FB6] =	sst s8  }
0x11: {  	[smem:$0x3FB7] =	sst s9;
	s0 =	simm.s32 @!p0 $0x0  }
0x12: {  	s1 =	sld [smem:$0x3F9D];
	s0 =	simm.s32 @p0 $0x1  }
0x13: {  	[smem:$0x3FB8] =	sst s0;
	s0 =	simm.s32 @!p1 $0x0  }
0x14: {  	s2 =	sld [smem:$0x3F9C];
	s0 =	simm.s32 @p1 $0x1  }
0x15: {  	[smem:$0x3FB9] =	sst s0;
	s0 =	simm.s32 @!p2 $0x0  }
0x16: {  	s3 =	sld [smem:$0x3FDB];
	s0 =	simm.s32 @p2 $0x1  }
0x17: {  	s4 =	simm.s32 $0x1BF5;
	[smem:$0x3FBB] =	sst s0  }
0x18: {  	s0 =	sld [smem:$0x3F9E];
	_ =	swait.ge [sflag:s4], $0x0  }
0x19: {  	s7 =	sld [smem:$0x3F9F]  }
0x1a: {  	s8 =	sadd.s32 $0xFFFFE003, lr  }
0x1b: {  	s9 =	sadd.s32 $0xFFFFFEF7, lr;
	s5 =	simm.s32 $0xFFFFFFFF;
	p2 =	slt.u32 s8, $0xFFFFF086  }
0x1c: {  	p1 =	slt.u32 s9, $0xF7A;
	s5 =	simm.s32 @!p2 $0x0  }
0x1d: {  	s5 =	simm.s32 @p1 $0x1;
	p0 =	seq.s32 s7, s2  }
0x1e: {  	s7 =	smul.u32 @!p0 $0xF7A, s2;
	p2 =	seq.s32 @!p0 s5, $0x0  }
0x1f: {  	s9 =	smul.u32 $0xF7A, s1;
	s8 =	simm.s32 @!p0 $0x1BF5;
	p2 =	por !p2, p0  }
0x20: {  	[sflag:s8] =	ssyncset.s32 @!p0 $0xFFFFF086;
	s6 =	sadd.s32 @!p0 s3, s7;
	s7 =	simm.s32 @!p0 $0x108  }
0x21: {  	s3 =	sadd.s32 s3, s9;
	s6 =	sadd.s32 @!p0 $0x88, s6;
	s7 =	simm.s32 @p2 $0x1082  }
0x22: {  	[simem:s7], [sflag:s8] =	dma.local @!p0 [hbm:s6], $0xF7A  }
0x23: {  	s9 =	sor.u32 $0xD0000000, s2;
	s6 =	simm.s32 $0x108;
	_ =	swait.ge @!p0 [sflag:s8], $0x0  }
0x24: {  	s3 =	sadd.s32 $0x88, s3;
	s6 =	simm.s32 @!p1 $0x1082;
	[sflag:s4] =	ssyncset.s32 $0xFFFFF086  }
0x25: {  	[simem:s6], [sflag:s4] =	dma.local [hbm:s3], $0xF7A  }
0x26: {  	[smem:$0x3F9F] =	sst s1;
	(tag) =	ssettag s2;
	_ =	strace s9  }
0x27: {  	s1 =	sld [smem:$0x3FAF]  }
0x28: {  	s2 =	sld [smem:$0x3FB0]  }
0x29: {  	s4 =	sld [smem:$0x3FB2]  }
0x2a: {  	p0 =	seq.s32 s5, $0x0;
	s5 =	sld [smem:$0x3FB3]  }
0x2b: {  	s6 =	sld [smem:$0x3FB4]  }
0x2c: {  	s7 =	sld [smem:$0x3FB5]  }
0x2d: {  	s3 =	simm.s32 $0x108;
	s8 =	sld [smem:$0x3FB6]  }
0x2e: {  	s3 =	simm.s32 @!p0 $0x1082;
	s9 =	sld [smem:$0x3FB7]  }
0x2f: {  	lr =	sadd.s32 s0, s3;
	s0 =	sld [smem:$0x3FAE]  }
0x30: {  	s3 =	sld [smem:$0x3FB1]  }
0x31: {  	[smem:$0x3FBA] =	sst s10  }
0x32: {  	s10 =	sld [smem:$0x3FB8];
	_ =	sdelay $0x3  }
0x33: {  	p0 =	seq.s32 s10, $0x1;
	s10 =	sld [smem:$0x3FBA];
	_ =	sdelay $0x3  }
0x34: {  	[smem:$0x3FBA] =	sst s10  }
0x35: {  	s10 =	sld [smem:$0x3FB9];
	_ =	sdelay $0x3  }
0x36: {  	p1 =	seq.s32 s10, $0x1;
	s10 =	sld [smem:$0x3FBA];
	_ =	sdelay $0x3  }
0x37: {  	[smem:$0x3FBA] =	sst s10  }
0x38: {  	s10 =	sld [smem:$0x3FBB]  }
0x39: {  	_ = 	snop;
	(pc) =	sbr.ind lr, $3  }
0x3a: {  	_ = 	snop  }
0x3b: {  	_ = 	snop  }
0x3c: {  	p2 =	seq.s32 s10, $0x1;
	s10 =	sld [smem:$0x3FBA]  }
0x3d: {  	_ =	shalt  }
0x3e: {  	_ =	shalt  }
0x3f: {  	_ =	shalt  }
0x40: {  	_ =	shalt  }
0x41: {  	_ =	shalt  }
0x42: {  	_ =	shalt  }
0x43: {  	_ =	shalt  }
0x44: {  	_ =	shalt  }
0x45: {  	_ =	shalt  }
0x46: {  	_ =	shalt  }
0x47: {  	_ =	shalt  }
0x48: {  	_ =	shalt  }
0x49: {  	_ =	shalt  }
0x4a: {  	_ =	shalt  }
0x4b: {  	_ =	shalt  }
0x4c: {  	_ =	shalt  }
0x4d: {  	_ =	shalt  }
0x4e: {  	_ =	shalt  }
0x4f: {  	_ =	shalt  }
0x50: {  	_ =	shalt  }
0x51: {  	_ =	shalt  }
0x52: {  	_ =	shalt  }
0x53: {  	_ =	shalt  }
0x54: {  	_ =	shalt  }
0x55: {  	_ =	shalt  }
0x56: {  	_ =	shalt  }
0x57: {  	_ =	shalt  }
0x58: {  	_ =	shalt  }
0x59: {  	_ =	shalt  }
0x5a: {  	_ =	shalt  }
0x5b: {  	_ =	shalt  }
0x5c: {  	_ =	shalt  }
0x5d: {  	_ =	shalt  }
0x5e: {  	_ =	shalt  }
0x5f: {  	_ =	shalt  }
0x60: {  	_ =	shalt  }
0x61: {  	_ =	shalt  }
0x62: {  	_ =	shalt  }
0x63: {  	_ =	shalt  }
0x64: {  	_ =	shalt  }
0x65: {  	_ =	shalt  }
0x66: {  	_ =	shalt  }
0x67: {  	_ =	shalt  }
0x68: {  	_ =	shalt  }
0x69: {  	_ =	shalt  }
0x6a: {  	_ =	shalt  }
0x6b: {  	_ =	shalt  }
0x6c: {  	_ =	shalt  }
0x6d: {  	_ =	shalt  }
0x6e: {  	_ =	shalt  }
0x6f: {  	_ =	shalt  }
0x70: {  	_ =	shalt  }
0x71: {  	_ =	shalt  }
0x72: {  	_ =	shalt  }
0x73: {  	_ =	shalt  }
0x74: {  	_ =	shalt  }
0x75: {  	_ =	shalt  }
0x76: {  	_ =	shalt  }
0x77: {  	_ =	shalt  }
0x78: {  	_ =	shalt  }
0x79: {  	_ =	shalt  }
0x7a: {  	_ =	shalt  }
0x7b: {  	_ =	shalt  }
0x7c: {  	_ =	shalt  }
0x7d: {  	_ =	shalt  }
0x7e: {  	_ =	shalt  }
0x7f: {  	_ =	shalt  }
0x80: {  	_ =	shalt  }
0x81: {  	_ =	shalt  }
0x82: {  	_ =	shalt  }
0x83: {  	_ =	shalt  }
0x84: {  	_ =	shalt  }
0x85: {  	_ =	shalt  }
0x86: {  	_ =	shalt  }
0x87: {  	_ =	shalt  }
.Lfunc_end0:
.L_simem_size_0:
called_computation_lowered:
.L_overlay_start_0:
0x88: {  	s2 =	sld [smem:$0x3FD9]  }
0x89: {  	s3 =	sld [smem:$0x3FFE];
	_ =	sdelay $0x1  }
0x8a: {  	s1 =	srdreg.scid  }
0x8b: {  	s0 =	sand.u32 $0x1, s1  }
0x8c: {  	s17 =	sshll.u32 s0, $0xA;
	s2 =	sadd.s32 s3, s2  }
0x8d: {  	s2 =	sadd.s32 s2, s17  }
0x8e: {  	[smem:$0x3FC6] =	sst s2  }
0x8f: {  	_ = 	snop  }
0x90: {  	s2 =	sld [smem:$0x3FC9]  }
0x91: {  	s18 =	sld [smem:$0x3FD0];
	(tm) =	ssettm $0x1  }
0x92: {  	s4 =	sld [smem:$0x3FFB];
	_ =	sdelay $0x3  }
0x93: {  	_ =	strace s4  }
0x94: {  	s4 =	sld [smem:$0x3FFC];
	_ =	sdelay $0x3  }
0x95: {  	_ =	strace s4  }
0x96: {  	s4 =	sld [smem:$0x3FFD];
	_ =	sdelay $0x3  }
0x97: {  	_ =	strace s4  }
0x98: {  	_ =	strace $0x8FFFFFFF  }
0x99: {  	s19 =	sld [smem:$0x3FDB];
	_ =	sdelay $0x1  }
0x9a: {  	s5 =	simm.s32 $_scs_section_size  }
0x9b: {  	s6 =	simm.s32 $_size__tile_overlayer_lowered;
	s7 =	simm.s32 $_tile_overlayer_lowered  }
0x9c: {  	s22 =	simm.s32 $0x1BFF;
	s21 =	sshll.u32 s7, $0x1;
	s4 =	sadd.s32 s5, s19  }
0x9d: {  	s8 =	simm.s32 $0x0;
	s20 =	sshll.u32 s6, $0x1;
	s6 =	sadd.s32 s21, s4  }
0x9e: {  	[timem:s8], [sflag:s22] =	dma.local [hbm:s6], s20  }
0x9f: {  	_ =	swait.ge [sflag:s22], s20  }
0xa0: {  	s5 =	ssub.s32 $0x0, s20;
	[sflag:s22] =	ssyncset.done $0x0  }
0xa1: {  	[sflag:s22] =	ssyncadd.s32 s5;
	_ =	sdelay $0x1  }
0xa2: {  	s23 =	simm.s32 $0x1B8B  }
0xa3: {  	_ =	swait.ge [sflag:s23], $0x1  }
0xa4: {  	[sflag:s23] =	ssyncset.done $0x0  }
0xa5: {  	s25 =	simm.s32 $0x1B8E;
	s24 =	sld [smem:$0x3FFE];
	[sflag:s23] =	ssyncadd.s32 $0xFFFFFFFF  }
0xa6: {  	s26 =	simm.s32 $execute0_lowered;
	[smem:$0x3FD2] =	sst s25  }
0xa7: {  	s6 =	sshll.u32 s26, $0x1;
	_ =	strace $0x80000046;
	[dreg:$0x1] =	wrdreg $0xFFFFFFFF  }
0xa8: {  	s28 =	simm.s32 $_size_execute0_lowered;
	s4 =	sadd.s32 s4, s6;
	[dreg:$0x0] =	wrdreg $0x0  }
0xa9: {  	s6 =	sshll.u32 s28, $0x1;
	[dreg:$0x2] =	wrdreg s4  }
0xaa: {  	[dreg:$0x3] =	wrdreg s6  }
0xab: {  	[dreg:$0x4] =	wrdreg $0xC0  }
0xac: {  	_ =	task [dreg:s8], $0x5FFFF  }
0xad: {  	[dreg:$0x1] =	wrdreg $0xFFFFFFFF  }
0xae: {  	[dreg:$0x0] =	wrdreg $0x60  }
0xaf: {  	[dreg:$0x2] =	wrdreg s2  }
0xb0: {  	[dreg:$0x3] =	wrdreg s24  }
0xb1: {  	[dreg:$0x4] =	wrdreg s18  }
0xb2: {  	[dreg:$0x5] =	wrdreg $0x0  }
0xb3: {  	[dreg:$0x6] =	wrdreg $0x9  }
0xb4: {  	_ =	task.clear_ibuf [dreg:s8], $0x7FFFF;
	_ =	strace $0x90000046  }
0xb5: {  	s29 =	simm.s32 $0x9;
	_ =	strace $0x80000048  }
0xb6: {  	_ =	swait.ge [sflag:s29], $0x1  }
0xb7: {  	[sflag:s29] =	ssyncadd.s32 $0xFFFFFFFF  }
0xb8: {  	_ =	strace $0x90000048  }
0xb9: {  	_ =	sfence  }
0xba: {  	s30 =	sld [smem:$0x0];
	_ =	sdelay $0x2  }
0xbb: {  	s31 =	sshll.u32 s1, $0xD;
	s1 =	sshrl.u32 s1, $0x2  }
0xbc: {  	s3 =	sand.u32 $0x4000, s31;
	s1 =	sadd.s32 s1, s30  }
0xbd: {  	s0 =	sor.u32 s3, s0;
	s1 =	sshll.u32 s1, $0x11  }
0xbe: {  	s0 =	sor.u32 s1, s0  }
0xbf: {  	s0 =	sadd.s32 $0x8F2B, s0  }
0xc0: {  	[sflag:s0] =	ssyncadd.remote.s32 $0x1  }
0xc1: {  	_ =	sfence.sel $0xFFFF  }
0xc2: {  	[dreg:$0x0] =	wrdreg $0xFFFFFFFF;
	(pc) =	sbr.abs _section_cstart, $3  }
0xc3: {  	[dreg:$0x1] =	wrdreg $0xFFFFFFFF  }
0xc4: {  	_ =	task.clear_ibuf [dreg:s8], $0x2FFFF;
	_ =	strace $0x9FFFFFFF  }
0xc5: {  	(tm) =	ssettm $0x7FFFFFFF  }
tec
execute0_lowered:
.L_overlay_start_1:
0x0: {  	(tag) =	ssettag $0x1  }
0x1: {  	s3 =	rddreg [dreg:$0x1]  }
0x2: {  	s5 =	rddreg [dreg:$0x2]  }
0x3: {  	s2 =	srdreg.scid;
	s0 =	stileid.u32  }
0x4: {  	s1 =	rddreg [dreg:$0x3];
	s6 =	sand.u32 $0x1, s2;
	s7 =	sshll.u32 s0, $0x1  }
0x5: {  	s2 =	simm.s32 $0x0;
	s10 =	sshrl.u32 s0, $0x1;
	s8 =	sor.u32 s6, s7  }
0x6: {  	[smem:$0x7FF] =	sst s2;
	s9 =	ssub.s32 $0x2, s6;
	s24 =	sshll.u32 s10, $0xC  }
0x7: {  	s16 =	sshll.u32 s10, $0xF;
	s7 =	smul.u32 $0x4E8, s8;
	_ =	strace $0x80000047  }
0x8: {  	s21 =	sshrl.u32 s9, $0x1;
	s23 =	sand.u32 $0x3, s8;
	s8 =	sadd.s32 s5, s24  }
0x9: {  	s15 =	sor.u32 $0x2640000, s16;
	s14 =	sor.u32 $0x2680000, s16;
	s13 =	sor.u32 $0x26C0000, s16  }
0xa: {  	s22 =	ssub.s32 s9, s21;
	s12 =	sshll.u32 s23, $0xA;
	s17 =	sshll.u32 s23, $0xD  }
0xb: {  	s25 =	sshrl.u32 s15, $0x3;
	s4 =	sshrl.u32 s14, $0x3;
	s3 =	sadd.s32 s7, s3  }
0xc: {  	[smem:$0x7FA] =	sst s22;
	s9 =	sor.u32 $0x400, s17;
	s10 =	sor.u32 $0x800, s17  }
0xd: {  	s11 =	sor.u32 $0xC00, s17;
	s18 =	sadd.s32 s5, s12;
	s7 =	sshrl.u32 s13, $0x3  }
0xe: {  	s28 =	sor.u32 $0x1C00, s17;
	[smem:$0x7F8] =	sst s3;
	s3 =	sadd.s32 s12, s8  }
0xf: {  	s26 =	sadd.s32 s25, s18;
	s6 =	sadd.s32 s4, s18;
	s8 =	sor.u32 s17, s16  }
0x10: {  	s19 =	sadd.s32 s7, s18;
	s12 =	sor.u32 $0x2700000, s16;
	[smem:$0x7C1] =	sst s26  }
0x11: {  	s29 =	sor.u32 s16, s9;
	s30 =	sor.u32 s16, s10;
	[smem:$0x7C2] =	sst s6  }
0x12: {  	s31 =	sor.u32 s16, s11;
	[smem:$0x7C3] =	sst s19;
	s19 =	sor.u32 $0x101C00, s8  }
0x13: {  	s20 =	sshrl.u32 s12, $0x3;
	s21 =	sor.u32 $0x101800, s8;
	s25 =	sor.u32 $0x101400, s8  }
0x14: {  	s0 =	sor.u32 $0x101000, s8;
	s4 =	sor.u32 $0x100C00, s8;
	s19 =	sshrl.u32 s19, $0x3  }
0x15: {  	s20 =	sadd.s32 s20, s18;
	s23 =	sshrl.u32 s21, $0x3;
	s26 =	sshrl.u32 s25, $0x3  }
0x16: {  	s7 =	sshrl.u32 s4, $0x3;
	[smem:$0x7C4] =	sst s20;
	s22 =	sadd.s32 s19, s5  }
0x17: {  	s24 =	sadd.s32 s23, s5;
	s18 =	sadd.s32 s26, s5;
	[dreg:$0x5] =	wrdreg s22  }
0x18: {  	s19 =	sshrl.u32 s0, $0x3;
	s20 =	sor.u32 $0x100800, s8;
	[dreg:$0x6] =	wrdreg s24  }
0x19: {  	s23 =	sor.u32 $0xC1C00, s8;
	s0 =	sor.u32 $0xC1800, s8;
	[dreg:$0x7] =	wrdreg s18  }
0x1a: {  	s6 =	sadd.s32 s19, s5;
	s19 =	sadd.s32 s7, s5;
	s21 =	sshrl.u32 s20, $0x3  }
0x1b: {  	s22 =	sor.u32 $0x100400, s8;
	s25 =	sshrl.u32 s23, $0x3;
	s4 =	sshrl.u32 s0, $0x3  }
0x1c: {  	s7 =	sor.u32 $0xC1000, s8;
	s23 =	sor.u32 $0xC0C00, s8;
	[dreg:$0x8] =	wrdreg s6  }
0x1d: {  	s20 =	sor.u32 $0x81800, s8;
	[dreg:$0x9] =	wrdreg s19;
	s18 =	sadd.s32 s21, s5  }
0x1e: {  	s19 =	sshrl.u32 s22, $0x3;
	s26 =	sadd.s32 s25, s5;
	s6 =	sor.u32 $0xC1400, s8  }
0x1f: {  	s21 =	sshrl.u32 s7, $0x3;
	s25 =	sor.u32 $0xC0800, s8;
	[dreg:$0xa] =	wrdreg s18  }
0x20: {  	s7 =	sor.u32 $0x81C00, s8;
	s24 =	sadd.s32 s19, s5;
	[dreg:$0xc] =	wrdreg s26  }
0x21: {  	s18 =	sadd.s32 s4, s5;
	s19 =	sshrl.u32 s6, $0x3;
	[dreg:$0xb] =	wrdreg s24  }
0x22: {  	s22 =	sadd.s32 s21, s5;
	s26 =	sor.u32 $0xC0400, s8;
	[dreg:$0xd] =	wrdreg s18  }
0x23: {  	s21 =	sor.u32 $0x81400, s8;
	s19 =	sadd.s32 s19, s5;
	[dreg:$0xf] =	wrdreg s22  }
0x24: {  	s24 =	sshrl.u32 s23, $0x3;
	s4 =	sshrl.u32 s26, $0x3;
	s23 =	sshrl.u32 s21, $0x3  }
0x25: {  	[dreg:$0xe] =	wrdreg s19;
	s18 =	sadd.s32 s24, s5;
	s19 =	sshrl.u32 s25, $0x3  }
0x26: {  	s6 =	sadd.s32 s4, s5;
	s24 =	sadd.s32 s23, s5;
	s25 =	sor.u32 $0x81000, s8  }
0x27: {  	s4 =	sor.u32 $0x80800, s8;
	s23 =	sor.u32 $0x41800, s8;
	[dreg:$0x10] =	wrdreg s18  }
0x28: {  	s0 =	sadd.s32 s19, s5;
	[dreg:$0x12] =	wrdreg s6;
	s19 =	sshrl.u32 s7, $0x3  }
0x29: {  	[dreg:$0x15] =	wrdreg s24;
	s26 =	sshrl.u32 s25, $0x3;
	s7 =	sshrl.u32 s4, $0x3  }
0x2a: {  	s25 =	sshrl.u32 s23, $0x3;
	[dreg:$0x11] =	wrdreg s0;
	s18 =	sadd.s32 s19, s5  }
0x2b: {  	s19 =	sshrl.u32 s20, $0x3;
	s0 =	sor.u32 $0x80C00, s8;
	s20 =	sor.u32 $0x80400, s8  }
0x2c: {  	[dreg:$0x13] =	wrdreg s18;
	s22 =	sadd.s32 s19, s5;
	s18 =	sadd.s32 s26, s5  }
0x2d: {  	s19 =	sshrl.u32 s0, $0x3;
	s21 =	sshrl.u32 s20, $0x3;
	s26 =	sadd.s32 s25, s5  }
0x2e: {  	s0 =	sor.u32 $0x41400, s8;
	s25 =	sor.u32 $0x1400, s17;
	[dreg:$0x14] =	wrdreg s22  }
0x2f: {  	s20 =	sor.u32 s15, s11;
	[dreg:$0x16] =	wrdreg s18;
	s6 =	sadd.s32 s19, s5  }
0x30: {  	s19 =	sadd.s32 s7, s5;
	s22 =	sor.u32 $0x41C00, s8;
	[dreg:$0x1b] =	wrdreg s26  }
0x31: {  	s18 =	sadd.s32 s21, s5;
	s4 =	sshrl.u32 s0, $0x3;
	[dreg:$0x17] =	wrdreg s6  }
0x32: {  	s26 =	sor.u32 $0x1800, s17;
	s21 =	sor.u32 s15, s25;
	[dreg:$0x18] =	wrdreg s19  }
0x33: {  	s0 =	sor.u32 s14, s10;
	s19 =	sshrl.u32 s22, $0x3;
	[dreg:$0x19] =	wrdreg s18  }
0x34: {  	s6 =	sor.u32 $0x41000, s8;
	s18 =	sadd.s32 s4, s5;
	s4 =	sor.u32 s16, s25  }
0x35: {  	s22 =	sor.u32 s15, s26;
	[smem:$0x7D4] =	sst s0;
	s0 =	sor.u32 s14, s11  }
0x36: {  	s24 =	sadd.s32 s19, s5;
	s19 =	sshrl.u32 s6, $0x3;
	[dreg:$0x1c] =	wrdreg s18  }
0x37: {  	s18 =	sor.u32 s15, s10;
	[smem:$0x7D5] =	sst s0;
	s4 =	sshrl.u32 s4, $0x3  }
0x38: {  	[dreg:$0x1a] =	wrdreg s24;
	s24 =	sor.u32 $0x1000, s17;
	s7 =	sadd.s32 s19, s5  }
0x39: {  	s17 =	sor.u32 s16, s28;
	[dreg:$0x1d] =	wrdreg s7;
	s0 =	sor.u32 s14, s24  }
0x3a: {  	s4 =	sadd.s32 s5, s4;
	[smem:$0x7D8] =	sst s0;
	s0 =	sor.u32 s14, s25  }
0x3b: {  	s6 =	sor.u32 s16, s24;
	[smem:$0x7DA] =	sst s0;
	s0 =	sor.u32 s14, s26  }
0x3c: {  	s7 =	sor.u32 s16, s26;
	[smem:$0x7DB] =	sst s0;
	s0 =	sor.u32 s13, s9  }
0x3d: {  	s16 =	sor.u32 s15, s9;
	[smem:$0x7DF] =	sst s0;
	s0 =	sor.u32 s13, s10  }
0x3e: {  	s19 =	sor.u32 s15, s24;
	[smem:$0x7E0] =	sst s0;
	s0 =	sor.u32 s13, s11  }
0x3f: {  	s15 =	sor.u32 s15, s28;
	s11 =	sor.u32 s12, s11;
	[smem:$0x7E3] =	sst s0  }
0x40: {  	s0 =	sor.u32 s13, s24;
	[smem:$0x7EE] =	sst s11;
	s11 =	sor.u32 s12, s24  }
0x41: {  	s24 =	sor.u32 s12, s25;
	[smem:$0x7E5] =	sst s0;
	s0 =	sor.u32 s13, s25  }
0x42: {  	s25 =	sor.u32 $0x40800, s8;
	[smem:$0x7E6] =	sst s0;
	s0 =	sor.u32 s13, s26  }
0x43: {  	s25 =	sshrl.u32 s25, $0x3;
	[smem:$0x7E9] =	sst s0;
	s0 =	sor.u32 $0x40C00, s8  }
0x44: {  	[smem:$0x7C9] =	sst s4;
	s25 =	sadd.s32 s25, s5;
	s0 =	sshrl.u32 s0, $0x3  }
0x45: {  	[dreg:$0x1f] =	wrdreg s25;
	s25 =	sshrl.u32 s30, $0x3;
	s0 =	sadd.s32 s0, s5  }
0x46: {  	s25 =	sadd.s32 s5, s25;
	[dreg:$0x1e] =	wrdreg s0;
	s0 =	sshrl.u32 s29, $0x3  }
0x47: {  	[smem:$0x7C6] =	sst s25;
	s25 =	sshrl.u32 s31, $0x3;
	s0 =	sadd.s32 s5, s0  }
0x48: {  	s16 =	sshrl.u32 s16, $0x3;
	[smem:$0x7C5] =	sst s0;
	s0 =	sadd.s32 s5, s25  }
0x49: {  	s25 =	sshrl.u32 s6, $0x3;
	s6 =	sshrl.u32 s7, $0x3;
	s7 =	sshrl.u32 s17, $0x3  }
0x4a: {  	s17 =	sadd.s32 s5, s16;
	s16 =	sshrl.u32 s15, $0x3;
	s15 =	sld [smem:$0x7E0]  }
0x4b: {  	[smem:$0x7C7] =	sst s0  }
0x4c: {  	[smem:$0x7CC] =	sst s17  }
0x4d: {  	s0 =	sadd.s32 s5, s25;
	s25 =	sshrl.u32 s19, $0x3;
	s19 =	sld [smem:$0x7D4]  }
0x4e: {  	s17 =	sadd.s32 s5, s16;
	[smem:$0x7C8] =	sst s0  }
0x4f: {  	[smem:$0x7D2] =	sst s17  }
0x50: {  	s4 =	sadd.s32 s5, s25;
	s25 =	sld [smem:$0x7DB]  }
0x51: {  	s0 =	sadd.s32 s5, s6;
	s17 =	sld [smem:$0x7E3]  }
0x52: {  	[smem:$0x7CA] =	sst s0  }
0x53: {  	s23 =	sor.u32 s14, s9;
	[smem:$0x7CF] =	sst s4  }
0x54: {  	s0 =	sadd.s32 s5, s7;
	s7 =	sshrl.u32 s22, $0x3;
	s22 =	sld [smem:$0x7D8]  }
0x55: {  	s20 =	sshrl.u32 s20, $0x3;
	s18 =	sshrl.u32 s18, $0x3;
	[smem:$0x7CB] =	sst s0  }
0x56: {  	s0 =	sadd.s32 s5, s18;
	s18 =	sshrl.u32 s23, $0x3;
	s23 =	sld [smem:$0x7DA]  }
0x57: {  	s14 =	sor.u32 s14, s28;
	s9 =	sor.u32 s12, s9;
	[smem:$0x7CD] =	sst s0  }
0x58: {  	s6 =	sshrl.u32 s21, $0x3;
	s0 =	sadd.s32 s5, s20;
	s20 =	sld [smem:$0x7D5]  }
0x59: {  	s10 =	sor.u32 s12, s10;
	[smem:$0x7CE] =	sst s0;
	s0 =	sadd.s32 s5, s6  }
0x5a: {  	s13 =	sor.u32 s13, s28;
	s26 =	sor.u32 s12, s26;
	[smem:$0x7D0] =	sst s0  }
0x5b: {  	s0 =	sadd.s32 s5, s7;
	s7 =	sshrl.u32 s14, $0x3;
	s14 =	sld [smem:$0x7DF]  }
0x5c: {  	s12 =	sor.u32 s12, s28;
	s28 =	simm.s32 $0x1A000;
	[smem:$0x7D1] =	sst s0  }
0x5d: {  	s30 =	simm.s32 $0x17800;
	s0 =	sadd.s32 s5, s18;
	s18 =	sld [smem:$0x7E5]  }
0x5e: {  	s29 =	simm.s32 $0x1;
	s4 =	sshrl.u32 s20, $0x3;
	[smem:$0x7D3] =	sst s0  }
0x5f: {  	s0 =	sshrl.u32 s19, $0x3;
	s21 =	sadd.s32 s5, s4;
	s19 =	sld [smem:$0x7E6]  }
0x60: {  	s31 =	simm.s32 $0x16400;
	s4 =	sshrl.u32 s25, $0x3;
	[smem:$0x7D7] =	sst s21  }
0x61: {  	s0 =	sadd.s32 s5, s0;
	s6 =	sadd.s32 s5, s4;
	s21 =	sld [smem:$0x7E9]  }
0x62: {  	s4 =	sshrl.u32 s15, $0x3;
	s15 =	stileid.u32;
	[smem:$0x7D6] =	sst s0  }
0x63: {  	s0 =	sshrl.u32 s22, $0x3;
	[smem:$0x7DD] =	sst s6;
	s16 =	sadd.s32 s5, s4  }
0x64: {  	s22 =	sshrl.u32 s13, $0x3;
	s6 =	sld [smem:$0x7EE];
	s13 =	sor.u32 $0x40400, s8  }
0x65: {  	p0 =	sne.s32 s15, $0x0;
	p1 =	sgt.u32 s15, $0x3;
	s8 =	simm.s32 $0x1C000  }
0x66: {  	s0 =	sadd.s32 s5, s0;
	[smem:$0x7E2] =	sst s16;
	s4 =	sshrl.u32 s19, $0x3  }
0x67: {  	[smem:$0x7D9] =	sst s0;
	s0 =	sshrl.u32 s23, $0x3;
	s20 =	sadd.s32 s5, s4  }
0x68: {  	s23 =	sshrl.u32 s9, $0x3;
	s0 =	sadd.s32 s5, s0;
	[smem:$0x7E8] =	sst s20  }
0x69: {  	s16 =	smul.u32 $0x4E000, s15;
	s25 =	sadd.s32 s5, s23;
	[smem:$0x7DC] =	sst s0  }
0x6a: {  	s4 =	sshrl.u32 s10, $0x3;
	s10 =	sshrl.u32 s24, $0x3;
	[smem:$0x7EC] =	sst s25  }
0x6b: {  	s19 =	sshrl.u32 s16, $0x2;
	s0 =	sadd.s32 s5, s7;
	s25 =	sld [smem:$0x7F8]  }
0x6c: {  	s7 =	sshrl.u32 s11, $0x3;
	[smem:$0x7DE] =	sst s0;
	s0 =	sshrl.u32 s14, $0x3  }
0x6d: {  	s11 =	sshrl.u32 s26, $0x3;
	s26 =	sld [smem:$0x7FA];
	s0 =	sadd.s32 s5, s0  }
0x6e: {  	s20 =	smul.u32 $0x2700, s15;
	[smem:$0x7E1] =	sst s0;
	s0 =	sshrl.u32 s17, $0x3  }
0x6f: {  	s9 =	sadd.s32 s5, s7;
	s14 =	sshrl.u32 s12, $0x3;
	s0 =	sadd.s32 s5, s0  }
0x70: {  	s7 =	simm.s32 $0x17000;
	[smem:$0x7E4] =	sst s0;
	s0 =	sshrl.u32 s18, $0x3  }
0x71: {  	s12 =	simm.s32 $0x1D800;
	[smem:$0x7F0] =	sst s9;
	s0 =	sadd.s32 s5, s0  }
0x72: {  	s17 =	sadd.s32 s5, s14;
	[smem:$0x7E7] =	sst s0;
	s0 =	sshrl.u32 s21, $0x3  }
0x73: {  	s9 =	simm.s32 $0x2;
	[smem:$0x7F3] =	sst s17;
	s0 =	sadd.s32 s5, s0  }
0x74: {  	s14 =	simm.s32 $0x7;
	s21 =	sshll.u32 s15, $0x6;
	[smem:$0x7EA] =	sst s0  }
0x75: {  	s23 =	sor.u32 $0x1C09, s21;
	s0 =	sadd.s32 s5, s22;
	s22 =	rddreg [dreg:$0x0]  }
0x76: {  	s17 =	simm.s32 $0x5;
	s21 =	simm.s32 $0x17C00;
	[smem:$0x7F6] =	sst s23  }
0x77: {  	s23 =	simm.s32 $0x8;
	[smem:$0x7EB] =	sst s0;
	s0 =	sadd.s32 s5, s4  }
0x78: {  	s4 =	sshrl.u32 s13, $0x3;
	s24 =	sadd.s32 $0x27000, s22;
	s13 =	simm.s32 $0x1DC00  }
0x79: {  	[smem:$0x7ED] =	sst s0;
	s0 =	sshrl.u32 s6, $0x3;
	s18 =	sadd.s32 s4, s5  }
0x7a: {  	s4 =	sadd.s32 s22, s20;
	[smem:$0x7F7] =	sst s24;
	s24 =	simm.s32 $0x40  }
0x7b: {  	s6 =	simm.s32 $0x16C00;
	s0 =	sadd.s32 s5, s0;
	[smem:$0x7F4] =	sst s18  }
0x7c: {  	[smem:$0x7F5] =	sst s4;
	s4 =	sadd.s32 $0x400, s25;
	s25 =	simm.s32 $0x16000  }
0x7d: {  	s18 =	simm.s32 $0x3;
	[smem:$0x7EF] =	sst s0;
	s0 =	sadd.s32 s5, s10  }
0x7e: {  	[smem:$0x7F9] =	sst s4;
	s4 =	sadd.s32 $0x138000, s1;
	s10 =	simm.s32 $0x17400  }
0x7f: {  	[smem:$0x7F1] =	sst s0;
	s0 =	sadd.s32 s5, s11;
	s5 =	smax.u32 s26, $0x1  }
0x80: {  	s26 =	simm.s32 $0x18000;
	[smem:$0x7F2] =	sst s0;
	s0 =	sadd.s32 s19, s1  }
0x81: {  	s11 =	simm.s32 $0x0;
	[smem:$0x7FB] =	sst s5;
	s0 =	sshrl.u32 s0, $0x3  }
0x82: {  	s5 =	simm.s32 $0x16800;
	[smem:$0x7FC] =	sst s0;
	s0 =	sshrl.u32 @!p0 s4, $0x3  }
0x83: {  	s4 =	simm.s32 $0x4;
	[smem:$0x7FD] =	sst s0;
	s0 =	simm.s32 $0x6  }
.LBB2_1:
0x84: {  	s15 =	sld [smem:$0x7F5]  }
0x85: {  	s16 =	sld [smem:$0x7F6]  }
0x86: {  	s19 =	sld [smem:$0x7FC];
	_ =	sdelay $0x1  }
0x87: {  	[smem:$0x7C0] =	sst s11;
	s20 =	simm.s32 $0x9  }
0x88: {  	[spmem:s19], [sflag:s16] =	dma.local [hbm:s15], $0x2700  }
0x89: {  	_ =	swait.ge [sflag:s20], $0x2700  }
0x8a: {  	s15 =	sld [smem:$0x7F7]  }
0x8b: {  	s19 =	sld [smem:$0x7FD]  }
0x8c: {  	[sflag:s20] =	ssyncset.done $0x0  }
0x8d: {  	[sflag:s20] =	ssyncadd.s32 $0xFFFFD900  }
0x8e: {  	[spmem:s19], [sflag:s16] =	dma.local @!p0 [hbm:s15], $0x100  }
0x8f: {  	s15 =	simm.s32 @!p0 $0x9  }
0x90: {  	_ =	swait.ge @!p0 [sflag:s15], $0x100  }
0x91: {  	s19 =	sld [smem:$0x7F9]  }
0x92: {  	[sflag:s15] =	ssyncset.done @!p0 $0x0  }
0x93: {  	s22 =	simm.s32 $0x13880;
	[sflag:s15] =	ssyncadd.s32 @!p0 $0xFFFFFF00  }
0x94: {  	[tilespmem:s22], [sflag:$0x9] =	stream.linear.gather [hbm4b:s19+s2], $0x2740, $0x38;
	[tilespmem:$0x1E000] =	vst v63  }
0x95: {  	_ =	swait.ge [sflag:s20], $0x2740  }
0x96: {  	[sflag:s20] =	ssyncset.done $0x0  }
0x97: {  	[sflag:s20] =	ssyncadd.s32 $0xFFFFD8C0  }
0x98: {  	[bflag:$0x0] =	sbarrier.arrive $0xFFFF  }
0x99: {  	[tilespmem:s25], [sflag:$0x1] =	stream.indirect.gather [spmem:s1], $0x80, s22, s24, $0xb8;
	[tilespmem:$0x1E000] =	vst v63  }
0x9a: {  	s11 =	simm.s32 $0x138C0  }
0x9b: {  	[tilespmem:s26], [sflag:$0x2] =	stream.indirect.gather [spmem:s1], $0x80, s11, s24, $0xb8;
	[tilespmem:$0x1E000] =	vst v63  }
0x9c: {  	s16 =	simm.s32 $0x13900  }
0x9d: {  	[tilespmem:s28], [sflag:$0x3] =	stream.indirect.gather [spmem:s1], $0x80, s16, s24, $0xb8;
	[tilespmem:$0x1E000] =	vst v63  }
0x9e: {  	_ =	swait.ge [sflag:s29], $0x2000  }
0x9f: {  	[sflag:s29] =	ssyncset.done $0x0  }
0xa0: {  	s19 =	sld [smem:$0x7C5];
	[sflag:s29] =	ssyncadd.s32 $0xFFFFE000  }
0xa1: {  	[hbm4b:s3+s2] =	stream.linear.scatter [tilespmem:s25], [sflag:$0x5], $0x400, $0x38;
	[tilespmem:$0x1E000] =	vst v63  }
0xa2: {  	s20 =	sld [smem:$0x7C6]  }
0xa3: {  	[hbm4b:s19+s2] =	stream.linear.scatter [tilespmem:s31], [sflag:$0x5], $0x400, $0x38;
	[tilespmem:$0x1E000] =	vst v63  }
0xa4: {  	s22 =	sld [smem:$0x7C7]  }
0xa5: {  	[hbm4b:s20+s2] =	stream.linear.scatter [tilespmem:s5], [sflag:$0x5], $0x400, $0x38;
	[tilespmem:$0x1E000] =	vst v63  }
0xa6: {  	s11 =	sld [smem:$0x7C8]  }
0xa7: {  	[hbm4b:s22+s2] =	stream.linear.scatter [tilespmem:s6], [sflag:$0x5], $0x400, $0x38;
	[tilespmem:$0x1E000] =	vst v63  }
0xa8: {  	s16 =	sld [smem:$0x7C9]  }
0xa9: {  	[hbm4b:s11+s2] =	stream.linear.scatter [tilespmem:s7], [sflag:$0x5], $0x400, $0x38;
	[tilespmem:$0x1E000] =	vst v63  }
0xaa: {  	s19 =	sld [smem:$0x7CA]  }
0xab: {  	[hbm4b:s16+s2] =	stream.linear.scatter [tilespmem:s10], [sflag:$0x5], $0x400, $0x38;
	[tilespmem:$0x1E000] =	vst v63  }
0xac: {  	s20 =	sld [smem:$0x7CB]  }
0xad: {  	[hbm4b:s19+s2] =	stream.linear.scatter [tilespmem:s30], [sflag:$0x5], $0x400, $0x38;
	[tilespmem:$0x1E000] =	vst v63  }
0xae: {  	_ = 	snop  }
0xaf: {  	[hbm4b:s20+s2] =	stream.linear.scatter [tilespmem:s21], [sflag:$0x5], $0x400, $0x38;
	[tilespmem:$0x1E000] =	vst v63  }
0xb0: {  	s22 =	simm.s32 $0x13940  }
0xb1: {  	[tilespmem:s8], [sflag:$0x4] =	stream.indirect.gather [spmem:s1], $0x80, s22, s24, $0xb8;
	[tilespmem:$0x1E000] =	vst v63  }
0xb2: {  	_ =	swait.ge [sflag:s9], $0x2000  }
0xb3: {  	s15 =	sadd.s32 $0x0, s3;
	[sflag:s9] =	ssyncset.done $0x0;
	s11 =	sld [smem:$0x7F4]  }
0xb4: {  	s20 =	sadd.s32 $0x8000, s15;
	[sflag:s9] =	ssyncadd.s32 $0xFFFFE000  }
0xb5: {  	[hbm4b:s20+s2] =	stream.linear.scatter [tilespmem:s26], [sflag:$0x6], $0x400, $0x38;
	[tilespmem:$0x1E000] =	vst v63  }
0xb6: {  	s22 =	simm.s32 $0x18400;
	s19 =	rddreg [dreg:$0x1f];
	s16 =	sadd.s32 $0x0, s11  }
0xb7: {  	[hbm4b:s16+s2] =	stream.linear.scatter [tilespmem:s22], [sflag:$0x6], $0x400, $0x38;
	[tilespmem:$0x1E000] =	vst v63  }
0xb8: {  	s19 =	sadd.s32 $0x0, s19;
	s20 =	rddreg [dreg:$0x1e];
	s22 =	simm.s32 $0x18800  }
0xb9: {  	[hbm4b:s19+s2] =	stream.linear.scatter [tilespmem:s22], [sflag:$0x6], $0x400, $0x38;
	[tilespmem:$0x1E000] =	vst v63  }
0xba: {  	s16 =	sadd.s32 $0x0, s20;
	s20 =	simm.s32 $0x18C00;
	s19 =	rddreg [dreg:$0x1d]  }
0xbb: {  	[hbm4b:s16+s2] =	stream.linear.scatter [tilespmem:s20], [sflag:$0x6], $0x400, $0x38;
	[tilespmem:$0x1E000] =	vst v63  }
0xbc: {  	s22 =	rddreg [dreg:$0x1c];
	s19 =	sadd.s32 $0x0, s19;
	s20 =	simm.s32 $0x19000  }
0xbd: {  	[hbm4b:s19+s2] =	stream.linear.scatter [tilespmem:s20], [sflag:$0x6], $0x400, $0x38;
	[tilespmem:$0x1E000] =	vst v63  }
0xbe: {  	s16 =	sadd.s32 $0x0, s22;
	s22 =	simm.s32 $0x19400;
	s19 =	rddreg [dreg:$0x1b]  }
0xbf: {  	[hbm4b:s16+s2] =	stream.linear.scatter [tilespmem:s22], [sflag:$0x6], $0x400, $0x38;
	[tilespmem:$0x1E000] =	vst v63  }
0xc0: {  	s20 =	rddreg [dreg:$0x1a];
	s19 =	sadd.s32 $0x0, s19;
	s22 =	simm.s32 $0x19800  }
0xc1: {  	[hbm4b:s19+s2] =	stream.linear.scatter [tilespmem:s22], [sflag:$0x6], $0x400, $0x38;
	[tilespmem:$0x1E000] =	vst v63  }
0xc2: {  	s16 =	sadd.s32 $0x0, s20;
	s20 =	simm.s32 $0x19C00  }
0xc3: {  	[hbm4b:s16+s2] =	stream.linear.scatter [tilespmem:s20], [sflag:$0x6], $0x400, $0x38;
	[tilespmem:$0x1E000] =	vst v63  }
0xc4: {  	_ =	swait.ge [sflag:s17], $0x400  }
0xc5: {  	[sflag:s17] =	ssyncset.done $0x0  }
0xc6: {  	[sflag:s17] =	ssyncadd.s32 $0xFFFFFC00  }
0xc7: {  	_ =	swait.ge [sflag:s17], $0x400  }
0xc8: {  	[sflag:s17] =	ssyncset.done $0x0  }
0xc9: {  	[sflag:s17] =	ssyncadd.s32 $0xFFFFFC00  }
0xca: {  	_ =	swait.ge [sflag:s17], $0x400  }
0xcb: {  	[sflag:s17] =	ssyncset.done $0x0  }
0xcc: {  	[sflag:s17] =	ssyncadd.s32 $0xFFFFFC00  }
0xcd: {  	_ =	swait.ge [sflag:s17], $0x400  }
0xce: {  	[sflag:s17] =	ssyncset.done $0x0  }
0xcf: {  	[sflag:s17] =	ssyncadd.s32 $0xFFFFFC00  }
0xd0: {  	_ =	swait.ge [sflag:s17], $0x400  }
0xd1: {  	[sflag:s17] =	ssyncset.done $0x0  }
0xd2: {  	[sflag:s17] =	ssyncadd.s32 $0xFFFFFC00  }
0xd3: {  	_ =	swait.ge [sflag:s17], $0x400  }
0xd4: {  	[sflag:s17] =	ssyncset.done $0x0  }
0xd5: {  	[sflag:s17] =	ssyncadd.s32 $0xFFFFFC00  }
0xd6: {  	_ =	swait.ge [sflag:s17], $0x400  }
0xd7: {  	[sflag:s17] =	ssyncset.done $0x0  }
0xd8: {  	[sflag:s17] =	ssyncadd.s32 $0xFFFFFC00  }
0xd9: {  	_ =	swait.ge [sflag:s17], $0x400  }
0xda: {  	[sflag:s17] =	ssyncset.done $0x0  }
0xdb: {  	s22 =	simm.s32 $0x13980;
	[sflag:s17] =	ssyncadd.s32 $0xFFFFFC00  }
0xdc: {  	[tilespmem:s25], [sflag:$0x1] =	stream.indirect.gather [spmem:s1], $0x80, s22, s24, $0xb8;
	[tilespmem:$0x1E000] =	vst v63  }
0xdd: {  	_ =	swait.ge [sflag:s18], $0x2000  }
0xde: {  	[sflag:s18] =	ssyncset.done $0x0  }
0xdf: {  	s20 =	sadd.s32 $0x10000, s15;
	s11 =	rddreg [dreg:$0x19];
	[sflag:s18] =	ssyncadd.s32 $0xFFFFE000  }
0xe0: {  	[hbm4b:s20+s2] =	stream.linear.scatter [tilespmem:s28], [sflag:$0x7], $0x400, $0x38;
	[tilespmem:$0x1E000] =	vst v63  }
0xe1: {  	s22 =	simm.s32 $0x1A400;
	s19 =	rddreg [dreg:$0x18];
	s16 =	sadd.s32 $0x0, s11  }
0xe2: {  	[hbm4b:s16+s2] =	stream.linear.scatter [tilespmem:s22], [sflag:$0x7], $0x400, $0x38;
	[tilespmem:$0x1E000] =	vst v63  }
0xe3: {  	s19 =	sadd.s32 $0x0, s19;
	s20 =	rddreg [dreg:$0x17];
	s22 =	simm.s32 $0x1A800  }
0xe4: {  	[hbm4b:s19+s2] =	stream.linear.scatter [tilespmem:s22], [sflag:$0x7], $0x400, $0x38;
	[tilespmem:$0x1E000] =	vst v63  }
0xe5: {  	s16 =	sadd.s32 $0x0, s20;
	s20 =	simm.s32 $0x1AC00;
	s19 =	rddreg [dreg:$0x16]  }
0xe6: {  	[hbm4b:s16+s2] =	stream.linear.scatter [tilespmem:s20], [sflag:$0x7], $0x400, $0x38;
	[tilespmem:$0x1E000] =	vst v63  }
0xe7: {  	s22 =	rddreg [dreg:$0x15];
	s19 =	sadd.s32 $0x0, s19;
	s20 =	simm.s32 $0x1B000  }
0xe8: {  	[hbm4b:s19+s2] =	stream.linear.scatter [tilespmem:s20], [sflag:$0x7], $0x400, $0x38;
	[tilespmem:$0x1E000] =	vst v63  }
0xe9: {  	s16 =	sadd.s32 $0x0, s22;
	s22 =	simm.s32 $0x1B400;
	s19 =	rddreg [dreg:$0x14]  }
0xea: {  	[hbm4b:s16+s2] =	stream.linear.scatter [tilespmem:s22], [sflag:$0x7], $0x400, $0x38;
	[tilespmem:$0x1E000] =	vst v63  }
0xeb: {  	s20 =	rddreg [dreg:$0x13];
	s19 =	sadd.s32 $0x0, s19;
	s22 =	simm.s32 $0x1B800  }
0xec: {  	[hbm4b:s19+s2] =	stream.linear.scatter [tilespmem:s22], [sflag:$0x7], $0x400, $0x38;
	[tilespmem:$0x1E000] =	vst v63  }
0xed: {  	s16 =	sadd.s32 $0x0, s20;
	s19 =	simm.s32 $0x1BC00  }
0xee: {  	[hbm4b:s16+s2] =	stream.linear.scatter [tilespmem:s19], [sflag:$0x7], $0x400, $0x38;
	[tilespmem:$0x1E000] =	vst v63  }
0xef: {  	_ =	swait.ge [sflag:s0], $0x400  }
0xf0: {  	[sflag:s0] =	ssyncset.done $0x0  }
0xf1: {  	[sflag:s0] =	ssyncadd.s32 $0xFFFFFC00  }
0xf2: {  	_ =	swait.ge [sflag:s0], $0x400  }
0xf3: {  	[sflag:s0] =	ssyncset.done $0x0  }
0xf4: {  	[sflag:s0] =	ssyncadd.s32 $0xFFFFFC00  }
0xf5: {  	_ =	swait.ge [sflag:s0], $0x400  }
0xf6: {  	[sflag:s0] =	ssyncset.done $0x0  }
0xf7: {  	[sflag:s0] =	ssyncadd.s32 $0xFFFFFC00  }
0xf8: {  	_ =	swait.ge [sflag:s0], $0x400  }
0xf9: {  	[sflag:s0] =	ssyncset.done $0x0  }
0xfa: {  	[sflag:s0] =	ssyncadd.s32 $0xFFFFFC00  }
0xfb: {  	_ =	swait.ge [sflag:s0], $0x400  }
0xfc: {  	[sflag:s0] =	ssyncset.done $0x0  }
0xfd: {  	[sflag:s0] =	ssyncadd.s32 $0xFFFFFC00  }
0xfe: {  	_ =	swait.ge [sflag:s0], $0x400  }
0xff: {  	[sflag:s0] =	ssyncset.done $0x0  }
0x100: {  	[sflag:s0] =	ssyncadd.s32 $0xFFFFFC00  }
0x101: {  	_ =	swait.ge [sflag:s0], $0x400  }
0x102: {  	[sflag:s0] =	ssyncset.done $0x0  }
0x103: {  	[sflag:s0] =	ssyncadd.s32 $0xFFFFFC00  }
0x104: {  	_ =	swait.ge [sflag:s0], $0x400  }
0x105: {  	[sflag:s0] =	ssyncset.done $0x0  }
0x106: {  	s20 =	simm.s32 $0x139C0;
	[sflag:s0] =	ssyncadd.s32 $0xFFFFFC00  }
0x107: {  	[tilespmem:s26], [sflag:$0x2] =	stream.indirect.gather [spmem:s1], $0x80, s20, s24, $0xb8;
	[tilespmem:$0x1E000] =	vst v63  }
0x108: {  	_ =	swait.ge [sflag:s4], $0x2000  }
0x109: {  	[sflag:s4] =	ssyncset.done $0x0  }
0x10a: {  	s11 =	sadd.s32 $0x18000, s15;
	s22 =	rddreg [dreg:$0x12];
	[sflag:s4] =	ssyncadd.s32 $0xFFFFE000  }
0x10b: {  	[hbm4b:s11+s2] =	stream.linear.scatter [tilespmem:s8], [sflag:$0x8], $0x400, $0x38;
	[tilespmem:$0x1E000] =	vst v63  }
0x10c: {  	s20 =	simm.s32 $0x1C400;
	s19 =	rddreg [dreg:$0x11];
	s16 =	sadd.s32 $0x0, s22  }
0x10d: {  	[hbm4b:s16+s2] =	stream.linear.scatter [tilespmem:s20], [sflag:$0x8], $0x400, $0x38;
	[tilespmem:$0x1E000] =	vst v63  }
0x10e: {  	s22 =	rddreg [dreg:$0x10];
	s19 =	sadd.s32 $0x0, s19;
	s20 =	simm.s32 $0x1C800  }
0x10f: {  	[hbm4b:s19+s2] =	stream.linear.scatter [tilespmem:s20], [sflag:$0x8], $0x400, $0x38;
	[tilespmem:$0x1E000] =	vst v63  }
0x110: {  	s16 =	sadd.s32 $0x0, s22;
	s22 =	simm.s32 $0x1CC00;
	s19 =	rddreg [dreg:$0xf]  }
0x111: {  	[hbm4b:s16+s2] =	stream.linear.scatter [tilespmem:s22], [sflag:$0x8], $0x400, $0x38;
	[tilespmem:$0x1E000] =	vst v63  }
0x112: {  	s20 =	rddreg [dreg:$0xe];
	s19 =	sadd.s32 $0x0, s19;
	s22 =	simm.s32 $0x1D000  }
0x113: {  	[hbm4b:s19+s2] =	stream.linear.scatter [tilespmem:s22], [sflag:$0x8], $0x400, $0x38;
	[tilespmem:$0x1E000] =	vst v63  }
0x114: {  	s16 =	sadd.s32 $0x0, s20;
	s20 =	simm.s32 $0x1D400;
	s19 =	rddreg [dreg:$0xd]  }
0x115: {  	[hbm4b:s16+s2] =	stream.linear.scatter [tilespmem:s20], [sflag:$0x8], $0x400, $0x38;
	[tilespmem:$0x1E000] =	vst v63  }
0x116: {  	s22 =	rddreg [dreg:$0xc];
	s19 =	sadd.s32 $0x0, s19  }
0x117: {  	[hbm4b:s19+s2] =	stream.linear.scatter [tilespmem:s12], [sflag:$0x8], $0x400, $0x38;
	[tilespmem:$0x1E000] =	vst v63  }
0x118: {  	s16 =	sadd.s32 $0x0, s22  }
0x119: {  	[hbm4b:s16+s2] =	stream.linear.scatter [tilespmem:s13], [sflag:$0x8], $0x400, $0x38;
	[tilespmem:$0x1E000] =	vst v63  }
0x11a: {  	_ =	swait.ge [sflag:s14], $0x400  }
0x11b: {  	[sflag:s14] =	ssyncset.done $0x0  }
0x11c: {  	[sflag:s14] =	ssyncadd.s32 $0xFFFFFC00  }
0x11d: {  	_ =	swait.ge [sflag:s14], $0x400  }
0x11e: {  	[sflag:s14] =	ssyncset.done $0x0  }
0x11f: {  	[sflag:s14] =	ssyncadd.s32 $0xFFFFFC00  }
0x120: {  	_ =	swait.ge [sflag:s14], $0x400  }
0x121: {  	[sflag:s14] =	ssyncset.done $0x0  }
0x122: {  	[sflag:s14] =	ssyncadd.s32 $0xFFFFFC00  }
0x123: {  	_ =	swait.ge [sflag:s14], $0x400  }
0x124: {  	[sflag:s14] =	ssyncset.done $0x0  }
0x125: {  	[sflag:s14] =	ssyncadd.s32 $0xFFFFFC00  }
0x126: {  	_ =	swait.ge [sflag:s14], $0x400  }
0x127: {  	[sflag:s14] =	ssyncset.done $0x0  }
0x128: {  	[sflag:s14] =	ssyncadd.s32 $0xFFFFFC00  }
0x129: {  	_ =	swait.ge [sflag:s14], $0x400  }
0x12a: {  	[sflag:s14] =	ssyncset.done $0x0  }
0x12b: {  	[sflag:s14] =	ssyncadd.s32 $0xFFFFFC00  }
0x12c: {  	_ =	swait.ge [sflag:s14], $0x400  }
0x12d: {  	[sflag:s14] =	ssyncset.done $0x0  }
0x12e: {  	[sflag:s14] =	ssyncadd.s32 $0xFFFFFC00  }
0x12f: {  	_ =	swait.ge [sflag:s14], $0x400  }
0x130: {  	[sflag:s14] =	ssyncset.done $0x0  }
0x131: {  	s11 =	simm.s32 $0x13A00;
	[sflag:s14] =	ssyncadd.s32 $0xFFFFFC00  }
0x132: {  	[tilespmem:s28], [sflag:$0x3] =	stream.indirect.gather [spmem:s1], $0x80, s11, s24, $0xb8;
	[tilespmem:$0x1E000] =	vst v63  }
0x133: {  	_ =	swait.ge [sflag:s29], $0x2000  }
0x134: {  	[sflag:s29] =	ssyncset.done $0x0  }
0x135: {  	s15 =	sadd.s32 $0x20000, s15;
	s19 =	rddreg [dreg:$0xb];
	[sflag:s29] =	ssyncadd.s32 $0xFFFFE000  }
0x136: {  	[hbm4b:s15+s2] =	stream.linear.scatter [tilespmem:s25], [sflag:$0x5], $0x400, $0x38;
	[tilespmem:$0x1E000] =	vst v63  }
0x137: {  	s20 =	rddreg [dreg:$0xa];
	s22 =	sadd.s32 $0x0, s19  }
0x138: {  	[hbm4b:s22+s2] =	stream.linear.scatter [tilespmem:s31], [sflag:$0x5], $0x400, $0x38;
	[tilespmem:$0x1E000] =	vst v63  }
0x139: {  	s11 =	rddreg [dreg:$0x9];
	s20 =	sadd.s32 $0x0, s20  }
0x13a: {  	[hbm4b:s20+s2] =	stream.linear.scatter [tilespmem:s5], [sflag:$0x5], $0x400, $0x38;
	[tilespmem:$0x1E000] =	vst v63  }
0x13b: {  	s22 =	rddreg [dreg:$0x8];
	s31 =	sadd.s32 $0x0, s11  }
0x13c: {  	[hbm4b:s31+s2] =	stream.linear.scatter [tilespmem:s6], [sflag:$0x5], $0x400, $0x38;
	[tilespmem:$0x1E000] =	vst v63  }
0x13d: {  	s5 =	rddreg [dreg:$0x7];
	s6 =	sadd.s32 $0x0, s22  }
0x13e: {  	[hbm4b:s6+s2] =	stream.linear.scatter [tilespmem:s7], [sflag:$0x5], $0x400, $0x38;
	[tilespmem:$0x1E000] =	vst v63  }
0x13f: {  	s11 =	rddreg [dreg:$0x6];
	s16 =	sadd.s32 $0x0, s5  }
0x140: {  	[hbm4b:s16+s2] =	stream.linear.scatter [tilespmem:s10], [sflag:$0x5], $0x400, $0x38;
	[tilespmem:$0x1E000] =	vst v63  }
0x141: {  	s20 =	rddreg [dreg:$0x5];
	s22 =	sadd.s32 $0x0, s11  }
0x142: {  	[hbm4b:s22+s2] =	stream.linear.scatter [tilespmem:s30], [sflag:$0x5], $0x400, $0x38;
	[tilespmem:$0x1E000] =	vst v63  }
0x143: {  	s31 =	sadd.s32 $0x0, s20  }
0x144: {  	[hbm4b:s31+s2] =	stream.linear.scatter [tilespmem:s21], [sflag:$0x5], $0x400, $0x38;
	[tilespmem:$0x1E000] =	vst v63  }
0x145: {  	_ =	swait.ge [sflag:s23], $0x400  }
0x146: {  	[sflag:s23] =	ssyncset.done $0x0  }
0x147: {  	[sflag:s23] =	ssyncadd.s32 $0xFFFFFC00  }
0x148: {  	_ =	swait.ge [sflag:s23], $0x400  }
0x149: {  	[sflag:s23] =	ssyncset.done $0x0  }
0x14a: {  	[sflag:s23] =	ssyncadd.s32 $0xFFFFFC00  }
0x14b: {  	_ =	swait.ge [sflag:s23], $0x400  }
0x14c: {  	[sflag:s23] =	ssyncset.done $0x0  }
0x14d: {  	[sflag:s23] =	ssyncadd.s32 $0xFFFFFC00  }
0x14e: {  	_ =	swait.ge [sflag:s23], $0x400  }
0x14f: {  	[sflag:s23] =	ssyncset.done $0x0  }
0x150: {  	[sflag:s23] =	ssyncadd.s32 $0xFFFFFC00  }
0x151: {  	_ =	swait.ge [sflag:s23], $0x400  }
0x152: {  	[sflag:s23] =	ssyncset.done $0x0  }
0x153: {  	[sflag:s23] =	ssyncadd.s32 $0xFFFFFC00  }
0x154: {  	_ =	swait.ge [sflag:s23], $0x400  }
0x155: {  	[sflag:s23] =	ssyncset.done $0x0  }
0x156: {  	[sflag:s23] =	ssyncadd.s32 $0xFFFFFC00  }
0x157: {  	_ =	swait.ge [sflag:s23], $0x400  }
0x158: {  	[sflag:s23] =	ssyncset.done $0x0  }
0x159: {  	s19 =	simm.s32 $0x20000;
	[sflag:s23] =	ssyncadd.s32 $0xFFFFFC00  }
0x15a: {  	s15 =	simm.s32 $0x13A40;
	s5 =	simm.s32 $0x16800;
	_ =	swait.ge [sflag:s23], $0x400  }
0x15b: {  	s20 =	simm.s32 $0x13B40;
	s6 =	simm.s32 $0x16C00;
	[sflag:s23] =	ssyncset.done $0x0  }
0x15c: {  	s7 =	simm.s32 $0x17000;
	s10 =	simm.s32 $0x17400;
	[sflag:s23] =	ssyncadd.s32 $0xFFFFFC00  }
.LBB2_2:
0x15d: {  	[tilespmem:s8], [sflag:$0x4] =	stream.indirect.gather [spmem:s1], $0x80, s15, s24, $0xb8;
	[tilespmem:$0x1E000] =	vst v63  }
0x15e: {  	s21 =	smov.u32 s19;
	_ =	swait.ge [sflag:s9], $0x2000  }
0x15f: {  	s16 =	sadd.s32 s21, s3;
	[sflag:s9] =	ssyncset.done $0x0;
	s22 =	sld [smem:$0x7F4]  }
0x160: {  	s30 =	sadd.s32 $0x8000, s16;
	[sflag:s9] =	ssyncadd.s32 $0xFFFFE000  }
0x161: {  	[hbm4b:s30+s2] =	stream.linear.scatter [tilespmem:s26], [sflag:$0x6], $0x400, $0x38;
	[tilespmem:$0x1E000] =	vst v63  }
0x162: {  	s11 =	simm.s32 $0x18400;
	s31 =	rddreg [dreg:$0x1f];
	s22 =	sadd.s32 s21, s22  }
0x163: {  	[hbm4b:s22+s2] =	stream.linear.scatter [tilespmem:s11], [sflag:$0x6], $0x400, $0x38;
	[tilespmem:$0x1E000] =	vst v63  }
0x164: {  	s30 =	rddreg [dreg:$0x1e];
	s22 =	sadd.s32 s21, s31;
	s11 =	simm.s32 $0x18800  }
0x165: {  	[hbm4b:s22+s2] =	stream.linear.scatter [tilespmem:s11], [sflag:$0x6], $0x400, $0x38;
	[tilespmem:$0x1E000] =	vst v63  }
0x166: {  	s31 =	rddreg [dreg:$0x1d];
	s22 =	sadd.s32 s21, s30;
	s11 =	simm.s32 $0x18C00  }
0x167: {  	[hbm4b:s22+s2] =	stream.linear.scatter [tilespmem:s11], [sflag:$0x6], $0x400, $0x38;
	[tilespmem:$0x1E000] =	vst v63  }
0x168: {  	s30 =	rddreg [dreg:$0x1c];
	s22 =	sadd.s32 s21, s31;
	s11 =	simm.s32 $0x19000  }
0x169: {  	[hbm4b:s22+s2] =	stream.linear.scatter [tilespmem:s11], [sflag:$0x6], $0x400, $0x38;
	[tilespmem:$0x1E000] =	vst v63  }
0x16a: {  	s31 =	rddreg [dreg:$0x1b];
	s22 =	sadd.s32 s21, s30;
	s11 =	simm.s32 $0x19400  }
0x16b: {  	[hbm4b:s22+s2] =	stream.linear.scatter [tilespmem:s11], [sflag:$0x6], $0x400, $0x38;
	[tilespmem:$0x1E000] =	vst v63  }
0x16c: {  	s30 =	rddreg [dreg:$0x1a];
	s22 =	sadd.s32 s21, s31;
	s11 =	simm.s32 $0x19800  }
0x16d: {  	[hbm4b:s22+s2] =	stream.linear.scatter [tilespmem:s11], [sflag:$0x6], $0x400, $0x38;
	[tilespmem:$0x1E000] =	vst v63  }
0x16e: {  	s22 =	sadd.s32 s21, s30;
	s11 =	simm.s32 $0x19C00  }
0x16f: {  	[hbm4b:s22+s2] =	stream.linear.scatter [tilespmem:s11], [sflag:$0x6], $0x400, $0x38;
	[tilespmem:$0x1E000] =	vst v63  }
0x170: {  	_ =	swait.ge [sflag:s17], $0x400  }
0x171: {  	[sflag:s17] =	ssyncset.done $0x0  }
0x172: {  	[sflag:s17] =	ssyncadd.s32 $0xFFFFFC00  }
0x173: {  	_ =	swait.ge [sflag:s17], $0x400  }
0x174: {  	[sflag:s17] =	ssyncset.done $0x0  }
0x175: {  	[sflag:s17] =	ssyncadd.s32 $0xFFFFFC00  }
0x176: {  	_ =	swait.ge [sflag:s17], $0x400  }
0x177: {  	[sflag:s17] =	ssyncset.done $0x0  }
0x178: {  	[sflag:s17] =	ssyncadd.s32 $0xFFFFFC00  }
0x179: {  	_ =	swait.ge [sflag:s17], $0x400  }
0x17a: {  	[sflag:s17] =	ssyncset.done $0x0  }
0x17b: {  	[sflag:s17] =	ssyncadd.s32 $0xFFFFFC00  }
0x17c: {  	_ =	swait.ge [sflag:s17], $0x400  }
0x17d: {  	[sflag:s17] =	ssyncset.done $0x0  }
0x17e: {  	[sflag:s17] =	ssyncadd.s32 $0xFFFFFC00  }
0x17f: {  	_ =	swait.ge [sflag:s17], $0x400  }
0x180: {  	[sflag:s17] =	ssyncset.done $0x0  }
0x181: {  	[sflag:s17] =	ssyncadd.s32 $0xFFFFFC00  }
0x182: {  	_ =	swait.ge [sflag:s17], $0x400  }
0x183: {  	[sflag:s17] =	ssyncset.done $0x0  }
0x184: {  	[sflag:s17] =	ssyncadd.s32 $0xFFFFFC00  }
0x185: {  	_ =	swait.ge [sflag:s17], $0x400  }
0x186: {  	[sflag:s17] =	ssyncset.done $0x0  }
0x187: {  	s11 =	sadd.s32 $0xFFFFFF40, s20;
	[sflag:s17] =	ssyncadd.s32 $0xFFFFFC00  }
0x188: {  	[tilespmem:s25], [sflag:$0x1] =	stream.indirect.gather [spmem:s1], $0x80, s11, s24, $0xb8;
	[tilespmem:$0x1E000] =	vst v63  }
0x189: {  	_ =	swait.ge [sflag:s18], $0x2000  }
0x18a: {  	[sflag:s18] =	ssyncset.done $0x0  }
0x18b: {  	s30 =	sadd.s32 $0x10000, s16;
	s11 =	rddreg [dreg:$0x19];
	[sflag:s18] =	ssyncadd.s32 $0xFFFFE000  }
0x18c: {  	[hbm4b:s30+s2] =	stream.linear.scatter [tilespmem:s28], [sflag:$0x7], $0x400, $0x38;
	[tilespmem:$0x1E000] =	vst v63  }
0x18d: {  	s31 =	rddreg [dreg:$0x18];
	s22 =	sadd.s32 s21, s11;
	s11 =	simm.s32 $0x1A400  }
0x18e: {  	[hbm4b:s22+s2] =	stream.linear.scatter [tilespmem:s11], [sflag:$0x7], $0x400, $0x38;
	[tilespmem:$0x1E000] =	vst v63  }
0x18f: {  	s30 =	rddreg [dreg:$0x17];
	s22 =	sadd.s32 s21, s31;
	s11 =	simm.s32 $0x1A800  }
0x190: {  	[hbm4b:s22+s2] =	stream.linear.scatter [tilespmem:s11], [sflag:$0x7], $0x400, $0x38;
	[tilespmem:$0x1E000] =	vst v63  }
0x191: {  	s31 =	rddreg [dreg:$0x16];
	s22 =	sadd.s32 s21, s30;
	s11 =	simm.s32 $0x1AC00  }
0x192: {  	[hbm4b:s22+s2] =	stream.linear.scatter [tilespmem:s11], [sflag:$0x7], $0x400, $0x38;
	[tilespmem:$0x1E000] =	vst v63  }
0x193: {  	s30 =	rddreg [dreg:$0x15];
	s22 =	sadd.s32 s21, s31;
	s11 =	simm.s32 $0x1B000  }
0x194: {  	[hbm4b:s22+s2] =	stream.linear.scatter [tilespmem:s11], [sflag:$0x7], $0x400, $0x38;
	[tilespmem:$0x1E000] =	vst v63  }
0x195: {  	s31 =	rddreg [dreg:$0x14];
	s22 =	sadd.s32 s21, s30;
	s11 =	simm.s32 $0x1B400  }
0x196: {  	[hbm4b:s22+s2] =	stream.linear.scatter [tilespmem:s11], [sflag:$0x7], $0x400, $0x38;
	[tilespmem:$0x1E000] =	vst v63  }
0x197: {  	s30 =	rddreg [dreg:$0x13];
	s22 =	sadd.s32 s21, s31;
	s11 =	simm.s32 $0x1B800  }
0x198: {  	[hbm4b:s22+s2] =	stream.linear.scatter [tilespmem:s11], [sflag:$0x7], $0x400, $0x38;
	[tilespmem:$0x1E000] =	vst v63  }
0x199: {  	s22 =	sadd.s32 s21, s30;
	s11 =	simm.s32 $0x1BC00  }
0x19a: {  	[hbm4b:s22+s2] =	stream.linear.scatter [tilespmem:s11], [sflag:$0x7], $0x400, $0x38;
	[tilespmem:$0x1E000] =	vst v63  }
0x19b: {  	_ =	swait.ge [sflag:s0], $0x400  }
0x19c: {  	[sflag:s0] =	ssyncset.done $0x0  }
0x19d: {  	[sflag:s0] =	ssyncadd.s32 $0xFFFFFC00  }
0x19e: {  	_ =	swait.ge [sflag:s0], $0x400  }
0x19f: {  	[sflag:s0] =	ssyncset.done $0x0  }
0x1a0: {  	[sflag:s0] =	ssyncadd.s32 $0xFFFFFC00  }
0x1a1: {  	_ =	swait.ge [sflag:s0], $0x400  }
0x1a2: {  	[sflag:s0] =	ssyncset.done $0x0  }
0x1a3: {  	[sflag:s0] =	ssyncadd.s32 $0xFFFFFC00  }
0x1a4: {  	_ =	swait.ge [sflag:s0], $0x400  }
0x1a5: {  	[sflag:s0] =	ssyncset.done $0x0  }
0x1a6: {  	[sflag:s0] =	ssyncadd.s32 $0xFFFFFC00  }
0x1a7: {  	_ =	swait.ge [sflag:s0], $0x400  }
0x1a8: {  	[sflag:s0] =	ssyncset.done $0x0  }
0x1a9: {  	[sflag:s0] =	ssyncadd.s32 $0xFFFFFC00  }
0x1aa: {  	_ =	swait.ge [sflag:s0], $0x400  }
0x1ab: {  	[sflag:s0] =	ssyncset.done $0x0  }
0x1ac: {  	[sflag:s0] =	ssyncadd.s32 $0xFFFFFC00  }
0x1ad: {  	_ =	swait.ge [sflag:s0], $0x400  }
0x1ae: {  	[sflag:s0] =	ssyncset.done $0x0  }
0x1af: {  	[sflag:s0] =	ssyncadd.s32 $0xFFFFFC00  }
0x1b0: {  	_ =	swait.ge [sflag:s0], $0x400  }
0x1b1: {  	[sflag:s0] =	ssyncset.done $0x0  }
0x1b2: {  	s11 =	sadd.s32 $0xFFFFFF80, s20;
	[sflag:s0] =	ssyncadd.s32 $0xFFFFFC00  }
0x1b3: {  	[tilespmem:s26], [sflag:$0x2] =	stream.indirect.gather [spmem:s1], $0x80, s11, s24, $0xb8;
	[tilespmem:$0x1E000] =	vst v63  }
0x1b4: {  	_ =	swait.ge [sflag:s4], $0x2000  }
0x1b5: {  	[sflag:s4] =	ssyncset.done $0x0  }
0x1b6: {  	s30 =	sadd.s32 $0x18000, s16;
	s11 =	rddreg [dreg:$0x12];
	[sflag:s4] =	ssyncadd.s32 $0xFFFFE000  }
0x1b7: {  	[hbm4b:s30+s2] =	stream.linear.scatter [tilespmem:s8], [sflag:$0x8], $0x400, $0x38;
	[tilespmem:$0x1E000] =	vst v63  }
0x1b8: {  	s31 =	rddreg [dreg:$0x11];
	s22 =	sadd.s32 s21, s11;
	s11 =	simm.s32 $0x1C400  }
0x1b9: {  	[hbm4b:s22+s2] =	stream.linear.scatter [tilespmem:s11], [sflag:$0x8], $0x400, $0x38;
	[tilespmem:$0x1E000] =	vst v63  }
0x1ba: {  	s30 =	rddreg [dreg:$0x10];
	s22 =	sadd.s32 s21, s31;
	s11 =	simm.s32 $0x1C800  }
0x1bb: {  	[hbm4b:s22+s2] =	stream.linear.scatter [tilespmem:s11], [sflag:$0x8], $0x400, $0x38;
	[tilespmem:$0x1E000] =	vst v63  }
0x1bc: {  	s31 =	rddreg [dreg:$0xf];
	s22 =	sadd.s32 s21, s30;
	s11 =	simm.s32 $0x1CC00  }
0x1bd: {  	[hbm4b:s22+s2] =	stream.linear.scatter [tilespmem:s11], [sflag:$0x8], $0x400, $0x38;
	[tilespmem:$0x1E000] =	vst v63  }
0x1be: {  	s30 =	rddreg [dreg:$0xe];
	s22 =	sadd.s32 s21, s31;
	s11 =	simm.s32 $0x1D000  }
0x1bf: {  	[hbm4b:s22+s2] =	stream.linear.scatter [tilespmem:s11], [sflag:$0x8], $0x400, $0x38;
	[tilespmem:$0x1E000] =	vst v63  }
0x1c0: {  	s31 =	rddreg [dreg:$0xd];
	s22 =	sadd.s32 s21, s30;
	s11 =	simm.s32 $0x1D400  }
0x1c1: {  	[hbm4b:s22+s2] =	stream.linear.scatter [tilespmem:s11], [sflag:$0x8], $0x400, $0x38;
	[tilespmem:$0x1E000] =	vst v63  }
0x1c2: {  	s30 =	rddreg [dreg:$0xc];
	s11 =	sadd.s32 s21, s31  }
0x1c3: {  	[hbm4b:s11+s2] =	stream.linear.scatter [tilespmem:s12], [sflag:$0x8], $0x400, $0x38;
	[tilespmem:$0x1E000] =	vst v63  }
0x1c4: {  	s11 =	sadd.s32 s21, s30  }
0x1c5: {  	[hbm4b:s11+s2] =	stream.linear.scatter [tilespmem:s13], [sflag:$0x8], $0x400, $0x38;
	[tilespmem:$0x1E000] =	vst v63  }
0x1c6: {  	_ =	swait.ge [sflag:s14], $0x400  }
0x1c7: {  	[sflag:s14] =	ssyncset.done $0x0  }
0x1c8: {  	[sflag:s14] =	ssyncadd.s32 $0xFFFFFC00  }
0x1c9: {  	_ =	swait.ge [sflag:s14], $0x400  }
0x1ca: {  	[sflag:s14] =	ssyncset.done $0x0  }
0x1cb: {  	[sflag:s14] =	ssyncadd.s32 $0xFFFFFC00  }
0x1cc: {  	_ =	swait.ge [sflag:s14], $0x400  }
0x1cd: {  	[sflag:s14] =	ssyncset.done $0x0  }
0x1ce: {  	[sflag:s14] =	ssyncadd.s32 $0xFFFFFC00  }
0x1cf: {  	_ =	swait.ge [sflag:s14], $0x400  }
0x1d0: {  	[sflag:s14] =	ssyncset.done $0x0  }
0x1d1: {  	[sflag:s14] =	ssyncadd.s32 $0xFFFFFC00  }
0x1d2: {  	_ =	swait.ge [sflag:s14], $0x400  }
0x1d3: {  	[sflag:s14] =	ssyncset.done $0x0  }
0x1d4: {  	[sflag:s14] =	ssyncadd.s32 $0xFFFFFC00  }
0x1d5: {  	_ =	swait.ge [sflag:s14], $0x400  }
0x1d6: {  	[sflag:s14] =	ssyncset.done $0x0  }
0x1d7: {  	[sflag:s14] =	ssyncadd.s32 $0xFFFFFC00  }
0x1d8: {  	_ =	swait.ge [sflag:s14], $0x400  }
0x1d9: {  	[sflag:s14] =	ssyncset.done $0x0  }
0x1da: {  	[sflag:s14] =	ssyncadd.s32 $0xFFFFFC00  }
0x1db: {  	_ =	swait.ge [sflag:s14], $0x400  }
0x1dc: {  	[sflag:s14] =	ssyncset.done $0x0  }
0x1dd: {  	s11 =	sadd.s32 $0xFFFFFFC0, s20;
	[sflag:s14] =	ssyncadd.s32 $0xFFFFFC00  }
0x1de: {  	[tilespmem:s28], [sflag:$0x3] =	stream.indirect.gather [spmem:s1], $0x80, s11, s24, $0xb8;
	[tilespmem:$0x1E000] =	vst v63  }
0x1df: {  	_ =	swait.ge [sflag:s29], $0x2000  }
0x1e0: {  	[sflag:s29] =	ssyncset.done $0x0  }
0x1e1: {  	s16 =	sadd.s32 $0x20000, s16;
	s11 =	rddreg [dreg:$0xb];
	[sflag:s29] =	ssyncadd.s32 $0xFFFFE000  }
0x1e2: {  	[hbm4b:s16+s2] =	stream.linear.scatter [tilespmem:s25], [sflag:$0x5], $0x400, $0x38;
	[tilespmem:$0x1E000] =	vst v63  }
0x1e3: {  	s31 =	simm.s32 $0x16400;
	s30 =	rddreg [dreg:$0xa];
	s11 =	sadd.s32 s21, s11  }
0x1e4: {  	[hbm4b:s11+s2] =	stream.linear.scatter [tilespmem:s31], [sflag:$0x5], $0x400, $0x38;
	[tilespmem:$0x1E000] =	vst v63  }
0x1e5: {  	s22 =	rddreg [dreg:$0x9];
	s11 =	sadd.s32 s21, s30  }
0x1e6: {  	[hbm4b:s11+s2] =	stream.linear.scatter [tilespmem:s5], [sflag:$0x5], $0x400, $0x38;
	[tilespmem:$0x1E000] =	vst v63  }
0x1e7: {  	s30 =	rddreg [dreg:$0x8];
	s11 =	sadd.s32 s21, s22  }
0x1e8: {  	[hbm4b:s11+s2] =	stream.linear.scatter [tilespmem:s6], [sflag:$0x5], $0x400, $0x38;
	[tilespmem:$0x1E000] =	vst v63  }
0x1e9: {  	s22 =	rddreg [dreg:$0x7];
	s11 =	sadd.s32 s21, s30  }
0x1ea: {  	[hbm4b:s11+s2] =	stream.linear.scatter [tilespmem:s7], [sflag:$0x5], $0x400, $0x38;
	[tilespmem:$0x1E000] =	vst v63  }
0x1eb: {  	s30 =	rddreg [dreg:$0x6];
	s11 =	sadd.s32 s21, s22  }
0x1ec: {  	[hbm4b:s11+s2] =	stream.linear.scatter [tilespmem:s10], [sflag:$0x5], $0x400, $0x38;
	[tilespmem:$0x1E000] =	vst v63  }
0x1ed: {  	s22 =	rddreg [dreg:$0x5];
	s11 =	sadd.s32 s21, s30;
	s30 =	simm.s32 $0x17800  }
0x1ee: {  	[hbm4b:s11+s2] =	stream.linear.scatter [tilespmem:s30], [sflag:$0x5], $0x400, $0x38;
	[tilespmem:$0x1E000] =	vst v63  }
0x1ef: {  	s22 =	sadd.s32 s21, s22;
	s21 =	simm.s32 $0x17C00  }
0x1f0: {  	[hbm4b:s22+s2] =	stream.linear.scatter [tilespmem:s21], [sflag:$0x5], $0x400, $0x38;
	[tilespmem:$0x1E000] =	vst v63  }
0x1f1: {  	_ =	swait.ge [sflag:s23], $0x400  }
0x1f2: {  	[sflag:s23] =	ssyncset.done $0x0  }
0x1f3: {  	[sflag:s23] =	ssyncadd.s32 $0xFFFFFC00  }
0x1f4: {  	_ =	swait.ge [sflag:s23], $0x400  }
0x1f5: {  	[sflag:s23] =	ssyncset.done $0x0  }
0x1f6: {  	[sflag:s23] =	ssyncadd.s32 $0xFFFFFC00  }
0x1f7: {  	_ =	swait.ge [sflag:s23], $0x400  }
0x1f8: {  	[sflag:s23] =	ssyncset.done $0x0  }
0x1f9: {  	[sflag:s23] =	ssyncadd.s32 $0xFFFFFC00  }
0x1fa: {  	_ =	swait.ge [sflag:s23], $0x400  }
0x1fb: {  	[sflag:s23] =	ssyncset.done $0x0  }
0x1fc: {  	[sflag:s23] =	ssyncadd.s32 $0xFFFFFC00  }
0x1fd: {  	_ =	swait.ge [sflag:s23], $0x400  }
0x1fe: {  	[sflag:s23] =	ssyncset.done $0x0  }
0x1ff: {  	[sflag:s23] =	ssyncadd.s32 $0xFFFFFC00  }
0x200: {  	_ =	swait.ge [sflag:s23], $0x400  }
0x201: {  	[sflag:s23] =	ssyncset.done $0x0  }
0x202: {  	[sflag:s23] =	ssyncadd.s32 $0xFFFFFC00  }
0x203: {  	p2 =	sne.s32 s19, $0x4A0000;
	_ =	swait.ge [sflag:s23], $0x400  }
.Ltmp0:
0x204: {  	[sflag:s23] =	ssyncset.done $0x0;
	(pc) =	sbr.rel @p2 .LBB2_2-.Ltmp0, $4  }
0x205: {  	[sflag:s23] =	ssyncadd.s32 $0xFFFFFC00  }
0x206: {  	_ =	swait.ge [sflag:s23], $0x400  }
0x207: {  	s15 =	smov.u32 s20;
	[sflag:s23] =	ssyncset.done $0x0  }
0x208: {  	s19 =	sadd.s32 $0x20000, s19;
	s20 =	sadd.s32 $0x100, s20;
	[sflag:s23] =	ssyncadd.s32 $0xFFFFFC00  }
0x209: {  	[tilespmem:s8], [sflag:$0x4] =	stream.indirect.gather [spmem:s1], $0x80, s15, s24, $0xb8;
	[tilespmem:$0x1E000] =	vst v63  }
0x20a: {  	_ =	swait.ge [sflag:s9], $0x2000  }
0x20b: {  	s20 =	sld [smem:$0x7C1]  }
0x20c: {  	[sflag:s9] =	ssyncset.done $0x0  }
0x20d: {  	s22 =	sld [smem:$0x7CC];
	[sflag:s9] =	ssyncadd.s32 $0xFFFFE000  }
0x20e: {  	[hbm4b:s20+s2] =	stream.linear.scatter [tilespmem:s26], [sflag:$0x6], $0x400, $0x38;
	[tilespmem:$0x1E000] =	vst v63  }
0x20f: {  	s5 =	simm.s32 $0x18400;
	s6 =	sld [smem:$0x7CD]  }
0x210: {  	[hbm4b:s22+s2] =	stream.linear.scatter [tilespmem:s5], [sflag:$0x6], $0x400, $0x38;
	[tilespmem:$0x1E000] =	vst v63  }
0x211: {  	s7 =	simm.s32 $0x18800;
	s10 =	sld [smem:$0x7CE]  }
0x212: {  	[hbm4b:s6+s2] =	stream.linear.scatter [tilespmem:s7], [sflag:$0x6], $0x400, $0x38;
	[tilespmem:$0x1E000] =	vst v63  }
0x213: {  	s11 =	simm.s32 $0x18C00;
	s16 =	sld [smem:$0x7CF]  }
0x214: {  	[hbm4b:s10+s2] =	stream.linear.scatter [tilespmem:s11], [sflag:$0x6], $0x400, $0x38;
	[tilespmem:$0x1E000] =	vst v63  }
0x215: {  	s19 =	simm.s32 $0x19000;
	s20 =	sld [smem:$0x7D0]  }
0x216: {  	[hbm4b:s16+s2] =	stream.linear.scatter [tilespmem:s19], [sflag:$0x6], $0x400, $0x38;
	[tilespmem:$0x1E000] =	vst v63  }
0x217: {  	s22 =	simm.s32 $0x19400;
	s6 =	sld [smem:$0x7D1]  }
0x218: {  	[hbm4b:s20+s2] =	stream.linear.scatter [tilespmem:s22], [sflag:$0x6], $0x400, $0x38;
	[tilespmem:$0x1E000] =	vst v63  }
0x219: {  	s7 =	simm.s32 $0x19800;
	s10 =	sld [smem:$0x7D2]  }
0x21a: {  	[hbm4b:s6+s2] =	stream.linear.scatter [tilespmem:s7], [sflag:$0x6], $0x400, $0x38;
	[tilespmem:$0x1E000] =	vst v63  }
0x21b: {  	s11 =	simm.s32 $0x19C00  }
0x21c: {  	[hbm4b:s10+s2] =	stream.linear.scatter [tilespmem:s11], [sflag:$0x6], $0x400, $0x38;
	[tilespmem:$0x1E000] =	vst v63  }
0x21d: {  	_ =	swait.ge [sflag:s17], $0x400  }
0x21e: {  	[sflag:s17] =	ssyncset.done $0x0  }
0x21f: {  	[sflag:s17] =	ssyncadd.s32 $0xFFFFFC00  }
0x220: {  	_ =	swait.ge [sflag:s17], $0x400  }
0x221: {  	[sflag:s17] =	ssyncset.done $0x0  }
0x222: {  	[sflag:s17] =	ssyncadd.s32 $0xFFFFFC00  }
0x223: {  	_ =	swait.ge [sflag:s17], $0x400  }
0x224: {  	[sflag:s17] =	ssyncset.done $0x0  }
0x225: {  	[sflag:s17] =	ssyncadd.s32 $0xFFFFFC00  }
0x226: {  	_ =	swait.ge [sflag:s17], $0x400  }
0x227: {  	[sflag:s17] =	ssyncset.done $0x0  }
0x228: {  	[sflag:s17] =	ssyncadd.s32 $0xFFFFFC00  }
0x229: {  	_ =	swait.ge [sflag:s17], $0x400  }
0x22a: {  	[sflag:s17] =	ssyncset.done $0x0  }
0x22b: {  	[sflag:s17] =	ssyncadd.s32 $0xFFFFFC00  }
0x22c: {  	_ =	swait.ge [sflag:s17], $0x400  }
0x22d: {  	[sflag:s17] =	ssyncset.done $0x0  }
0x22e: {  	[sflag:s17] =	ssyncadd.s32 $0xFFFFFC00  }
0x22f: {  	_ =	swait.ge [sflag:s17], $0x400  }
0x230: {  	[sflag:s17] =	ssyncset.done $0x0  }
0x231: {  	[sflag:s17] =	ssyncadd.s32 $0xFFFFFC00  }
0x232: {  	_ =	swait.ge [sflag:s17], $0x400  }
0x233: {  	[sflag:s17] =	ssyncset.done $0x0  }
0x234: {  	s16 =	simm.s32 $0x15F80;
	[sflag:s17] =	ssyncadd.s32 $0xFFFFFC00  }
0x235: {  	[tilespmem:s25], [sflag:$0x1] =	stream.indirect.gather [spmem:s1], $0x80, s16, s24, $0xb8;
	[tilespmem:$0x1E000] =	vst v63  }
0x236: {  	_ =	swait.ge [sflag:s18], $0x2000  }
0x237: {  	s19 =	sld [smem:$0x7C2]  }
0x238: {  	[sflag:s18] =	ssyncset.done $0x0  }
0x239: {  	s20 =	sld [smem:$0x7D3];
	[sflag:s18] =	ssyncadd.s32 $0xFFFFE000  }
0x23a: {  	[hbm4b:s19+s2] =	stream.linear.scatter [tilespmem:s28], [sflag:$0x7], $0x400, $0x38;
	[tilespmem:$0x1E000] =	vst v63  }
0x23b: {  	s22 =	simm.s32 $0x1A400;
	s6 =	sld [smem:$0x7D6]  }
0x23c: {  	[hbm4b:s20+s2] =	stream.linear.scatter [tilespmem:s22], [sflag:$0x7], $0x400, $0x38;
	[tilespmem:$0x1E000] =	vst v63  }
0x23d: {  	s7 =	simm.s32 $0x1A800;
	s10 =	sld [smem:$0x7D7]  }
0x23e: {  	[hbm4b:s6+s2] =	stream.linear.scatter [tilespmem:s7], [sflag:$0x7], $0x400, $0x38;
	[tilespmem:$0x1E000] =	vst v63  }
0x23f: {  	s11 =	simm.s32 $0x1AC00;
	s16 =	sld [smem:$0x7D9]  }
0x240: {  	[hbm4b:s10+s2] =	stream.linear.scatter [tilespmem:s11], [sflag:$0x7], $0x400, $0x38;
	[tilespmem:$0x1E000] =	vst v63  }
0x241: {  	s19 =	simm.s32 $0x1B000;
	s20 =	sld [smem:$0x7DC]  }
0x242: {  	[hbm4b:s16+s2] =	stream.linear.scatter [tilespmem:s19], [sflag:$0x7], $0x400, $0x38;
	[tilespmem:$0x1E000] =	vst v63  }
0x243: {  	s5 =	sld [smem:$0x7DD];
	s22 =	simm.s32 $0x1B400  }
0x244: {  	[hbm4b:s20+s2] =	stream.linear.scatter [tilespmem:s22], [sflag:$0x7], $0x400, $0x38;
	[tilespmem:$0x1E000] =	vst v63  }
0x245: {  	s6 =	simm.s32 $0x1B800;
	s7 =	sld [smem:$0x7DE]  }
0x246: {  	[hbm4b:s5+s2] =	stream.linear.scatter [tilespmem:s6], [sflag:$0x7], $0x400, $0x38;
	[tilespmem:$0x1E000] =	vst v63  }
0x247: {  	s10 =	simm.s32 $0x1BC00  }
0x248: {  	[hbm4b:s7+s2] =	stream.linear.scatter [tilespmem:s10], [sflag:$0x7], $0x400, $0x38;
	[tilespmem:$0x1E000] =	vst v63  }
0x249: {  	_ =	swait.ge [sflag:s4], $0x2000  }
0x24a: {  	s11 =	sld [smem:$0x7C3]  }
0x24b: {  	[sflag:s4] =	ssyncset.done $0x0  }
0x24c: {  	s16 =	sld [smem:$0x7E1];
	[sflag:s4] =	ssyncadd.s32 $0xFFFFE000  }
0x24d: {  	[hbm4b:s11+s2] =	stream.linear.scatter [tilespmem:s8], [sflag:$0x8], $0x400, $0x38;
	[tilespmem:$0x1E000] =	vst v63  }
0x24e: {  	s19 =	simm.s32 $0x1C400;
	s20 =	sld [smem:$0x7E2]  }
0x24f: {  	[hbm4b:s16+s2] =	stream.linear.scatter [tilespmem:s19], [sflag:$0x8], $0x400, $0x38;
	[tilespmem:$0x1E000] =	vst v63  }
0x250: {  	s22 =	simm.s32 $0x1C800;
	s5 =	sld [smem:$0x7E4]  }
0x251: {  	[hbm4b:s20+s2] =	stream.linear.scatter [tilespmem:s22], [sflag:$0x8], $0x400, $0x38;
	[tilespmem:$0x1E000] =	vst v63  }
0x252: {  	s6 =	simm.s32 $0x1CC00;
	s7 =	sld [smem:$0x7E7]  }
0x253: {  	[hbm4b:s5+s2] =	stream.linear.scatter [tilespmem:s6], [sflag:$0x8], $0x400, $0x38;
	[tilespmem:$0x1E000] =	vst v63  }
0x254: {  	s10 =	simm.s32 $0x1D000;
	s11 =	sld [smem:$0x7E8]  }
0x255: {  	[hbm4b:s7+s2] =	stream.linear.scatter [tilespmem:s10], [sflag:$0x8], $0x400, $0x38;
	[tilespmem:$0x1E000] =	vst v63  }
0x256: {  	s16 =	simm.s32 $0x1D400;
	s19 =	sld [smem:$0x7EA]  }
0x257: {  	[hbm4b:s11+s2] =	stream.linear.scatter [tilespmem:s16], [sflag:$0x8], $0x400, $0x38;
	[tilespmem:$0x1E000] =	vst v63  }
0x258: {  	s20 =	sld [smem:$0x7EB]  }
0x259: {  	[hbm4b:s19+s2] =	stream.linear.scatter [tilespmem:s12], [sflag:$0x8], $0x400, $0x38;
	[tilespmem:$0x1E000] =	vst v63  }
0x25a: {  	_ = 	snop  }
0x25b: {  	[hbm4b:s20+s2] =	stream.linear.scatter [tilespmem:s13], [sflag:$0x8], $0x400, $0x38;
	[tilespmem:$0x1E000] =	vst v63  }
0x25c: {  	_ =	swait.ge [sflag:s29], $0x2000  }
0x25d: {  	s19 =	sld [smem:$0x7C4]  }
0x25e: {  	[sflag:s29] =	ssyncset.done $0x0  }
0x25f: {  	s15 =	simm.s32 @!p1 $0x0;
	s16 =	simm.s32 @!p1 $0x16000;
	[sflag:s29] =	ssyncadd.s32 $0xFFFFE000  }
0x260: {  	[hbm4b:s19+s15] =	stream.linear.scatter @!p1 [tilespmem:s16], [sflag:$0x5], $0x400, $0x38;
	[tilespmem:$0x1E000] =	vst v63  }
0x261: {  	s19 =	sld [smem:$0x7EC];
	_ =	sdelay $0x1  }
0x262: {  	s16 =	simm.s32 @!p1 $0x16400  }
0x263: {  	[hbm4b:s19+s15] =	stream.linear.scatter @!p1 [tilespmem:s16], [sflag:$0x5], $0x400, $0x38;
	[tilespmem:$0x1E000] =	vst v63  }
0x264: {  	s19 =	sld [smem:$0x7ED];
	_ =	sdelay $0x1  }
0x265: {  	s16 =	simm.s32 @!p1 $0x16800  }
0x266: {  	[hbm4b:s19+s15] =	stream.linear.scatter @!p1 [tilespmem:s16], [sflag:$0x5], $0x400, $0x38;
	[tilespmem:$0x1E000] =	vst v63  }
0x267: {  	s19 =	sld [smem:$0x7EF];
	_ =	sdelay $0x1  }
0x268: {  	s16 =	simm.s32 @!p1 $0x16C00  }
0x269: {  	[hbm4b:s19+s15] =	stream.linear.scatter @!p1 [tilespmem:s16], [sflag:$0x5], $0x400, $0x38;
	[tilespmem:$0x1E000] =	vst v63  }
0x26a: {  	s19 =	sld [smem:$0x7F0];
	_ =	sdelay $0x1  }
0x26b: {  	s16 =	simm.s32 @!p1 $0x17000  }
0x26c: {  	[hbm4b:s19+s15] =	stream.linear.scatter @!p1 [tilespmem:s16], [sflag:$0x5], $0x400, $0x38;
	[tilespmem:$0x1E000] =	vst v63  }
0x26d: {  	s19 =	sld [smem:$0x7F1];
	_ =	sdelay $0x1  }
0x26e: {  	s16 =	simm.s32 @!p1 $0x17400  }
0x26f: {  	[hbm4b:s19+s15] =	stream.linear.scatter @!p1 [tilespmem:s16], [sflag:$0x5], $0x400, $0x38;
	[tilespmem:$0x1E000] =	vst v63  }
0x270: {  	s19 =	sld [smem:$0x7F2];
	_ =	sdelay $0x1  }
0x271: {  	s16 =	simm.s32 @!p1 $0x17800  }
0x272: {  	[hbm4b:s19+s15] =	stream.linear.scatter @!p1 [tilespmem:s16], [sflag:$0x5], $0x400, $0x38;
	[tilespmem:$0x1E000] =	vst v63  }
0x273: {  	s19 =	sld [smem:$0x7F3];
	_ =	sdelay $0x1  }
0x274: {  	s16 =	simm.s32 @!p1 $0x17C00  }
0x275: {  	[hbm4b:s19+s15] =	stream.linear.scatter @!p1 [tilespmem:s16], [sflag:$0x5], $0x400, $0x38;
	[tilespmem:$0x1E000] =	vst v63  }
0x276: {  	_ =	swait.ge [sflag:s0], $0x400  }
0x277: {  	[sflag:s0] =	ssyncset.done $0x0  }
0x278: {  	[sflag:s0] =	ssyncadd.s32 $0xFFFFFC00  }
0x279: {  	_ =	swait.ge [sflag:s0], $0x400  }
0x27a: {  	[sflag:s0] =	ssyncset.done $0x0  }
0x27b: {  	[sflag:s0] =	ssyncadd.s32 $0xFFFFFC00  }
0x27c: {  	_ =	swait.ge [sflag:s0], $0x400  }
0x27d: {  	[sflag:s0] =	ssyncset.done $0x0  }
0x27e: {  	[sflag:s0] =	ssyncadd.s32 $0xFFFFFC00  }
0x27f: {  	_ =	swait.ge [sflag:s0], $0x400  }
0x280: {  	[sflag:s0] =	ssyncset.done $0x0  }
0x281: {  	[sflag:s0] =	ssyncadd.s32 $0xFFFFFC00  }
0x282: {  	_ =	swait.ge [sflag:s0], $0x400  }
0x283: {  	[sflag:s0] =	ssyncset.done $0x0  }
0x284: {  	[sflag:s0] =	ssyncadd.s32 $0xFFFFFC00  }
0x285: {  	_ =	swait.ge [sflag:s0], $0x400  }
0x286: {  	[sflag:s0] =	ssyncset.done $0x0  }
0x287: {  	[sflag:s0] =	ssyncadd.s32 $0xFFFFFC00  }
0x288: {  	_ =	swait.ge [sflag:s0], $0x400  }
0x289: {  	[sflag:s0] =	ssyncset.done $0x0  }
0x28a: {  	[sflag:s0] =	ssyncadd.s32 $0xFFFFFC00  }
0x28b: {  	_ =	swait.ge [sflag:s0], $0x400  }
0x28c: {  	[sflag:s0] =	ssyncset.done $0x0  }
0x28d: {  	[sflag:s0] =	ssyncadd.s32 $0xFFFFFC00  }
0x28e: {  	_ =	swait.ge [sflag:s14], $0x400  }
0x28f: {  	[sflag:s14] =	ssyncset.done $0x0  }
0x290: {  	[sflag:s14] =	ssyncadd.s32 $0xFFFFFC00  }
0x291: {  	_ =	swait.ge [sflag:s14], $0x400  }
0x292: {  	[sflag:s14] =	ssyncset.done $0x0  }
0x293: {  	[sflag:s14] =	ssyncadd.s32 $0xFFFFFC00  }
0x294: {  	_ =	swait.ge [sflag:s14], $0x400  }
0x295: {  	[sflag:s14] =	ssyncset.done $0x0  }
0x296: {  	[sflag:s14] =	ssyncadd.s32 $0xFFFFFC00  }
0x297: {  	_ =	swait.ge [sflag:s14], $0x400  }
0x298: {  	[sflag:s14] =	ssyncset.done $0x0  }
0x299: {  	[sflag:s14] =	ssyncadd.s32 $0xFFFFFC00  }
0x29a: {  	_ =	swait.ge [sflag:s14], $0x400  }
0x29b: {  	[sflag:s14] =	ssyncset.done $0x0  }
0x29c: {  	[sflag:s14] =	ssyncadd.s32 $0xFFFFFC00  }
0x29d: {  	_ =	swait.ge [sflag:s14], $0x400  }
0x29e: {  	[sflag:s14] =	ssyncset.done $0x0  }
0x29f: {  	[sflag:s14] =	ssyncadd.s32 $0xFFFFFC00  }
0x2a0: {  	_ =	swait.ge [sflag:s14], $0x400  }
0x2a1: {  	[sflag:s14] =	ssyncset.done $0x0  }
0x2a2: {  	[sflag:s14] =	ssyncadd.s32 $0xFFFFFC00  }
0x2a3: {  	_ =	swait.ge [sflag:s14], $0x400  }
0x2a4: {  	[sflag:s14] =	ssyncset.done $0x0  }
0x2a5: {  	[sflag:s14] =	ssyncadd.s32 $0xFFFFFC00  }
0x2a6: {  	_ =	swait.ge [sflag:s23], $0x400  }
0x2a7: {  	[sflag:s23] =	ssyncset.done $0x0  }
0x2a8: {  	[sflag:s23] =	ssyncadd.s32 $0xFFFFFC00  }
0x2a9: {  	_ =	swait.ge [sflag:s23], $0x400  }
0x2aa: {  	[sflag:s23] =	ssyncset.done $0x0  }
0x2ab: {  	[sflag:s23] =	ssyncadd.s32 $0xFFFFFC00  }
0x2ac: {  	_ =	swait.ge [sflag:s23], $0x400  }
0x2ad: {  	[sflag:s23] =	ssyncset.done $0x0  }
0x2ae: {  	[sflag:s23] =	ssyncadd.s32 $0xFFFFFC00  }
0x2af: {  	_ =	swait.ge [sflag:s23], $0x400  }
0x2b0: {  	[sflag:s23] =	ssyncset.done $0x0  }
0x2b1: {  	[sflag:s23] =	ssyncadd.s32 $0xFFFFFC00  }
0x2b2: {  	_ =	swait.ge [sflag:s23], $0x400  }
0x2b3: {  	[sflag:s23] =	ssyncset.done $0x0  }
0x2b4: {  	[sflag:s23] =	ssyncadd.s32 $0xFFFFFC00  }
0x2b5: {  	_ =	swait.ge [sflag:s23], $0x400  }
0x2b6: {  	[sflag:s23] =	ssyncset.done $0x0  }
0x2b7: {  	[sflag:s23] =	ssyncadd.s32 $0xFFFFFC00  }
0x2b8: {  	_ =	swait.ge [sflag:s23], $0x400  }
0x2b9: {  	[sflag:s23] =	ssyncset.done $0x0  }
0x2ba: {  	[sflag:s23] =	ssyncadd.s32 $0xFFFFFC00  }
0x2bb: {  	_ =	swait.ge [sflag:s23], $0x400  }
0x2bc: {  	[sflag:s23] =	ssyncset.done $0x0  }
0x2bd: {  	s15 =	simm.s32 @!p1 $0x5;
	[sflag:s23] =	ssyncadd.s32 $0xFFFFFC00  }
0x2be: {  	_ =	swait.ge @!p1 [sflag:s15], $0x400  }
0x2bf: {  	[sflag:s15] =	ssyncset.done @!p1 $0x0  }
0x2c0: {  	[sflag:s15] =	ssyncadd.s32 @!p1 $0xFFFFFC00  }
0x2c1: {  	_ =	swait.ge @!p1 [sflag:s15], $0x400  }
0x2c2: {  	[sflag:s15] =	ssyncset.done @!p1 $0x0  }
0x2c3: {  	[sflag:s15] =	ssyncadd.s32 @!p1 $0xFFFFFC00  }
0x2c4: {  	_ =	swait.ge @!p1 [sflag:s15], $0x400  }
0x2c5: {  	[sflag:s15] =	ssyncset.done @!p1 $0x0  }
0x2c6: {  	[sflag:s15] =	ssyncadd.s32 @!p1 $0xFFFFFC00  }
0x2c7: {  	_ =	swait.ge @!p1 [sflag:s15], $0x400  }
0x2c8: {  	[sflag:s15] =	ssyncset.done @!p1 $0x0  }
0x2c9: {  	[sflag:s15] =	ssyncadd.s32 @!p1 $0xFFFFFC00  }
0x2ca: {  	_ =	swait.ge @!p1 [sflag:s15], $0x400  }
0x2cb: {  	[sflag:s15] =	ssyncset.done @!p1 $0x0  }
0x2cc: {  	[sflag:s15] =	ssyncadd.s32 @!p1 $0xFFFFFC00  }
0x2cd: {  	_ =	swait.ge @!p1 [sflag:s15], $0x400  }
0x2ce: {  	[sflag:s15] =	ssyncset.done @!p1 $0x0  }
0x2cf: {  	[sflag:s15] =	ssyncadd.s32 @!p1 $0xFFFFFC00  }
0x2d0: {  	_ =	swait.ge @!p1 [sflag:s15], $0x400  }
0x2d1: {  	[sflag:s15] =	ssyncset.done @!p1 $0x0  }
0x2d2: {  	[sflag:s15] =	ssyncadd.s32 @!p1 $0xFFFFFC00  }
0x2d3: {  	_ =	swait.ge @!p1 [sflag:s15], $0x400  }
0x2d4: {  	s11 =	sld [smem:$0x7C0]  }
0x2d5: {  	s22 =	sld [smem:$0x7FB];
	_ =	sdelay $0x1  }
0x2d6: {  	s11 =	sadd.s32 $0x1, s11  }
0x2d7: {  	p2 =	sne.s32 s11, s22  }
.Ltmp1:
0x2d8: {  	_ = 	snop;
	(pc) =	sbr.rel @p2 .LBB2_1-.Ltmp1, $3  }
0x2d9: {  	_ =	sdelay $0x1  }
0x2da: {  	s5 =	simm.s32 $0x16800;
	s6 =	simm.s32 $0x16C00;
	[sflag:s15] =	ssyncset.done @!p1 $0x0  }
0x2db: {  	s7 =	simm.s32 $0x17000;
	s10 =	simm.s32 $0x17400;
	[sflag:s15] =	ssyncadd.s32 @!p1 $0xFFFFFC00  }
0x2dc: {  	_ =	sfence.sel $0x180000  }
0x2dd: {  	[bflag:$0x0] =	sbarrier.arrive $0xFFFF  }
0x2de: {  	_ =	strace $0x90000047  }
0x2df: {  	[bflag:$0x2] =	sbarrier.arrive $0xFFFF  }
0x2e0: {  	s0 =	rddreg [dreg:$0x4]  }
0x2e1: {  	s0 =	sadd.s32 @!p0 $0x100000, s0  }
0x2e2: {  	[sflag:s0] =	ssyncadd.tile.s32 @!p0 $0x1;
	_ =	shalt  }
.Lfunc_end2:
_tile_overlayer_lowered:
.L_overlay_start_2:
0x2e3: {  	(tag) =	ssettag $0x2  }
0x2e4: {  	s0 =	rddreg [dreg:$0x0];
	s2 =	stileid.u32  }
0x2e5: {  	s1 =	rddreg [dreg:$0x1];
	p0 =	sne.s32 s2, $0x0  }
0x2e6: {  	s3 =	rddreg [dreg:$0x2];
	[bflag:$0x3] =	sbarrier.arrive $0xFFFF;
	s2 =	simm.s32 @!p0 $0x1C09  }
0x2e7: {  	[timem:s3], [sflag:s2] =	dma.local @!p0 [hbm:s0], s1  }
0x2e8: {  	s0 =	simm.s32 @!p0 $0x9  }
0x2e9: {  	_ =	swait.ge @!p0 [sflag:s0], s1  }
0x2ea: {  	s1 =	ssub.s32 @!p0 $0x0, s1;
	[sflag:s0] =	ssyncset.done @!p0 $0x0  }
0x2eb: {  	[sflag:s0] =	ssyncadd.s32 @!p0 s1  }
0x2ec: {  	[bflag:$0x3] =	sbarrier.arrive $0xFFFF  }
0x2ed: {  	_ =	shalt  }

</sc_bundles>
